<compile_context>
chip_gen: v7x
topology: tpu7x:2x2x1
jax: 0.10.2.dev20260603
libtpu: 0.0.44.dev20260713+nightly
codegen_flags: <defaults>
</compile_context>

<pallas_src>
import functools

import jax
import jax.numpy as jnp
from jax import lax
from jax.experimental import pallas as pl
from jax.experimental.pallas import tpu as pltpu
from jax.experimental.pallas import tpu_sc as plsc

_HIGH = jax.lax.Precision.HIGHEST

_NC = 2
_NS = 16
_NW = _NC * _NS
_C = 128
_NB = 3


def _silu(v):
    return v * jax.nn.sigmoid(v)


def _dot(a, b):
    return jax.lax.dot_general(a, b, (((1,), (0,)), ((), ())),
                               preferred_element_type=jnp.float32)


def _bd(w, k):
    a, b = w.shape
    out = jnp.zeros((k * a, k * b), jnp.float32)
    for i in range(k):
        out = out.at[i * a:(i + 1) * a, i * b:(i + 1) * b].set(w)
    return out



def _make_sc_gather(e_pad):
    nchunks = e_pad // _C
    iters_w = -(-nchunks // _NW)
    outer = -(-iters_w // _NB)
    mesh = plsc.VectorSubcoreMesh(core_axis_name="c", subcore_axis_name="s",
                                  num_cores=_NC)

    @functools.partial(
        pl.kernel, mesh=mesh,
        out_type=[jax.ShapeDtypeStruct((e_pad, 128), jnp.float32),
                  jax.ShapeDtypeStruct((e_pad, 128), jnp.float32)],
        scratch_types=(
            [pltpu.VMEM((_C,), jnp.int32) for _ in range(2 * _NB)]
            + [pltpu.VMEM((_C, 128), jnp.float32) for _ in range(2 * _NB)]
            + [pltpu.SemaphoreType.DMA for _ in range(2 * _NB)]),
    )
    def gather_k(tr_hbm, tc_hbm, row_hbm, col_hbm, gr_hbm, gc_hbm, *bufs):
        idx_v = bufs[0:2 * _NB]
        g_v = bufs[2 * _NB:4 * _NB]
        sems = bufs[4 * _NB:6 * _NB]
        wid = lax.axis_index("s") * _NC + lax.axis_index("c")

        def issue(i, b):
            cid = wid + i * _NW

            @pl.when(cid < nchunks)
            def _():
                off = cid * _C
                pltpu.sync_copy(row_hbm.at[pl.ds(off, _C)], idx_v[2 * b])
                pltpu.sync_copy(col_hbm.at[pl.ds(off, _C)], idx_v[2 * b + 1])
                pltpu.async_copy(tr_hbm.at[idx_v[2 * b]], g_v[2 * b],
                                 sems[2 * b])
                pltpu.async_copy(tc_hbm.at[idx_v[2 * b + 1]], g_v[2 * b + 1],
                                 sems[2 * b + 1])

        def drain(i, b):
            cid = wid + i * _NW

            @pl.when(cid < nchunks)
            def _():
                off = cid * _C
                pltpu.make_async_copy(tr_hbm.at[idx_v[2 * b]], g_v[2 * b],
                                      sems[2 * b]).wait()
                pltpu.make_async_copy(tc_hbm.at[idx_v[2 * b + 1]],
                                      g_v[2 * b + 1], sems[2 * b + 1]).wait()
                pltpu.sync_copy(g_v[2 * b], gr_hbm.at[pl.ds(off, _C)])
                pltpu.sync_copy(g_v[2 * b + 1], gc_hbm.at[pl.ds(off, _C)])

        for b in range(_NB):
            issue(jnp.int32(b), b)

        def body(o, carry):
            for b in range(_NB):
                i = o * _NB + b
                drain(i, b)
                issue(i + _NB, b)
            return carry

        lax.fori_loop(0, outer, body, 0)

    return gather_k



def _edge_body(guv_ref, dif_ref, w1c_ref, w2_ref, w3_ref, w4_ref,
               sw1_ref, sw2_ref, sw3_ref, dp1_ref, dp2_ref, sel_ref,
               rep3_ref, b1_ref, b2_ref, b3_ref, b4_ref, sb1_ref, sb2_ref,
               dpb1_ref, dpb2_ref, m_ref, pos_ref):
    diff = dif_ref[...]
    sq = _dot(diff * diff, sel_ref[...])
    dist = jnp.sqrt(sq + 1e-10)
    d1 = _silu(_dot(dist, dp1_ref[...]) + dpb1_ref[...])
    d = _dot(d1, dp2_ref[...]) + dpb2_ref[...]
    m1 = guv_ref[...] + _dot(d, w1c_ref[...]) + b1_ref[...]
    m2 = _dot(_silu(m1), w2_ref[...]) + b2_ref[...]
    m3 = _dot(_silu(m2), w3_ref[...]) + b3_ref[...]
    m4 = _dot(_silu(m3), w4_ref[...]) + b4_ref[...]
    m_ref[...] = m4
    a1 = _silu(_dot(m4, sw1_ref[...]) + sb1_ref[...])
    a2 = _silu(_dot(a1, sw2_ref[...]) + sb2_ref[...])
    sw = jnp.tanh(_dot(a2, sw3_ref[...]))
    pos_ref[...] = diff * _dot(sw, rep3_ref[...])


def _edge_layer(guv4, dif4, wd):
    r_total = guv4.shape[0]
    r_blk = 2000 if r_total % 2000 == 0 else 8
    pad = (-r_total) % r_blk
    if pad:
        guv4 = jnp.pad(guv4, ((0, pad), (0, 0)))
        dif4 = jnp.pad(dif4, ((0, pad), (0, 0)))
    r_pad = guv4.shape[0]
    grid = r_pad // r_blk

    def espec(cols):
        return pl.BlockSpec((r_blk, cols), lambda i: (i, 0))

    def wspec(shape):
        return pl.BlockSpec(shape, lambda i: (0, 0))

    in_specs = [espec(256), espec(64)]
    weights = [wd['w1c'], wd['w2'], wd['w3'], wd['w4'], wd['sw1'], wd['sw2'],
               wd['sw3'], wd['dp1'], wd['dp2'], wd['sel'], wd['rep3'],
               wd['b1'], wd['b2'], wd['b3'], wd['b4'], wd['sb1'], wd['sb2'],
               wd['dpb1'], wd['dpb2']]
    in_specs += [wspec(w.shape) for w in weights]

    m4, pos4 = pl.pallas_call(
        _edge_body,
        grid=(grid,),
        in_specs=in_specs,
        out_specs=[espec(256), espec(64)],
        out_shape=[jax.ShapeDtypeStruct((r_pad, 256), jnp.float32),
                   jax.ShapeDtypeStruct((r_pad, 64), jnp.float32)],
    )(guv4, dif4, *weights)
    return m4[:r_total], pos4[:r_total]


def kernel(x, h, t, edge_index, params):
    p = params
    n = x.shape[0]
    e = edge_index.shape[1]
    te = p['tp_w1'].shape[0]
    e_pad = -(-e // (_C * _NW)) * (_C * _NW)
    row = edge_index[0]
    col = edge_index[1]
    if e_pad != e:
        row = jnp.pad(row, (0, e_pad - e))
        col = jnp.pad(col, (0, e_pad - e))

    i = jnp.arange(te // 2)
    freq = 10000.0 ** (2.0 * i / te)
    tt = t.reshape(-1, 1)
    temb = jnp.concatenate([jnp.sin(tt / freq), jnp.cos(tt / freq)], axis=1)
    tp = jnp.dot(_silu(jnp.dot(temb, p['tp_w1'], precision=_HIGH) + p['tp_b1']),
                 p['tp_w2'], precision=_HIGH) + p['tp_b2']
    hh = jnp.dot(_silu(jnp.dot(h, p['hp_w1'], precision=_HIGH) + p['hp_b1']),
                 p['hp_w2'], precision=_HIGH) + p['hp_b2']
    xx = x

    sel = jnp.zeros((64, 4), jnp.float32)
    rep3 = jnp.zeros((4, 64), jnp.float32)
    for k in range(4):
        sel = sel.at[16 * k:16 * k + 3, k].set(1.0)
        rep3 = rep3.at[k, 16 * k:16 * k + 3].set(1.0)
    shared = {
        'sw1': _bd(p['sw_w1'], 4), 'sw2': _bd(p['sw_w2'], 4),
        'sw3': _bd(p['sw_w3'], 4),
        'dp1': _bd(p['dp_w1'], 4), 'dp2': _bd(p['dp_w2'], 4),
        'sel': sel, 'rep3': rep3,
        'sb1': jnp.tile(p['sw_b1'], 4)[None, :],
        'sb2': jnp.tile(p['sw_b2'], 4)[None, :],
        'dpb1': jnp.tile(p['dp_b1'], 4)[None, :],
        'dpb2': jnp.tile(p['dp_b2'], 4)[None, :],
    }

    sc_gather = _make_sc_gather(e_pad)
    zpad = jnp.zeros((n, 61), jnp.float32)

    num_layers = len(p['msg'])
    for r in range(num_layers):
        mp = p['msg'][r]
        wd = dict(shared)
        wd['w1c'] = _bd(mp['w1'][128:160], 4)
        wd['w2'] = _bd(mp['w2'], 4)
        wd['w3'] = _bd(mp['w3'], 4)
        wd['w4'] = _bd(mp['w4'], 4)
        wd['b1'] = jnp.tile(mp['b1'], 4)[None, :]
        wd['b2'] = jnp.tile(mp['b2'], 4)[None, :]
        wd['b3'] = jnp.tile(mp['b3'], 4)[None, :]
        wd['b4'] = jnp.tile(mp['b4'], 4)[None, :]

        s = hh + tp
        u = jnp.dot(s, mp['w1'][:64], precision=_HIGH)
        v = jnp.dot(s, mp['w1'][64:128], precision=_HIGH)
        t_row = jnp.concatenate([u, xx, zpad], axis=1)
        t_col = jnp.concatenate([v, xx, zpad], axis=1)

        gr, gc = sc_gather(t_row, t_col, row, col)

        guv = gr[:, :64] + gc[:, :64]
        difp = gr[:, 64:80] - gc[:, 64:80]
        guv4 = guv.reshape(e_pad // 4, 256)
        dif4 = difp.reshape(e_pad // 4, 64)
        m4, pos4 = _edge_layer(guv4, dif4, wd)
        m = m4.reshape(e_pad, 64)[:e]
        pos = pos4.reshape(e_pad, 16)[:e, :3]

        xx = xx + jax.ops.segment_sum(pos, edge_index[0], num_segments=n)
        hh = hh + jax.ops.segment_sum(m, edge_index[0], num_segments=n)

    hout = jnp.dot(hh, p['out_w'], precision=_HIGH) + p['out_b']
    return (xx, hout)

# --- scband reference (transcript-rebuilt; emitter-appended) ---
"""Pipeline reference for scband-egnn-901943132398 (READ-ONLY COPY).

The authoritative reference and input builder live on the scoring server;
editing this copy changes nothing except your own understanding.
"""

import jax, jax.numpy as jnp
import numpy as np

N = 50000
E = 800000
D_IN = 128
H = 64
DP = 32
TE = 32
L = 2


def _mk(k, shape, scale):
    return (jax.random.normal(k, shape) * scale).astype(jnp.float32)


def setup_inputs(seed: int = 0):
    key = jax.random.key(seed)
    ks = jax.random.split(key, 64)
    x = jax.random.normal(ks[0], (N, 3), dtype=jnp.float32)
    h = jax.random.normal(ks[1], (N, D_IN), dtype=jnp.float32)
    t = jax.random.uniform(ks[2], (N,), dtype=jnp.float32)
    edge_index = jax.random.randint(ks[3], (2, E), 0, N, dtype=jnp.int32)
    idx = [4]
    def nk():
        idx[0] += 1
        return ks[idx[0]]
    p = {}
    p['hp_w1'] = _mk(nk(), (D_IN, H), D_IN ** -0.5); p['hp_b1'] = jnp.zeros((H,), jnp.float32)
    p['hp_w2'] = _mk(nk(), (H, H), H ** -0.5); p['hp_b2'] = jnp.zeros((H,), jnp.float32)
    p['tp_w1'] = _mk(nk(), (TE, H), TE ** -0.5); p['tp_b1'] = jnp.zeros((H,), jnp.float32)
    p['tp_w2'] = _mk(nk(), (H, H), H ** -0.5); p['tp_b2'] = jnp.zeros((H,), jnp.float32)
    p['dp_w1'] = _mk(nk(), (1, DP), 1.0); p['dp_b1'] = jnp.zeros((DP,), jnp.float32)
    p['dp_w2'] = _mk(nk(), (DP, DP), DP ** -0.5); p['dp_b2'] = jnp.zeros((DP,), jnp.float32)
    p['sw_w1'] = _mk(nk(), (H, H), H ** -0.5); p['sw_b1'] = jnp.zeros((H,), jnp.float32)
    p['sw_w2'] = _mk(nk(), (H, H), H ** -0.5); p['sw_b2'] = jnp.zeros((H,), jnp.float32)
    p['sw_w3'] = _mk(nk(), (H, 1), 0.001)
    MI = 2 * H + DP
    p['msg'] = [{'w1': _mk(nk(), (MI, H), MI ** -0.5), 'b1': jnp.zeros((H,), jnp.float32),
                 'w2': _mk(nk(), (H, H), H ** -0.5), 'b2': jnp.zeros((H,), jnp.float32),
                 'w3': _mk(nk(), (H, H), H ** -0.5), 'b3': jnp.zeros((H,), jnp.float32),
                 'w4': _mk(nk(), (H, H), H ** -0.5), 'b4': jnp.zeros((H,), jnp.float32)} for _ in range(L)]
    p['out_w'] = _mk(nk(), (H, D_IN), H ** -0.5); p['out_b'] = jnp.zeros((D_IN,), jnp.float32)
    return {'x': x, 'h': h, 't': t, 'edge_index': edge_index, 'params': p}


def _silu(v):
    return v * jax.nn.sigmoid(v)


def _fwd(x, h, t, edge_index, p):
    row = edge_index[0]
    col = edge_index[1]
    i = jnp.arange(TE // 2)
    freq = 10000.0 ** (2.0 * i / TE)
    tt = t.reshape(-1, 1)
    temb = jnp.concatenate([jnp.sin(tt / freq), jnp.cos(tt / freq)], axis=1)
    tp = _silu(temb @ p['tp_w1'] + p['tp_b1']) @ p['tp_w2'] + p['tp_b2']
    hh = _silu(h @ p['hp_w1'] + p['hp_b1']) @ p['hp_w2'] + p['hp_b2']
    xx = x
    for r in range(L):
        diff = xx[row] - xx[col]
        sq = jnp.sum(diff ** 2, axis=1, keepdims=True)
        dist = jnp.sqrt(sq + 1e-10)
        d = _silu(dist @ p['dp_w1'] + p['dp_b1']) @ p['dp_w2'] + p['dp_b2']
        mi = jnp.concatenate([hh[row] + tp[row], hh[col] + tp[col], d], axis=1)
        mp = p['msg'][r]
        m = mi @ mp['w1'] + mp['b1']
        m = _silu(m) @ mp['w2'] + mp['b2']
        m = _silu(m) @ mp['w3'] + mp['b3']
        m = _silu(m) @ mp['w4'] + mp['b4']
        a = _silu(m @ p['sw_w1'] + p['sw_b1'])
        a = _silu(a @ p['sw_w2'] + p['sw_b2'])
        sw = jnp.tanh(a @ p['sw_w3'])
        pos = diff * sw
        xx = xx + jax.ops.segment_sum(pos, row, num_segments=N) / 1.0
        hh = hh + jax.ops.segment_sum(m, row, num_segments=N) / 1.0
    hout = hh @ p['out_w'] + p['out_b']
    return (xx, hout)


def reference(x, h, t, edge_index, params):
    return _fwd(x, h, t, edge_index, params)

if __name__ == "__main__":
    import jax
    _d = setup_inputs()
    print(jax.jit(kernel)(*tuple(_d.values())))

</pallas_src>

<mosaic_0001>
#map = affine_map<(d0, d1) -> (0, 0)>
#map1 = affine_map<(d0, d1) -> (0)>
module attributes {stable_mosaic.version = 14 : i64} {
  func.func @gather_k(%arg0: i32, %arg1: i32, %arg2: memref<50000x128xf32, #tpu.memory_space<hbm>>, %arg3: memref<50000x128xf32, #tpu.memory_space<hbm>>, %arg4: memref<802816xi32, #tpu.memory_space<hbm>>, %arg5: memref<802816xi32, #tpu.memory_space<hbm>>, %arg6: memref<802816x128xf32, #tpu.memory_space<hbm>>, %arg7: memref<802816x128xf32, #tpu.memory_space<hbm>>, %arg8: memref<128xi32, #tpu.memory_space<vmem>>, %arg9: memref<128xi32, #tpu.memory_space<vmem>>, %arg10: memref<128xi32, #tpu.memory_space<vmem>>, %arg11: memref<128xi32, #tpu.memory_space<vmem>>, %arg12: memref<128xi32, #tpu.memory_space<vmem>>, %arg13: memref<128xi32, #tpu.memory_space<vmem>>, %arg14: memref<128x128xf32, #tpu.memory_space<vmem>>, %arg15: memref<128x128xf32, #tpu.memory_space<vmem>>, %arg16: memref<128x128xf32, #tpu.memory_space<vmem>>, %arg17: memref<128x128xf32, #tpu.memory_space<vmem>>, %arg18: memref<128x128xf32, #tpu.memory_space<vmem>>, %arg19: memref<128x128xf32, #tpu.memory_space<vmem>>, %arg20: memref<!tpu.dma_semaphore, #tpu.memory_space<semaphore_mem>>, %arg21: memref<!tpu.dma_semaphore, #tpu.memory_space<semaphore_mem>>, %arg22: memref<!tpu.dma_semaphore, #tpu.memory_space<semaphore_mem>>, %arg23: memref<!tpu.dma_semaphore, #tpu.memory_space<semaphore_mem>>, %arg24: memref<!tpu.dma_semaphore, #tpu.memory_space<semaphore_mem>>, %arg25: memref<!tpu.dma_semaphore, #tpu.memory_space<semaphore_mem>>) attributes {dimension_semantics = [#tpu.dimension_semantics<core_parallel>, #tpu.dimension_semantics<subcore_parallel>], iteration_bounds = array<i64: 2, 16>, scalar_prefetch = 0 : i64, scratch_operands = 18 : i64, tpu.core_type = #tpu.core_type<sc_vector_subcore>, window_params = [{transform_indices = #map}, {transform_indices = #map}, {transform_indices = #map1}, {transform_indices = #map1}, {transform_indices = #map}, {transform_indices = #map}]} {
    %mul3A = arith.constant 2 : i32
    %mul3A_0 = arith.muli %arg1, %mul3A : i32
    %add3A = arith.addi %mul3A_0, %arg0 : i32
    %mul3A_1 = arith.constant 0 : i32
    %mul3A_2 = arith.constant 32 : i32
    %mul3A_3 = arith.muli %mul3A_1, %mul3A_2 : i32
    %add3A_4 = arith.addi %add3A, %mul3A_3 : i32
    %lt3A = arith.constant 6272 : i32
    %lt3A_5 = arith.cmpi slt, %add3A_4, %lt3A : i32
    %convert_element_type3A = arith.extui %lt3A_5 : i1 to i32
    %cond3A = arith.constant 0 : i32
    %cond3A_6 = arith.cmpi ne, %convert_element_type3A, %cond3A : i32
    scf.if %cond3A_6 {
      %mul3A_30 = arith.constant 128 : i32
      %mul3A_31 = arith.muli %add3A_4, %mul3A_30 : i32
      "tpu.region"() ({
        %run_scoped3A = tpu.sem_alloc : memref<!tpu.dma_semaphore, #tpu.memory_space<semaphore_mem>>
        %dma_start3A_37 = tpu.memref_slice %arg4[%mul3A_31] : memref<802816xi32, #tpu.memory_space<hbm>> -> memref<128xi32, #tpu.memory_space<hbm>>
        %dma_start3A_38 = tpu.memref_slice %arg4[%mul3A_31] : memref<802816xi32, #tpu.memory_space<hbm>> -> memref<128xi32, #tpu.memory_space<hbm>>
        tpu.enqueue_dma source(%dma_start3A_38 : memref<128xi32, #tpu.memory_space<hbm>>) target(%arg8 : memref<128xi32, #tpu.memory_space<vmem>>) target_semaphore(%run_scoped3A : memref<!tpu.dma_semaphore, #tpu.memory_space<semaphore_mem>>)
        %dma_wait3A = tpu.memref_slice %arg4[%mul3A_31] : memref<802816xi32, #tpu.memory_space<hbm>> -> memref<128xi32, #tpu.memory_space<hbm>>
        %dma_wait3A_39 = tpu.memref_slice %arg4[%mul3A_31] : memref<802816xi32, #tpu.memory_space<hbm>> -> memref<128xi32, #tpu.memory_space<hbm>>
        tpu.wait_dma2 semaphore(%run_scoped3A : memref<!tpu.dma_semaphore, #tpu.memory_space<semaphore_mem>>) src(%dma_wait3A_39 : memref<128xi32, #tpu.memory_space<hbm>>) dst(%arg8 : memref<128xi32, #tpu.memory_space<vmem>>)
        tpu.yield
      }) : () -> ()
      "tpu.region"() ({
        %run_scoped3A = tpu.sem_alloc : memref<!tpu.dma_semaphore, #tpu.memory_space<semaphore_mem>>
        %dma_start3A_37 = tpu.memref_slice %arg5[%mul3A_31] : memref<802816xi32, #tpu.memory_space<hbm>> -> memref<128xi32, #tpu.memory_space<hbm>>
        %dma_start3A_38 = tpu.memref_slice %arg5[%mul3A_31] : memref<802816xi32, #tpu.memory_space<hbm>> -> memref<128xi32, #tpu.memory_space<hbm>>
        tpu.enqueue_dma source(%dma_start3A_38 : memref<128xi32, #tpu.memory_space<hbm>>) target(%arg9 : memref<128xi32, #tpu.memory_space<vmem>>) target_semaphore(%run_scoped3A : memref<!tpu.dma_semaphore, #tpu.memory_space<semaphore_mem>>)
        %dma_wait3A = tpu.memref_slice %arg5[%mul3A_31] : memref<802816xi32, #tpu.memory_space<hbm>> -> memref<128xi32, #tpu.memory_space<hbm>>
        %dma_wait3A_39 = tpu.memref_slice %arg5[%mul3A_31] : memref<802816xi32, #tpu.memory_space<hbm>> -> memref<128xi32, #tpu.memory_space<hbm>>
        tpu.wait_dma2 semaphore(%run_scoped3A : memref<!tpu.dma_semaphore, #tpu.memory_space<semaphore_mem>>) src(%dma_wait3A_39 : memref<128xi32, #tpu.memory_space<hbm>>) dst(%arg9 : memref<128xi32, #tpu.memory_space<vmem>>)
        tpu.yield
      }) : () -> ()
      %dma_start3A = arith.constant 0 : i32
      %dma_start3A_32 = arith.constant 0 : i32
      %dma_start3A_33 = tpu.memref_slice %arg2[%dma_start3A, %dma_start3A_32] : memref<50000x128xf32, #tpu.memory_space<hbm>> -> memref<50000x128xf32, #tpu.memory_space<hbm>>
      tpu.enqueue_indirect_dma source(%dma_start3A_33 : memref<50000x128xf32, #tpu.memory_space<hbm>>) target(%arg14 : memref<128x128xf32, #tpu.memory_space<vmem>>) offsets(%arg8 : memref<128xi32, #tpu.memory_space<vmem>>) semaphore(%arg20 : memref<!tpu.dma_semaphore, #tpu.memory_space<semaphore_mem>>)
      %dma_start3A_34 = arith.constant 0 : i32
      %dma_start3A_35 = arith.constant 0 : i32
      %dma_start3A_36 = tpu.memref_slice %arg3[%dma_start3A_34, %dma_start3A_35] : memref<50000x128xf32, #tpu.memory_space<hbm>> -> memref<50000x128xf32, #tpu.memory_space<hbm>>
      tpu.enqueue_indirect_dma source(%dma_start3A_36 : memref<50000x128xf32, #tpu.memory_space<hbm>>) target(%arg15 : memref<128x128xf32, #tpu.memory_space<vmem>>) offsets(%arg9 : memref<128xi32, #tpu.memory_space<vmem>>) semaphore(%arg21 : memref<!tpu.dma_semaphore, #tpu.memory_space<semaphore_mem>>)
    } else {
    }
    %mul3A_7 = arith.constant 1 : i32
    %mul3A_8 = arith.constant 32 : i32
    %mul3A_9 = arith.muli %mul3A_7, %mul3A_8 : i32
    %add3A_10 = arith.addi %add3A, %mul3A_9 : i32
    %lt3A_11 = arith.constant 6272 : i32
    %lt3A_12 = arith.cmpi slt, %add3A_10, %lt3A_11 : i32
    %convert_element_type3A_13 = arith.extui %lt3A_12 : i1 to i32
    %cond3A_14 = arith.constant 0 : i32
    %cond3A_15 = arith.cmpi ne, %convert_element_type3A_13, %cond3A_14 : i32
    scf.if %cond3A_15 {
      %mul3A_30 = arith.constant 128 : i32
      %mul3A_31 = arith.muli %add3A_10, %mul3A_30 : i32
      "tpu.region"() ({
        %run_scoped3A = tpu.sem_alloc : memref<!tpu.dma_semaphore, #tpu.memory_space<semaphore_mem>>
        %dma_start3A_37 = tpu.memref_slice %arg4[%mul3A_31] : memref<802816xi32, #tpu.memory_space<hbm>> -> memref<128xi32, #tpu.memory_space<hbm>>
        %dma_start3A_38 = tpu.memref_slice %arg4[%mul3A_31] : memref<802816xi32, #tpu.memory_space<hbm>> -> memref<128xi32, #tpu.memory_space<hbm>>
        tpu.enqueue_dma source(%dma_start3A_38 : memref<128xi32, #tpu.memory_space<hbm>>) target(%arg10 : memref<128xi32, #tpu.memory_space<vmem>>) target_semaphore(%run_scoped3A : memref<!tpu.dma_semaphore, #tpu.memory_space<semaphore_mem>>)
        %dma_wait3A = tpu.memref_slice %arg4[%mul3A_31] : memref<802816xi32, #tpu.memory_space<hbm>> -> memref<128xi32, #tpu.memory_space<hbm>>
        %dma_wait3A_39 = tpu.memref_slice %arg4[%mul3A_31] : memref<802816xi32, #tpu.memory_space<hbm>> -> memref<128xi32, #tpu.memory_space<hbm>>
        tpu.wait_dma2 semaphore(%run_scoped3A : memref<!tpu.dma_semaphore, #tpu.memory_space<semaphore_mem>>) src(%dma_wait3A_39 : memref<128xi32, #tpu.memory_space<hbm>>) dst(%arg10 : memref<128xi32, #tpu.memory_space<vmem>>)
        tpu.yield
      }) : () -> ()
      "tpu.region"() ({
        %run_scoped3A = tpu.sem_alloc : memref<!tpu.dma_semaphore, #tpu.memory_space<semaphore_mem>>
        %dma_start3A_37 = tpu.memref_slice %arg5[%mul3A_31] : memref<802816xi32, #tpu.memory_space<hbm>> -> memref<128xi32, #tpu.memory_space<hbm>>
        %dma_start3A_38 = tpu.memref_slice %arg5[%mul3A_31] : memref<802816xi32, #tpu.memory_space<hbm>> -> memref<128xi32, #tpu.memory_space<hbm>>
        tpu.enqueue_dma source(%dma_start3A_38 : memref<128xi32, #tpu.memory_space<hbm>>) target(%arg11 : memref<128xi32, #tpu.memory_space<vmem>>) target_semaphore(%run_scoped3A : memref<!tpu.dma_semaphore, #tpu.memory_space<semaphore_mem>>)
        %dma_wait3A = tpu.memref_slice %arg5[%mul3A_31] : memref<802816xi32, #tpu.memory_space<hbm>> -> memref<128xi32, #tpu.memory_space<hbm>>
        %dma_wait3A_39 = tpu.memref_slice %arg5[%mul3A_31] : memref<802816xi32, #tpu.memory_space<hbm>> -> memref<128xi32, #tpu.memory_space<hbm>>
        tpu.wait_dma2 semaphore(%run_scoped3A : memref<!tpu.dma_semaphore, #tpu.memory_space<semaphore_mem>>) src(%dma_wait3A_39 : memref<128xi32, #tpu.memory_space<hbm>>) dst(%arg11 : memref<128xi32, #tpu.memory_space<vmem>>)
        tpu.yield
      }) : () -> ()
      %dma_start3A = arith.constant 0 : i32
      %dma_start3A_32 = arith.constant 0 : i32
      %dma_start3A_33 = tpu.memref_slice %arg2[%dma_start3A, %dma_start3A_32] : memref<50000x128xf32, #tpu.memory_space<hbm>> -> memref<50000x128xf32, #tpu.memory_space<hbm>>
      tpu.enqueue_indirect_dma source(%dma_start3A_33 : memref<50000x128xf32, #tpu.memory_space<hbm>>) target(%arg16 : memref<128x128xf32, #tpu.memory_space<vmem>>) offsets(%arg10 : memref<128xi32, #tpu.memory_space<vmem>>) semaphore(%arg22 : memref<!tpu.dma_semaphore, #tpu.memory_space<semaphore_mem>>)
      %dma_start3A_34 = arith.constant 0 : i32
      %dma_start3A_35 = arith.constant 0 : i32
      %dma_start3A_36 = tpu.memref_slice %arg3[%dma_start3A_34, %dma_start3A_35] : memref<50000x128xf32, #tpu.memory_space<hbm>> -> memref<50000x128xf32, #tpu.memory_space<hbm>>
      tpu.enqueue_indirect_dma source(%dma_start3A_36 : memref<50000x128xf32, #tpu.memory_space<hbm>>) target(%arg17 : memref<128x128xf32, #tpu.memory_space<vmem>>) offsets(%arg11 : memref<128xi32, #tpu.memory_space<vmem>>) semaphore(%arg23 : memref<!tpu.dma_semaphore, #tpu.memory_space<semaphore_mem>>)
    } else {
    }
    %mul3A_16 = arith.constant 2 : i32
    %mul3A_17 = arith.constant 32 : i32
    %mul3A_18 = arith.muli %mul3A_16, %mul3A_17 : i32
    %add3A_19 = arith.addi %add3A, %mul3A_18 : i32
    %lt3A_20 = arith.constant 6272 : i32
    %lt3A_21 = arith.cmpi slt, %add3A_19, %lt3A_20 : i32
    %convert_element_type3A_22 = arith.extui %lt3A_21 : i1 to i32
    %cond3A_23 = arith.constant 0 : i32
    %cond3A_24 = arith.cmpi ne, %convert_element_type3A_22, %cond3A_23 : i32
    scf.if %cond3A_24 {
      %mul3A_30 = arith.constant 128 : i32
      %mul3A_31 = arith.muli %add3A_19, %mul3A_30 : i32
      "tpu.region"() ({
        %run_scoped3A = tpu.sem_alloc : memref<!tpu.dma_semaphore, #tpu.memory_space<semaphore_mem>>
        %dma_start3A_37 = tpu.memref_slice %arg4[%mul3A_31] : memref<802816xi32, #tpu.memory_space<hbm>> -> memref<128xi32, #tpu.memory_space<hbm>>
        %dma_start3A_38 = tpu.memref_slice %arg4[%mul3A_31] : memref<802816xi32, #tpu.memory_space<hbm>> -> memref<128xi32, #tpu.memory_space<hbm>>
        tpu.enqueue_dma source(%dma_start3A_38 : memref<128xi32, #tpu.memory_space<hbm>>) target(%arg12 : memref<128xi32, #tpu.memory_space<vmem>>) target_semaphore(%run_scoped3A : memref<!tpu.dma_semaphore, #tpu.memory_space<semaphore_mem>>)
        %dma_wait3A = tpu.memref_slice %arg4[%mul3A_31] : memref<802816xi32, #tpu.memory_space<hbm>> -> memref<128xi32, #tpu.memory_space<hbm>>
        %dma_wait3A_39 = tpu.memref_slice %arg4[%mul3A_31] : memref<802816xi32, #tpu.memory_space<hbm>> -> memref<128xi32, #tpu.memory_space<hbm>>
        tpu.wait_dma2 semaphore(%run_scoped3A : memref<!tpu.dma_semaphore, #tpu.memory_space<semaphore_mem>>) src(%dma_wait3A_39 : memref<128xi32, #tpu.memory_space<hbm>>) dst(%arg12 : memref<128xi32, #tpu.memory_space<vmem>>)
        tpu.yield
      }) : () -> ()
      "tpu.region"() ({
        %run_scoped3A = tpu.sem_alloc : memref<!tpu.dma_semaphore, #tpu.memory_space<semaphore_mem>>
        %dma_start3A_37 = tpu.memref_slice %arg5[%mul3A_31] : memref<802816xi32, #tpu.memory_space<hbm>> -> memref<128xi32, #tpu.memory_space<hbm>>
        %dma_start3A_38 = tpu.memref_slice %arg5[%mul3A_31] : memref<802816xi32, #tpu.memory_space<hbm>> -> memref<128xi32, #tpu.memory_space<hbm>>
        tpu.enqueue_dma source(%dma_start3A_38 : memref<128xi32, #tpu.memory_space<hbm>>) target(%arg13 : memref<128xi32, #tpu.memory_space<vmem>>) target_semaphore(%run_scoped3A : memref<!tpu.dma_semaphore, #tpu.memory_space<semaphore_mem>>)
        %dma_wait3A = tpu.memref_slice %arg5[%mul3A_31] : memref<802816xi32, #tpu.memory_space<hbm>> -> memref<128xi32, #tpu.memory_space<hbm>>
        %dma_wait3A_39 = tpu.memref_slice %arg5[%mul3A_31] : memref<802816xi32, #tpu.memory_space<hbm>> -> memref<128xi32, #tpu.memory_space<hbm>>
        tpu.wait_dma2 semaphore(%run_scoped3A : memref<!tpu.dma_semaphore, #tpu.memory_space<semaphore_mem>>) src(%dma_wait3A_39 : memref<128xi32, #tpu.memory_space<hbm>>) dst(%arg13 : memref<128xi32, #tpu.memory_space<vmem>>)
        tpu.yield
      }) : () -> ()
      %dma_start3A = arith.constant 0 : i32
      %dma_start3A_32 = arith.constant 0 : i32
      %dma_start3A_33 = tpu.memref_slice %arg2[%dma_start3A, %dma_start3A_32] : memref<50000x128xf32, #tpu.memory_space<hbm>> -> memref<50000x128xf32, #tpu.memory_space<hbm>>
      tpu.enqueue_indirect_dma source(%dma_start3A_33 : memref<50000x128xf32, #tpu.memory_space<hbm>>) target(%arg18 : memref<128x128xf32, #tpu.memory_space<vmem>>) offsets(%arg12 : memref<128xi32, #tpu.memory_space<vmem>>) semaphore(%arg24 : memref<!tpu.dma_semaphore, #tpu.memory_space<semaphore_mem>>)
      %dma_start3A_34 = arith.constant 0 : i32
      %dma_start3A_35 = arith.constant 0 : i32
      %dma_start3A_36 = tpu.memref_slice %arg3[%dma_start3A_34, %dma_start3A_35] : memref<50000x128xf32, #tpu.memory_space<hbm>> -> memref<50000x128xf32, #tpu.memory_space<hbm>>
      tpu.enqueue_indirect_dma source(%dma_start3A_36 : memref<50000x128xf32, #tpu.memory_space<hbm>>) target(%arg19 : memref<128x128xf32, #tpu.memory_space<vmem>>) offsets(%arg13 : memref<128xi32, #tpu.memory_space<vmem>>) semaphore(%arg25 : memref<!tpu.dma_semaphore, #tpu.memory_space<semaphore_mem>>)
    } else {
    }
    %scan3A = arith.constant 0 : i32
    %scan3A_25 = arith.constant 0 : i32
    %scan3A_26 = arith.constant 66 : i32
    %scan3A_27 = arith.addi %scan3A_25, %scan3A_26 : i32
    %scan3A_28 = arith.constant 1 : i32
    scf.for %scan3A_30 = %scan3A_25 to %scan3A_27 step %scan3A_28  : i32 {
      %mul3A_31 = arith.constant 3 : i32
      %mul3A_32 = arith.muli %scan3A_30, %mul3A_31 : i32
      %add3A_33 = arith.constant 0 : i32
      %add3A_34 = arith.addi %mul3A_32, %add3A_33 : i32
      %mul3A_35 = arith.constant 32 : i32
      %mul3A_36 = arith.muli %add3A_34, %mul3A_35 : i32
      %add3A_37 = arith.addi %add3A, %mul3A_36 : i32
      %lt3A_38 = arith.constant 6272 : i32
      %lt3A_39 = arith.cmpi slt, %add3A_37, %lt3A_38 : i32
      %convert_element_type3A_40 = arith.extui %lt3A_39 : i1 to i32
      %cond3A_41 = arith.constant 0 : i32
      %cond3A_42 = arith.cmpi ne, %convert_element_type3A_40, %cond3A_41 : i32
      scf.if %cond3A_42 {
        %mul3A_97 = arith.constant 128 : i32
        %mul3A_98 = arith.muli %add3A_37, %mul3A_97 : i32
        %dma_wait3A = arith.constant 0 : i32
        %dma_wait3A_99 = arith.constant 0 : i32
        %dma_wait3A_100 = tpu.memref_slice %arg2[%dma_wait3A, %dma_wait3A_99] : memref<50000x128xf32, #tpu.memory_space<hbm>> -> memref<50000x128xf32, #tpu.memory_space<hbm>>
        tpu.wait_indirect_dma semaphore(%arg20 : memref<!tpu.dma_semaphore, #tpu.memory_space<semaphore_mem>>) src(%dma_wait3A_100 : memref<50000x128xf32, #tpu.memory_space<hbm>>) dst(%arg14 : memref<128x128xf32, #tpu.memory_space<vmem>>)
        %dma_wait3A_101 = arith.constant 0 : i32
        %dma_wait3A_102 = arith.constant 0 : i32
        %dma_wait3A_103 = tpu.memref_slice %arg3[%dma_wait3A_101, %dma_wait3A_102] : memref<50000x128xf32, #tpu.memory_space<hbm>> -> memref<50000x128xf32, #tpu.memory_space<hbm>>
        tpu.wait_indirect_dma semaphore(%arg21 : memref<!tpu.dma_semaphore, #tpu.memory_space<semaphore_mem>>) src(%dma_wait3A_103 : memref<50000x128xf32, #tpu.memory_space<hbm>>) dst(%arg15 : memref<128x128xf32, #tpu.memory_space<vmem>>)
        "tpu.region"() ({
          %run_scoped3A = tpu.sem_alloc : memref<!tpu.dma_semaphore, #tpu.memory_space<semaphore_mem>>
          %dma_start3A = arith.constant 0 : i32
          %dma_start3A_104 = tpu.memref_slice %arg6[%mul3A_98, %dma_start3A] : memref<802816x128xf32, #tpu.memory_space<hbm>> -> memref<128x128xf32, #tpu.memory_space<hbm>>
          %dma_start3A_105 = arith.constant 0 : i32
          %dma_start3A_106 = tpu.memref_slice %arg6[%mul3A_98, %dma_start3A_105] : memref<802816x128xf32, #tpu.memory_space<hbm>> -> memref<128x128xf32, #tpu.memory_space<hbm>>
          tpu.enqueue_dma source(%arg14 : memref<128x128xf32, #tpu.memory_space<vmem>>) target(%dma_start3A_106 : memref<128x128xf32, #tpu.memory_space<hbm>>) target_semaphore(%run_scoped3A : memref<!tpu.dma_semaphore, #tpu.memory_space<semaphore_mem>>)
          %dma_wait3A_107 = arith.constant 0 : i32
          %dma_wait3A_108 = tpu.memref_slice %arg6[%mul3A_98, %dma_wait3A_107] : memref<802816x128xf32, #tpu.memory_space<hbm>> -> memref<128x128xf32, #tpu.memory_space<hbm>>
          %dma_wait3A_109 = arith.constant 0 : i32
          %dma_wait3A_110 = tpu.memref_slice %arg6[%mul3A_98, %dma_wait3A_109] : memref<802816x128xf32, #tpu.memory_space<hbm>> -> memref<128x128xf32, #tpu.memory_space<hbm>>
          tpu.wait_dma2 semaphore(%run_scoped3A : memref<!tpu.dma_semaphore, #tpu.memory_space<semaphore_mem>>) src(%arg14 : memref<128x128xf32, #tpu.memory_space<vmem>>) dst(%dma_wait3A_110 : memref<128x128xf32, #tpu.memory_space<hbm>>)
          tpu.yield
        }) : () -> ()
        "tpu.region"() ({
          %run_scoped3A = tpu.sem_alloc : memref<!tpu.dma_semaphore, #tpu.memory_space<semaphore_mem>>
          %dma_start3A = arith.constant 0 : i32
          %dma_start3A_104 = tpu.memref_slice %arg7[%mul3A_98, %dma_start3A] : memref<802816x128xf32, #tpu.memory_space<hbm>> -> memref<128x128xf32, #tpu.memory_space<hbm>>
          %dma_start3A_105 = arith.constant 0 : i32
          %dma_start3A_106 = tpu.memref_slice %arg7[%mul3A_98, %dma_start3A_105] : memref<802816x128xf32, #tpu.memory_space<hbm>> -> memref<128x128xf32, #tpu.memory_space<hbm>>
          tpu.enqueue_dma source(%arg15 : memref<128x128xf32, #tpu.memory_space<vmem>>) target(%dma_start3A_106 : memref<128x128xf32, #tpu.memory_space<hbm>>) target_semaphore(%run_scoped3A : memref<!tpu.dma_semaphore, #tpu.memory_space<semaphore_mem>>)
          %dma_wait3A_107 = arith.constant 0 : i32
          %dma_wait3A_108 = tpu.memref_slice %arg7[%mul3A_98, %dma_wait3A_107] : memref<802816x128xf32, #tpu.memory_space<hbm>> -> memref<128x128xf32, #tpu.memory_space<hbm>>
          %dma_wait3A_109 = arith.constant 0 : i32
          %dma_wait3A_110 = tpu.memref_slice %arg7[%mul3A_98, %dma_wait3A_109] : memref<802816x128xf32, #tpu.memory_space<hbm>> -> memref<128x128xf32, #tpu.memory_space<hbm>>
          tpu.wait_dma2 semaphore(%run_scoped3A : memref<!tpu.dma_semaphore, #tpu.memory_space<semaphore_mem>>) src(%arg15 : memref<128x128xf32, #tpu.memory_space<vmem>>) dst(%dma_wait3A_110 : memref<128x128xf32, #tpu.memory_space<hbm>>)
          tpu.yield
        }) : () -> ()
      } else {
      }
      %add3A_43 = arith.constant 3 : i32
      %add3A_44 = arith.addi %add3A_34, %add3A_43 : i32
      %mul3A_45 = arith.constant 32 : i32
      %mul3A_46 = arith.muli %add3A_44, %mul3A_45 : i32
      %add3A_47 = arith.addi %add3A, %mul3A_46 : i32
      %lt3A_48 = arith.constant 6272 : i32
      %lt3A_49 = arith.cmpi slt, %add3A_47, %lt3A_48 : i32
      %convert_element_type3A_50 = arith.extui %lt3A_49 : i1 to i32
      %cond3A_51 = arith.constant 0 : i32
      %cond3A_52 = arith.cmpi ne, %convert_element_type3A_50, %cond3A_51 : i32
      scf.if %cond3A_52 {
        %mul3A_97 = arith.constant 128 : i32
        %mul3A_98 = arith.muli %add3A_47, %mul3A_97 : i32
        "tpu.region"() ({
          %run_scoped3A = tpu.sem_alloc : memref<!tpu.dma_semaphore, #tpu.memory_space<semaphore_mem>>
          %dma_start3A_104 = tpu.memref_slice %arg4[%mul3A_98] : memref<802816xi32, #tpu.memory_space<hbm>> -> memref<128xi32, #tpu.memory_space<hbm>>
          %dma_start3A_105 = tpu.memref_slice %arg4[%mul3A_98] : memref<802816xi32, #tpu.memory_space<hbm>> -> memref<128xi32, #tpu.memory_space<hbm>>
          tpu.enqueue_dma source(%dma_start3A_105 : memref<128xi32, #tpu.memory_space<hbm>>) target(%arg8 : memref<128xi32, #tpu.memory_space<vmem>>) target_semaphore(%run_scoped3A : memref<!tpu.dma_semaphore, #tpu.memory_space<semaphore_mem>>)
          %dma_wait3A = tpu.memref_slice %arg4[%mul3A_98] : memref<802816xi32, #tpu.memory_space<hbm>> -> memref<128xi32, #tpu.memory_space<hbm>>
          %dma_wait3A_106 = tpu.memref_slice %arg4[%mul3A_98] : memref<802816xi32, #tpu.memory_space<hbm>> -> memref<128xi32, #tpu.memory_space<hbm>>
          tpu.wait_dma2 semaphore(%run_scoped3A : memref<!tpu.dma_semaphore, #tpu.memory_space<semaphore_mem>>) src(%dma_wait3A_106 : memref<128xi32, #tpu.memory_space<hbm>>) dst(%arg8 : memref<128xi32, #tpu.memory_space<vmem>>)
          tpu.yield
        }) : () -> ()
        "tpu.region"() ({
          %run_scoped3A = tpu.sem_alloc : memref<!tpu.dma_semaphore, #tpu.memory_space<semaphore_mem>>
          %dma_start3A_104 = tpu.memref_slice %arg5[%mul3A_98] : memref<802816xi32, #tpu.memory_space<hbm>> -> memref<128xi32, #tpu.memory_space<hbm>>
          %dma_start3A_105 = tpu.memref_slice %arg5[%mul3A_98] : memref<802816xi32, #tpu.memory_space<hbm>> -> memref<128xi32, #tpu.memory_space<hbm>>
          tpu.enqueue_dma source(%dma_start3A_105 : memref<128xi32, #tpu.memory_space<hbm>>) target(%arg9 : memref<128xi32, #tpu.memory_space<vmem>>) target_semaphore(%run_scoped3A : memref<!tpu.dma_semaphore, #tpu.memory_space<semaphore_mem>>)
          %dma_wait3A = tpu.memref_slice %arg5[%mul3A_98] : memref<802816xi32, #tpu.memory_space<hbm>> -> memref<128xi32, #tpu.memory_space<hbm>>
          %dma_wait3A_106 = tpu.memref_slice %arg5[%mul3A_98] : memref<802816xi32, #tpu.memory_space<hbm>> -> memref<128xi32, #tpu.memory_space<hbm>>
          tpu.wait_dma2 semaphore(%run_scoped3A : memref<!tpu.dma_semaphore, #tpu.memory_space<semaphore_mem>>) src(%dma_wait3A_106 : memref<128xi32, #tpu.memory_space<hbm>>) dst(%arg9 : memref<128xi32, #tpu.memory_space<vmem>>)
          tpu.yield
        }) : () -> ()
        %dma_start3A = arith.constant 0 : i32
        %dma_start3A_99 = arith.constant 0 : i32
        %dma_start3A_100 = tpu.memref_slice %arg2[%dma_start3A, %dma_start3A_99] : memref<50000x128xf32, #tpu.memory_space<hbm>> -> memref<50000x128xf32, #tpu.memory_space<hbm>>
        tpu.enqueue_indirect_dma source(%dma_start3A_100 : memref<50000x128xf32, #tpu.memory_space<hbm>>) target(%arg14 : memref<128x128xf32, #tpu.memory_space<vmem>>) offsets(%arg8 : memref<128xi32, #tpu.memory_space<vmem>>) semaphore(%arg20 : memref<!tpu.dma_semaphore, #tpu.memory_space<semaphore_mem>>)
        %dma_start3A_101 = arith.constant 0 : i32
        %dma_start3A_102 = arith.constant 0 : i32
        %dma_start3A_103 = tpu.memref_slice %arg3[%dma_start3A_101, %dma_start3A_102] : memref<50000x128xf32, #tpu.memory_space<hbm>> -> memref<50000x128xf32, #tpu.memory_space<hbm>>
        tpu.enqueue_indirect_dma source(%dma_start3A_103 : memref<50000x128xf32, #tpu.memory_space<hbm>>) target(%arg15 : memref<128x128xf32, #tpu.memory_space<vmem>>) offsets(%arg9 : memref<128xi32, #tpu.memory_space<vmem>>) semaphore(%arg21 : memref<!tpu.dma_semaphore, #tpu.memory_space<semaphore_mem>>)
      } else {
      }
      %mul3A_53 = arith.constant 3 : i32
      %mul3A_54 = arith.muli %scan3A_30, %mul3A_53 : i32
      %add3A_55 = arith.constant 1 : i32
      %add3A_56 = arith.addi %mul3A_54, %add3A_55 : i32
      %mul3A_57 = arith.constant 32 : i32
      %mul3A_58 = arith.muli %add3A_56, %mul3A_57 : i32
      %add3A_59 = arith.addi %add3A, %mul3A_58 : i32
      %lt3A_60 = arith.constant 6272 : i32
      %lt3A_61 = arith.cmpi slt, %add3A_59, %lt3A_60 : i32
      %convert_element_type3A_62 = arith.extui %lt3A_61 : i1 to i32
      %cond3A_63 = arith.constant 0 : i32
      %cond3A_64 = arith.cmpi ne, %convert_element_type3A_62, %cond3A_63 : i32
      scf.if %cond3A_64 {
        %mul3A_97 = arith.constant 128 : i32
        %mul3A_98 = arith.muli %add3A_59, %mul3A_97 : i32
        %dma_wait3A = arith.constant 0 : i32
        %dma_wait3A_99 = arith.constant 0 : i32
        %dma_wait3A_100 = tpu.memref_slice %arg2[%dma_wait3A, %dma_wait3A_99] : memref<50000x128xf32, #tpu.memory_space<hbm>> -> memref<50000x128xf32, #tpu.memory_space<hbm>>
        tpu.wait_indirect_dma semaphore(%arg22 : memref<!tpu.dma_semaphore, #tpu.memory_space<semaphore_mem>>) src(%dma_wait3A_100 : memref<50000x128xf32, #tpu.memory_space<hbm>>) dst(%arg16 : memref<128x128xf32, #tpu.memory_space<vmem>>)
        %dma_wait3A_101 = arith.constant 0 : i32
        %dma_wait3A_102 = arith.constant 0 : i32
        %dma_wait3A_103 = tpu.memref_slice %arg3[%dma_wait3A_101, %dma_wait3A_102] : memref<50000x128xf32, #tpu.memory_space<hbm>> -> memref<50000x128xf32, #tpu.memory_space<hbm>>
        tpu.wait_indirect_dma semaphore(%arg23 : memref<!tpu.dma_semaphore, #tpu.memory_space<semaphore_mem>>) src(%dma_wait3A_103 : memref<50000x128xf32, #tpu.memory_space<hbm>>) dst(%arg17 : memref<128x128xf32, #tpu.memory_space<vmem>>)
        "tpu.region"() ({
          %run_scoped3A = tpu.sem_alloc : memref<!tpu.dma_semaphore, #tpu.memory_space<semaphore_mem>>
          %dma_start3A = arith.constant 0 : i32
          %dma_start3A_104 = tpu.memref_slice %arg6[%mul3A_98, %dma_start3A] : memref<802816x128xf32, #tpu.memory_space<hbm>> -> memref<128x128xf32, #tpu.memory_space<hbm>>
          %dma_start3A_105 = arith.constant 0 : i32
          %dma_start3A_106 = tpu.memref_slice %arg6[%mul3A_98, %dma_start3A_105] : memref<802816x128xf32, #tpu.memory_space<hbm>> -> memref<128x128xf32, #tpu.memory_space<hbm>>
          tpu.enqueue_dma source(%arg16 : memref<128x128xf32, #tpu.memory_space<vmem>>) target(%dma_start3A_106 : memref<128x128xf32, #tpu.memory_space<hbm>>) target_semaphore(%run_scoped3A : memref<!tpu.dma_semaphore, #tpu.memory_space<semaphore_mem>>)
          %dma_wait3A_107 = arith.constant 0 : i32
          %dma_wait3A_108 = tpu.memref_slice %arg6[%mul3A_98, %dma_wait3A_107] : memref<802816x128xf32, #tpu.memory_space<hbm>> -> memref<128x128xf32, #tpu.memory_space<hbm>>
          %dma_wait3A_109 = arith.constant 0 : i32
          %dma_wait3A_110 = tpu.memref_slice %arg6[%mul3A_98, %dma_wait3A_109] : memref<802816x128xf32, #tpu.memory_space<hbm>> -> memref<128x128xf32, #tpu.memory_space<hbm>>
          tpu.wait_dma2 semaphore(%run_scoped3A : memref<!tpu.dma_semaphore, #tpu.memory_space<semaphore_mem>>) src(%arg16 : memref<128x128xf32, #tpu.memory_space<vmem>>) dst(%dma_wait3A_110 : memref<128x128xf32, #tpu.memory_space<hbm>>)
          tpu.yield
        }) : () -> ()
        "tpu.region"() ({
          %run_scoped3A = tpu.sem_alloc : memref<!tpu.dma_semaphore, #tpu.memory_space<semaphore_mem>>
          %dma_start3A = arith.constant 0 : i32
          %dma_start3A_104 = tpu.memref_slice %arg7[%mul3A_98, %dma_start3A] : memref<802816x128xf32, #tpu.memory_space<hbm>> -> memref<128x128xf32, #tpu.memory_space<hbm>>
          %dma_start3A_105 = arith.constant 0 : i32
          %dma_start3A_106 = tpu.memref_slice %arg7[%mul3A_98, %dma_start3A_105] : memref<802816x128xf32, #tpu.memory_space<hbm>> -> memref<128x128xf32, #tpu.memory_space<hbm>>
          tpu.enqueue_dma source(%arg17 : memref<128x128xf32, #tpu.memory_space<vmem>>) target(%dma_start3A_106 : memref<128x128xf32, #tpu.memory_space<hbm>>) target_semaphore(%run_scoped3A : memref<!tpu.dma_semaphore, #tpu.memory_space<semaphore_mem>>)
          %dma_wait3A_107 = arith.constant 0 : i32
          %dma_wait3A_108 = tpu.memref_slice %arg7[%mul3A_98, %dma_wait3A_107] : memref<802816x128xf32, #tpu.memory_space<hbm>> -> memref<128x128xf32, #tpu.memory_space<hbm>>
          %dma_wait3A_109 = arith.constant 0 : i32
          %dma_wait3A_110 = tpu.memref_slice %arg7[%mul3A_98, %dma_wait3A_109] : memref<802816x128xf32, #tpu.memory_space<hbm>> -> memref<128x128xf32, #tpu.memory_space<hbm>>
          tpu.wait_dma2 semaphore(%run_scoped3A : memref<!tpu.dma_semaphore, #tpu.memory_space<semaphore_mem>>) src(%arg17 : memref<128x128xf32, #tpu.memory_space<vmem>>) dst(%dma_wait3A_110 : memref<128x128xf32, #tpu.memory_space<hbm>>)
          tpu.yield
        }) : () -> ()
      } else {
      }
      %add3A_65 = arith.constant 3 : i32
      %add3A_66 = arith.addi %add3A_56, %add3A_65 : i32
      %mul3A_67 = arith.constant 32 : i32
      %mul3A_68 = arith.muli %add3A_66, %mul3A_67 : i32
      %add3A_69 = arith.addi %add3A, %mul3A_68 : i32
      %lt3A_70 = arith.constant 6272 : i32
      %lt3A_71 = arith.cmpi slt, %add3A_69, %lt3A_70 : i32
      %convert_element_type3A_72 = arith.extui %lt3A_71 : i1 to i32
      %cond3A_73 = arith.constant 0 : i32
      %cond3A_74 = arith.cmpi ne, %convert_element_type3A_72, %cond3A_73 : i32
      scf.if %cond3A_74 {
        %mul3A_97 = arith.constant 128 : i32
        %mul3A_98 = arith.muli %add3A_69, %mul3A_97 : i32
        "tpu.region"() ({
          %run_scoped3A = tpu.sem_alloc : memref<!tpu.dma_semaphore, #tpu.memory_space<semaphore_mem>>
          %dma_start3A_104 = tpu.memref_slice %arg4[%mul3A_98] : memref<802816xi32, #tpu.memory_space<hbm>> -> memref<128xi32, #tpu.memory_space<hbm>>
          %dma_start3A_105 = tpu.memref_slice %arg4[%mul3A_98] : memref<802816xi32, #tpu.memory_space<hbm>> -> memref<128xi32, #tpu.memory_space<hbm>>
          tpu.enqueue_dma source(%dma_start3A_105 : memref<128xi32, #tpu.memory_space<hbm>>) target(%arg10 : memref<128xi32, #tpu.memory_space<vmem>>) target_semaphore(%run_scoped3A : memref<!tpu.dma_semaphore, #tpu.memory_space<semaphore_mem>>)
          %dma_wait3A = tpu.memref_slice %arg4[%mul3A_98] : memref<802816xi32, #tpu.memory_space<hbm>> -> memref<128xi32, #tpu.memory_space<hbm>>
          %dma_wait3A_106 = tpu.memref_slice %arg4[%mul3A_98] : memref<802816xi32, #tpu.memory_space<hbm>> -> memref<128xi32, #tpu.memory_space<hbm>>
          tpu.wait_dma2 semaphore(%run_scoped3A : memref<!tpu.dma_semaphore, #tpu.memory_space<semaphore_mem>>) src(%dma_wait3A_106 : memref<128xi32, #tpu.memory_space<hbm>>) dst(%arg10 : memref<128xi32, #tpu.memory_space<vmem>>)
          tpu.yield
        }) : () -> ()
        "tpu.region"() ({
          %run_scoped3A = tpu.sem_alloc : memref<!tpu.dma_semaphore, #tpu.memory_space<semaphore_mem>>
          %dma_start3A_104 = tpu.memref_slice %arg5[%mul3A_98] : memref<802816xi32, #tpu.memory_space<hbm>> -> memref<128xi32, #tpu.memory_space<hbm>>
          %dma_start3A_105 = tpu.memref_slice %arg5[%mul3A_98] : memref<802816xi32, #tpu.memory_space<hbm>> -> memref<128xi32, #tpu.memory_space<hbm>>
          tpu.enqueue_dma source(%dma_start3A_105 : memref<128xi32, #tpu.memory_space<hbm>>) target(%arg11 : memref<128xi32, #tpu.memory_space<vmem>>) target_semaphore(%run_scoped3A : memref<!tpu.dma_semaphore, #tpu.memory_space<semaphore_mem>>)
          %dma_wait3A = tpu.memref_slice %arg5[%mul3A_98] : memref<802816xi32, #tpu.memory_space<hbm>> -> memref<128xi32, #tpu.memory_space<hbm>>
          %dma_wait3A_106 = tpu.memref_slice %arg5[%mul3A_98] : memref<802816xi32, #tpu.memory_space<hbm>> -> memref<128xi32, #tpu.memory_space<hbm>>
          tpu.wait_dma2 semaphore(%run_scoped3A : memref<!tpu.dma_semaphore, #tpu.memory_space<semaphore_mem>>) src(%dma_wait3A_106 : memref<128xi32, #tpu.memory_space<hbm>>) dst(%arg11 : memref<128xi32, #tpu.memory_space<vmem>>)
          tpu.yield
        }) : () -> ()
        %dma_start3A = arith.constant 0 : i32
        %dma_start3A_99 = arith.constant 0 : i32
        %dma_start3A_100 = tpu.memref_slice %arg2[%dma_start3A, %dma_start3A_99] : memref<50000x128xf32, #tpu.memory_space<hbm>> -> memref<50000x128xf32, #tpu.memory_space<hbm>>
        tpu.enqueue_indirect_dma source(%dma_start3A_100 : memref<50000x128xf32, #tpu.memory_space<hbm>>) target(%arg16 : memref<128x128xf32, #tpu.memory_space<vmem>>) offsets(%arg10 : memref<128xi32, #tpu.memory_space<vmem>>) semaphore(%arg22 : memref<!tpu.dma_semaphore, #tpu.memory_space<semaphore_mem>>)
        %dma_start3A_101 = arith.constant 0 : i32
        %dma_start3A_102 = arith.constant 0 : i32
        %dma_start3A_103 = tpu.memref_slice %arg3[%dma_start3A_101, %dma_start3A_102] : memref<50000x128xf32, #tpu.memory_space<hbm>> -> memref<50000x128xf32, #tpu.memory_space<hbm>>
        tpu.enqueue_indirect_dma source(%dma_start3A_103 : memref<50000x128xf32, #tpu.memory_space<hbm>>) target(%arg17 : memref<128x128xf32, #tpu.memory_space<vmem>>) offsets(%arg11 : memref<128xi32, #tpu.memory_space<vmem>>) semaphore(%arg23 : memref<!tpu.dma_semaphore, #tpu.memory_space<semaphore_mem>>)
      } else {
      }
      %mul3A_75 = arith.constant 3 : i32
      %mul3A_76 = arith.muli %scan3A_30, %mul3A_75 : i32
      %add3A_77 = arith.constant 2 : i32
      %add3A_78 = arith.addi %mul3A_76, %add3A_77 : i32
      %mul3A_79 = arith.constant 32 : i32
      %mul3A_80 = arith.muli %add3A_78, %mul3A_79 : i32
      %add3A_81 = arith.addi %add3A, %mul3A_80 : i32
      %lt3A_82 = arith.constant 6272 : i32
      %lt3A_83 = arith.cmpi slt, %add3A_81, %lt3A_82 : i32
      %convert_element_type3A_84 = arith.extui %lt3A_83 : i1 to i32
      %cond3A_85 = arith.constant 0 : i32
      %cond3A_86 = arith.cmpi ne, %convert_element_type3A_84, %cond3A_85 : i32
      scf.if %cond3A_86 {
        %mul3A_97 = arith.constant 128 : i32
        %mul3A_98 = arith.muli %add3A_81, %mul3A_97 : i32
        %dma_wait3A = arith.constant 0 : i32
        %dma_wait3A_99 = arith.constant 0 : i32
        %dma_wait3A_100 = tpu.memref_slice %arg2[%dma_wait3A, %dma_wait3A_99] : memref<50000x128xf32, #tpu.memory_space<hbm>> -> memref<50000x128xf32, #tpu.memory_space<hbm>>
        tpu.wait_indirect_dma semaphore(%arg24 : memref<!tpu.dma_semaphore, #tpu.memory_space<semaphore_mem>>) src(%dma_wait3A_100 : memref<50000x128xf32, #tpu.memory_space<hbm>>) dst(%arg18 : memref<128x128xf32, #tpu.memory_space<vmem>>)
        %dma_wait3A_101 = arith.constant 0 : i32
        %dma_wait3A_102 = arith.constant 0 : i32
        %dma_wait3A_103 = tpu.memref_slice %arg3[%dma_wait3A_101, %dma_wait3A_102] : memref<50000x128xf32, #tpu.memory_space<hbm>> -> memref<50000x128xf32, #tpu.memory_space<hbm>>
        tpu.wait_indirect_dma semaphore(%arg25 : memref<!tpu.dma_semaphore, #tpu.memory_space<semaphore_mem>>) src(%dma_wait3A_103 : memref<50000x128xf32, #tpu.memory_space<hbm>>) dst(%arg19 : memref<128x128xf32, #tpu.memory_space<vmem>>)
        "tpu.region"() ({
          %run_scoped3A = tpu.sem_alloc : memref<!tpu.dma_semaphore, #tpu.memory_space<semaphore_mem>>
          %dma_start3A = arith.constant 0 : i32
          %dma_start3A_104 = tpu.memref_slice %arg6[%mul3A_98, %dma_start3A] : memref<802816x128xf32, #tpu.memory_space<hbm>> -> memref<128x128xf32, #tpu.memory_space<hbm>>
          %dma_start3A_105 = arith.constant 0 : i32
          %dma_start3A_106 = tpu.memref_slice %arg6[%mul3A_98, %dma_start3A_105] : memref<802816x128xf32, #tpu.memory_space<hbm>> -> memref<128x128xf32, #tpu.memory_space<hbm>>
          tpu.enqueue_dma source(%arg18 : memref<128x128xf32, #tpu.memory_space<vmem>>) target(%dma_start3A_106 : memref<128x128xf32, #tpu.memory_space<hbm>>) target_semaphore(%run_scoped3A : memref<!tpu.dma_semaphore, #tpu.memory_space<semaphore_mem>>)
          %dma_wait3A_107 = arith.constant 0 : i32
          %dma_wait3A_108 = tpu.memref_slice %arg6[%mul3A_98, %dma_wait3A_107] : memref<802816x128xf32, #tpu.memory_space<hbm>> -> memref<128x128xf32, #tpu.memory_space<hbm>>
          %dma_wait3A_109 = arith.constant 0 : i32
          %dma_wait3A_110 = tpu.memref_slice %arg6[%mul3A_98, %dma_wait3A_109] : memref<802816x128xf32, #tpu.memory_space<hbm>> -> memref<128x128xf32, #tpu.memory_space<hbm>>
          tpu.wait_dma2 semaphore(%run_scoped3A : memref<!tpu.dma_semaphore, #tpu.memory_space<semaphore_mem>>) src(%arg18 : memref<128x128xf32, #tpu.memory_space<vmem>>) dst(%dma_wait3A_110 : memref<128x128xf32, #tpu.memory_space<hbm>>)
          tpu.yield
        }) : () -> ()
        "tpu.region"() ({
          %run_scoped3A = tpu.sem_alloc : memref<!tpu.dma_semaphore, #tpu.memory_space<semaphore_mem>>
          %dma_start3A = arith.constant 0 : i32
          %dma_start3A_104 = tpu.memref_slice %arg7[%mul3A_98, %dma_start3A] : memref<802816x128xf32, #tpu.memory_space<hbm>> -> memref<128x128xf32, #tpu.memory_space<hbm>>
          %dma_start3A_105 = arith.constant 0 : i32
          %dma_start3A_106 = tpu.memref_slice %arg7[%mul3A_98, %dma_start3A_105] : memref<802816x128xf32, #tpu.memory_space<hbm>> -> memref<128x128xf32, #tpu.memory_space<hbm>>
          tpu.enqueue_dma source(%arg19 : memref<128x128xf32, #tpu.memory_space<vmem>>) target(%dma_start3A_106 : memref<128x128xf32, #tpu.memory_space<hbm>>) target_semaphore(%run_scoped3A : memref<!tpu.dma_semaphore, #tpu.memory_space<semaphore_mem>>)
          %dma_wait3A_107 = arith.constant 0 : i32
          %dma_wait3A_108 = tpu.memref_slice %arg7[%mul3A_98, %dma_wait3A_107] : memref<802816x128xf32, #tpu.memory_space<hbm>> -> memref<128x128xf32, #tpu.memory_space<hbm>>
          %dma_wait3A_109 = arith.constant 0 : i32
          %dma_wait3A_110 = tpu.memref_slice %arg7[%mul3A_98, %dma_wait3A_109] : memref<802816x128xf32, #tpu.memory_space<hbm>> -> memref<128x128xf32, #tpu.memory_space<hbm>>
          tpu.wait_dma2 semaphore(%run_scoped3A : memref<!tpu.dma_semaphore, #tpu.memory_space<semaphore_mem>>) src(%arg19 : memref<128x128xf32, #tpu.memory_space<vmem>>) dst(%dma_wait3A_110 : memref<128x128xf32, #tpu.memory_space<hbm>>)
          tpu.yield
        }) : () -> ()
      } else {
      }
      %add3A_87 = arith.constant 3 : i32
      %add3A_88 = arith.addi %add3A_78, %add3A_87 : i32
      %mul3A_89 = arith.constant 32 : i32
      %mul3A_90 = arith.muli %add3A_88, %mul3A_89 : i32
      %add3A_91 = arith.addi %add3A, %mul3A_90 : i32
      %lt3A_92 = arith.constant 6272 : i32
      %lt3A_93 = arith.cmpi slt, %add3A_91, %lt3A_92 : i32
      %convert_element_type3A_94 = arith.extui %lt3A_93 : i1 to i32
      %cond3A_95 = arith.constant 0 : i32
      %cond3A_96 = arith.cmpi ne, %convert_element_type3A_94, %cond3A_95 : i32
      scf.if %cond3A_96 {
        %mul3A_97 = arith.constant 128 : i32
        %mul3A_98 = arith.muli %add3A_91, %mul3A_97 : i32
        "tpu.region"() ({
          %run_scoped3A = tpu.sem_alloc : memref<!tpu.dma_semaphore, #tpu.memory_space<semaphore_mem>>
          %dma_start3A_104 = tpu.memref_slice %arg4[%mul3A_98] : memref<802816xi32, #tpu.memory_space<hbm>> -> memref<128xi32, #tpu.memory_space<hbm>>
          %dma_start3A_105 = tpu.memref_slice %arg4[%mul3A_98] : memref<802816xi32, #tpu.memory_space<hbm>> -> memref<128xi32, #tpu.memory_space<hbm>>
          tpu.enqueue_dma source(%dma_start3A_105 : memref<128xi32, #tpu.memory_space<hbm>>) target(%arg12 : memref<128xi32, #tpu.memory_space<vmem>>) target_semaphore(%run_scoped3A : memref<!tpu.dma_semaphore, #tpu.memory_space<semaphore_mem>>)
          %dma_wait3A = tpu.memref_slice %arg4[%mul3A_98] : memref<802816xi32, #tpu.memory_space<hbm>> -> memref<128xi32, #tpu.memory_space<hbm>>
          %dma_wait3A_106 = tpu.memref_slice %arg4[%mul3A_98] : memref<802816xi32, #tpu.memory_space<hbm>> -> memref<128xi32, #tpu.memory_space<hbm>>
          tpu.wait_dma2 semaphore(%run_scoped3A : memref<!tpu.dma_semaphore, #tpu.memory_space<semaphore_mem>>) src(%dma_wait3A_106 : memref<128xi32, #tpu.memory_space<hbm>>) dst(%arg12 : memref<128xi32, #tpu.memory_space<vmem>>)
          tpu.yield
        }) : () -> ()
        "tpu.region"() ({
          %run_scoped3A = tpu.sem_alloc : memref<!tpu.dma_semaphore, #tpu.memory_space<semaphore_mem>>
          %dma_start3A_104 = tpu.memref_slice %arg5[%mul3A_98] : memref<802816xi32, #tpu.memory_space<hbm>> -> memref<128xi32, #tpu.memory_space<hbm>>
          %dma_start3A_105 = tpu.memref_slice %arg5[%mul3A_98] : memref<802816xi32, #tpu.memory_space<hbm>> -> memref<128xi32, #tpu.memory_space<hbm>>
          tpu.enqueue_dma source(%dma_start3A_105 : memref<128xi32, #tpu.memory_space<hbm>>) target(%arg13 : memref<128xi32, #tpu.memory_space<vmem>>) target_semaphore(%run_scoped3A : memref<!tpu.dma_semaphore, #tpu.memory_space<semaphore_mem>>)
          %dma_wait3A = tpu.memref_slice %arg5[%mul3A_98] : memref<802816xi32, #tpu.memory_space<hbm>> -> memref<128xi32, #tpu.memory_space<hbm>>
          %dma_wait3A_106 = tpu.memref_slice %arg5[%mul3A_98] : memref<802816xi32, #tpu.memory_space<hbm>> -> memref<128xi32, #tpu.memory_space<hbm>>
          tpu.wait_dma2 semaphore(%run_scoped3A : memref<!tpu.dma_semaphore, #tpu.memory_space<semaphore_mem>>) src(%dma_wait3A_106 : memref<128xi32, #tpu.memory_space<hbm>>) dst(%arg13 : memref<128xi32, #tpu.memory_space<vmem>>)
          tpu.yield
        }) : () -> ()
        %dma_start3A = arith.constant 0 : i32
        %dma_start3A_99 = arith.constant 0 : i32
        %dma_start3A_100 = tpu.memref_slice %arg2[%dma_start3A, %dma_start3A_99] : memref<50000x128xf32, #tpu.memory_space<hbm>> -> memref<50000x128xf32, #tpu.memory_space<hbm>>
        tpu.enqueue_indirect_dma source(%dma_start3A_100 : memref<50000x128xf32, #tpu.memory_space<hbm>>) target(%arg18 : memref<128x128xf32, #tpu.memory_space<vmem>>) offsets(%arg12 : memref<128xi32, #tpu.memory_space<vmem>>) semaphore(%arg24 : memref<!tpu.dma_semaphore, #tpu.memory_space<semaphore_mem>>)
        %dma_start3A_101 = arith.constant 0 : i32
        %dma_start3A_102 = arith.constant 0 : i32
        %dma_start3A_103 = tpu.memref_slice %arg3[%dma_start3A_101, %dma_start3A_102] : memref<50000x128xf32, #tpu.memory_space<hbm>> -> memref<50000x128xf32, #tpu.memory_space<hbm>>
        tpu.enqueue_indirect_dma source(%dma_start3A_103 : memref<50000x128xf32, #tpu.memory_space<hbm>>) target(%arg19 : memref<128x128xf32, #tpu.memory_space<vmem>>) offsets(%arg13 : memref<128xi32, #tpu.memory_space<vmem>>) semaphore(%arg25 : memref<!tpu.dma_semaphore, #tpu.memory_space<semaphore_mem>>)
      } else {
      }
    }
    %scan3A_29 = arith.constant 66 : i32
    return
  }
}

#map = affine_map<(d0, d1) -> (0, 0)>
#map1 = affine_map<(d0, d1) -> (0)>
module attributes {stable_mosaic.version = 14 : i64} {
  func.func @gather_k(%arg0: i32, %arg1: i32, %arg2: memref<50000x128xf32, #tpu.memory_space<hbm>>, %arg3: memref<50000x128xf32, #tpu.memory_space<hbm>>, %arg4: memref<802816xi32, #tpu.memory_space<hbm>>, %arg5: memref<802816xi32, #tpu.memory_space<hbm>>, %arg6: memref<802816x128xf32, #tpu.memory_space<hbm>>, %arg7: memref<802816x128xf32, #tpu.memory_space<hbm>>, %arg8: memref<128xi32, #tpu.memory_space<vmem>>, %arg9: memref<128xi32, #tpu.memory_space<vmem>>, %arg10: memref<128xi32, #tpu.memory_space<vmem>>, %arg11: memref<128xi32, #tpu.memory_space<vmem>>, %arg12: memref<128xi32, #tpu.memory_space<vmem>>, %arg13: memref<128xi32, #tpu.memory_space<vmem>>, %arg14: memref<128x128xf32, #tpu.memory_space<vmem>>, %arg15: memref<128x128xf32, #tpu.memory_space<vmem>>, %arg16: memref<128x128xf32, #tpu.memory_space<vmem>>, %arg17: memref<128x128xf32, #tpu.memory_space<vmem>>, %arg18: memref<128x128xf32, #tpu.memory_space<vmem>>, %arg19: memref<128x128xf32, #tpu.memory_space<vmem>>, %arg20: memref<!tpu.dma_semaphore, #tpu.memory_space<semaphore_mem>>, %arg21: memref<!tpu.dma_semaphore, #tpu.memory_space<semaphore_mem>>, %arg22: memref<!tpu.dma_semaphore, #tpu.memory_space<semaphore_mem>>, %arg23: memref<!tpu.dma_semaphore, #tpu.memory_space<semaphore_mem>>, %arg24: memref<!tpu.dma_semaphore, #tpu.memory_space<semaphore_mem>>, %arg25: memref<!tpu.dma_semaphore, #tpu.memory_space<semaphore_mem>>) attributes {dimension_semantics = [#tpu.dimension_semantics<core_parallel>, #tpu.dimension_semantics<subcore_parallel>], iteration_bounds = array<i64: 2, 16>, scalar_prefetch = 0 : i64, scratch_operands = 18 : i64, tpu.core_type = #tpu.core_type<sc_vector_subcore>, window_params = [{transform_indices = #map}, {transform_indices = #map}, {transform_indices = #map1}, {transform_indices = #map1}, {transform_indices = #map}, {transform_indices = #map}]} {
    %mul3A = arith.constant 2 : i32
    %mul3A_0 = arith.muli %arg1, %mul3A : i32
    %add3A = arith.addi %mul3A_0, %arg0 : i32
    %mul3A_1 = arith.constant 0 : i32
    %mul3A_2 = arith.constant 32 : i32
    %mul3A_3 = arith.muli %mul3A_1, %mul3A_2 : i32
    %add3A_4 = arith.addi %add3A, %mul3A_3 : i32
    %lt3A = arith.constant 6272 : i32
    %lt3A_5 = arith.cmpi slt, %add3A_4, %lt3A : i32
    %convert_element_type3A = arith.extui %lt3A_5 : i1 to i32
    %cond3A = arith.constant 0 : i32
    %cond3A_6 = arith.cmpi ne, %convert_element_type3A, %cond3A : i32
    scf.if %cond3A_6 {
      %mul3A_30 = arith.constant 128 : i32
      %mul3A_31 = arith.muli %add3A_4, %mul3A_30 : i32
      "tpu.region"() ({
        %run_scoped3A = tpu.sem_alloc : memref<!tpu.dma_semaphore, #tpu.memory_space<semaphore_mem>>
        %dma_start3A_37 = tpu.memref_slice %arg4[%mul3A_31] : memref<802816xi32, #tpu.memory_space<hbm>> -> memref<128xi32, #tpu.memory_space<hbm>>
        %dma_start3A_38 = tpu.memref_slice %arg4[%mul3A_31] : memref<802816xi32, #tpu.memory_space<hbm>> -> memref<128xi32, #tpu.memory_space<hbm>>
        tpu.enqueue_dma source(%dma_start3A_38 : memref<128xi32, #tpu.memory_space<hbm>>) target(%arg8 : memref<128xi32, #tpu.memory_space<vmem>>) target_semaphore(%run_scoped3A : memref<!tpu.dma_semaphore, #tpu.memory_space<semaphore_mem>>)
        %dma_wait3A = tpu.memref_slice %arg4[%mul3A_31] : memref<802816xi32, #tpu.memory_space<hbm>> -> memref<128xi32, #tpu.memory_space<hbm>>
        %dma_wait3A_39 = tpu.memref_slice %arg4[%mul3A_31] : memref<802816xi32, #tpu.memory_space<hbm>> -> memref<128xi32, #tpu.memory_space<hbm>>
        tpu.wait_dma2 semaphore(%run_scoped3A : memref<!tpu.dma_semaphore, #tpu.memory_space<semaphore_mem>>) src(%dma_wait3A_39 : memref<128xi32, #tpu.memory_space<hbm>>) dst(%arg8 : memref<128xi32, #tpu.memory_space<vmem>>)
        tpu.yield
      }) : () -> ()
      "tpu.region"() ({
        %run_scoped3A = tpu.sem_alloc : memref<!tpu.dma_semaphore, #tpu.memory_space<semaphore_mem>>
        %dma_start3A_37 = tpu.memref_slice %arg5[%mul3A_31] : memref<802816xi32, #tpu.memory_space<hbm>> -> memref<128xi32, #tpu.memory_space<hbm>>
        %dma_start3A_38 = tpu.memref_slice %arg5[%mul3A_31] : memref<802816xi32, #tpu.memory_space<hbm>> -> memref<128xi32, #tpu.memory_space<hbm>>
        tpu.enqueue_dma source(%dma_start3A_38 : memref<128xi32, #tpu.memory_space<hbm>>) target(%arg9 : memref<128xi32, #tpu.memory_space<vmem>>) target_semaphore(%run_scoped3A : memref<!tpu.dma_semaphore, #tpu.memory_space<semaphore_mem>>)
        %dma_wait3A = tpu.memref_slice %arg5[%mul3A_31] : memref<802816xi32, #tpu.memory_space<hbm>> -> memref<128xi32, #tpu.memory_space<hbm>>
        %dma_wait3A_39 = tpu.memref_slice %arg5[%mul3A_31] : memref<802816xi32, #tpu.memory_space<hbm>> -> memref<128xi32, #tpu.memory_space<hbm>>
        tpu.wait_dma2 semaphore(%run_scoped3A : memref<!tpu.dma_semaphore, #tpu.memory_space<semaphore_mem>>) src(%dma_wait3A_39 : memref<128xi32, #tpu.memory_space<hbm>>) dst(%arg9 : memref<128xi32, #tpu.memory_space<vmem>>)
        tpu.yield
      }) : () -> ()
      %dma_start3A = arith.constant 0 : i32
      %dma_start3A_32 = arith.constant 0 : i32
      %dma_start3A_33 = tpu.memref_slice %arg2[%dma_start3A, %dma_start3A_32] : memref<50000x128xf32, #tpu.memory_space<hbm>> -> memref<50000x128xf32, #tpu.memory_space<hbm>>
      tpu.enqueue_indirect_dma source(%dma_start3A_33 : memref<50000x128xf32, #tpu.memory_space<hbm>>) target(%arg14 : memref<128x128xf32, #tpu.memory_space<vmem>>) offsets(%arg8 : memref<128xi32, #tpu.memory_space<vmem>>) semaphore(%arg20 : memref<!tpu.dma_semaphore, #tpu.memory_space<semaphore_mem>>)
      %dma_start3A_34 = arith.constant 0 : i32
      %dma_start3A_35 = arith.constant 0 : i32
      %dma_start3A_36 = tpu.memref_slice %arg3[%dma_start3A_34, %dma_start3A_35] : memref<50000x128xf32, #tpu.memory_space<hbm>> -> memref<50000x128xf32, #tpu.memory_space<hbm>>
      tpu.enqueue_indirect_dma source(%dma_start3A_36 : memref<50000x128xf32, #tpu.memory_space<hbm>>) target(%arg15 : memref<128x128xf32, #tpu.memory_space<vmem>>) offsets(%arg9 : memref<128xi32, #tpu.memory_space<vmem>>) semaphore(%arg21 : memref<!tpu.dma_semaphore, #tpu.memory_space<semaphore_mem>>)
    } else {
    }
    %mul3A_7 = arith.constant 1 : i32
    %mul3A_8 = arith.constant 32 : i32
    %mul3A_9 = arith.muli %mul3A_7, %mul3A_8 : i32
    %add3A_10 = arith.addi %add3A, %mul3A_9 : i32
    %lt3A_11 = arith.constant 6272 : i32
    %lt3A_12 = arith.cmpi slt, %add3A_10, %lt3A_11 : i32
    %convert_element_type3A_13 = arith.extui %lt3A_12 : i1 to i32
    %cond3A_14 = arith.constant 0 : i32
    %cond3A_15 = arith.cmpi ne, %convert_element_type3A_13, %cond3A_14 : i32
    scf.if %cond3A_15 {
      %mul3A_30 = arith.constant 128 : i32
      %mul3A_31 = arith.muli %add3A_10, %mul3A_30 : i32
      "tpu.region"() ({
        %run_scoped3A = tpu.sem_alloc : memref<!tpu.dma_semaphore, #tpu.memory_space<semaphore_mem>>
        %dma_start3A_37 = tpu.memref_slice %arg4[%mul3A_31] : memref<802816xi32, #tpu.memory_space<hbm>> -> memref<128xi32, #tpu.memory_space<hbm>>
        %dma_start3A_38 = tpu.memref_slice %arg4[%mul3A_31] : memref<802816xi32, #tpu.memory_space<hbm>> -> memref<128xi32, #tpu.memory_space<hbm>>
        tpu.enqueue_dma source(%dma_start3A_38 : memref<128xi32, #tpu.memory_space<hbm>>) target(%arg10 : memref<128xi32, #tpu.memory_space<vmem>>) target_semaphore(%run_scoped3A : memref<!tpu.dma_semaphore, #tpu.memory_space<semaphore_mem>>)
        %dma_wait3A = tpu.memref_slice %arg4[%mul3A_31] : memref<802816xi32, #tpu.memory_space<hbm>> -> memref<128xi32, #tpu.memory_space<hbm>>
        %dma_wait3A_39 = tpu.memref_slice %arg4[%mul3A_31] : memref<802816xi32, #tpu.memory_space<hbm>> -> memref<128xi32, #tpu.memory_space<hbm>>
        tpu.wait_dma2 semaphore(%run_scoped3A : memref<!tpu.dma_semaphore, #tpu.memory_space<semaphore_mem>>) src(%dma_wait3A_39 : memref<128xi32, #tpu.memory_space<hbm>>) dst(%arg10 : memref<128xi32, #tpu.memory_space<vmem>>)
        tpu.yield
      }) : () -> ()
      "tpu.region"() ({
        %run_scoped3A = tpu.sem_alloc : memref<!tpu.dma_semaphore, #tpu.memory_space<semaphore_mem>>
        %dma_start3A_37 = tpu.memref_slice %arg5[%mul3A_31] : memref<802816xi32, #tpu.memory_space<hbm>> -> memref<128xi32, #tpu.memory_space<hbm>>
        %dma_start3A_38 = tpu.memref_slice %arg5[%mul3A_31] : memref<802816xi32, #tpu.memory_space<hbm>> -> memref<128xi32, #tpu.memory_space<hbm>>
        tpu.enqueue_dma source(%dma_start3A_38 : memref<128xi32, #tpu.memory_space<hbm>>) target(%arg11 : memref<128xi32, #tpu.memory_space<vmem>>) target_semaphore(%run_scoped3A : memref<!tpu.dma_semaphore, #tpu.memory_space<semaphore_mem>>)
        %dma_wait3A = tpu.memref_slice %arg5[%mul3A_31] : memref<802816xi32, #tpu.memory_space<hbm>> -> memref<128xi32, #tpu.memory_space<hbm>>
        %dma_wait3A_39 = tpu.memref_slice %arg5[%mul3A_31] : memref<802816xi32, #tpu.memory_space<hbm>> -> memref<128xi32, #tpu.memory_space<hbm>>
        tpu.wait_dma2 semaphore(%run_scoped3A : memref<!tpu.dma_semaphore, #tpu.memory_space<semaphore_mem>>) src(%dma_wait3A_39 : memref<128xi32, #tpu.memory_space<hbm>>) dst(%arg11 : memref<128xi32, #tpu.memory_space<vmem>>)
        tpu.yield
      }) : () -> ()
      %dma_start3A = arith.constant 0 : i32
      %dma_start3A_32 = arith.constant 0 : i32
      %dma_start3A_33 = tpu.memref_slice %arg2[%dma_start3A, %dma_start3A_32] : memref<50000x128xf32, #tpu.memory_space<hbm>> -> memref<50000x128xf32, #tpu.memory_space<hbm>>
      tpu.enqueue_indirect_dma source(%dma_start3A_33 : memref<50000x128xf32, #tpu.memory_space<hbm>>) target(%arg16 : memref<128x128xf32, #tpu.memory_space<vmem>>) offsets(%arg10 : memref<128xi32, #tpu.memory_space<vmem>>) semaphore(%arg22 : memref<!tpu.dma_semaphore, #tpu.memory_space<semaphore_mem>>)
      %dma_start3A_34 = arith.constant 0 : i32
      %dma_start3A_35 = arith.constant 0 : i32
      %dma_start3A_36 = tpu.memref_slice %arg3[%dma_start3A_34, %dma_start3A_35] : memref<50000x128xf32, #tpu.memory_space<hbm>> -> memref<50000x128xf32, #tpu.memory_space<hbm>>
      tpu.enqueue_indirect_dma source(%dma_start3A_36 : memref<50000x128xf32, #tpu.memory_space<hbm>>) target(%arg17 : memref<128x128xf32, #tpu.memory_space<vmem>>) offsets(%arg11 : memref<128xi32, #tpu.memory_space<vmem>>) semaphore(%arg23 : memref<!tpu.dma_semaphore, #tpu.memory_space<semaphore_mem>>)
    } else {
    }
    %mul3A_16 = arith.constant 2 : i32
    %mul3A_17 = arith.constant 32 : i32
    %mul3A_18 = arith.muli %mul3A_16, %mul3A_17 : i32
    %add3A_19 = arith.addi %add3A, %mul3A_18 : i32
    %lt3A_20 = arith.constant 6272 : i32
    %lt3A_21 = arith.cmpi slt, %add3A_19, %lt3A_20 : i32
    %convert_element_type3A_22 = arith.extui %lt3A_21 : i1 to i32
    %cond3A_23 = arith.constant 0 : i32
    %cond3A_24 = arith.cmpi ne, %convert_element_type3A_22, %cond3A_23 : i32
    scf.if %cond3A_24 {
      %mul3A_30 = arith.constant 128 : i32
      %mul3A_31 = arith.muli %add3A_19, %mul3A_30 : i32
      "tpu.region"() ({
        %run_scoped3A = tpu.sem_alloc : memref<!tpu.dma_semaphore, #tpu.memory_space<semaphore_mem>>
        %dma_start3A_37 = tpu.memref_slice %arg4[%mul3A_31] : memref<802816xi32, #tpu.memory_space<hbm>> -> memref<128xi32, #tpu.memory_space<hbm>>
        %dma_start3A_38 = tpu.memref_slice %arg4[%mul3A_31] : memref<802816xi32, #tpu.memory_space<hbm>> -> memref<128xi32, #tpu.memory_space<hbm>>
        tpu.enqueue_dma source(%dma_start3A_38 : memref<128xi32, #tpu.memory_space<hbm>>) target(%arg12 : memref<128xi32, #tpu.memory_space<vmem>>) target_semaphore(%run_scoped3A : memref<!tpu.dma_semaphore, #tpu.memory_space<semaphore_mem>>)
        %dma_wait3A = tpu.memref_slice %arg4[%mul3A_31] : memref<802816xi32, #tpu.memory_space<hbm>> -> memref<128xi32, #tpu.memory_space<hbm>>
        %dma_wait3A_39 = tpu.memref_slice %arg4[%mul3A_31] : memref<802816xi32, #tpu.memory_space<hbm>> -> memref<128xi32, #tpu.memory_space<hbm>>
        tpu.wait_dma2 semaphore(%run_scoped3A : memref<!tpu.dma_semaphore, #tpu.memory_space<semaphore_mem>>) src(%dma_wait3A_39 : memref<128xi32, #tpu.memory_space<hbm>>) dst(%arg12 : memref<128xi32, #tpu.memory_space<vmem>>)
        tpu.yield
      }) : () -> ()
      "tpu.region"() ({
        %run_scoped3A = tpu.sem_alloc : memref<!tpu.dma_semaphore, #tpu.memory_space<semaphore_mem>>
        %dma_start3A_37 = tpu.memref_slice %arg5[%mul3A_31] : memref<802816xi32, #tpu.memory_space<hbm>> -> memref<128xi32, #tpu.memory_space<hbm>>
        %dma_start3A_38 = tpu.memref_slice %arg5[%mul3A_31] : memref<802816xi32, #tpu.memory_space<hbm>> -> memref<128xi32, #tpu.memory_space<hbm>>
        tpu.enqueue_dma source(%dma_start3A_38 : memref<128xi32, #tpu.memory_space<hbm>>) target(%arg13 : memref<128xi32, #tpu.memory_space<vmem>>) target_semaphore(%run_scoped3A : memref<!tpu.dma_semaphore, #tpu.memory_space<semaphore_mem>>)
        %dma_wait3A = tpu.memref_slice %arg5[%mul3A_31] : memref<802816xi32, #tpu.memory_space<hbm>> -> memref<128xi32, #tpu.memory_space<hbm>>
        %dma_wait3A_39 = tpu.memref_slice %arg5[%mul3A_31] : memref<802816xi32, #tpu.memory_space<hbm>> -> memref<128xi32, #tpu.memory_space<hbm>>
        tpu.wait_dma2 semaphore(%run_scoped3A : memref<!tpu.dma_semaphore, #tpu.memory_space<semaphore_mem>>) src(%dma_wait3A_39 : memref<128xi32, #tpu.memory_space<hbm>>) dst(%arg13 : memref<128xi32, #tpu.memory_space<vmem>>)
        tpu.yield
      }) : () -> ()
      %dma_start3A = arith.constant 0 : i32
      %dma_start3A_32 = arith.constant 0 : i32
      %dma_start3A_33 = tpu.memref_slice %arg2[%dma_start3A, %dma_start3A_32] : memref<50000x128xf32, #tpu.memory_space<hbm>> -> memref<50000x128xf32, #tpu.memory_space<hbm>>
      tpu.enqueue_indirect_dma source(%dma_start3A_33 : memref<50000x128xf32, #tpu.memory_space<hbm>>) target(%arg18 : memref<128x128xf32, #tpu.memory_space<vmem>>) offsets(%arg12 : memref<128xi32, #tpu.memory_space<vmem>>) semaphore(%arg24 : memref<!tpu.dma_semaphore, #tpu.memory_space<semaphore_mem>>)
      %dma_start3A_34 = arith.constant 0 : i32
      %dma_start3A_35 = arith.constant 0 : i32
      %dma_start3A_36 = tpu.memref_slice %arg3[%dma_start3A_34, %dma_start3A_35] : memref<50000x128xf32, #tpu.memory_space<hbm>> -> memref<50000x128xf32, #tpu.memory_space<hbm>>
      tpu.enqueue_indirect_dma source(%dma_start3A_36 : memref<50000x128xf32, #tpu.memory_space<hbm>>) target(%arg19 : memref<128x128xf32, #tpu.memory_space<vmem>>) offsets(%arg13 : memref<128xi32, #tpu.memory_space<vmem>>) semaphore(%arg25 : memref<!tpu.dma_semaphore, #tpu.memory_space<semaphore_mem>>)
    } else {
    }
    %scan3A = arith.constant 0 : i32
    %scan3A_25 = arith.constant 0 : i32
    %scan3A_26 = arith.constant 66 : i32
    %scan3A_27 = arith.addi %scan3A_25, %scan3A_26 : i32
    %scan3A_28 = arith.constant 1 : i32
    scf.for %scan3A_30 = %scan3A_25 to %scan3A_27 step %scan3A_28  : i32 {
      %mul3A_31 = arith.constant 3 : i32
      %mul3A_32 = arith.muli %scan3A_30, %mul3A_31 : i32
      %add3A_33 = arith.constant 0 : i32
      %add3A_34 = arith.addi %mul3A_32, %add3A_33 : i32
      %mul3A_35 = arith.constant 32 : i32
      %mul3A_36 = arith.muli %add3A_34, %mul3A_35 : i32
      %add3A_37 = arith.addi %add3A, %mul3A_36 : i32
      %lt3A_38 = arith.constant 6272 : i32
      %lt3A_39 = arith.cmpi slt, %add3A_37, %lt3A_38 : i32
      %convert_element_type3A_40 = arith.extui %lt3A_39 : i1 to i32
      %cond3A_41 = arith.constant 0 : i32
      %cond3A_42 = arith.cmpi ne, %convert_element_type3A_40, %cond3A_41 : i32
      scf.if %cond3A_42 {
        %mul3A_97 = arith.constant 128 : i32
        %mul3A_98 = arith.muli %add3A_37, %mul3A_97 : i32
        %dma_wait3A = arith.constant 0 : i32
        %dma_wait3A_99 = arith.constant 0 : i32
        %dma_wait3A_100 = tpu.memref_slice %arg2[%dma_wait3A, %dma_wait3A_99] : memref<50000x128xf32, #tpu.memory_space<hbm>> -> memref<50000x128xf32, #tpu.memory_space<hbm>>
        tpu.wait_indirect_dma semaphore(%arg20 : memref<!tpu.dma_semaphore, #tpu.memory_space<semaphore_mem>>) src(%dma_wait3A_100 : memref<50000x128xf32, #tpu.memory_space<hbm>>) dst(%arg14 : memref<128x128xf32, #tpu.memory_space<vmem>>)
        %dma_wait3A_101 = arith.constant 0 : i32
        %dma_wait3A_102 = arith.constant 0 : i32
        %dma_wait3A_103 = tpu.memref_slice %arg3[%dma_wait3A_101, %dma_wait3A_102] : memref<50000x128xf32, #tpu.memory_space<hbm>> -> memref<50000x128xf32, #tpu.memory_space<hbm>>
        tpu.wait_indirect_dma semaphore(%arg21 : memref<!tpu.dma_semaphore, #tpu.memory_space<semaphore_mem>>) src(%dma_wait3A_103 : memref<50000x128xf32, #tpu.memory_space<hbm>>) dst(%arg15 : memref<128x128xf32, #tpu.memory_space<vmem>>)
        "tpu.region"() ({
          %run_scoped3A = tpu.sem_alloc : memref<!tpu.dma_semaphore, #tpu.memory_space<semaphore_mem>>
          %dma_start3A = arith.constant 0 : i32
          %dma_start3A_104 = tpu.memref_slice %arg6[%mul3A_98, %dma_start3A] : memref<802816x128xf32, #tpu.memory_space<hbm>> -> memref<128x128xf32, #tpu.memory_space<hbm>>
          %dma_start3A_105 = arith.constant 0 : i32
          %dma_start3A_106 = tpu.memref_slice %arg6[%mul3A_98, %dma_start3A_105] : memref<802816x128xf32, #tpu.memory_space<hbm>> -> memref<128x128xf32, #tpu.memory_space<hbm>>
          tpu.enqueue_dma source(%arg14 : memref<128x128xf32, #tpu.memory_space<vmem>>) target(%dma_start3A_106 : memref<128x128xf32, #tpu.memory_space<hbm>>) target_semaphore(%run_scoped3A : memref<!tpu.dma_semaphore, #tpu.memory_space<semaphore_mem>>)
          %dma_wait3A_107 = arith.constant 0 : i32
          %dma_wait3A_108 = tpu.memref_slice %arg6[%mul3A_98, %dma_wait3A_107] : memref<802816x128xf32, #tpu.memory_space<hbm>> -> memref<128x128xf32, #tpu.memory_space<hbm>>
          %dma_wait3A_109 = arith.constant 0 : i32
          %dma_wait3A_110 = tpu.memref_slice %arg6[%mul3A_98, %dma_wait3A_109] : memref<802816x128xf32, #tpu.memory_space<hbm>> -> memref<128x128xf32, #tpu.memory_space<hbm>>
          tpu.wait_dma2 semaphore(%run_scoped3A : memref<!tpu.dma_semaphore, #tpu.memory_space<semaphore_mem>>) src(%arg14 : memref<128x128xf32, #tpu.memory_space<vmem>>) dst(%dma_wait3A_110 : memref<128x128xf32, #tpu.memory_space<hbm>>)
          tpu.yield
        }) : () -> ()
        "tpu.region"() ({
          %run_scoped3A = tpu.sem_alloc : memref<!tpu.dma_semaphore, #tpu.memory_space<semaphore_mem>>
          %dma_start3A = arith.constant 0 : i32
          %dma_start3A_104 = tpu.memref_slice %arg7[%mul3A_98, %dma_start3A] : memref<802816x128xf32, #tpu.memory_space<hbm>> -> memref<128x128xf32, #tpu.memory_space<hbm>>
          %dma_start3A_105 = arith.constant 0 : i32
          %dma_start3A_106 = tpu.memref_slice %arg7[%mul3A_98, %dma_start3A_105] : memref<802816x128xf32, #tpu.memory_space<hbm>> -> memref<128x128xf32, #tpu.memory_space<hbm>>
          tpu.enqueue_dma source(%arg15 : memref<128x128xf32, #tpu.memory_space<vmem>>) target(%dma_start3A_106 : memref<128x128xf32, #tpu.memory_space<hbm>>) target_semaphore(%run_scoped3A : memref<!tpu.dma_semaphore, #tpu.memory_space<semaphore_mem>>)
          %dma_wait3A_107 = arith.constant 0 : i32
          %dma_wait3A_108 = tpu.memref_slice %arg7[%mul3A_98, %dma_wait3A_107] : memref<802816x128xf32, #tpu.memory_space<hbm>> -> memref<128x128xf32, #tpu.memory_space<hbm>>
          %dma_wait3A_109 = arith.constant 0 : i32
          %dma_wait3A_110 = tpu.memref_slice %arg7[%mul3A_98, %dma_wait3A_109] : memref<802816x128xf32, #tpu.memory_space<hbm>> -> memref<128x128xf32, #tpu.memory_space<hbm>>
          tpu.wait_dma2 semaphore(%run_scoped3A : memref<!tpu.dma_semaphore, #tpu.memory_space<semaphore_mem>>) src(%arg15 : memref<128x128xf32, #tpu.memory_space<vmem>>) dst(%dma_wait3A_110 : memref<128x128xf32, #tpu.memory_space<hbm>>)
          tpu.yield
        }) : () -> ()
      } else {
      }
      %add3A_43 = arith.constant 3 : i32
      %add3A_44 = arith.addi %add3A_34, %add3A_43 : i32
      %mul3A_45 = arith.constant 32 : i32
      %mul3A_46 = arith.muli %add3A_44, %mul3A_45 : i32
      %add3A_47 = arith.addi %add3A, %mul3A_46 : i32
      %lt3A_48 = arith.constant 6272 : i32
      %lt3A_49 = arith.cmpi slt, %add3A_47, %lt3A_48 : i32
      %convert_element_type3A_50 = arith.extui %lt3A_49 : i1 to i32
      %cond3A_51 = arith.constant 0 : i32
      %cond3A_52 = arith.cmpi ne, %convert_element_type3A_50, %cond3A_51 : i32
      scf.if %cond3A_52 {
        %mul3A_97 = arith.constant 128 : i32
        %mul3A_98 = arith.muli %add3A_47, %mul3A_97 : i32
        "tpu.region"() ({
          %run_scoped3A = tpu.sem_alloc : memref<!tpu.dma_semaphore, #tpu.memory_space<semaphore_mem>>
          %dma_start3A_104 = tpu.memref_slice %arg4[%mul3A_98] : memref<802816xi32, #tpu.memory_space<hbm>> -> memref<128xi32, #tpu.memory_space<hbm>>
          %dma_start3A_105 = tpu.memref_slice %arg4[%mul3A_98] : memref<802816xi32, #tpu.memory_space<hbm>> -> memref<128xi32, #tpu.memory_space<hbm>>
          tpu.enqueue_dma source(%dma_start3A_105 : memref<128xi32, #tpu.memory_space<hbm>>) target(%arg8 : memref<128xi32, #tpu.memory_space<vmem>>) target_semaphore(%run_scoped3A : memref<!tpu.dma_semaphore, #tpu.memory_space<semaphore_mem>>)
          %dma_wait3A = tpu.memref_slice %arg4[%mul3A_98] : memref<802816xi32, #tpu.memory_space<hbm>> -> memref<128xi32, #tpu.memory_space<hbm>>
          %dma_wait3A_106 = tpu.memref_slice %arg4[%mul3A_98] : memref<802816xi32, #tpu.memory_space<hbm>> -> memref<128xi32, #tpu.memory_space<hbm>>
          tpu.wait_dma2 semaphore(%run_scoped3A : memref<!tpu.dma_semaphore, #tpu.memory_space<semaphore_mem>>) src(%dma_wait3A_106 : memref<128xi32, #tpu.memory_space<hbm>>) dst(%arg8 : memref<128xi32, #tpu.memory_space<vmem>>)
          tpu.yield
        }) : () -> ()
        "tpu.region"() ({
          %run_scoped3A = tpu.sem_alloc : memref<!tpu.dma_semaphore, #tpu.memory_space<semaphore_mem>>
          %dma_start3A_104 = tpu.memref_slice %arg5[%mul3A_98] : memref<802816xi32, #tpu.memory_space<hbm>> -> memref<128xi32, #tpu.memory_space<hbm>>
          %dma_start3A_105 = tpu.memref_slice %arg5[%mul3A_98] : memref<802816xi32, #tpu.memory_space<hbm>> -> memref<128xi32, #tpu.memory_space<hbm>>
          tpu.enqueue_dma source(%dma_start3A_105 : memref<128xi32, #tpu.memory_space<hbm>>) target(%arg9 : memref<128xi32, #tpu.memory_space<vmem>>) target_semaphore(%run_scoped3A : memref<!tpu.dma_semaphore, #tpu.memory_space<semaphore_mem>>)
          %dma_wait3A = tpu.memref_slice %arg5[%mul3A_98] : memref<802816xi32, #tpu.memory_space<hbm>> -> memref<128xi32, #tpu.memory_space<hbm>>
          %dma_wait3A_106 = tpu.memref_slice %arg5[%mul3A_98] : memref<802816xi32, #tpu.memory_space<hbm>> -> memref<128xi32, #tpu.memory_space<hbm>>
          tpu.wait_dma2 semaphore(%run_scoped3A : memref<!tpu.dma_semaphore, #tpu.memory_space<semaphore_mem>>) src(%dma_wait3A_106 : memref<128xi32, #tpu.memory_space<hbm>>) dst(%arg9 : memref<128xi32, #tpu.memory_space<vmem>>)
          tpu.yield
        }) : () -> ()
        %dma_start3A = arith.constant 0 : i32
        %dma_start3A_99 = arith.constant 0 : i32
        %dma_start3A_100 = tpu.memref_slice %arg2[%dma_start3A, %dma_start3A_99] : memref<50000x128xf32, #tpu.memory_space<hbm>> -> memref<50000x128xf32, #tpu.memory_space<hbm>>
        tpu.enqueue_indirect_dma source(%dma_start3A_100 : memref<50000x128xf32, #tpu.memory_space<hbm>>) target(%arg14 : memref<128x128xf32, #tpu.memory_space<vmem>>) offsets(%arg8 : memref<128xi32, #tpu.memory_space<vmem>>) semaphore(%arg20 : memref<!tpu.dma_semaphore, #tpu.memory_space<semaphore_mem>>)
        %dma_start3A_101 = arith.constant 0 : i32
        %dma_start3A_102 = arith.constant 0 : i32
        %dma_start3A_103 = tpu.memref_slice %arg3[%dma_start3A_101, %dma_start3A_102] : memref<50000x128xf32, #tpu.memory_space<hbm>> -> memref<50000x128xf32, #tpu.memory_space<hbm>>
        tpu.enqueue_indirect_dma source(%dma_start3A_103 : memref<50000x128xf32, #tpu.memory_space<hbm>>) target(%arg15 : memref<128x128xf32, #tpu.memory_space<vmem>>) offsets(%arg9 : memref<128xi32, #tpu.memory_space<vmem>>) semaphore(%arg21 : memref<!tpu.dma_semaphore, #tpu.memory_space<semaphore_mem>>)
      } else {
      }
      %mul3A_53 = arith.constant 3 : i32
      %mul3A_54 = arith.muli %scan3A_30, %mul3A_53 : i32
      %add3A_55 = arith.constant 1 : i32
      %add3A_56 = arith.addi %mul3A_54, %add3A_55 : i32
      %mul3A_57 = arith.constant 32 : i32
      %mul3A_58 = arith.muli %add3A_56, %mul3A_57 : i32
      %add3A_59 = arith.addi %add3A, %mul3A_58 : i32
      %lt3A_60 = arith.constant 6272 : i32
      %lt3A_61 = arith.cmpi slt, %add3A_59, %lt3A_60 : i32
      %convert_element_type3A_62 = arith.extui %lt3A_61 : i1 to i32
      %cond3A_63 = arith.constant 0 : i32
      %cond3A_64 = arith.cmpi ne, %convert_element_type3A_62, %cond3A_63 : i32
      scf.if %cond3A_64 {
        %mul3A_97 = arith.constant 128 : i32
        %mul3A_98 = arith.muli %add3A_59, %mul3A_97 : i32
        %dma_wait3A = arith.constant 0 : i32
        %dma_wait3A_99 = arith.constant 0 : i32
        %dma_wait3A_100 = tpu.memref_slice %arg2[%dma_wait3A, %dma_wait3A_99] : memref<50000x128xf32, #tpu.memory_space<hbm>> -> memref<50000x128xf32, #tpu.memory_space<hbm>>
        tpu.wait_indirect_dma semaphore(%arg22 : memref<!tpu.dma_semaphore, #tpu.memory_space<semaphore_mem>>) src(%dma_wait3A_100 : memref<50000x128xf32, #tpu.memory_space<hbm>>) dst(%arg16 : memref<128x128xf32, #tpu.memory_space<vmem>>)
        %dma_wait3A_101 = arith.constant 0 : i32
        %dma_wait3A_102 = arith.constant 0 : i32
        %dma_wait3A_103 = tpu.memref_slice %arg3[%dma_wait3A_101, %dma_wait3A_102] : memref<50000x128xf32, #tpu.memory_space<hbm>> -> memref<50000x128xf32, #tpu.memory_space<hbm>>
        tpu.wait_indirect_dma semaphore(%arg23 : memref<!tpu.dma_semaphore, #tpu.memory_space<semaphore_mem>>) src(%dma_wait3A_103 : memref<50000x128xf32, #tpu.memory_space<hbm>>) dst(%arg17 : memref<128x128xf32, #tpu.memory_space<vmem>>)
        "tpu.region"() ({
          %run_scoped3A = tpu.sem_alloc : memref<!tpu.dma_semaphore, #tpu.memory_space<semaphore_mem>>
          %dma_start3A = arith.constant 0 : i32
          %dma_start3A_104 = tpu.memref_slice %arg6[%mul3A_98, %dma_start3A] : memref<802816x128xf32, #tpu.memory_space<hbm>> -> memref<128x128xf32, #tpu.memory_space<hbm>>
          %dma_start3A_105 = arith.constant 0 : i32
          %dma_start3A_106 = tpu.memref_slice %arg6[%mul3A_98, %dma_start3A_105] : memref<802816x128xf32, #tpu.memory_space<hbm>> -> memref<128x128xf32, #tpu.memory_space<hbm>>
          tpu.enqueue_dma source(%arg16 : memref<128x128xf32, #tpu.memory_space<vmem>>) target(%dma_start3A_106 : memref<128x128xf32, #tpu.memory_space<hbm>>) target_semaphore(%run_scoped3A : memref<!tpu.dma_semaphore, #tpu.memory_space<semaphore_mem>>)
          %dma_wait3A_107 = arith.constant 0 : i32
          %dma_wait3A_108 = tpu.memref_slice %arg6[%mul3A_98, %dma_wait3A_107] : memref<802816x128xf32, #tpu.memory_space<hbm>> -> memref<128x128xf32, #tpu.memory_space<hbm>>
          %dma_wait3A_109 = arith.constant 0 : i32
          %dma_wait3A_110 = tpu.memref_slice %arg6[%mul3A_98, %dma_wait3A_109] : memref<802816x128xf32, #tpu.memory_space<hbm>> -> memref<128x128xf32, #tpu.memory_space<hbm>>
          tpu.wait_dma2 semaphore(%run_scoped3A : memref<!tpu.dma_semaphore, #tpu.memory_space<semaphore_mem>>) src(%arg16 : memref<128x128xf32, #tpu.memory_space<vmem>>) dst(%dma_wait3A_110 : memref<128x128xf32, #tpu.memory_space<hbm>>)
          tpu.yield
        }) : () -> ()
        "tpu.region"() ({
          %run_scoped3A = tpu.sem_alloc : memref<!tpu.dma_semaphore, #tpu.memory_space<semaphore_mem>>
          %dma_start3A = arith.constant 0 : i32
          %dma_start3A_104 = tpu.memref_slice %arg7[%mul3A_98, %dma_start3A] : memref<802816x128xf32, #tpu.memory_space<hbm>> -> memref<128x128xf32, #tpu.memory_space<hbm>>
          %dma_start3A_105 = arith.constant 0 : i32
          %dma_start3A_106 = tpu.memref_slice %arg7[%mul3A_98, %dma_start3A_105] : memref<802816x128xf32, #tpu.memory_space<hbm>> -> memref<128x128xf32, #tpu.memory_space<hbm>>
          tpu.enqueue_dma source(%arg17 : memref<128x128xf32, #tpu.memory_space<vmem>>) target(%dma_start3A_106 : memref<128x128xf32, #tpu.memory_space<hbm>>) target_semaphore(%run_scoped3A : memref<!tpu.dma_semaphore, #tpu.memory_space<semaphore_mem>>)
          %dma_wait3A_107 = arith.constant 0 : i32
          %dma_wait3A_108 = tpu.memref_slice %arg7[%mul3A_98, %dma_wait3A_107] : memref<802816x128xf32, #tpu.memory_space<hbm>> -> memref<128x128xf32, #tpu.memory_space<hbm>>
          %dma_wait3A_109 = arith.constant 0 : i32
          %dma_wait3A_110 = tpu.memref_slice %arg7[%mul3A_98, %dma_wait3A_109] : memref<802816x128xf32, #tpu.memory_space<hbm>> -> memref<128x128xf32, #tpu.memory_space<hbm>>
          tpu.wait_dma2 semaphore(%run_scoped3A : memref<!tpu.dma_semaphore, #tpu.memory_space<semaphore_mem>>) src(%arg17 : memref<128x128xf32, #tpu.memory_space<vmem>>) dst(%dma_wait3A_110 : memref<128x128xf32, #tpu.memory_space<hbm>>)
          tpu.yield
        }) : () -> ()
      } else {
      }
      %add3A_65 = arith.constant 3 : i32
      %add3A_66 = arith.addi %add3A_56, %add3A_65 : i32
      %mul3A_67 = arith.constant 32 : i32
      %mul3A_68 = arith.muli %add3A_66, %mul3A_67 : i32
      %add3A_69 = arith.addi %add3A, %mul3A_68 : i32
      %lt3A_70 = arith.constant 6272 : i32
      %lt3A_71 = arith.cmpi slt, %add3A_69, %lt3A_70 : i32
      %convert_element_type3A_72 = arith.extui %lt3A_71 : i1 to i32
      %cond3A_73 = arith.constant 0 : i32
      %cond3A_74 = arith.cmpi ne, %convert_element_type3A_72, %cond3A_73 : i32
      scf.if %cond3A_74 {
        %mul3A_97 = arith.constant 128 : i32
        %mul3A_98 = arith.muli %add3A_69, %mul3A_97 : i32
        "tpu.region"() ({
          %run_scoped3A = tpu.sem_alloc : memref<!tpu.dma_semaphore, #tpu.memory_space<semaphore_mem>>
          %dma_start3A_104 = tpu.memref_slice %arg4[%mul3A_98] : memref<802816xi32, #tpu.memory_space<hbm>> -> memref<128xi32, #tpu.memory_space<hbm>>
          %dma_start3A_105 = tpu.memref_slice %arg4[%mul3A_98] : memref<802816xi32, #tpu.memory_space<hbm>> -> memref<128xi32, #tpu.memory_space<hbm>>
          tpu.enqueue_dma source(%dma_start3A_105 : memref<128xi32, #tpu.memory_space<hbm>>) target(%arg10 : memref<128xi32, #tpu.memory_space<vmem>>) target_semaphore(%run_scoped3A : memref<!tpu.dma_semaphore, #tpu.memory_space<semaphore_mem>>)
          %dma_wait3A = tpu.memref_slice %arg4[%mul3A_98] : memref<802816xi32, #tpu.memory_space<hbm>> -> memref<128xi32, #tpu.memory_space<hbm>>
          %dma_wait3A_106 = tpu.memref_slice %arg4[%mul3A_98] : memref<802816xi32, #tpu.memory_space<hbm>> -> memref<128xi32, #tpu.memory_space<hbm>>
          tpu.wait_dma2 semaphore(%run_scoped3A : memref<!tpu.dma_semaphore, #tpu.memory_space<semaphore_mem>>) src(%dma_wait3A_106 : memref<128xi32, #tpu.memory_space<hbm>>) dst(%arg10 : memref<128xi32, #tpu.memory_space<vmem>>)
          tpu.yield
        }) : () -> ()
        "tpu.region"() ({
          %run_scoped3A = tpu.sem_alloc : memref<!tpu.dma_semaphore, #tpu.memory_space<semaphore_mem>>
          %dma_start3A_104 = tpu.memref_slice %arg5[%mul3A_98] : memref<802816xi32, #tpu.memory_space<hbm>> -> memref<128xi32, #tpu.memory_space<hbm>>
          %dma_start3A_105 = tpu.memref_slice %arg5[%mul3A_98] : memref<802816xi32, #tpu.memory_space<hbm>> -> memref<128xi32, #tpu.memory_space<hbm>>
          tpu.enqueue_dma source(%dma_start3A_105 : memref<128xi32, #tpu.memory_space<hbm>>) target(%arg11 : memref<128xi32, #tpu.memory_space<vmem>>) target_semaphore(%run_scoped3A : memref<!tpu.dma_semaphore, #tpu.memory_space<semaphore_mem>>)
          %dma_wait3A = tpu.memref_slice %arg5[%mul3A_98] : memref<802816xi32, #tpu.memory_space<hbm>> -> memref<128xi32, #tpu.memory_space<hbm>>
          %dma_wait3A_106 = tpu.memref_slice %arg5[%mul3A_98] : memref<802816xi32, #tpu.memory_space<hbm>> -> memref<128xi32, #tpu.memory_space<hbm>>
          tpu.wait_dma2 semaphore(%run_scoped3A : memref<!tpu.dma_semaphore, #tpu.memory_space<semaphore_mem>>) src(%dma_wait3A_106 : memref<128xi32, #tpu.memory_space<hbm>>) dst(%arg11 : memref<128xi32, #tpu.memory_space<vmem>>)
          tpu.yield
        }) : () -> ()
        %dma_start3A = arith.constant 0 : i32
        %dma_start3A_99 = arith.constant 0 : i32
        %dma_start3A_100 = tpu.memref_slice %arg2[%dma_start3A, %dma_start3A_99] : memref<50000x128xf32, #tpu.memory_space<hbm>> -> memref<50000x128xf32, #tpu.memory_space<hbm>>
        tpu.enqueue_indirect_dma source(%dma_start3A_100 : memref<50000x128xf32, #tpu.memory_space<hbm>>) target(%arg16 : memref<128x128xf32, #tpu.memory_space<vmem>>) offsets(%arg10 : memref<128xi32, #tpu.memory_space<vmem>>) semaphore(%arg22 : memref<!tpu.dma_semaphore, #tpu.memory_space<semaphore_mem>>)
        %dma_start3A_101 = arith.constant 0 : i32
        %dma_start3A_102 = arith.constant 0 : i32
        %dma_start3A_103 = tpu.memref_slice %arg3[%dma_start3A_101, %dma_start3A_102] : memref<50000x128xf32, #tpu.memory_space<hbm>> -> memref<50000x128xf32, #tpu.memory_space<hbm>>
        tpu.enqueue_indirect_dma source(%dma_start3A_103 : memref<50000x128xf32, #tpu.memory_space<hbm>>) target(%arg17 : memref<128x128xf32, #tpu.memory_space<vmem>>) offsets(%arg11 : memref<128xi32, #tpu.memory_space<vmem>>) semaphore(%arg23 : memref<!tpu.dma_semaphore, #tpu.memory_space<semaphore_mem>>)
      } else {
      }
      %mul3A_75 = arith.constant 3 : i32
      %mul3A_76 = arith.muli %scan3A_30, %mul3A_75 : i32
      %add3A_77 = arith.constant 2 : i32
      %add3A_78 = arith.addi %mul3A_76, %add3A_77 : i32
      %mul3A_79 = arith.constant 32 : i32
      %mul3A_80 = arith.muli %add3A_78, %mul3A_79 : i32
      %add3A_81 = arith.addi %add3A, %mul3A_80 : i32
      %lt3A_82 = arith.constant 6272 : i32
      %lt3A_83 = arith.cmpi slt, %add3A_81, %lt3A_82 : i32
      %convert_element_type3A_84 = arith.extui %lt3A_83 : i1 to i32
      %cond3A_85 = arith.constant 0 : i32
      %cond3A_86 = arith.cmpi ne, %convert_element_type3A_84, %cond3A_85 : i32
      scf.if %cond3A_86 {
        %mul3A_97 = arith.constant 128 : i32
        %mul3A_98 = arith.muli %add3A_81, %mul3A_97 : i32
        %dma_wait3A = arith.constant 0 : i32
        %dma_wait3A_99 = arith.constant 0 : i32
        %dma_wait3A_100 = tpu.memref_slice %arg2[%dma_wait3A, %dma_wait3A_99] : memref<50000x128xf32, #tpu.memory_space<hbm>> -> memref<50000x128xf32, #tpu.memory_space<hbm>>
        tpu.wait_indirect_dma semaphore(%arg24 : memref<!tpu.dma_semaphore, #tpu.memory_space<semaphore_mem>>) src(%dma_wait3A_100 : memref<50000x128xf32, #tpu.memory_space<hbm>>) dst(%arg18 : memref<128x128xf32, #tpu.memory_space<vmem>>)
        %dma_wait3A_101 = arith.constant 0 : i32
        %dma_wait3A_102 = arith.constant 0 : i32
        %dma_wait3A_103 = tpu.memref_slice %arg3[%dma_wait3A_101, %dma_wait3A_102] : memref<50000x128xf32, #tpu.memory_space<hbm>> -> memref<50000x128xf32, #tpu.memory_space<hbm>>
        tpu.wait_indirect_dma semaphore(%arg25 : memref<!tpu.dma_semaphore, #tpu.memory_space<semaphore_mem>>) src(%dma_wait3A_103 : memref<50000x128xf32, #tpu.memory_space<hbm>>) dst(%arg19 : memref<128x128xf32, #tpu.memory_space<vmem>>)
        "tpu.region"() ({
          %run_scoped3A = tpu.sem_alloc : memref<!tpu.dma_semaphore, #tpu.memory_space<semaphore_mem>>
          %dma_start3A = arith.constant 0 : i32
          %dma_start3A_104 = tpu.memref_slice %arg6[%mul3A_98, %dma_start3A] : memref<802816x128xf32, #tpu.memory_space<hbm>> -> memref<128x128xf32, #tpu.memory_space<hbm>>
          %dma_start3A_105 = arith.constant 0 : i32
          %dma_start3A_106 = tpu.memref_slice %arg6[%mul3A_98, %dma_start3A_105] : memref<802816x128xf32, #tpu.memory_space<hbm>> -> memref<128x128xf32, #tpu.memory_space<hbm>>
          tpu.enqueue_dma source(%arg18 : memref<128x128xf32, #tpu.memory_space<vmem>>) target(%dma_start3A_106 : memref<128x128xf32, #tpu.memory_space<hbm>>) target_semaphore(%run_scoped3A : memref<!tpu.dma_semaphore, #tpu.memory_space<semaphore_mem>>)
          %dma_wait3A_107 = arith.constant 0 : i32
          %dma_wait3A_108 = tpu.memref_slice %arg6[%mul3A_98, %dma_wait3A_107] : memref<802816x128xf32, #tpu.memory_space<hbm>> -> memref<128x128xf32, #tpu.memory_space<hbm>>
          %dma_wait3A_109 = arith.constant 0 : i32
          %dma_wait3A_110 = tpu.memref_slice %arg6[%mul3A_98, %dma_wait3A_109] : memref<802816x128xf32, #tpu.memory_space<hbm>> -> memref<128x128xf32, #tpu.memory_space<hbm>>
          tpu.wait_dma2 semaphore(%run_scoped3A : memref<!tpu.dma_semaphore, #tpu.memory_space<semaphore_mem>>) src(%arg18 : memref<128x128xf32, #tpu.memory_space<vmem>>) dst(%dma_wait3A_110 : memref<128x128xf32, #tpu.memory_space<hbm>>)
          tpu.yield
        }) : () -> ()
        "tpu.region"() ({
          %run_scoped3A = tpu.sem_alloc : memref<!tpu.dma_semaphore, #tpu.memory_space<semaphore_mem>>
          %dma_start3A = arith.constant 0 : i32
          %dma_start3A_104 = tpu.memref_slice %arg7[%mul3A_98, %dma_start3A] : memref<802816x128xf32, #tpu.memory_space<hbm>> -> memref<128x128xf32, #tpu.memory_space<hbm>>
          %dma_start3A_105 = arith.constant 0 : i32
          %dma_start3A_106 = tpu.memref_slice %arg7[%mul3A_98, %dma_start3A_105] : memref<802816x128xf32, #tpu.memory_space<hbm>> -> memref<128x128xf32, #tpu.memory_space<hbm>>
          tpu.enqueue_dma source(%arg19 : memref<128x128xf32, #tpu.memory_space<vmem>>) target(%dma_start3A_106 : memref<128x128xf32, #tpu.memory_space<hbm>>) target_semaphore(%run_scoped3A : memref<!tpu.dma_semaphore, #tpu.memory_space<semaphore_mem>>)
          %dma_wait3A_107 = arith.constant 0 : i32
          %dma_wait3A_108 = tpu.memref_slice %arg7[%mul3A_98, %dma_wait3A_107] : memref<802816x128xf32, #tpu.memory_space<hbm>> -> memref<128x128xf32, #tpu.memory_space<hbm>>
          %dma_wait3A_109 = arith.constant 0 : i32
          %dma_wait3A_110 = tpu.memref_slice %arg7[%mul3A_98, %dma_wait3A_109] : memref<802816x128xf32, #tpu.memory_space<hbm>> -> memref<128x128xf32, #tpu.memory_space<hbm>>
          tpu.wait_dma2 semaphore(%run_scoped3A : memref<!tpu.dma_semaphore, #tpu.memory_space<semaphore_mem>>) src(%arg19 : memref<128x128xf32, #tpu.memory_space<vmem>>) dst(%dma_wait3A_110 : memref<128x128xf32, #tpu.memory_space<hbm>>)
          tpu.yield
        }) : () -> ()
      } else {
      }
      %add3A_87 = arith.constant 3 : i32
      %add3A_88 = arith.addi %add3A_78, %add3A_87 : i32
      %mul3A_89 = arith.constant 32 : i32
      %mul3A_90 = arith.muli %add3A_88, %mul3A_89 : i32
      %add3A_91 = arith.addi %add3A, %mul3A_90 : i32
      %lt3A_92 = arith.constant 6272 : i32
      %lt3A_93 = arith.cmpi slt, %add3A_91, %lt3A_92 : i32
      %convert_element_type3A_94 = arith.extui %lt3A_93 : i1 to i32
      %cond3A_95 = arith.constant 0 : i32
      %cond3A_96 = arith.cmpi ne, %convert_element_type3A_94, %cond3A_95 : i32
      scf.if %cond3A_96 {
        %mul3A_97 = arith.constant 128 : i32
        %mul3A_98 = arith.muli %add3A_91, %mul3A_97 : i32
        "tpu.region"() ({
          %run_scoped3A = tpu.sem_alloc : memref<!tpu.dma_semaphore, #tpu.memory_space<semaphore_mem>>
          %dma_start3A_104 = tpu.memref_slice %arg4[%mul3A_98] : memref<802816xi32, #tpu.memory_space<hbm>> -> memref<128xi32, #tpu.memory_space<hbm>>
          %dma_start3A_105 = tpu.memref_slice %arg4[%mul3A_98] : memref<802816xi32, #tpu.memory_space<hbm>> -> memref<128xi32, #tpu.memory_space<hbm>>
          tpu.enqueue_dma source(%dma_start3A_105 : memref<128xi32, #tpu.memory_space<hbm>>) target(%arg12 : memref<128xi32, #tpu.memory_space<vmem>>) target_semaphore(%run_scoped3A : memref<!tpu.dma_semaphore, #tpu.memory_space<semaphore_mem>>)
          %dma_wait3A = tpu.memref_slice %arg4[%mul3A_98] : memref<802816xi32, #tpu.memory_space<hbm>> -> memref<128xi32, #tpu.memory_space<hbm>>
          %dma_wait3A_106 = tpu.memref_slice %arg4[%mul3A_98] : memref<802816xi32, #tpu.memory_space<hbm>> -> memref<128xi32, #tpu.memory_space<hbm>>
          tpu.wait_dma2 semaphore(%run_scoped3A : memref<!tpu.dma_semaphore, #tpu.memory_space<semaphore_mem>>) src(%dma_wait3A_106 : memref<128xi32, #tpu.memory_space<hbm>>) dst(%arg12 : memref<128xi32, #tpu.memory_space<vmem>>)
          tpu.yield
        }) : () -> ()
        "tpu.region"() ({
          %run_scoped3A = tpu.sem_alloc : memref<!tpu.dma_semaphore, #tpu.memory_space<semaphore_mem>>
          %dma_start3A_104 = tpu.memref_slice %arg5[%mul3A_98] : memref<802816xi32, #tpu.memory_space<hbm>> -> memref<128xi32, #tpu.memory_space<hbm>>
          %dma_start3A_105 = tpu.memref_slice %arg5[%mul3A_98] : memref<802816xi32, #tpu.memory_space<hbm>> -> memref<128xi32, #tpu.memory_space<hbm>>
          tpu.enqueue_dma source(%dma_start3A_105 : memref<128xi32, #tpu.memory_space<hbm>>) target(%arg13 : memref<128xi32, #tpu.memory_space<vmem>>) target_semaphore(%run_scoped3A : memref<!tpu.dma_semaphore, #tpu.memory_space<semaphore_mem>>)
          %dma_wait3A = tpu.memref_slice %arg5[%mul3A_98] : memref<802816xi32, #tpu.memory_space<hbm>> -> memref<128xi32, #tpu.memory_space<hbm>>
          %dma_wait3A_106 = tpu.memref_slice %arg5[%mul3A_98] : memref<802816xi32, #tpu.memory_space<hbm>> -> memref<128xi32, #tpu.memory_space<hbm>>
          tpu.wait_dma2 semaphore(%run_scoped3A : memref<!tpu.dma_semaphore, #tpu.memory_space<semaphore_mem>>) src(%dma_wait3A_106 : memref<128xi32, #tpu.memory_space<hbm>>) dst(%arg13 : memref<128xi32, #tpu.memory_space<vmem>>)
          tpu.yield
        }) : () -> ()
        %dma_start3A = arith.constant 0 : i32
        %dma_start3A_99 = arith.constant 0 : i32
        %dma_start3A_100 = tpu.memref_slice %arg2[%dma_start3A, %dma_start3A_99] : memref<50000x128xf32, #tpu.memory_space<hbm>> -> memref<50000x128xf32, #tpu.memory_space<hbm>>
        tpu.enqueue_indirect_dma source(%dma_start3A_100 : memref<50000x128xf32, #tpu.memory_space<hbm>>) target(%arg18 : memref<128x128xf32, #tpu.memory_space<vmem>>) offsets(%arg12 : memref<128xi32, #tpu.memory_space<vmem>>) semaphore(%arg24 : memref<!tpu.dma_semaphore, #tpu.memory_space<semaphore_mem>>)
        %dma_start3A_101 = arith.constant 0 : i32
        %dma_start3A_102 = arith.constant 0 : i32
        %dma_start3A_103 = tpu.memref_slice %arg3[%dma_start3A_101, %dma_start3A_102] : memref<50000x128xf32, #tpu.memory_space<hbm>> -> memref<50000x128xf32, #tpu.memory_space<hbm>>
        tpu.enqueue_indirect_dma source(%dma_start3A_103 : memref<50000x128xf32, #tpu.memory_space<hbm>>) target(%arg19 : memref<128x128xf32, #tpu.memory_space<vmem>>) offsets(%arg13 : memref<128xi32, #tpu.memory_space<vmem>>) semaphore(%arg25 : memref<!tpu.dma_semaphore, #tpu.memory_space<semaphore_mem>>)
      } else {
      }
    }
    %scan3A_29 = arith.constant 66 : i32
    return
  }
}

module attributes {stable_mosaic.version = 14 : i64} {
  func.func @_edge_body(%arg0: i32, %arg1: memref<8x256xf32, #tpu.memory_space<vmem>>, %arg2: memref<8x64xf32, #tpu.memory_space<vmem>>, %arg3: memref<128x256xf32, #tpu.memory_space<vmem>>, %arg4: memref<256x256xf32, #tpu.memory_space<vmem>>, %arg5: memref<256x256xf32, #tpu.memory_space<vmem>>, %arg6: memref<256x256xf32, #tpu.memory_space<vmem>>, %arg7: memref<256x256xf32, #tpu.memory_space<vmem>>, %arg8: memref<256x256xf32, #tpu.memory_space<vmem>>, %arg9: memref<256x4xf32, #tpu.memory_space<vmem>>, %arg10: memref<4x128xf32, #tpu.memory_space<vmem>>, %arg11: memref<128x128xf32, #tpu.memory_space<vmem>>, %arg12: memref<64x4xf32, #tpu.memory_space<vmem>>, %arg13: memref<4x64xf32, #tpu.memory_space<vmem>>, %arg14: memref<1x256xf32, #tpu.memory_space<vmem>>, %arg15: memref<1x256xf32, #tpu.memory_space<vmem>>, %arg16: memref<1x256xf32, #tpu.memory_space<vmem>>, %arg17: memref<1x256xf32, #tpu.memory_space<vmem>>, %arg18: memref<1x256xf32, #tpu.memory_space<vmem>>, %arg19: memref<1x256xf32, #tpu.memory_space<vmem>>, %arg20: memref<1x128xf32, #tpu.memory_space<vmem>>, %arg21: memref<1x128xf32, #tpu.memory_space<vmem>>, %arg22: memref<8x256xf32, #tpu.memory_space<vmem>>, %arg23: memref<8x64xf32, #tpu.memory_space<vmem>>) attributes {dimension_semantics = [#tpu.dimension_semantics<arbitrary>], iteration_bounds = array<i64: 25088>, scalar_prefetch = 0 : i64, scratch_operands = 0 : i64, tpu.core_type = #tpu.core_type<tc>, window_params = [{transform_indices = @transform_0, window_bounds = array<i64: 8, 256>}, {transform_indices = @transform_1, window_bounds = array<i64: 8, 64>}, {pipeline_mode = #tpu.pipeline_mode<synchronous>, transform_indices = @transform_2, window_bounds = array<i64: 128, 256>}, {pipeline_mode = #tpu.pipeline_mode<synchronous>, transform_indices = @transform_3, window_bounds = array<i64: 256, 256>}, {pipeline_mode = #tpu.pipeline_mode<synchronous>, transform_indices = @transform_4, window_bounds = array<i64: 256, 256>}, {pipeline_mode = #tpu.pipeline_mode<synchronous>, transform_indices = @transform_5, window_bounds = array<i64: 256, 256>}, {pipeline_mode = #tpu.pipeline_mode<synchronous>, transform_indices = @transform_6, window_bounds = array<i64: 256, 256>}, {pipeline_mode = #tpu.pipeline_mode<synchronous>, transform_indices = @transform_7, window_bounds = array<i64: 256, 256>}, {pipeline_mode = #tpu.pipeline_mode<synchronous>, transform_indices = @transform_8, window_bounds = array<i64: 256, 4>}, {pipeline_mode = #tpu.pipeline_mode<synchronous>, transform_indices = @transform_9, window_bounds = array<i64: 4, 128>}, {pipeline_mode = #tpu.pipeline_mode<synchronous>, transform_indices = @transform_10, window_bounds = array<i64: 128, 128>}, {pipeline_mode = #tpu.pipeline_mode<synchronous>, transform_indices = @transform_11, window_bounds = array<i64: 64, 4>}, {pipeline_mode = #tpu.pipeline_mode<synchronous>, transform_indices = @transform_12, window_bounds = array<i64: 4, 64>}, {pipeline_mode = #tpu.pipeline_mode<synchronous>, transform_indices = @transform_13, window_bounds = array<i64: 1, 256>}, {pipeline_mode = #tpu.pipeline_mode<synchronous>, transform_indices = @transform_14, window_bounds = array<i64: 1, 256>}, {pipeline_mode = #tpu.pipeline_mode<synchronous>, transform_indices = @transform_15, window_bounds = array<i64: 1, 256>}, {pipeline_mode = #tpu.pipeline_mode<synchronous>, transform_indices = @transform_16, window_bounds = array<i64: 1, 256>}, {pipeline_mode = #tpu.pipeline_mode<synchronous>, transform_indices = @transform_17, window_bounds = array<i64: 1, 256>}, {pipeline_mode = #tpu.pipeline_mode<synchronous>, transform_indices = @transform_18, window_bounds = array<i64: 1, 256>}, {pipeline_mode = #tpu.pipeline_mode<synchronous>, transform_indices = @transform_19, window_bounds = array<i64: 1, 128>}, {pipeline_mode = #tpu.pipeline_mode<synchronous>, transform_indices = @transform_20, window_bounds = array<i64: 1, 128>}, {transform_indices = @transform_21, window_bounds = array<i64: 8, 256>}, {transform_indices = @transform_22, window_bounds = array<i64: 8, 64>}]} {
    %get3A = arith.constant 0 : index
    %get3A_0 = arith.constant 0 : index
    %get3A_1 = vector.load %arg2[%get3A, %get3A_0] : memref<8x64xf32, #tpu.memory_space<vmem>>, vector<8x64xf32>
    %mul3A = arith.mulf %get3A_1, %get3A_1 : vector<8x64xf32>
    %get3A_2 = arith.constant 0 : index
    %get3A_3 = arith.constant 0 : index
    %get3A_4 = vector.load %arg12[%get3A_2, %get3A_3] : memref<64x4xf32, #tpu.memory_space<vmem>>, vector<64x4xf32>
    %dot_general3A = arith.constant dense<0.000000e+00> : vector<8x4xf32>
    %dot_general3A_5 = tpu.matmul %mul3A, %get3A_4, %dot_general3A {dimension_numbers = #tpu.dot_dimension_numbers<[1], [0], [0], [1], [0, 0, 1, 1], [], []>, transpose_lhs_hint = false} : vector<8x64xf32>, vector<64x4xf32>, vector<8x4xf32> -> vector<8x4xf32>
    %add3A = arith.constant 1.000000e-10 : f32
    %add3A_6 = vector.broadcast %add3A : f32 to vector<8x4xf32>
    %add3A_7 = arith.addf %dot_general3A_5, %add3A_6 : vector<8x4xf32>
    %sqrt3A = math.sqrt %add3A_7 : vector<8x4xf32>
    %get3A_8 = arith.constant 0 : index
    %get3A_9 = arith.constant 0 : index
    %get3A_10 = vector.load %arg10[%get3A_8, %get3A_9] : memref<4x128xf32, #tpu.memory_space<vmem>>, vector<4x128xf32>
    %dot_general3A_11 = arith.constant dense<0.000000e+00> : vector<8x128xf32>
    %dot_general3A_12 = tpu.matmul %sqrt3A, %get3A_10, %dot_general3A_11 {dimension_numbers = #tpu.dot_dimension_numbers<[1], [0], [0], [1], [0, 0, 1, 1], [], []>, transpose_lhs_hint = false} : vector<8x4xf32>, vector<4x128xf32>, vector<8x128xf32> -> vector<8x128xf32>
    %get3A_13 = arith.constant 0 : index
    %get3A_14 = arith.constant 0 : index
    %get3A_15 = vector.load %arg20[%get3A_13, %get3A_14] : memref<1x128xf32, #tpu.memory_space<vmem>>, vector<1x128xf32>
    %add3A_16 = vector.broadcast %get3A_15 : vector<1x128xf32> to vector<8x128xf32>
    %add3A_17 = arith.addf %dot_general3A_12, %add3A_16 : vector<8x128xf32>
    %logistic3A = arith.negf %add3A_17 : vector<8x128xf32>
    %logistic3A_18 = math.exp %logistic3A : vector<8x128xf32>
    %logistic3A_19 = arith.constant 1.000000e+00 : f32
    %logistic3A_20 = vector.broadcast %logistic3A_19 : f32 to vector<8x128xf32>
    %logistic3A_21 = arith.addf %logistic3A_20, %logistic3A_18 : vector<8x128xf32>
    %logistic3A_22 = arith.divf %logistic3A_20, %logistic3A_21 : vector<8x128xf32>
    %mul3A_23 = arith.mulf %add3A_17, %logistic3A_22 : vector<8x128xf32>
    %get3A_24 = arith.constant 0 : index
    %get3A_25 = arith.constant 0 : index
    %get3A_26 = vector.load %arg11[%get3A_24, %get3A_25] : memref<128x128xf32, #tpu.memory_space<vmem>>, vector<128x128xf32>
    %dot_general3A_27 = arith.constant dense<0.000000e+00> : vector<8x128xf32>
    %dot_general3A_28 = tpu.matmul %mul3A_23, %get3A_26, %dot_general3A_27 {dimension_numbers = #tpu.dot_dimension_numbers<[1], [0], [0], [1], [0, 0, 1, 1], [], []>, transpose_lhs_hint = false} : vector<8x128xf32>, vector<128x128xf32>, vector<8x128xf32> -> vector<8x128xf32>
    %get3A_29 = arith.constant 0 : index
    %get3A_30 = arith.constant 0 : index
    %get3A_31 = vector.load %arg21[%get3A_29, %get3A_30] : memref<1x128xf32, #tpu.memory_space<vmem>>, vector<1x128xf32>
    %add3A_32 = vector.broadcast %get3A_31 : vector<1x128xf32> to vector<8x128xf32>
    %add3A_33 = arith.addf %dot_general3A_28, %add3A_32 : vector<8x128xf32>
    %get3A_34 = arith.constant 0 : index
    %get3A_35 = arith.constant 0 : index
    %get3A_36 = vector.load %arg1[%get3A_34, %get3A_35] : memref<8x256xf32, #tpu.memory_space<vmem>>, vector<8x256xf32>
    %get3A_37 = arith.constant 0 : index
    %get3A_38 = arith.constant 0 : index
    %get3A_39 = vector.load %arg3[%get3A_37, %get3A_38] : memref<128x256xf32, #tpu.memory_space<vmem>>, vector<128x256xf32>
    %dot_general3A_40 = arith.constant dense<0.000000e+00> : vector<8x256xf32>
    %dot_general3A_41 = tpu.matmul %add3A_33, %get3A_39, %dot_general3A_40 {dimension_numbers = #tpu.dot_dimension_numbers<[1], [0], [0], [1], [0, 0, 1, 1], [], []>, transpose_lhs_hint = false} : vector<8x128xf32>, vector<128x256xf32>, vector<8x256xf32> -> vector<8x256xf32>
    %add3A_42 = arith.addf %get3A_36, %dot_general3A_41 : vector<8x256xf32>
    %get3A_43 = arith.constant 0 : index
    %get3A_44 = arith.constant 0 : index
    %get3A_45 = vector.load %arg14[%get3A_43, %get3A_44] : memref<1x256xf32, #tpu.memory_space<vmem>>, vector<1x256xf32>
    %add3A_46 = vector.broadcast %get3A_45 : vector<1x256xf32> to vector<8x256xf32>
    %add3A_47 = arith.addf %add3A_42, %add3A_46 : vector<8x256xf32>
    %logistic3A_48 = arith.negf %add3A_47 : vector<8x256xf32>
    %logistic3A_49 = math.exp %logistic3A_48 : vector<8x256xf32>
    %logistic3A_50 = arith.constant 1.000000e+00 : f32
    %logistic3A_51 = vector.broadcast %logistic3A_50 : f32 to vector<8x256xf32>
    %logistic3A_52 = arith.addf %logistic3A_51, %logistic3A_49 : vector<8x256xf32>
    %logistic3A_53 = arith.divf %logistic3A_51, %logistic3A_52 : vector<8x256xf32>
    %mul3A_54 = arith.mulf %add3A_47, %logistic3A_53 : vector<8x256xf32>
    %get3A_55 = arith.constant 0 : index
    %get3A_56 = arith.constant 0 : index
    %get3A_57 = vector.load %arg4[%get3A_55, %get3A_56] : memref<256x256xf32, #tpu.memory_space<vmem>>, vector<256x256xf32>
    %dot_general3A_58 = arith.constant dense<0.000000e+00> : vector<8x256xf32>
    %dot_general3A_59 = tpu.matmul %mul3A_54, %get3A_57, %dot_general3A_58 {dimension_numbers = #tpu.dot_dimension_numbers<[1], [0], [0], [1], [0, 0, 1, 1], [], []>, transpose_lhs_hint = false} : vector<8x256xf32>, vector<256x256xf32>, vector<8x256xf32> -> vector<8x256xf32>
    %get3A_60 = arith.constant 0 : index
    %get3A_61 = arith.constant 0 : index
    %get3A_62 = vector.load %arg15[%get3A_60, %get3A_61] : memref<1x256xf32, #tpu.memory_space<vmem>>, vector<1x256xf32>
    %add3A_63 = vector.broadcast %get3A_62 : vector<1x256xf32> to vector<8x256xf32>
    %add3A_64 = arith.addf %dot_general3A_59, %add3A_63 : vector<8x256xf32>
    %logistic3A_65 = arith.negf %add3A_64 : vector<8x256xf32>
    %logistic3A_66 = math.exp %logistic3A_65 : vector<8x256xf32>
    %logistic3A_67 = arith.constant 1.000000e+00 : f32
    %logistic3A_68 = vector.broadcast %logistic3A_67 : f32 to vector<8x256xf32>
    %logistic3A_69 = arith.addf %logistic3A_68, %logistic3A_66 : vector<8x256xf32>
    %logistic3A_70 = arith.divf %logistic3A_68, %logistic3A_69 : vector<8x256xf32>
    %mul3A_71 = arith.mulf %add3A_64, %logistic3A_70 : vector<8x256xf32>
    %get3A_72 = arith.constant 0 : index
    %get3A_73 = arith.constant 0 : index
    %get3A_74 = vector.load %arg5[%get3A_72, %get3A_73] : memref<256x256xf32, #tpu.memory_space<vmem>>, vector<256x256xf32>
    %dot_general3A_75 = arith.constant dense<0.000000e+00> : vector<8x256xf32>
    %dot_general3A_76 = tpu.matmul %mul3A_71, %get3A_74, %dot_general3A_75 {dimension_numbers = #tpu.dot_dimension_numbers<[1], [0], [0], [1], [0, 0, 1, 1], [], []>, transpose_lhs_hint = false} : vector<8x256xf32>, vector<256x256xf32>, vector<8x256xf32> -> vector<8x256xf32>
    %get3A_77 = arith.constant 0 : index
    %get3A_78 = arith.constant 0 : index
    %get3A_79 = vector.load %arg16[%get3A_77, %get3A_78] : memref<1x256xf32, #tpu.memory_space<vmem>>, vector<1x256xf32>
    %add3A_80 = vector.broadcast %get3A_79 : vector<1x256xf32> to vector<8x256xf32>
    %add3A_81 = arith.addf %dot_general3A_76, %add3A_80 : vector<8x256xf32>
    %logistic3A_82 = arith.negf %add3A_81 : vector<8x256xf32>
    %logistic3A_83 = math.exp %logistic3A_82 : vector<8x256xf32>
    %logistic3A_84 = arith.constant 1.000000e+00 : f32
    %logistic3A_85 = vector.broadcast %logistic3A_84 : f32 to vector<8x256xf32>
    %logistic3A_86 = arith.addf %logistic3A_85, %logistic3A_83 : vector<8x256xf32>
    %logistic3A_87 = arith.divf %logistic3A_85, %logistic3A_86 : vector<8x256xf32>
    %mul3A_88 = arith.mulf %add3A_81, %logistic3A_87 : vector<8x256xf32>
    %get3A_89 = arith.constant 0 : index
    %get3A_90 = arith.constant 0 : index
    %get3A_91 = vector.load %arg6[%get3A_89, %get3A_90] : memref<256x256xf32, #tpu.memory_space<vmem>>, vector<256x256xf32>
    %dot_general3A_92 = arith.constant dense<0.000000e+00> : vector<8x256xf32>
    %dot_general3A_93 = tpu.matmul %mul3A_88, %get3A_91, %dot_general3A_92 {dimension_numbers = #tpu.dot_dimension_numbers<[1], [0], [0], [1], [0, 0, 1, 1], [], []>, transpose_lhs_hint = false} : vector<8x256xf32>, vector<256x256xf32>, vector<8x256xf32> -> vector<8x256xf32>
    %get3A_94 = arith.constant 0 : index
    %get3A_95 = arith.constant 0 : index
    %get3A_96 = vector.load %arg17[%get3A_94, %get3A_95] : memref<1x256xf32, #tpu.memory_space<vmem>>, vector<1x256xf32>
    %add3A_97 = vector.broadcast %get3A_96 : vector<1x256xf32> to vector<8x256xf32>
    %add3A_98 = arith.addf %dot_general3A_93, %add3A_97 : vector<8x256xf32>
    %swap3A = arith.constant 0 : index
    %swap3A_99 = arith.constant 0 : index
    %swap3A_100 = vector.load %arg22[%swap3A, %swap3A_99] : memref<8x256xf32, #tpu.memory_space<vmem>>, vector<8x256xf32>
    tpu.vector_store %arg22[%swap3A, %swap3A_99], %add3A_98 {strides = array<i32>} : memref<8x256xf32, #tpu.memory_space<vmem>>, vector<8x256xf32>,
    %get3A_101 = arith.constant 0 : index
    %get3A_102 = arith.constant 0 : index
    %get3A_103 = vector.load %arg7[%get3A_101, %get3A_102] : memref<256x256xf32, #tpu.memory_space<vmem>>, vector<256x256xf32>
    %dot_general3A_104 = arith.constant dense<0.000000e+00> : vector<8x256xf32>
    %dot_general3A_105 = tpu.matmul %add3A_98, %get3A_103, %dot_general3A_104 {dimension_numbers = #tpu.dot_dimension_numbers<[1], [0], [0], [1], [0, 0, 1, 1], [], []>, transpose_lhs_hint = false} : vector<8x256xf32>, vector<256x256xf32>, vector<8x256xf32> -> vector<8x256xf32>
    %get3A_106 = arith.constant 0 : index
    %get3A_107 = arith.constant 0 : index
    %get3A_108 = vector.load %arg18[%get3A_106, %get3A_107] : memref<1x256xf32, #tpu.memory_space<vmem>>, vector<1x256xf32>
    %add3A_109 = vector.broadcast %get3A_108 : vector<1x256xf32> to vector<8x256xf32>
    %add3A_110 = arith.addf %dot_general3A_105, %add3A_109 : vector<8x256xf32>
    %logistic3A_111 = arith.negf %add3A_110 : vector<8x256xf32>
    %logistic3A_112 = math.exp %logistic3A_111 : vector<8x256xf32>
    %logistic3A_113 = arith.constant 1.000000e+00 : f32
    %logistic3A_114 = vector.broadcast %logistic3A_113 : f32 to vector<8x256xf32>
    %logistic3A_115 = arith.addf %logistic3A_114, %logistic3A_112 : vector<8x256xf32>
    %logistic3A_116 = arith.divf %logistic3A_114, %logistic3A_115 : vector<8x256xf32>
    %mul3A_117 = arith.mulf %add3A_110, %logistic3A_116 : vector<8x256xf32>
    %get3A_118 = arith.constant 0 : index
    %get3A_119 = arith.constant 0 : index
    %get3A_120 = vector.load %arg8[%get3A_118, %get3A_119] : memref<256x256xf32, #tpu.memory_space<vmem>>, vector<256x256xf32>
    %dot_general3A_121 = arith.constant dense<0.000000e+00> : vector<8x256xf32>
    %dot_general3A_122 = tpu.matmul %mul3A_117, %get3A_120, %dot_general3A_121 {dimension_numbers = #tpu.dot_dimension_numbers<[1], [0], [0], [1], [0, 0, 1, 1], [], []>, transpose_lhs_hint = false} : vector<8x256xf32>, vector<256x256xf32>, vector<8x256xf32> -> vector<8x256xf32>
    %get3A_123 = arith.constant 0 : index
    %get3A_124 = arith.constant 0 : index
    %get3A_125 = vector.load %arg19[%get3A_123, %get3A_124] : memref<1x256xf32, #tpu.memory_space<vmem>>, vector<1x256xf32>
    %add3A_126 = vector.broadcast %get3A_125 : vector<1x256xf32> to vector<8x256xf32>
    %add3A_127 = arith.addf %dot_general3A_122, %add3A_126 : vector<8x256xf32>
    %logistic3A_128 = arith.negf %add3A_127 : vector<8x256xf32>
    %logistic3A_129 = math.exp %logistic3A_128 : vector<8x256xf32>
    %logistic3A_130 = arith.constant 1.000000e+00 : f32
    %logistic3A_131 = vector.broadcast %logistic3A_130 : f32 to vector<8x256xf32>
    %logistic3A_132 = arith.addf %logistic3A_131, %logistic3A_129 : vector<8x256xf32>
    %logistic3A_133 = arith.divf %logistic3A_131, %logistic3A_132 : vector<8x256xf32>
    %mul3A_134 = arith.mulf %add3A_127, %logistic3A_133 : vector<8x256xf32>
    %get3A_135 = arith.constant 0 : index
    %get3A_136 = arith.constant 0 : index
    %get3A_137 = vector.load %arg9[%get3A_135, %get3A_136] : memref<256x4xf32, #tpu.memory_space<vmem>>, vector<256x4xf32>
    %dot_general3A_138 = arith.constant dense<0.000000e+00> : vector<8x4xf32>
    %dot_general3A_139 = tpu.matmul %mul3A_134, %get3A_137, %dot_general3A_138 {dimension_numbers = #tpu.dot_dimension_numbers<[1], [0], [0], [1], [0, 0, 1, 1], [], []>, transpose_lhs_hint = false} : vector<8x256xf32>, vector<256x4xf32>, vector<8x4xf32> -> vector<8x4xf32>
    %tanh3A = math.tanh %dot_general3A_139 : vector<8x4xf32>
    %get3A_140 = arith.constant 0 : index
    %get3A_141 = arith.constant 0 : index
    %get3A_142 = vector.load %arg13[%get3A_140, %get3A_141] : memref<4x64xf32, #tpu.memory_space<vmem>>, vector<4x64xf32>
    %dot_general3A_143 = arith.constant dense<0.000000e+00> : vector<8x64xf32>
    %dot_general3A_144 = tpu.matmul %tanh3A, %get3A_142, %dot_general3A_143 {dimension_numbers = #tpu.dot_dimension_numbers<[1], [0], [0], [1], [0, 0, 1, 1], [], []>, transpose_lhs_hint = false} : vector<8x4xf32>, vector<4x64xf32>, vector<8x64xf32> -> vector<8x64xf32>
    %mul3A_145 = arith.mulf %get3A_1, %dot_general3A_144 : vector<8x64xf32>
    %swap3A_146 = arith.constant 0 : index
    %swap3A_147 = arith.constant 0 : index
    %swap3A_148 = vector.load %arg23[%swap3A_146, %swap3A_147] : memref<8x64xf32, #tpu.memory_space<vmem>>, vector<8x64xf32>
    tpu.vector_store %arg23[%swap3A_146, %swap3A_147], %mul3A_145 {strides = array<i32>} : memref<8x64xf32, #tpu.memory_space<vmem>>, vector<8x64xf32>,
    return
  }
  func.func @transform_0(%arg0: i32) -> (i32, i32) {
    %c0_i32 = arith.constant 0 : i32
    %c0_i32_0 = arith.constant 0 : i32
    return %arg0, %c0_i32 : i32, i32
  }
  func.func @transform_1(%arg0: i32) -> (i32, i32) {
    %c0_i32 = arith.constant 0 : i32
    %c0_i32_0 = arith.constant 0 : i32
    return %arg0, %c0_i32 : i32, i32
  }
  func.func @transform_2(%arg0: i32) -> (i32, i32) {
    %c0_i32 = arith.constant 0 : i32
    %c0_i32_0 = arith.constant 0 : i32
    %c0_i32_1 = arith.constant 0 : i32
    return %c0_i32, %c0_i32_0 : i32, i32
  }
  func.func @transform_3(%arg0: i32) -> (i32, i32) {
    %c0_i32 = arith.constant 0 : i32
    %c0_i32_0 = arith.constant 0 : i32
    %c0_i32_1 = arith.constant 0 : i32
    return %c0_i32, %c0_i32_0 : i32, i32
  }
  func.func @transform_4(%arg0: i32) -> (i32, i32) {
    %c0_i32 = arith.constant 0 : i32
    %c0_i32_0 = arith.constant 0 : i32
    %c0_i32_1 = arith.constant 0 : i32
    return %c0_i32, %c0_i32_0 : i32, i32
  }
  func.func @transform_5(%arg0: i32) -> (i32, i32) {
    %c0_i32 = arith.constant 0 : i32
    %c0_i32_0 = arith.constant 0 : i32
    %c0_i32_1 = arith.constant 0 : i32
    return %c0_i32, %c0_i32_0 : i32, i32
  }
  func.func @transform_6(%arg0: i32) -> (i32, i32) {
    %c0_i32 = arith.constant 0 : i32
    %c0_i32_0 = arith.constant 0 : i32
    %c0_i32_1 = arith.constant 0 : i32
    return %c0_i32, %c0_i32_0 : i32, i32
  }
  func.func @transform_7(%arg0: i32) -> (i32, i32) {
    %c0_i32 = arith.constant 0 : i32
    %c0_i32_0 = arith.constant 0 : i32
    %c0_i32_1 = arith.constant 0 : i32
    return %c0_i32, %c0_i32_0 : i32, i32
  }
  func.func @transform_8(%arg0: i32) -> (i32, i32) {
    %c0_i32 = arith.constant 0 : i32
    %c0_i32_0 = arith.constant 0 : i32
    %c0_i32_1 = arith.constant 0 : i32
    return %c0_i32, %c0_i32_0 : i32, i32
  }
  func.func @transform_9(%arg0: i32) -> (i32, i32) {
    %c0_i32 = arith.constant 0 : i32
    %c0_i32_0 = arith.constant 0 : i32
    %c0_i32_1 = arith.constant 0 : i32
    return %c0_i32, %c0_i32_0 : i32, i32
  }
  func.func @transform_10(%arg0: i32) -> (i32, i32) {
    %c0_i32 = arith.constant 0 : i32
    %c0_i32_0 = arith.constant 0 : i32
    %c0_i32_1 = arith.constant 0 : i32
    return %c0_i32, %c0_i32_0 : i32, i32
  }
  func.func @transform_11(%arg0: i32) -> (i32, i32) {
    %c0_i32 = arith.constant 0 : i32
    %c0_i32_0 = arith.constant 0 : i32
    %c0_i32_1 = arith.constant 0 : i32
    return %c0_i32, %c0_i32_0 : i32, i32
  }
  func.func @transform_12(%arg0: i32) -> (i32, i32) {
    %c0_i32 = arith.constant 0 : i32
    %c0_i32_0 = arith.constant 0 : i32
    %c0_i32_1 = arith.constant 0 : i32
    return %c0_i32, %c0_i32_0 : i32, i32
  }
  func.func @transform_13(%arg0: i32) -> (i32, i32) {
    %c0_i32 = arith.constant 0 : i32
    %c0_i32_0 = arith.constant 0 : i32
    %c0_i32_1 = arith.constant 0 : i32
    return %c0_i32, %c0_i32_0 : i32, i32
  }
  func.func @transform_14(%arg0: i32) -> (i32, i32) {
    %c0_i32 = arith.constant 0 : i32
    %c0_i32_0 = arith.constant 0 : i32
    %c0_i32_1 = arith.constant 0 : i32
    return %c0_i32, %c0_i32_0 : i32, i32
  }
  func.func @transform_15(%arg0: i32) -> (i32, i32) {
    %c0_i32 = arith.constant 0 : i32
    %c0_i32_0 = arith.constant 0 : i32
    %c0_i32_1 = arith.constant 0 : i32
    return %c0_i32, %c0_i32_0 : i32, i32
  }
  func.func @transform_16(%arg0: i32) -> (i32, i32) {
    %c0_i32 = arith.constant 0 : i32
    %c0_i32_0 = arith.constant 0 : i32
    %c0_i32_1 = arith.constant 0 : i32
    return %c0_i32, %c0_i32_0 : i32, i32
  }
  func.func @transform_17(%arg0: i32) -> (i32, i32) {
    %c0_i32 = arith.constant 0 : i32
    %c0_i32_0 = arith.constant 0 : i32
    %c0_i32_1 = arith.constant 0 : i32
    return %c0_i32, %c0_i32_0 : i32, i32
  }
  func.func @transform_18(%arg0: i32) -> (i32, i32) {
    %c0_i32 = arith.constant 0 : i32
    %c0_i32_0 = arith.constant 0 : i32
    %c0_i32_1 = arith.constant 0 : i32
    return %c0_i32, %c0_i32_0 : i32, i32
  }
  func.func @transform_19(%arg0: i32) -> (i32, i32) {
    %c0_i32 = arith.constant 0 : i32
    %c0_i32_0 = arith.constant 0 : i32
    %c0_i32_1 = arith.constant 0 : i32
    return %c0_i32, %c0_i32_0 : i32, i32
  }
  func.func @transform_20(%arg0: i32) -> (i32, i32) {
    %c0_i32 = arith.constant 0 : i32
    %c0_i32_0 = arith.constant 0 : i32
    %c0_i32_1 = arith.constant 0 : i32
    return %c0_i32, %c0_i32_0 : i32, i32
  }
  func.func @transform_21(%arg0: i32) -> (i32, i32) {
    %c0_i32 = arith.constant 0 : i32
    %c0_i32_0 = arith.constant 0 : i32
    return %arg0, %c0_i32 : i32, i32
  }
  func.func @transform_22(%arg0: i32) -> (i32, i32) {
    %c0_i32 = arith.constant 0 : i32
    %c0_i32_0 = arith.constant 0 : i32
    return %arg0, %c0_i32 : i32, i32
  }
}

</mosaic_0001>

<sc_bundles>
// kernel: kernel.6.cloned.1.call-start
scs
__scs_entry_jumppad:
0x0: {  	(pc) =	sbr.rel $0x88, $3  }
0x1: {  	(tag) =	ssettag $0x0;
	lr =	simm.s32 $0x1  }
0x2: {  	[smem:$0x3F7A] =	sst lr;
	_ =	strace $0xD0000000  }
0x3: {  	_ = 	snop  }
0x4: {  	_ = 	snop  }
0x5: {  	_ = 	snop  }
0x6: {  	_ = 	snop  }
0x7: {  	_ = 	snop  }
__scs_overlays_trampoline_lowered:
0x8: {  	[smem:$0x3F89] =	sst s0  }
0x9: {  	[smem:$0x3F8A] =	sst s1  }
0xa: {  	[smem:$0x3F8B] =	sst s2  }
0xb: {  	[smem:$0x3F8C] =	sst s3  }
0xc: {  	[smem:$0x3F8D] =	sst s4  }
0xd: {  	[smem:$0x3F8E] =	sst s5  }
0xe: {  	[smem:$0x3F8F] =	sst s6  }
0xf: {  	[smem:$0x3F90] =	sst s7  }
0x10: {  	[smem:$0x3F91] =	sst s8  }
0x11: {  	[smem:$0x3F92] =	sst s9;
	s0 =	simm.s32 @!p0 $0x0  }
0x12: {  	s1 =	sld [smem:$0x3F78];
	s0 =	simm.s32 @p0 $0x1  }
0x13: {  	[smem:$0x3F93] =	sst s0;
	s0 =	simm.s32 @!p1 $0x0  }
0x14: {  	s2 =	sld [smem:$0x3F77];
	s0 =	simm.s32 @p1 $0x1  }
0x15: {  	[smem:$0x3F94] =	sst s0;
	s0 =	simm.s32 @!p2 $0x0  }
0x16: {  	s3 =	sld [smem:$0x3FDB];
	s0 =	simm.s32 @p2 $0x1  }
0x17: {  	s4 =	simm.s32 $0x1BF5;
	[smem:$0x3F96] =	sst s0  }
0x18: {  	s0 =	sld [smem:$0x3F79];
	_ =	swait.ge [sflag:s4], $0x0  }
0x19: {  	s7 =	sld [smem:$0x3F7A]  }
0x1a: {  	s8 =	sadd.s32 $0xFFFFE003, lr  }
0x1b: {  	s9 =	sadd.s32 $0xFFFFFEF7, lr;
	s5 =	simm.s32 $0xFFFFFFFF;
	p2 =	slt.u32 s8, $0xFFFFF086  }
0x1c: {  	p1 =	slt.u32 s9, $0xF7A;
	s5 =	simm.s32 @!p2 $0x0  }
0x1d: {  	s5 =	simm.s32 @p1 $0x1;
	p0 =	seq.s32 s7, s2  }
0x1e: {  	s7 =	smul.u32 @!p0 $0xF7A, s2;
	p2 =	seq.s32 @!p0 s5, $0x0  }
0x1f: {  	s9 =	smul.u32 $0xF7A, s1;
	s8 =	simm.s32 @!p0 $0x1BF5;
	p2 =	por !p2, p0  }
0x20: {  	[sflag:s8] =	ssyncset.s32 @!p0 $0xFFFFF086;
	s6 =	sadd.s32 @!p0 s3, s7;
	s7 =	simm.s32 @!p0 $0x108  }
0x21: {  	s3 =	sadd.s32 s3, s9;
	s6 =	sadd.s32 @!p0 $0x88, s6;
	s7 =	simm.s32 @p2 $0x1082  }
0x22: {  	[simem:s7], [sflag:s8] =	dma.local @!p0 [hbm:s6], $0xF7A  }
0x23: {  	s9 =	sor.u32 $0xD0000000, s2;
	s6 =	simm.s32 $0x108;
	_ =	swait.ge @!p0 [sflag:s8], $0x0  }
0x24: {  	s3 =	sadd.s32 $0x88, s3;
	s6 =	simm.s32 @!p1 $0x1082;
	[sflag:s4] =	ssyncset.s32 $0xFFFFF086  }
0x25: {  	[simem:s6], [sflag:s4] =	dma.local [hbm:s3], $0xF7A  }
0x26: {  	[smem:$0x3F7A] =	sst s1;
	(tag) =	ssettag s2;
	_ =	strace s9  }
0x27: {  	s1 =	sld [smem:$0x3F8A]  }
0x28: {  	s2 =	sld [smem:$0x3F8B]  }
0x29: {  	s4 =	sld [smem:$0x3F8D]  }
0x2a: {  	p0 =	seq.s32 s5, $0x0;
	s5 =	sld [smem:$0x3F8E]  }
0x2b: {  	s6 =	sld [smem:$0x3F8F]  }
0x2c: {  	s7 =	sld [smem:$0x3F90]  }
0x2d: {  	s3 =	simm.s32 $0x108;
	s8 =	sld [smem:$0x3F91]  }
0x2e: {  	s3 =	simm.s32 @!p0 $0x1082;
	s9 =	sld [smem:$0x3F92]  }
0x2f: {  	lr =	sadd.s32 s0, s3;
	s0 =	sld [smem:$0x3F89]  }
0x30: {  	s3 =	sld [smem:$0x3F8C]  }
0x31: {  	[smem:$0x3F95] =	sst s10  }
0x32: {  	s10 =	sld [smem:$0x3F93];
	_ =	sdelay $0x3  }
0x33: {  	p0 =	seq.s32 s10, $0x1;
	s10 =	sld [smem:$0x3F95];
	_ =	sdelay $0x3  }
0x34: {  	[smem:$0x3F95] =	sst s10  }
0x35: {  	s10 =	sld [smem:$0x3F94];
	_ =	sdelay $0x3  }
0x36: {  	p1 =	seq.s32 s10, $0x1;
	s10 =	sld [smem:$0x3F95];
	_ =	sdelay $0x3  }
0x37: {  	[smem:$0x3F95] =	sst s10  }
0x38: {  	s10 =	sld [smem:$0x3F96]  }
0x39: {  	_ = 	snop;
	(pc) =	sbr.ind lr, $3  }
0x3a: {  	_ = 	snop  }
0x3b: {  	_ = 	snop  }
0x3c: {  	p2 =	seq.s32 s10, $0x1;
	s10 =	sld [smem:$0x3F95]  }
0x3d: {  	_ =	shalt  }
0x3e: {  	_ =	shalt  }
0x3f: {  	_ =	shalt  }
0x40: {  	_ =	shalt  }
0x41: {  	_ =	shalt  }
0x42: {  	_ =	shalt  }
0x43: {  	_ =	shalt  }
0x44: {  	_ =	shalt  }
0x45: {  	_ =	shalt  }
0x46: {  	_ =	shalt  }
0x47: {  	_ =	shalt  }
0x48: {  	_ =	shalt  }
0x49: {  	_ =	shalt  }
0x4a: {  	_ =	shalt  }
0x4b: {  	_ =	shalt  }
0x4c: {  	_ =	shalt  }
0x4d: {  	_ =	shalt  }
0x4e: {  	_ =	shalt  }
0x4f: {  	_ =	shalt  }
0x50: {  	_ =	shalt  }
0x51: {  	_ =	shalt  }
0x52: {  	_ =	shalt  }
0x53: {  	_ =	shalt  }
0x54: {  	_ =	shalt  }
0x55: {  	_ =	shalt  }
0x56: {  	_ =	shalt  }
0x57: {  	_ =	shalt  }
0x58: {  	_ =	shalt  }
0x59: {  	_ =	shalt  }
0x5a: {  	_ =	shalt  }
0x5b: {  	_ =	shalt  }
0x5c: {  	_ =	shalt  }
0x5d: {  	_ =	shalt  }
0x5e: {  	_ =	shalt  }
0x5f: {  	_ =	shalt  }
0x60: {  	_ =	shalt  }
0x61: {  	_ =	shalt  }
0x62: {  	_ =	shalt  }
0x63: {  	_ =	shalt  }
0x64: {  	_ =	shalt  }
0x65: {  	_ =	shalt  }
0x66: {  	_ =	shalt  }
0x67: {  	_ =	shalt  }
0x68: {  	_ =	shalt  }
0x69: {  	_ =	shalt  }
0x6a: {  	_ =	shalt  }
0x6b: {  	_ =	shalt  }
0x6c: {  	_ =	shalt  }
0x6d: {  	_ =	shalt  }
0x6e: {  	_ =	shalt  }
0x6f: {  	_ =	shalt  }
0x70: {  	_ =	shalt  }
0x71: {  	_ =	shalt  }
0x72: {  	_ =	shalt  }
0x73: {  	_ =	shalt  }
0x74: {  	_ =	shalt  }
0x75: {  	_ =	shalt  }
0x76: {  	_ =	shalt  }
0x77: {  	_ =	shalt  }
0x78: {  	_ =	shalt  }
0x79: {  	_ =	shalt  }
0x7a: {  	_ =	shalt  }
0x7b: {  	_ =	shalt  }
0x7c: {  	_ =	shalt  }
0x7d: {  	_ =	shalt  }
0x7e: {  	_ =	shalt  }
0x7f: {  	_ =	shalt  }
0x80: {  	_ =	shalt  }
0x81: {  	_ =	shalt  }
0x82: {  	_ =	shalt  }
0x83: {  	_ =	shalt  }
0x84: {  	_ =	shalt  }
0x85: {  	_ =	shalt  }
0x86: {  	_ =	shalt  }
0x87: {  	_ =	shalt  }
.Lfunc_end0:
.L_simem_size_0:
called_computation.4_lowered:
.L_overlay_start_0:
0x88: {  	s2 =	sld [smem:$0x3FD9]  }
0x89: {  	s3 =	sld [smem:$0x3FFE];
	_ =	sdelay $0x1  }
0x8a: {  	s1 =	srdreg.scid  }
0x8b: {  	s0 =	sand.u32 $0x1, s1  }
0x8c: {  	s16 =	sshll.u32 s0, $0xA;
	s2 =	sadd.s32 s3, s2  }
0x8d: {  	s2 =	sadd.s32 s2, s16  }
0x8e: {  	[smem:$0x3FA1] =	sst s2  }
0x8f: {  	_ = 	snop  }
0x90: {  	(tm) =	ssettm $0x1  }
0x91: {  	s17 =	sld [smem:$0x3FFB];
	_ =	sdelay $0x3  }
0x92: {  	_ =	strace s17  }
0x93: {  	s2 =	sld [smem:$0x3FFC];
	_ =	sdelay $0x3  }
0x94: {  	_ =	strace s2  }
0x95: {  	s2 =	sld [smem:$0x3FFD];
	_ =	sdelay $0x3  }
0x96: {  	_ =	strace s2  }
0x97: {  	_ =	strace $0x8FFFFFFF  }
0x98: {  	s18 =	sld [smem:$0x3FDB];
	_ =	sdelay $0x1  }
0x99: {  	s19 =	simm.s32 $_scs_section_size  }
0x9a: {  	s4 =	simm.s32 $_size__tile_overlayer_lowered;
	s5 =	simm.s32 $_tile_overlayer_lowered  }
0x9b: {  	s22 =	simm.s32 $0x1BFF;
	s21 =	sshll.u32 s5, $0x1;
	s2 =	sadd.s32 s19, s18  }
0x9c: {  	s6 =	simm.s32 $0x0;
	s20 =	sshll.u32 s4, $0x1;
	s4 =	sadd.s32 s21, s2  }
0x9d: {  	[timem:s6], [sflag:s22] =	dma.local [hbm:s4], s20  }
0x9e: {  	_ =	swait.ge [sflag:s22], s20  }
0x9f: {  	s3 =	ssub.s32 $0x0, s20;
	[sflag:s22] =	ssyncset.done $0x0  }
0xa0: {  	[sflag:s22] =	ssyncadd.s32 s3;
	_ =	sdelay $0x1  }
0xa1: {  	s23 =	simm.s32 $0x1B8B  }
0xa2: {  	_ =	swait.ge [sflag:s23], $0x1  }
0xa3: {  	[sflag:s23] =	ssyncset.done $0x0  }
0xa4: {  	s25 =	simm.s32 $0x1B8E;
	s24 =	sld [smem:$0x3FFE];
	[sflag:s23] =	ssyncadd.s32 $0xFFFFFFFF  }
0xa5: {  	s26 =	simm.s32 $execute0_lowered;
	[smem:$0x3FD2] =	sst s25  }
0xa6: {  	s4 =	sshll.u32 s26, $0x1;
	_ =	strace $0x80000046;
	[dreg:$0x1] =	wrdreg $0xFFFFFFFF  }
0xa7: {  	s28 =	simm.s32 $_size_execute0_lowered;
	s2 =	sadd.s32 s2, s4;
	[dreg:$0x0] =	wrdreg $0x0  }
0xa8: {  	s4 =	sshll.u32 s28, $0x1;
	[dreg:$0x2] =	wrdreg s2  }
0xa9: {  	[dreg:$0x3] =	wrdreg s4  }
0xaa: {  	[dreg:$0x4] =	wrdreg $0xC0  }
0xab: {  	_ =	task [dreg:s6], $0x5FFFF  }
0xac: {  	[dreg:$0x1] =	wrdreg $0xFFFFFFFF  }
0xad: {  	[dreg:$0x0] =	wrdreg $0x60  }
0xae: {  	[dreg:$0x2] =	wrdreg s24  }
0xaf: {  	[dreg:$0x3] =	wrdreg $0x9  }
0xb0: {  	_ =	task.clear_ibuf [dreg:s6], $0x4FFFF;
	_ =	strace $0x90000046  }
0xb1: {  	s29 =	simm.s32 $0x9;
	_ =	strace $0x80000048  }
0xb2: {  	_ =	swait.ge [sflag:s29], $0x1  }
0xb3: {  	[sflag:s29] =	ssyncadd.s32 $0xFFFFFFFF  }
0xb4: {  	_ =	strace $0x90000048  }
0xb5: {  	_ =	sfence  }
0xb6: {  	s30 =	sld [smem:$0x0];
	_ =	sdelay $0x2  }
0xb7: {  	s31 =	sshll.u32 s1, $0xD;
	s1 =	sshrl.u32 s1, $0x2  }
0xb8: {  	s3 =	sand.u32 $0x4000, s31;
	s1 =	sadd.s32 s1, s30  }
0xb9: {  	s0 =	sor.u32 s3, s0;
	s1 =	sshll.u32 s1, $0x11  }
0xba: {  	s0 =	sor.u32 s1, s0  }
0xbb: {  	s0 =	sadd.s32 $0x8F2B, s0  }
0xbc: {  	[sflag:s0] =	ssyncadd.remote.s32 $0x1  }
0xbd: {  	_ =	sfence.sel $0xFFFF  }
0xbe: {  	[dreg:$0x0] =	wrdreg $0xFFFFFFFF;
	(pc) =	sbr.abs _section_cstart, $3  }
0xbf: {  	[dreg:$0x1] =	wrdreg $0xFFFFFFFF  }
0xc0: {  	_ =	task.clear_ibuf [dreg:s6], $0x2FFFF;
	_ =	strace $0x9FFFFFFF  }
0xc1: {  	(tm) =	ssettm $0x7FFFFFFF  }
tec
execute0_lowered:
.L_overlay_start_1:
0x0: {  	(tag) =	ssettag $0x1  }
0x1: {  	s0 =	rddreg [dreg:$0x0];
	s1 =	simm.s32 $0x0  }
0x2: {  	s5 =	srdreg.scid;
	s7 =	stileid.u32;
	s17 =	simm.s32 $0x7  }
0x3: {  	s18 =	simm.s32 $0x80;
	s19 =	simm.s32 $0x300;
	[smem:$0x7FF] =	sst s1  }
0x4: {  	s30 =	simm.s32 $0x1;
	s2 =	sadd.s32 $0x34BA00, s0;
	s4 =	sadd.s32 $0x288400, s0  }
0x5: {  	s31 =	simm.s32 $0x2;
	s3 =	sadd.s32 $0x257200, s0;
	s11 =	sadd.s32 $0x26FA00, s0  }
0x6: {  	s5 =	sand.u32 $0x1, s5;
	s12 =	sshll.u32 s7, $0x5;
	s7 =	sshll.u32 s7, $0xC  }
0x7: {  	_ =	strace $0x80000047;
	s6 =	ssub.s32 $0x2, s5;
	s0 =	sadd.s32 s7, s0  }
0x8: {  	s13 =	sshll.u32 s5, $0x4;
	s15 =	sadd.s32 s12, s11;
	s29 =	sadd.s32 $0x104F000, s0  }
0x9: {  	s9 =	sor.u32 s13, s12;
	s0 =	sadd.s32 $0x40F000, s0;
	[dreg:$0x9] =	wrdreg s29  }
0xa: {  	s8 =	sshrl.u32 s6, $0x1;
	s20 =	sadd.s32 s3, s9;
	[dreg:$0xa] =	wrdreg s0  }
0xb: {  	s21 =	sadd.s32 s11, s9;
	s22 =	sor.u32 $0x200, s9;
	[dreg:$0x2] =	wrdreg s20  }
0xc: {  	s14 =	ssub.s32 s6, s8;
	[dreg:$0x3] =	wrdreg s21;
	s23 =	sadd.s32 s3, s22  }
0xd: {  	s10 =	sor.u32 $0x400, s9;
	s24 =	sadd.s32 s11, s22;
	[dreg:$0x4] =	wrdreg s23  }
0xe: {  	s0 =	simm.s32 $0x0;
	s25 =	sadd.s32 s3, s10;
	[dreg:$0x5] =	wrdreg s24  }
0xf: {  	s26 =	sadd.s32 s11, s10;
	s3 =	sadd.s32 s12, s3;
	[dreg:$0x6] =	wrdreg s25  }
0x10: {  	s28 =	smax.u32 s14, $0x1;
	s12 =	sadd.s32 s13, s15;
	[dreg:$0x7] =	wrdreg s26  }
0x11: {  	s14 =	sshll.u32 s5, $0xB;
	s20 =	simm.s32 $0x4300;
	[dreg:$0x8] =	wrdreg s28  }
0x12: {  	s13 =	sadd.s32 s13, s3;
	s25 =	simm.s32 $0x200;
	s26 =	simm.s32 $0x280  }
.LBB2_1:
0x13: {  	s3 =	rddreg [dreg:$0x2]  }
0x14: {  	[tilespmem:s1], [sflag:$0x7] =	stream.linear.gather [hbm4b:s3+s1], $0x80, $0x38;
	[tilespmem:$0x18300] =	vst v63  }
0x15: {  	_ =	swait.ge [sflag:s17], $0x80  }
0x16: {  	[sflag:s17] =	ssyncset.done $0x0  }
0x17: {  	s10 =	rddreg [dreg:$0x3];
	[sflag:s17] =	ssyncadd.s32 $0xFFFFFF80  }
0x18: {  	[tilespmem:s18], [sflag:$0x7] =	stream.linear.gather [hbm4b:s10+s1], $0x80, $0x38;
	[tilespmem:$0x18300] =	vst v63  }
0x19: {  	_ =	swait.ge [sflag:s17], $0x80  }
0x1a: {  	[sflag:s17] =	ssyncset.done $0x0  }
0x1b: {  	[sflag:s17] =	ssyncadd.s32 $0xFFFFFF80  }
0x1c: {  	[tilespmem:s19], [sflag:$0x1] =	stream.indirect.gather [hbm4b:s2+s18], $0x80, s1, s18, $0xb8;
	[tilespmem:$0x18300] =	vst v63  }
0x1d: {  	_ = 	snop  }
0x1e: {  	[tilespmem:s20], [sflag:$0x2] =	stream.indirect.gather [hbm4b:s4+s18], $0x80, s18, s18, $0xb8;
	[tilespmem:$0x18300] =	vst v63  }
0x1f: {  	s5 =	simm.s32 $0x100;
	s11 =	rddreg [dreg:$0x4]  }
0x20: {  	[tilespmem:s5], [sflag:$0x7] =	stream.linear.gather [hbm4b:s11+s1], $0x80, $0x38;
	[tilespmem:$0x18300] =	vst v63  }
0x21: {  	_ =	swait.ge [sflag:s17], $0x80  }
0x22: {  	[sflag:s17] =	ssyncset.done $0x0  }
0x23: {  	s6 =	simm.s32 $0x180;
	s15 =	rddreg [dreg:$0x5];
	[sflag:s17] =	ssyncadd.s32 $0xFFFFFF80  }
0x24: {  	[tilespmem:s6], [sflag:$0x7] =	stream.linear.gather [hbm4b:s15+s1], $0x80, $0x38;
	[tilespmem:$0x18300] =	vst v63  }
0x25: {  	_ =	swait.ge [sflag:s17], $0x80  }
0x26: {  	[sflag:s17] =	ssyncset.done $0x0  }
0x27: {  	s16 =	simm.s32 $0x8300;
	[sflag:s17] =	ssyncadd.s32 $0xFFFFFF80  }
0x28: {  	[tilespmem:s16], [sflag:$0x3] =	stream.indirect.gather [hbm4b:s2+s18], $0x80, s5, s18, $0xb8;
	[tilespmem:$0x18300] =	vst v63  }
0x29: {  	s21 =	simm.s32 $0xC300  }
0x2a: {  	[tilespmem:s21], [sflag:$0x4] =	stream.indirect.gather [hbm4b:s4+s18], $0x80, s6, s18, $0xb8;
	[tilespmem:$0x18300] =	vst v63  }
0x2b: {  	s22 =	rddreg [dreg:$0x6]  }
0x2c: {  	[tilespmem:s25], [sflag:$0x7] =	stream.linear.gather [hbm4b:s22+s1], $0x80, $0x38;
	[tilespmem:$0x18300] =	vst v63  }
0x2d: {  	_ =	swait.ge [sflag:s17], $0x80  }
0x2e: {  	[sflag:s17] =	ssyncset.done $0x0  }
0x2f: {  	s23 =	rddreg [dreg:$0x7];
	[sflag:s17] =	ssyncadd.s32 $0xFFFFFF80  }
0x30: {  	[tilespmem:s26], [sflag:$0x7] =	stream.linear.gather [hbm4b:s23+s1], $0x80, $0x38;
	[tilespmem:$0x18300] =	vst v63  }
0x31: {  	_ =	swait.ge [sflag:s17], $0x80  }
0x32: {  	s24 =	simm.s32 $0x10300;
	[sflag:s17] =	ssyncset.done $0x0  }
0x33: {  	s29 =	simm.s32 $0x14300;
	s16 =	rddreg [dreg:$0xa];
	[sflag:s17] =	ssyncadd.s32 $0xFFFFFF80  }
0x34: {  	[tilespmem:s24], [sflag:$0x5] =	stream.indirect.gather [hbm4b:s2+s18], $0x80, s25, s18, $0xb8;
	[tilespmem:$0x18300] =	vst v63  }
0x35: {  	s28 =	simm.s32 $0x0;
	s15 =	rddreg [dreg:$0x9];
	s24 =	simm.s32 $0x0  }
0x36: {  	[tilespmem:s29], [sflag:$0x6] =	stream.indirect.gather [hbm4b:s4+s18], $0x80, s26, s18, $0xb8;
	[tilespmem:$0x18300] =	vst v63  }
.LBB2_2:
0x37: {  	_ =	swait.ge [sflag:s30], $0x4000  }
0x38: {  	[sflag:s30] =	ssyncset.done $0x0  }
0x39: {  	[sflag:s30] =	ssyncadd.s32 $0xFFFFC000  }
0x3a: {  	_ =	swait.ge [sflag:s31], $0x4000  }
0x3b: {  	[sflag:s31] =	ssyncset.done $0x0  }
0x3c: {  	s5 =	sadd.s32 s16, s14;
	[sflag:s31] =	ssyncadd.s32 $0xFFFFC000  }
0x3d: {  	[hbm4b:s5+s1] =	stream.linear.scatter [tilespmem:s19], [sflag:$0x7], $0x4000, $0x38;
	[tilespmem:$0x18300] =	vst v63  }
0x3e: {  	_ =	swait.ge [sflag:s17], $0x4000  }
0x3f: {  	[sflag:s17] =	ssyncset.done $0x0  }
0x40: {  	s29 =	sadd.s32 s15, s14;
	[sflag:s17] =	ssyncadd.s32 $0xFFFFC000  }
0x41: {  	[hbm4b:s29+s1] =	stream.linear.scatter [tilespmem:s20], [sflag:$0x7], $0x4000, $0x38;
	[tilespmem:$0x18300] =	vst v63  }
0x42: {  	p0 =	seq.s32 s24, $0x18600;
	_ =	swait.ge [sflag:s17], $0x4000  }
0x43: {  	s5 =	sadd.s32 @!p0 s24, s13;
	[sflag:s17] =	ssyncset.done $0x0  }
0x44: {  	s29 =	sadd.s32 @!p0 $0x600, s5;
	s5 =	simm.s32 @!p0 $0x0;
	[sflag:s17] =	ssyncadd.s32 $0xFFFFC000  }
0x45: {  	[tilespmem:s5], [sflag:$0x7] =	stream.linear.gather @!p0 [hbm4b:s29+s5], $0x80, $0x38;
	[tilespmem:$0x18300] =	vst v63  }
0x46: {  	s29 =	simm.s32 @!p0 $0x7  }
0x47: {  	_ =	swait.ge @!p0 [sflag:s29], $0x80  }
0x48: {  	s6 =	sadd.s32 @!p0 s24, s12;
	[sflag:s29] =	ssyncset.done @!p0 $0x0  }
0x49: {  	s7 =	simm.s32 @!p0 $0x80;
	s6 =	sadd.s32 @!p0 $0x600, s6;
	[sflag:s29] =	ssyncadd.s32 @!p0 $0xFFFFFF80  }
0x4a: {  	[tilespmem:s7], [sflag:$0x7] =	stream.linear.gather @!p0 [hbm4b:s6+s5], $0x80, $0x38;
	[tilespmem:$0x18300] =	vst v63  }
0x4b: {  	_ =	swait.ge @!p0 [sflag:s29], $0x80  }
0x4c: {  	[sflag:s29] =	ssyncset.done @!p0 $0x0  }
0x4d: {  	s6 =	simm.s32 @!p0 $0x300;
	[sflag:s29] =	ssyncadd.s32 @!p0 $0xFFFFFF80  }
0x4e: {  	[tilespmem:s6], [sflag:$0x1] =	stream.indirect.gather @!p0 [hbm4b:s2+s7], $0x80, s5, s7, $0xb8;
	[tilespmem:$0x18300] =	vst v63  }
0x4f: {  	s6 =	simm.s32 @!p0 $0x4300  }
0x50: {  	[tilespmem:s6], [sflag:$0x2] =	stream.indirect.gather @!p0 [hbm4b:s4+s7], $0x80, s7, s7, $0xb8;
	[tilespmem:$0x18300] =	vst v63  }
0x51: {  	s6 =	simm.s32 @!p0 $0x3  }
0x52: {  	_ =	swait.ge @!p0 [sflag:s6], $0x4000  }
0x53: {  	[sflag:s6] =	ssyncset.done @!p0 $0x0  }
0x54: {  	[sflag:s6] =	ssyncadd.s32 @!p0 $0xFFFFC000;
	s6 =	simm.s32 @!p0 $0x4  }
0x55: {  	_ =	swait.ge @!p0 [sflag:s6], $0x4000  }
0x56: {  	s7 =	sadd.s32 @!p0 s16, s14;
	[sflag:s6] =	ssyncset.done @!p0 $0x0  }
0x57: {  	s8 =	simm.s32 @!p0 $0x8300;
	[sflag:s6] =	ssyncadd.s32 @!p0 $0xFFFFC000;
	s6 =	sadd.s32 @!p0 $0x10000, s7  }
0x58: {  	[hbm4b:s6+s5] =	stream.linear.scatter @!p0 [tilespmem:s8], [sflag:$0x7], $0x4000, $0x38;
	[tilespmem:$0x18300] =	vst v63  }
0x59: {  	_ =	swait.ge @!p0 [sflag:s29], $0x4000  }
0x5a: {  	s9 =	simm.s32 @!p0 $0xC300;
	s6 =	sadd.s32 @!p0 s15, s14;
	[sflag:s29] =	ssyncset.done @!p0 $0x0  }
0x5b: {  	p1 =	sgt.u32 @!p0 s28, $0x3F;
	s8 =	sadd.s32 @!p0 $0x10000, s6;
	[sflag:s29] =	ssyncadd.s32 @!p0 $0xFFFFC000  }
0x5c: {  	[hbm4b:s8+s5] =	stream.linear.scatter @!p0 [tilespmem:s9], [sflag:$0x7], $0x4000, $0x38;
	[tilespmem:$0x18300] =	vst v63  }
0x5d: {  	p1 =	por p1, p0;
	_ =	swait.ge @!p0 [sflag:s29], $0x4000  }
0x5e: {  	s10 =	simm.s32 @!p1 $0x0;
	s8 =	sadd.s32 @!p1 s24, s13;
	[sflag:s29] =	ssyncset.done @!p0 $0x0  }
0x5f: {  	s11 =	simm.s32 @!p1 $0x100;
	s9 =	sadd.s32 @!p1 $0x800, s8;
	[sflag:s29] =	ssyncadd.s32 @!p0 $0xFFFFC000  }
0x60: {  	[tilespmem:s11], [sflag:$0x7] =	stream.linear.gather @!p1 [hbm4b:s9+s10], $0x80, $0x38;
	[tilespmem:$0x18300] =	vst v63  }
0x61: {  	s9 =	simm.s32 @!p1 $0x7  }
0x62: {  	_ =	swait.ge @!p1 [sflag:s9], $0x80  }
0x63: {  	s23 =	sadd.s32 @!p1 s24, s12;
	[sflag:s9] =	ssyncset.done @!p1 $0x0  }
0x64: {  	s3 =	simm.s32 @!p1 $0x180;
	s21 =	sadd.s32 @!p1 $0x800, s23;
	[sflag:s9] =	ssyncadd.s32 @!p1 $0xFFFFFF80  }
0x65: {  	[tilespmem:s3], [sflag:$0x7] =	stream.linear.gather @!p1 [hbm4b:s21+s10], $0x80, $0x38;
	[tilespmem:$0x18300] =	vst v63  }
0x66: {  	_ =	swait.ge @!p1 [sflag:s9], $0x80  }
0x67: {  	[sflag:s9] =	ssyncset.done @!p1 $0x0  }
0x68: {  	s22 =	simm.s32 @!p1 $0x8300;
	s21 =	simm.s32 @!p1 $0x80;
	[sflag:s9] =	ssyncadd.s32 @!p1 $0xFFFFFF80  }
0x69: {  	[tilespmem:s22], [sflag:$0x3] =	stream.indirect.gather @!p1 [hbm4b:s2+s21], $0x80, s11, s21, $0xb8;
	[tilespmem:$0x18300] =	vst v63  }
0x6a: {  	s11 =	simm.s32 @!p1 $0xC300  }
0x6b: {  	[tilespmem:s11], [sflag:$0x4] =	stream.indirect.gather @!p1 [hbm4b:s4+s21], $0x80, s3, s21, $0xb8;
	[tilespmem:$0x18300] =	vst v63  }
0x6c: {  	s3 =	simm.s32 @!p0 $0x5  }
0x6d: {  	_ =	swait.ge @!p0 [sflag:s3], $0x4000  }
0x6e: {  	[sflag:s3] =	ssyncset.done @!p0 $0x0  }
0x6f: {  	[sflag:s3] =	ssyncadd.s32 @!p0 $0xFFFFC000;
	s3 =	simm.s32 @!p0 $0x6  }
0x70: {  	_ =	swait.ge @!p0 [sflag:s3], $0x4000  }
0x71: {  	[sflag:s3] =	ssyncset.done @!p0 $0x0  }
0x72: {  	[sflag:s3] =	ssyncadd.s32 @!p0 $0xFFFFC000;
	s3 =	sadd.s32 @!p0 $0x20000, s7;
	s7 =	simm.s32 @!p0 $0x10300  }
0x73: {  	[hbm4b:s3+s5] =	stream.linear.scatter @!p0 [tilespmem:s7], [sflag:$0x7], $0x4000, $0x38;
	[tilespmem:$0x18300] =	vst v63  }
0x74: {  	_ =	swait.ge @!p0 [sflag:s29], $0x4000  }
0x75: {  	[sflag:s29] =	ssyncset.done @!p0 $0x0  }
0x76: {  	s3 =	sadd.s32 @!p0 $0x20000, s6;
	s6 =	simm.s32 @!p0 $0x14300;
	[sflag:s29] =	ssyncadd.s32 @!p0 $0xFFFFC000  }
0x77: {  	[hbm4b:s3+s5] =	stream.linear.scatter @!p0 [tilespmem:s6], [sflag:$0x7], $0x4000, $0x38;
	[tilespmem:$0x18300] =	vst v63  }
0x78: {  	_ =	swait.ge @!p0 [sflag:s29], $0x4000  }
0x79: {  	[sflag:s29] =	ssyncset.done @!p0 $0x0  }
0x7a: {  	s3 =	sadd.s32 @!p1 $0xA00, s8;
	s5 =	simm.s32 @!p1 $0x200;
	[sflag:s29] =	ssyncadd.s32 @!p0 $0xFFFFC000  }
0x7b: {  	[tilespmem:s5], [sflag:$0x7] =	stream.linear.gather @!p1 [hbm4b:s3+s10], $0x80, $0x38;
	[tilespmem:$0x18300] =	vst v63  }
0x7c: {  	_ =	swait.ge @!p1 [sflag:s9], $0x80  }
0x7d: {  	[sflag:s9] =	ssyncset.done @!p1 $0x0  }
0x7e: {  	s6 =	simm.s32 @!p1 $0x280;
	s3 =	sadd.s32 @!p1 $0xA00, s23;
	[sflag:s9] =	ssyncadd.s32 @!p1 $0xFFFFFF80  }
0x7f: {  	[tilespmem:s6], [sflag:$0x7] =	stream.linear.gather @!p1 [hbm4b:s3+s10], $0x80, $0x38;
	[tilespmem:$0x18300] =	vst v63  }
0x80: {  	_ =	swait.ge @!p1 [sflag:s9], $0x80  }
0x81: {  	[sflag:s9] =	ssyncset.done @!p1 $0x0  }
0x82: {  	s3 =	simm.s32 @!p1 $0x10300;
	[sflag:s9] =	ssyncadd.s32 @!p1 $0xFFFFFF80  }
0x83: {  	[tilespmem:s3], [sflag:$0x5] =	stream.indirect.gather @!p1 [hbm4b:s2+s21], $0x80, s5, s21, $0xb8;
	[tilespmem:$0x18300] =	vst v63  }
0x84: {  	s24 =	sadd.s32 @!p0 $0x600, s24;
	s3 =	simm.s32 @!p1 $0x14300  }
0x85: {  	[tilespmem:s3], [sflag:$0x6] =	stream.indirect.gather @!p1 [hbm4b:s4+s21], $0x80, s6, s21, $0xb8;
	[tilespmem:$0x18300] =	vst v63  }
0x86: {  	p1 =	sne.s32 @!p0 s24, $0x18C00  }
0x87: {  	p1 =	por p0, !p1  }
.Ltmp0:
0x88: {  	_ = 	snop;
	(pc) =	sbr.rel @!p1 .LBB2_2-.Ltmp0, $2  }
0x89: {  	_ =	sdelay $0x2  }
0x8a: {  	s28 =	sadd.s32 @!p0 $0x1, s28;
	s16 =	sadd.s32 @!p0 $0x30000, s16;
	s15 =	sadd.s32 @!p0 $0x30000, s15  }
0x8b: {  	s0 =	sadd.s32 $0x1, s0;
	s3 =	rddreg [dreg:$0x8]  }
0x8c: {  	p0 =	sne.s32 s0, s3  }
.Ltmp1:
0x8d: {  	_ = 	snop;
	(pc) =	sbr.rel @p0 .LBB2_1-.Ltmp1, $1  }
0x8e: {  	_ =	sdelay $0x3  }
0x8f: {  	_ =	sfence.sel $0x180000  }
0x90: {  	[bflag:$0x0] =	sbarrier.arrive $0xFFFF  }
0x91: {  	_ =	strace $0x90000047  }
0x92: {  	s0 =	stileid.u32;
	[bflag:$0x2] =	sbarrier.arrive $0xFFFF  }
0x93: {  	p0 =	sne.s32 s0, $0x0;
	s0 =	rddreg [dreg:$0x1]  }
0x94: {  	s0 =	sadd.s32 @!p0 $0x100000, s0  }
0x95: {  	[sflag:s0] =	ssyncadd.tile.s32 @!p0 $0x1;
	_ =	shalt  }
.Lfunc_end2:
_tile_overlayer_lowered:
.L_overlay_start_2:
0x96: {  	(tag) =	ssettag $0x2  }
0x97: {  	s0 =	rddreg [dreg:$0x0];
	s2 =	stileid.u32  }
0x98: {  	s1 =	rddreg [dreg:$0x1];
	p0 =	sne.s32 s2, $0x0  }
0x99: {  	s3 =	rddreg [dreg:$0x2];
	[bflag:$0x3] =	sbarrier.arrive $0xFFFF;
	s2 =	simm.s32 @!p0 $0x1C07  }
0x9a: {  	[timem:s3], [sflag:s2] =	dma.local @!p0 [hbm:s0], s1  }
0x9b: {  	s0 =	simm.s32 @!p0 $0x7  }
0x9c: {  	_ =	swait.ge @!p0 [sflag:s0], s1  }
0x9d: {  	s1 =	ssub.s32 @!p0 $0x0, s1;
	[sflag:s0] =	ssyncset.done @!p0 $0x0  }
0x9e: {  	[sflag:s0] =	ssyncadd.s32 @!p0 s1  }
0x9f: {  	[bflag:$0x3] =	sbarrier.arrive $0xFFFF  }
0xa0: {  	_ =	shalt  }

// kernel: kernel.9.cloned.1.call-start
scs
__scs_entry_jumppad:
0x0: {  	(pc) =	sbr.rel $0x88, $3  }
0x1: {  	(tag) =	ssettag $0x0;
	lr =	simm.s32 $0x1  }
0x2: {  	[smem:$0x3F7A] =	sst lr;
	_ =	strace $0xD0000000  }
0x3: {  	_ = 	snop  }
0x4: {  	_ = 	snop  }
0x5: {  	_ = 	snop  }
0x6: {  	_ = 	snop  }
0x7: {  	_ = 	snop  }
__scs_overlays_trampoline_lowered:
0x8: {  	[smem:$0x3F89] =	sst s0  }
0x9: {  	[smem:$0x3F8A] =	sst s1  }
0xa: {  	[smem:$0x3F8B] =	sst s2  }
0xb: {  	[smem:$0x3F8C] =	sst s3  }
0xc: {  	[smem:$0x3F8D] =	sst s4  }
0xd: {  	[smem:$0x3F8E] =	sst s5  }
0xe: {  	[smem:$0x3F8F] =	sst s6  }
0xf: {  	[smem:$0x3F90] =	sst s7  }
0x10: {  	[smem:$0x3F91] =	sst s8  }
0x11: {  	[smem:$0x3F92] =	sst s9;
	s0 =	simm.s32 @!p0 $0x0  }
0x12: {  	s1 =	sld [smem:$0x3F78];
	s0 =	simm.s32 @p0 $0x1  }
0x13: {  	[smem:$0x3F93] =	sst s0;
	s0 =	simm.s32 @!p1 $0x0  }
0x14: {  	s2 =	sld [smem:$0x3F77];
	s0 =	simm.s32 @p1 $0x1  }
0x15: {  	[smem:$0x3F94] =	sst s0;
	s0 =	simm.s32 @!p2 $0x0  }
0x16: {  	s3 =	sld [smem:$0x3FDB];
	s0 =	simm.s32 @p2 $0x1  }
0x17: {  	s4 =	simm.s32 $0x1BF5;
	[smem:$0x3F96] =	sst s0  }
0x18: {  	s0 =	sld [smem:$0x3F79];
	_ =	swait.ge [sflag:s4], $0x0  }
0x19: {  	s7 =	sld [smem:$0x3F7A]  }
0x1a: {  	s8 =	sadd.s32 $0xFFFFE003, lr  }
0x1b: {  	s9 =	sadd.s32 $0xFFFFFEF7, lr;
	s5 =	simm.s32 $0xFFFFFFFF;
	p2 =	slt.u32 s8, $0xFFFFF086  }
0x1c: {  	p1 =	slt.u32 s9, $0xF7A;
	s5 =	simm.s32 @!p2 $0x0  }
0x1d: {  	s5 =	simm.s32 @p1 $0x1;
	p0 =	seq.s32 s7, s2  }
0x1e: {  	s7 =	smul.u32 @!p0 $0xF7A, s2;
	p2 =	seq.s32 @!p0 s5, $0x0  }
0x1f: {  	s9 =	smul.u32 $0xF7A, s1;
	s8 =	simm.s32 @!p0 $0x1BF5;
	p2 =	por !p2, p0  }
0x20: {  	[sflag:s8] =	ssyncset.s32 @!p0 $0xFFFFF086;
	s6 =	sadd.s32 @!p0 s3, s7;
	s7 =	simm.s32 @!p0 $0x108  }
0x21: {  	s3 =	sadd.s32 s3, s9;
	s6 =	sadd.s32 @!p0 $0x88, s6;
	s7 =	simm.s32 @p2 $0x1082  }
0x22: {  	[simem:s7], [sflag:s8] =	dma.local @!p0 [hbm:s6], $0xF7A  }
0x23: {  	s9 =	sor.u32 $0xD0000000, s2;
	s6 =	simm.s32 $0x108;
	_ =	swait.ge @!p0 [sflag:s8], $0x0  }
0x24: {  	s3 =	sadd.s32 $0x88, s3;
	s6 =	simm.s32 @!p1 $0x1082;
	[sflag:s4] =	ssyncset.s32 $0xFFFFF086  }
0x25: {  	[simem:s6], [sflag:s4] =	dma.local [hbm:s3], $0xF7A  }
0x26: {  	[smem:$0x3F7A] =	sst s1;
	(tag) =	ssettag s2;
	_ =	strace s9  }
0x27: {  	s1 =	sld [smem:$0x3F8A]  }
0x28: {  	s2 =	sld [smem:$0x3F8B]  }
0x29: {  	s4 =	sld [smem:$0x3F8D]  }
0x2a: {  	p0 =	seq.s32 s5, $0x0;
	s5 =	sld [smem:$0x3F8E]  }
0x2b: {  	s6 =	sld [smem:$0x3F8F]  }
0x2c: {  	s7 =	sld [smem:$0x3F90]  }
0x2d: {  	s3 =	simm.s32 $0x108;
	s8 =	sld [smem:$0x3F91]  }
0x2e: {  	s3 =	simm.s32 @!p0 $0x1082;
	s9 =	sld [smem:$0x3F92]  }
0x2f: {  	lr =	sadd.s32 s0, s3;
	s0 =	sld [smem:$0x3F89]  }
0x30: {  	s3 =	sld [smem:$0x3F8C]  }
0x31: {  	[smem:$0x3F95] =	sst s10  }
0x32: {  	s10 =	sld [smem:$0x3F93];
	_ =	sdelay $0x3  }
0x33: {  	p0 =	seq.s32 s10, $0x1;
	s10 =	sld [smem:$0x3F95];
	_ =	sdelay $0x3  }
0x34: {  	[smem:$0x3F95] =	sst s10  }
0x35: {  	s10 =	sld [smem:$0x3F94];
	_ =	sdelay $0x3  }
0x36: {  	p1 =	seq.s32 s10, $0x1;
	s10 =	sld [smem:$0x3F95];
	_ =	sdelay $0x3  }
0x37: {  	[smem:$0x3F95] =	sst s10  }
0x38: {  	s10 =	sld [smem:$0x3F96]  }
0x39: {  	_ = 	snop;
	(pc) =	sbr.ind lr, $3  }
0x3a: {  	_ = 	snop  }
0x3b: {  	_ = 	snop  }
0x3c: {  	p2 =	seq.s32 s10, $0x1;
	s10 =	sld [smem:$0x3F95]  }
0x3d: {  	_ =	shalt  }
0x3e: {  	_ =	shalt  }
0x3f: {  	_ =	shalt  }
0x40: {  	_ =	shalt  }
0x41: {  	_ =	shalt  }
0x42: {  	_ =	shalt  }
0x43: {  	_ =	shalt  }
0x44: {  	_ =	shalt  }
0x45: {  	_ =	shalt  }
0x46: {  	_ =	shalt  }
0x47: {  	_ =	shalt  }
0x48: {  	_ =	shalt  }
0x49: {  	_ =	shalt  }
0x4a: {  	_ =	shalt  }
0x4b: {  	_ =	shalt  }
0x4c: {  	_ =	shalt  }
0x4d: {  	_ =	shalt  }
0x4e: {  	_ =	shalt  }
0x4f: {  	_ =	shalt  }
0x50: {  	_ =	shalt  }
0x51: {  	_ =	shalt  }
0x52: {  	_ =	shalt  }
0x53: {  	_ =	shalt  }
0x54: {  	_ =	shalt  }
0x55: {  	_ =	shalt  }
0x56: {  	_ =	shalt  }
0x57: {  	_ =	shalt  }
0x58: {  	_ =	shalt  }
0x59: {  	_ =	shalt  }
0x5a: {  	_ =	shalt  }
0x5b: {  	_ =	shalt  }
0x5c: {  	_ =	shalt  }
0x5d: {  	_ =	shalt  }
0x5e: {  	_ =	shalt  }
0x5f: {  	_ =	shalt  }
0x60: {  	_ =	shalt  }
0x61: {  	_ =	shalt  }
0x62: {  	_ =	shalt  }
0x63: {  	_ =	shalt  }
0x64: {  	_ =	shalt  }
0x65: {  	_ =	shalt  }
0x66: {  	_ =	shalt  }
0x67: {  	_ =	shalt  }
0x68: {  	_ =	shalt  }
0x69: {  	_ =	shalt  }
0x6a: {  	_ =	shalt  }
0x6b: {  	_ =	shalt  }
0x6c: {  	_ =	shalt  }
0x6d: {  	_ =	shalt  }
0x6e: {  	_ =	shalt  }
0x6f: {  	_ =	shalt  }
0x70: {  	_ =	shalt  }
0x71: {  	_ =	shalt  }
0x72: {  	_ =	shalt  }
0x73: {  	_ =	shalt  }
0x74: {  	_ =	shalt  }
0x75: {  	_ =	shalt  }
0x76: {  	_ =	shalt  }
0x77: {  	_ =	shalt  }
0x78: {  	_ =	shalt  }
0x79: {  	_ =	shalt  }
0x7a: {  	_ =	shalt  }
0x7b: {  	_ =	shalt  }
0x7c: {  	_ =	shalt  }
0x7d: {  	_ =	shalt  }
0x7e: {  	_ =	shalt  }
0x7f: {  	_ =	shalt  }
0x80: {  	_ =	shalt  }
0x81: {  	_ =	shalt  }
0x82: {  	_ =	shalt  }
0x83: {  	_ =	shalt  }
0x84: {  	_ =	shalt  }
0x85: {  	_ =	shalt  }
0x86: {  	_ =	shalt  }
0x87: {  	_ =	shalt  }
.Lfunc_end0:
.L_simem_size_0:
called_computation.5_lowered:
.L_overlay_start_0:
0x88: {  	s2 =	sld [smem:$0x3FD9]  }
0x89: {  	s3 =	sld [smem:$0x3FFE];
	_ =	sdelay $0x1  }
0x8a: {  	s1 =	srdreg.scid  }
0x8b: {  	s0 =	sand.u32 $0x1, s1  }
0x8c: {  	s16 =	sshll.u32 s0, $0xA;
	s2 =	sadd.s32 s3, s2  }
0x8d: {  	s2 =	sadd.s32 s2, s16  }
0x8e: {  	[smem:$0x3FA1] =	sst s2  }
0x8f: {  	_ = 	snop  }
0x90: {  	(tm) =	ssettm $0x1  }
0x91: {  	s17 =	sld [smem:$0x3FFB];
	_ =	sdelay $0x3  }
0x92: {  	_ =	strace s17  }
0x93: {  	s2 =	sld [smem:$0x3FFC];
	_ =	sdelay $0x3  }
0x94: {  	_ =	strace s2  }
0x95: {  	s2 =	sld [smem:$0x3FFD];
	_ =	sdelay $0x3  }
0x96: {  	_ =	strace s2  }
0x97: {  	_ =	strace $0x8FFFFFFF  }
0x98: {  	s18 =	sld [smem:$0x3FDB];
	_ =	sdelay $0x1  }
0x99: {  	s19 =	simm.s32 $_scs_section_size  }
0x9a: {  	s4 =	simm.s32 $_size__tile_overlayer_lowered;
	s5 =	simm.s32 $_tile_overlayer_lowered  }
0x9b: {  	s22 =	simm.s32 $0x1BFF;
	s21 =	sshll.u32 s5, $0x1;
	s2 =	sadd.s32 s19, s18  }
0x9c: {  	s6 =	simm.s32 $0x0;
	s20 =	sshll.u32 s4, $0x1;
	s4 =	sadd.s32 s21, s2  }
0x9d: {  	[timem:s6], [sflag:s22] =	dma.local [hbm:s4], s20  }
0x9e: {  	_ =	swait.ge [sflag:s22], s20  }
0x9f: {  	s3 =	ssub.s32 $0x0, s20;
	[sflag:s22] =	ssyncset.done $0x0  }
0xa0: {  	[sflag:s22] =	ssyncadd.s32 s3;
	_ =	sdelay $0x1  }
0xa1: {  	s23 =	simm.s32 $0x1B8B  }
0xa2: {  	_ =	swait.ge [sflag:s23], $0x1  }
0xa3: {  	[sflag:s23] =	ssyncset.done $0x0  }
0xa4: {  	s25 =	simm.s32 $0x1B8E;
	s24 =	sld [smem:$0x3FFE];
	[sflag:s23] =	ssyncadd.s32 $0xFFFFFFFF  }
0xa5: {  	s26 =	simm.s32 $execute0_lowered;
	[smem:$0x3FD2] =	sst s25  }
0xa6: {  	s4 =	sshll.u32 s26, $0x1;
	_ =	strace $0x8000004F;
	[dreg:$0x1] =	wrdreg $0xFFFFFFFF  }
0xa7: {  	s28 =	simm.s32 $_size_execute0_lowered;
	s2 =	sadd.s32 s2, s4;
	[dreg:$0x0] =	wrdreg $0x0  }
0xa8: {  	s4 =	sshll.u32 s28, $0x1;
	[dreg:$0x2] =	wrdreg s2  }
0xa9: {  	[dreg:$0x3] =	wrdreg s4  }
0xaa: {  	[dreg:$0x4] =	wrdreg $0xC0  }
0xab: {  	_ =	task [dreg:s6], $0x5FFFF  }
0xac: {  	[dreg:$0x1] =	wrdreg $0xFFFFFFFF  }
0xad: {  	[dreg:$0x0] =	wrdreg $0x60  }
0xae: {  	[dreg:$0x2] =	wrdreg s24  }
0xaf: {  	[dreg:$0x3] =	wrdreg $0x9  }
0xb0: {  	_ =	task.clear_ibuf [dreg:s6], $0x4FFFF;
	_ =	strace $0x9000004F  }
0xb1: {  	s29 =	simm.s32 $0x9;
	_ =	strace $0x80000051  }
0xb2: {  	_ =	swait.ge [sflag:s29], $0x1  }
0xb3: {  	[sflag:s29] =	ssyncadd.s32 $0xFFFFFFFF  }
0xb4: {  	_ =	strace $0x90000051  }
0xb5: {  	_ =	sfence  }
0xb6: {  	s30 =	sld [smem:$0x0];
	_ =	sdelay $0x2  }
0xb7: {  	s31 =	sshll.u32 s1, $0xD;
	s1 =	sshrl.u32 s1, $0x2  }
0xb8: {  	s3 =	sand.u32 $0x4000, s31;
	s1 =	sadd.s32 s1, s30  }
0xb9: {  	s0 =	sor.u32 s3, s0;
	s1 =	sshll.u32 s1, $0x11  }
0xba: {  	s0 =	sor.u32 s1, s0  }
0xbb: {  	s0 =	sadd.s32 $0x8F2B, s0  }
0xbc: {  	[sflag:s0] =	ssyncadd.remote.s32 $0x1  }
0xbd: {  	_ =	sfence.sel $0xFFFF  }
0xbe: {  	[dreg:$0x0] =	wrdreg $0xFFFFFFFF;
	(pc) =	sbr.abs _section_cstart, $3  }
0xbf: {  	[dreg:$0x1] =	wrdreg $0xFFFFFFFF  }
0xc0: {  	_ =	task.clear_ibuf [dreg:s6], $0x2FFFF;
	_ =	strace $0x9FFFFFFF  }
0xc1: {  	(tm) =	ssettm $0x7FFFFFFF  }
tec
execute0_lowered:
.L_overlay_start_1:
0x0: {  	(tag) =	ssettag $0x1  }
0x1: {  	s0 =	rddreg [dreg:$0x0];
	s1 =	simm.s32 $0x0  }
0x2: {  	s5 =	srdreg.scid;
	s7 =	stileid.u32;
	s17 =	simm.s32 $0x7  }
0x3: {  	s18 =	simm.s32 $0x80;
	s19 =	simm.s32 $0x300;
	s30 =	simm.s32 $0x1  }
0x4: {  	[smem:$0x7FF] =	sst s1;
	s2 =	sadd.s32 $0x40F000, s0;
	s4 =	sadd.s32 $0x193C00, s0  }
0x5: {  	s31 =	simm.s32 $0x2;
	s3 =	sadd.s32 $0x257200, s0;
	s12 =	sadd.s32 $0x26FA00, s0  }
0x6: {  	s5 =	sand.u32 $0x1, s5;
	s13 =	sshll.u32 s7, $0x5;
	s7 =	sshll.u32 s7, $0xC  }
0x7: {  	_ =	strace $0x80000050;
	s6 =	ssub.s32 $0x2, s5;
	s0 =	sadd.s32 s7, s0  }
0x8: {  	s14 =	sshll.u32 s5, $0x4;
	s8 =	sshrl.u32 s6, $0x1;
	s29 =	sadd.s32 $0x1112600, s0  }
0x9: {  	s9 =	sor.u32 s14, s13;
	s0 =	sadd.s32 $0x4D2600, s0;
	[dreg:$0x9] =	wrdreg s29  }
0xa: {  	s11 =	ssub.s32 s6, s8;
	s20 =	sadd.s32 s3, s9;
	[dreg:$0xa] =	wrdreg s0  }
0xb: {  	s21 =	sadd.s32 s12, s9;
	s22 =	sor.u32 $0x200, s9;
	[dreg:$0x2] =	wrdreg s20  }
0xc: {  	s10 =	sor.u32 $0x400, s9;
	[dreg:$0x3] =	wrdreg s21;
	s23 =	sadd.s32 s3, s22  }
0xd: {  	s0 =	simm.s32 $0x0;
	s24 =	sadd.s32 s12, s22;
	[dreg:$0x4] =	wrdreg s23  }
0xe: {  	s25 =	sadd.s32 s3, s10;
	s26 =	sadd.s32 s12, s10;
	[dreg:$0x5] =	wrdreg s24  }
0xf: {  	s28 =	smax.u32 s11, $0x1;
	s12 =	sadd.s32 s13, s12;
	[dreg:$0x6] =	wrdreg s25  }
0x10: {  	s3 =	sadd.s32 s13, s3;
	s13 =	sshll.u32 s5, $0xB;
	[dreg:$0x7] =	wrdreg s26  }
0x11: {  	s20 =	simm.s32 $0x4300;
	[dreg:$0x8] =	wrdreg s28;
	s12 =	sadd.s32 s14, s12  }
0x12: {  	s14 =	sadd.s32 s14, s3;
	s25 =	simm.s32 $0x200;
	s26 =	simm.s32 $0x280  }
.LBB2_1:
0x13: {  	s3 =	rddreg [dreg:$0x2]  }
0x14: {  	[tilespmem:s1], [sflag:$0x7] =	stream.linear.gather [hbm4b:s3+s1], $0x80, $0x38;
	[tilespmem:$0x18300] =	vst v63  }
0x15: {  	_ =	swait.ge [sflag:s17], $0x80  }
0x16: {  	[sflag:s17] =	ssyncset.done $0x0  }
0x17: {  	s10 =	rddreg [dreg:$0x3];
	[sflag:s17] =	ssyncadd.s32 $0xFFFFFF80  }
0x18: {  	[tilespmem:s18], [sflag:$0x7] =	stream.linear.gather [hbm4b:s10+s1], $0x80, $0x38;
	[tilespmem:$0x18300] =	vst v63  }
0x19: {  	_ =	swait.ge [sflag:s17], $0x80  }
0x1a: {  	[sflag:s17] =	ssyncset.done $0x0  }
0x1b: {  	[sflag:s17] =	ssyncadd.s32 $0xFFFFFF80  }
0x1c: {  	[tilespmem:s19], [sflag:$0x1] =	stream.indirect.gather [hbm4b:s2+s18], $0x80, s1, s18, $0xb8;
	[tilespmem:$0x18300] =	vst v63  }
0x1d: {  	_ = 	snop  }
0x1e: {  	[tilespmem:s20], [sflag:$0x2] =	stream.indirect.gather [hbm4b:s4+s18], $0x80, s18, s18, $0xb8;
	[tilespmem:$0x18300] =	vst v63  }
0x1f: {  	s5 =	simm.s32 $0x100;
	s11 =	rddreg [dreg:$0x4]  }
0x20: {  	[tilespmem:s5], [sflag:$0x7] =	stream.linear.gather [hbm4b:s11+s1], $0x80, $0x38;
	[tilespmem:$0x18300] =	vst v63  }
0x21: {  	_ =	swait.ge [sflag:s17], $0x80  }
0x22: {  	[sflag:s17] =	ssyncset.done $0x0  }
0x23: {  	s6 =	simm.s32 $0x180;
	s15 =	rddreg [dreg:$0x5];
	[sflag:s17] =	ssyncadd.s32 $0xFFFFFF80  }
0x24: {  	[tilespmem:s6], [sflag:$0x7] =	stream.linear.gather [hbm4b:s15+s1], $0x80, $0x38;
	[tilespmem:$0x18300] =	vst v63  }
0x25: {  	_ =	swait.ge [sflag:s17], $0x80  }
0x26: {  	[sflag:s17] =	ssyncset.done $0x0  }
0x27: {  	s16 =	simm.s32 $0x8300;
	[sflag:s17] =	ssyncadd.s32 $0xFFFFFF80  }
0x28: {  	[tilespmem:s16], [sflag:$0x3] =	stream.indirect.gather [hbm4b:s2+s18], $0x80, s5, s18, $0xb8;
	[tilespmem:$0x18300] =	vst v63  }
0x29: {  	s21 =	simm.s32 $0xC300  }
0x2a: {  	[tilespmem:s21], [sflag:$0x4] =	stream.indirect.gather [hbm4b:s4+s18], $0x80, s6, s18, $0xb8;
	[tilespmem:$0x18300] =	vst v63  }
0x2b: {  	s22 =	rddreg [dreg:$0x6]  }
0x2c: {  	[tilespmem:s25], [sflag:$0x7] =	stream.linear.gather [hbm4b:s22+s1], $0x80, $0x38;
	[tilespmem:$0x18300] =	vst v63  }
0x2d: {  	_ =	swait.ge [sflag:s17], $0x80  }
0x2e: {  	[sflag:s17] =	ssyncset.done $0x0  }
0x2f: {  	s23 =	rddreg [dreg:$0x7];
	[sflag:s17] =	ssyncadd.s32 $0xFFFFFF80  }
0x30: {  	[tilespmem:s26], [sflag:$0x7] =	stream.linear.gather [hbm4b:s23+s1], $0x80, $0x38;
	[tilespmem:$0x18300] =	vst v63  }
0x31: {  	_ =	swait.ge [sflag:s17], $0x80  }
0x32: {  	s24 =	simm.s32 $0x10300;
	[sflag:s17] =	ssyncset.done $0x0  }
0x33: {  	s29 =	simm.s32 $0x14300;
	s16 =	rddreg [dreg:$0xa];
	[sflag:s17] =	ssyncadd.s32 $0xFFFFFF80  }
0x34: {  	[tilespmem:s24], [sflag:$0x5] =	stream.indirect.gather [hbm4b:s2+s18], $0x80, s25, s18, $0xb8;
	[tilespmem:$0x18300] =	vst v63  }
0x35: {  	s28 =	simm.s32 $0x0;
	s15 =	rddreg [dreg:$0x9];
	s24 =	simm.s32 $0x0  }
0x36: {  	[tilespmem:s29], [sflag:$0x6] =	stream.indirect.gather [hbm4b:s4+s18], $0x80, s26, s18, $0xb8;
	[tilespmem:$0x18300] =	vst v63  }
.LBB2_2:
0x37: {  	_ =	swait.ge [sflag:s30], $0x4000  }
0x38: {  	[sflag:s30] =	ssyncset.done $0x0  }
0x39: {  	[sflag:s30] =	ssyncadd.s32 $0xFFFFC000  }
0x3a: {  	_ =	swait.ge [sflag:s31], $0x4000  }
0x3b: {  	[sflag:s31] =	ssyncset.done $0x0  }
0x3c: {  	s5 =	sadd.s32 s16, s13;
	[sflag:s31] =	ssyncadd.s32 $0xFFFFC000  }
0x3d: {  	[hbm4b:s5+s1] =	stream.linear.scatter [tilespmem:s19], [sflag:$0x7], $0x4000, $0x38;
	[tilespmem:$0x18300] =	vst v63  }
0x3e: {  	_ =	swait.ge [sflag:s17], $0x4000  }
0x3f: {  	[sflag:s17] =	ssyncset.done $0x0  }
0x40: {  	s29 =	sadd.s32 s15, s13;
	[sflag:s17] =	ssyncadd.s32 $0xFFFFC000  }
0x41: {  	[hbm4b:s29+s1] =	stream.linear.scatter [tilespmem:s20], [sflag:$0x7], $0x4000, $0x38;
	[tilespmem:$0x18300] =	vst v63  }
0x42: {  	p0 =	seq.s32 s24, $0x18600;
	_ =	swait.ge [sflag:s17], $0x4000  }
0x43: {  	s5 =	sadd.s32 @!p0 s24, s14;
	[sflag:s17] =	ssyncset.done $0x0  }
0x44: {  	s29 =	sadd.s32 @!p0 $0x600, s5;
	s5 =	simm.s32 @!p0 $0x0;
	[sflag:s17] =	ssyncadd.s32 $0xFFFFC000  }
0x45: {  	[tilespmem:s5], [sflag:$0x7] =	stream.linear.gather @!p0 [hbm4b:s29+s5], $0x80, $0x38;
	[tilespmem:$0x18300] =	vst v63  }
0x46: {  	s29 =	simm.s32 @!p0 $0x7  }
0x47: {  	_ =	swait.ge @!p0 [sflag:s29], $0x80  }
0x48: {  	s6 =	sadd.s32 @!p0 s24, s12;
	[sflag:s29] =	ssyncset.done @!p0 $0x0  }
0x49: {  	s7 =	simm.s32 @!p0 $0x80;
	s6 =	sadd.s32 @!p0 $0x600, s6;
	[sflag:s29] =	ssyncadd.s32 @!p0 $0xFFFFFF80  }
0x4a: {  	[tilespmem:s7], [sflag:$0x7] =	stream.linear.gather @!p0 [hbm4b:s6+s5], $0x80, $0x38;
	[tilespmem:$0x18300] =	vst v63  }
0x4b: {  	_ =	swait.ge @!p0 [sflag:s29], $0x80  }
0x4c: {  	[sflag:s29] =	ssyncset.done @!p0 $0x0  }
0x4d: {  	s6 =	simm.s32 @!p0 $0x300;
	[sflag:s29] =	ssyncadd.s32 @!p0 $0xFFFFFF80  }
0x4e: {  	[tilespmem:s6], [sflag:$0x1] =	stream.indirect.gather @!p0 [hbm4b:s2+s7], $0x80, s5, s7, $0xb8;
	[tilespmem:$0x18300] =	vst v63  }
0x4f: {  	s6 =	simm.s32 @!p0 $0x4300  }
0x50: {  	[tilespmem:s6], [sflag:$0x2] =	stream.indirect.gather @!p0 [hbm4b:s4+s7], $0x80, s7, s7, $0xb8;
	[tilespmem:$0x18300] =	vst v63  }
0x51: {  	s6 =	simm.s32 @!p0 $0x3  }
0x52: {  	_ =	swait.ge @!p0 [sflag:s6], $0x4000  }
0x53: {  	[sflag:s6] =	ssyncset.done @!p0 $0x0  }
0x54: {  	[sflag:s6] =	ssyncadd.s32 @!p0 $0xFFFFC000;
	s6 =	simm.s32 @!p0 $0x4  }
0x55: {  	_ =	swait.ge @!p0 [sflag:s6], $0x4000  }
0x56: {  	s7 =	sadd.s32 @!p0 s16, s13;
	[sflag:s6] =	ssyncset.done @!p0 $0x0  }
0x57: {  	s8 =	simm.s32 @!p0 $0x8300;
	[sflag:s6] =	ssyncadd.s32 @!p0 $0xFFFFC000;
	s6 =	sadd.s32 @!p0 $0x10000, s7  }
0x58: {  	[hbm4b:s6+s5] =	stream.linear.scatter @!p0 [tilespmem:s8], [sflag:$0x7], $0x4000, $0x38;
	[tilespmem:$0x18300] =	vst v63  }
0x59: {  	_ =	swait.ge @!p0 [sflag:s29], $0x4000  }
0x5a: {  	s9 =	simm.s32 @!p0 $0xC300;
	s6 =	sadd.s32 @!p0 s15, s13;
	[sflag:s29] =	ssyncset.done @!p0 $0x0  }
0x5b: {  	p1 =	sgt.u32 @!p0 s28, $0x3F;
	s8 =	sadd.s32 @!p0 $0x10000, s6;
	[sflag:s29] =	ssyncadd.s32 @!p0 $0xFFFFC000  }
0x5c: {  	[hbm4b:s8+s5] =	stream.linear.scatter @!p0 [tilespmem:s9], [sflag:$0x7], $0x4000, $0x38;
	[tilespmem:$0x18300] =	vst v63  }
0x5d: {  	p1 =	por p1, p0;
	_ =	swait.ge @!p0 [sflag:s29], $0x4000  }
0x5e: {  	s10 =	simm.s32 @!p1 $0x0;
	s8 =	sadd.s32 @!p1 s24, s14;
	[sflag:s29] =	ssyncset.done @!p0 $0x0  }
0x5f: {  	s11 =	simm.s32 @!p1 $0x100;
	s9 =	sadd.s32 @!p1 $0x800, s8;
	[sflag:s29] =	ssyncadd.s32 @!p0 $0xFFFFC000  }
0x60: {  	[tilespmem:s11], [sflag:$0x7] =	stream.linear.gather @!p1 [hbm4b:s9+s10], $0x80, $0x38;
	[tilespmem:$0x18300] =	vst v63  }
0x61: {  	s9 =	simm.s32 @!p1 $0x7  }
0x62: {  	_ =	swait.ge @!p1 [sflag:s9], $0x80  }
0x63: {  	s23 =	sadd.s32 @!p1 s24, s12;
	[sflag:s9] =	ssyncset.done @!p1 $0x0  }
0x64: {  	s3 =	simm.s32 @!p1 $0x180;
	s21 =	sadd.s32 @!p1 $0x800, s23;
	[sflag:s9] =	ssyncadd.s32 @!p1 $0xFFFFFF80  }
0x65: {  	[tilespmem:s3], [sflag:$0x7] =	stream.linear.gather @!p1 [hbm4b:s21+s10], $0x80, $0x38;
	[tilespmem:$0x18300] =	vst v63  }
0x66: {  	_ =	swait.ge @!p1 [sflag:s9], $0x80  }
0x67: {  	[sflag:s9] =	ssyncset.done @!p1 $0x0  }
0x68: {  	s22 =	simm.s32 @!p1 $0x8300;
	s21 =	simm.s32 @!p1 $0x80;
	[sflag:s9] =	ssyncadd.s32 @!p1 $0xFFFFFF80  }
0x69: {  	[tilespmem:s22], [sflag:$0x3] =	stream.indirect.gather @!p1 [hbm4b:s2+s21], $0x80, s11, s21, $0xb8;
	[tilespmem:$0x18300] =	vst v63  }
0x6a: {  	s11 =	simm.s32 @!p1 $0xC300  }
0x6b: {  	[tilespmem:s11], [sflag:$0x4] =	stream.indirect.gather @!p1 [hbm4b:s4+s21], $0x80, s3, s21, $0xb8;
	[tilespmem:$0x18300] =	vst v63  }
0x6c: {  	s3 =	simm.s32 @!p0 $0x5  }
0x6d: {  	_ =	swait.ge @!p0 [sflag:s3], $0x4000  }
0x6e: {  	[sflag:s3] =	ssyncset.done @!p0 $0x0  }
0x6f: {  	[sflag:s3] =	ssyncadd.s32 @!p0 $0xFFFFC000;
	s3 =	simm.s32 @!p0 $0x6  }
0x70: {  	_ =	swait.ge @!p0 [sflag:s3], $0x4000  }
0x71: {  	[sflag:s3] =	ssyncset.done @!p0 $0x0  }
0x72: {  	[sflag:s3] =	ssyncadd.s32 @!p0 $0xFFFFC000;
	s3 =	sadd.s32 @!p0 $0x20000, s7;
	s7 =	simm.s32 @!p0 $0x10300  }
0x73: {  	[hbm4b:s3+s5] =	stream.linear.scatter @!p0 [tilespmem:s7], [sflag:$0x7], $0x4000, $0x38;
	[tilespmem:$0x18300] =	vst v63  }
0x74: {  	_ =	swait.ge @!p0 [sflag:s29], $0x4000  }
0x75: {  	[sflag:s29] =	ssyncset.done @!p0 $0x0  }
0x76: {  	s3 =	sadd.s32 @!p0 $0x20000, s6;
	s6 =	simm.s32 @!p0 $0x14300;
	[sflag:s29] =	ssyncadd.s32 @!p0 $0xFFFFC000  }
0x77: {  	[hbm4b:s3+s5] =	stream.linear.scatter @!p0 [tilespmem:s6], [sflag:$0x7], $0x4000, $0x38;
	[tilespmem:$0x18300] =	vst v63  }
0x78: {  	_ =	swait.ge @!p0 [sflag:s29], $0x4000  }
0x79: {  	[sflag:s29] =	ssyncset.done @!p0 $0x0  }
0x7a: {  	s3 =	sadd.s32 @!p1 $0xA00, s8;
	s5 =	simm.s32 @!p1 $0x200;
	[sflag:s29] =	ssyncadd.s32 @!p0 $0xFFFFC000  }
0x7b: {  	[tilespmem:s5], [sflag:$0x7] =	stream.linear.gather @!p1 [hbm4b:s3+s10], $0x80, $0x38;
	[tilespmem:$0x18300] =	vst v63  }
0x7c: {  	_ =	swait.ge @!p1 [sflag:s9], $0x80  }
0x7d: {  	[sflag:s9] =	ssyncset.done @!p1 $0x0  }
0x7e: {  	s6 =	simm.s32 @!p1 $0x280;
	s3 =	sadd.s32 @!p1 $0xA00, s23;
	[sflag:s9] =	ssyncadd.s32 @!p1 $0xFFFFFF80  }
0x7f: {  	[tilespmem:s6], [sflag:$0x7] =	stream.linear.gather @!p1 [hbm4b:s3+s10], $0x80, $0x38;
	[tilespmem:$0x18300] =	vst v63  }
0x80: {  	_ =	swait.ge @!p1 [sflag:s9], $0x80  }
0x81: {  	[sflag:s9] =	ssyncset.done @!p1 $0x0  }
0x82: {  	s3 =	simm.s32 @!p1 $0x10300;
	[sflag:s9] =	ssyncadd.s32 @!p1 $0xFFFFFF80  }
0x83: {  	[tilespmem:s3], [sflag:$0x5] =	stream.indirect.gather @!p1 [hbm4b:s2+s21], $0x80, s5, s21, $0xb8;
	[tilespmem:$0x18300] =	vst v63  }
0x84: {  	s24 =	sadd.s32 @!p0 $0x600, s24;
	s3 =	simm.s32 @!p1 $0x14300  }
0x85: {  	[tilespmem:s3], [sflag:$0x6] =	stream.indirect.gather @!p1 [hbm4b:s4+s21], $0x80, s6, s21, $0xb8;
	[tilespmem:$0x18300] =	vst v63  }
0x86: {  	p1 =	sne.s32 @!p0 s24, $0x18C00  }
0x87: {  	p1 =	por p0, !p1  }
.Ltmp0:
0x88: {  	_ = 	snop;
	(pc) =	sbr.rel @!p1 .LBB2_2-.Ltmp0, $2  }
0x89: {  	_ =	sdelay $0x2  }
0x8a: {  	s28 =	sadd.s32 @!p0 $0x1, s28;
	s16 =	sadd.s32 @!p0 $0x30000, s16;
	s15 =	sadd.s32 @!p0 $0x30000, s15  }
0x8b: {  	s0 =	sadd.s32 $0x1, s0;
	s3 =	rddreg [dreg:$0x8]  }
0x8c: {  	p0 =	sne.s32 s0, s3  }
.Ltmp1:
0x8d: {  	_ = 	snop;
	(pc) =	sbr.rel @p0 .LBB2_1-.Ltmp1, $1  }
0x8e: {  	_ =	sdelay $0x3  }
0x8f: {  	_ =	sfence.sel $0x180000  }
0x90: {  	[bflag:$0x0] =	sbarrier.arrive $0xFFFF  }
0x91: {  	_ =	strace $0x90000050  }
0x92: {  	s0 =	stileid.u32;
	[bflag:$0x2] =	sbarrier.arrive $0xFFFF  }
0x93: {  	p0 =	sne.s32 s0, $0x0;
	s0 =	rddreg [dreg:$0x1]  }
0x94: {  	s0 =	sadd.s32 @!p0 $0x100000, s0  }
0x95: {  	[sflag:s0] =	ssyncadd.tile.s32 @!p0 $0x1;
	_ =	shalt  }
.Lfunc_end2:
_tile_overlayer_lowered:
.L_overlay_start_2:
0x96: {  	(tag) =	ssettag $0x2  }
0x97: {  	s0 =	rddreg [dreg:$0x0];
	s2 =	stileid.u32  }
0x98: {  	s1 =	rddreg [dreg:$0x1];
	p0 =	sne.s32 s2, $0x0  }
0x99: {  	s3 =	rddreg [dreg:$0x2];
	[bflag:$0x3] =	sbarrier.arrive $0xFFFF;
	s2 =	simm.s32 @!p0 $0x1C07  }
0x9a: {  	[timem:s3], [sflag:s2] =	dma.local @!p0 [hbm:s0], s1  }
0x9b: {  	s0 =	simm.s32 @!p0 $0x7  }
0x9c: {  	_ =	swait.ge @!p0 [sflag:s0], s1  }
0x9d: {  	s1 =	ssub.s32 @!p0 $0x0, s1;
	[sflag:s0] =	ssyncset.done @!p0 $0x0  }
0x9e: {  	[sflag:s0] =	ssyncadd.s32 @!p0 s1  }
0x9f: {  	[bflag:$0x3] =	sbarrier.arrive $0xFFFF  }
0xa0: {  	_ =	shalt  }

// kernel: scatter_offload_async_start.1
scs
__scs_entry_jumppad:
0x0: {  	(pc) =	sbr.rel $0x88, $3  }
0x1: {  	(tag) =	ssettag $0x0;
	lr =	simm.s32 $0x1  }
0x2: {  	[smem:$0x3F7A] =	sst lr;
	_ =	strace $0xD0000000  }
0x3: {  	_ = 	snop  }
0x4: {  	_ = 	snop  }
0x5: {  	_ = 	snop  }
0x6: {  	_ = 	snop  }
0x7: {  	_ = 	snop  }
__scs_overlays_trampoline_lowered:
0x8: {  	[smem:$0x3F89] =	sst s0  }
0x9: {  	[smem:$0x3F8A] =	sst s1  }
0xa: {  	[smem:$0x3F8B] =	sst s2  }
0xb: {  	[smem:$0x3F8C] =	sst s3  }
0xc: {  	[smem:$0x3F8D] =	sst s4  }
0xd: {  	[smem:$0x3F8E] =	sst s5  }
0xe: {  	[smem:$0x3F8F] =	sst s6  }
0xf: {  	[smem:$0x3F90] =	sst s7  }
0x10: {  	[smem:$0x3F91] =	sst s8  }
0x11: {  	[smem:$0x3F92] =	sst s9;
	s0 =	simm.s32 @!p0 $0x0  }
0x12: {  	s1 =	sld [smem:$0x3F78];
	s0 =	simm.s32 @p0 $0x1  }
0x13: {  	[smem:$0x3F93] =	sst s0;
	s0 =	simm.s32 @!p1 $0x0  }
0x14: {  	s2 =	sld [smem:$0x3F77];
	s0 =	simm.s32 @p1 $0x1  }
0x15: {  	[smem:$0x3F94] =	sst s0;
	s0 =	simm.s32 @!p2 $0x0  }
0x16: {  	s3 =	sld [smem:$0x3FDB];
	s0 =	simm.s32 @p2 $0x1  }
0x17: {  	s4 =	simm.s32 $0x1BF5;
	[smem:$0x3F96] =	sst s0  }
0x18: {  	s0 =	sld [smem:$0x3F79];
	_ =	swait.ge [sflag:s4], $0x0  }
0x19: {  	s7 =	sld [smem:$0x3F7A]  }
0x1a: {  	s8 =	sadd.s32 $0xFFFFE003, lr  }
0x1b: {  	s9 =	sadd.s32 $0xFFFFFEF7, lr;
	s5 =	simm.s32 $0xFFFFFFFF;
	p2 =	slt.u32 s8, $0xFFFFF086  }
0x1c: {  	p1 =	slt.u32 s9, $0xF7A;
	s5 =	simm.s32 @!p2 $0x0  }
0x1d: {  	s5 =	simm.s32 @p1 $0x1;
	p0 =	seq.s32 s7, s2  }
0x1e: {  	s7 =	smul.u32 @!p0 $0xF7A, s2;
	p2 =	seq.s32 @!p0 s5, $0x0  }
0x1f: {  	s9 =	smul.u32 $0xF7A, s1;
	s8 =	simm.s32 @!p0 $0x1BF5;
	p2 =	por !p2, p0  }
0x20: {  	[sflag:s8] =	ssyncset.s32 @!p0 $0xFFFFF086;
	s6 =	sadd.s32 @!p0 s3, s7;
	s7 =	simm.s32 @!p0 $0x108  }
0x21: {  	s3 =	sadd.s32 s3, s9;
	s6 =	sadd.s32 @!p0 $0x88, s6;
	s7 =	simm.s32 @p2 $0x1082  }
0x22: {  	[simem:s7], [sflag:s8] =	dma.local @!p0 [hbm:s6], $0xF7A  }
0x23: {  	s9 =	sor.u32 $0xD0000000, s2;
	s6 =	simm.s32 $0x108;
	_ =	swait.ge @!p0 [sflag:s8], $0x0  }
0x24: {  	s3 =	sadd.s32 $0x88, s3;
	s6 =	simm.s32 @!p1 $0x1082;
	[sflag:s4] =	ssyncset.s32 $0xFFFFF086  }
0x25: {  	[simem:s6], [sflag:s4] =	dma.local [hbm:s3], $0xF7A  }
0x26: {  	[smem:$0x3F7A] =	sst s1;
	(tag) =	ssettag s2;
	_ =	strace s9  }
0x27: {  	s1 =	sld [smem:$0x3F8A]  }
0x28: {  	s2 =	sld [smem:$0x3F8B]  }
0x29: {  	s4 =	sld [smem:$0x3F8D]  }
0x2a: {  	p0 =	seq.s32 s5, $0x0;
	s5 =	sld [smem:$0x3F8E]  }
0x2b: {  	s6 =	sld [smem:$0x3F8F]  }
0x2c: {  	s7 =	sld [smem:$0x3F90]  }
0x2d: {  	s3 =	simm.s32 $0x108;
	s8 =	sld [smem:$0x3F91]  }
0x2e: {  	s3 =	simm.s32 @!p0 $0x1082;
	s9 =	sld [smem:$0x3F92]  }
0x2f: {  	lr =	sadd.s32 s0, s3;
	s0 =	sld [smem:$0x3F89]  }
0x30: {  	s3 =	sld [smem:$0x3F8C]  }
0x31: {  	[smem:$0x3F95] =	sst s10  }
0x32: {  	s10 =	sld [smem:$0x3F93];
	_ =	sdelay $0x3  }
0x33: {  	p0 =	seq.s32 s10, $0x1;
	s10 =	sld [smem:$0x3F95];
	_ =	sdelay $0x3  }
0x34: {  	[smem:$0x3F95] =	sst s10  }
0x35: {  	s10 =	sld [smem:$0x3F94];
	_ =	sdelay $0x3  }
0x36: {  	p1 =	seq.s32 s10, $0x1;
	s10 =	sld [smem:$0x3F95];
	_ =	sdelay $0x3  }
0x37: {  	[smem:$0x3F95] =	sst s10  }
0x38: {  	s10 =	sld [smem:$0x3F96]  }
0x39: {  	_ = 	snop;
	(pc) =	sbr.ind lr, $3  }
0x3a: {  	_ = 	snop  }
0x3b: {  	_ = 	snop  }
0x3c: {  	p2 =	seq.s32 s10, $0x1;
	s10 =	sld [smem:$0x3F95]  }
0x3d: {  	_ =	shalt  }
0x3e: {  	_ =	shalt  }
0x3f: {  	_ =	shalt  }
0x40: {  	_ =	shalt  }
0x41: {  	_ =	shalt  }
0x42: {  	_ =	shalt  }
0x43: {  	_ =	shalt  }
0x44: {  	_ =	shalt  }
0x45: {  	_ =	shalt  }
0x46: {  	_ =	shalt  }
0x47: {  	_ =	shalt  }
0x48: {  	_ =	shalt  }
0x49: {  	_ =	shalt  }
0x4a: {  	_ =	shalt  }
0x4b: {  	_ =	shalt  }
0x4c: {  	_ =	shalt  }
0x4d: {  	_ =	shalt  }
0x4e: {  	_ =	shalt  }
0x4f: {  	_ =	shalt  }
0x50: {  	_ =	shalt  }
0x51: {  	_ =	shalt  }
0x52: {  	_ =	shalt  }
0x53: {  	_ =	shalt  }
0x54: {  	_ =	shalt  }
0x55: {  	_ =	shalt  }
0x56: {  	_ =	shalt  }
0x57: {  	_ =	shalt  }
0x58: {  	_ =	shalt  }
0x59: {  	_ =	shalt  }
0x5a: {  	_ =	shalt  }
0x5b: {  	_ =	shalt  }
0x5c: {  	_ =	shalt  }
0x5d: {  	_ =	shalt  }
0x5e: {  	_ =	shalt  }
0x5f: {  	_ =	shalt  }
0x60: {  	_ =	shalt  }
0x61: {  	_ =	shalt  }
0x62: {  	_ =	shalt  }
0x63: {  	_ =	shalt  }
0x64: {  	_ =	shalt  }
0x65: {  	_ =	shalt  }
0x66: {  	_ =	shalt  }
0x67: {  	_ =	shalt  }
0x68: {  	_ =	shalt  }
0x69: {  	_ =	shalt  }
0x6a: {  	_ =	shalt  }
0x6b: {  	_ =	shalt  }
0x6c: {  	_ =	shalt  }
0x6d: {  	_ =	shalt  }
0x6e: {  	_ =	shalt  }
0x6f: {  	_ =	shalt  }
0x70: {  	_ =	shalt  }
0x71: {  	_ =	shalt  }
0x72: {  	_ =	shalt  }
0x73: {  	_ =	shalt  }
0x74: {  	_ =	shalt  }
0x75: {  	_ =	shalt  }
0x76: {  	_ =	shalt  }
0x77: {  	_ =	shalt  }
0x78: {  	_ =	shalt  }
0x79: {  	_ =	shalt  }
0x7a: {  	_ =	shalt  }
0x7b: {  	_ =	shalt  }
0x7c: {  	_ =	shalt  }
0x7d: {  	_ =	shalt  }
0x7e: {  	_ =	shalt  }
0x7f: {  	_ =	shalt  }
0x80: {  	_ =	shalt  }
0x81: {  	_ =	shalt  }
0x82: {  	_ =	shalt  }
0x83: {  	_ =	shalt  }
0x84: {  	_ =	shalt  }
0x85: {  	_ =	shalt  }
0x86: {  	_ =	shalt  }
0x87: {  	_ =	shalt  }
.Lfunc_end0:
.L_simem_size_0:
called_computation.1_lowered:
.L_overlay_start_0:
0x88: {  	s2 =	sld [smem:$0x3FD9]  }
0x89: {  	s3 =	sld [smem:$0x3FFE];
	_ =	sdelay $0x1  }
0x8a: {  	s1 =	srdreg.scid  }
0x8b: {  	s0 =	sand.u32 $0x1, s1  }
0x8c: {  	s15 =	sshll.u32 s0, $0xA;
	s2 =	sadd.s32 s3, s2  }
0x8d: {  	s2 =	sadd.s32 s2, s15  }
0x8e: {  	[smem:$0x3FA1] =	sst s2  }
0x8f: {  	_ = 	snop  }
0x90: {  	(tm) =	ssettm $0x1  }
0x91: {  	s16 =	sld [smem:$0x3FFB];
	_ =	sdelay $0x3  }
0x92: {  	_ =	strace s16  }
0x93: {  	s2 =	sld [smem:$0x3FFC];
	_ =	sdelay $0x3  }
0x94: {  	_ =	strace s2  }
0x95: {  	s2 =	sld [smem:$0x3FFD];
	_ =	sdelay $0x3  }
0x96: {  	_ =	strace s2  }
0x97: {  	_ =	strace $0x8FFFFFFF  }
0x98: {  	s17 =	sld [smem:$0x3FDB];
	_ =	sdelay $0x1  }
0x99: {  	s18 =	simm.s32 $_scs_section_size  }
0x9a: {  	s4 =	simm.s32 $_size__tile_overlayer_lowered;
	s5 =	simm.s32 $_tile_overlayer_lowered  }
0x9b: {  	s21 =	simm.s32 $0x1BFF;
	s20 =	sshll.u32 s5, $0x1;
	s2 =	sadd.s32 s18, s17  }
0x9c: {  	s6 =	simm.s32 $0x0;
	s19 =	sshll.u32 s4, $0x1;
	s4 =	sadd.s32 s20, s2  }
0x9d: {  	[timem:s6], [sflag:s21] =	dma.local [hbm:s4], s19  }
0x9e: {  	_ =	swait.ge [sflag:s21], s19  }
0x9f: {  	s3 =	ssub.s32 $0x0, s19;
	[sflag:s21] =	ssyncset.done $0x0  }
0xa0: {  	[sflag:s21] =	ssyncadd.s32 s3;
	_ =	sdelay $0x1  }
0xa1: {  	s22 =	simm.s32 $0x1B8B  }
0xa2: {  	_ =	swait.ge [sflag:s22], $0x1  }
0xa3: {  	[sflag:s22] =	ssyncset.done $0x0  }
0xa4: {  	s23 =	sld [smem:$0x3FFE];
	[sflag:s22] =	ssyncadd.s32 $0xFFFFFFFF  }
0xa5: {  	s25 =	simm.s32 $0x1B8E;
	s24 =	sld [smem:$0x0]  }
0xa6: {  	s26 =	simm.s32 $execute0_lowered;
	[smem:$0x3FD2] =	sst s25  }
0xa7: {  	s5 =	sshll.u32 s26, $0x1;
	_ =	strace $0x80000049;
	[dreg:$0x1] =	wrdreg $0xFFFFFFFF  }
0xa8: {  	s28 =	simm.s32 $_size_execute0_lowered;
	s2 =	sadd.s32 s2, s5;
	[dreg:$0x0] =	wrdreg $0x0  }
0xa9: {  	s5 =	sshll.u32 s28, $0x1;
	[dreg:$0x2] =	wrdreg s2  }
0xaa: {  	[dreg:$0x3] =	wrdreg s5  }
0xab: {  	[dreg:$0x4] =	wrdreg $0xC0  }
0xac: {  	_ =	task [dreg:s6], $0x5FFFF  }
0xad: {  	[dreg:$0x1] =	wrdreg $0xFFFFFFFF  }
0xae: {  	[dreg:$0x0] =	wrdreg $0x60  }
0xaf: {  	[dreg:$0x2] =	wrdreg s23  }
0xb0: {  	[dreg:$0x3] =	wrdreg s1  }
0xb1: {  	[dreg:$0x4] =	wrdreg s24  }
0xb2: {  	[dreg:$0x5] =	wrdreg $0xA  }
0xb3: {  	_ =	task.clear_ibuf [dreg:s6], $0x6FFFF;
	_ =	strace $0x90000049  }
0xb4: {  	s29 =	simm.s32 $0xA;
	_ =	strace $0x8000004B  }
0xb5: {  	_ =	swait.ge [sflag:s29], $0x1  }
0xb6: {  	[sflag:s29] =	ssyncadd.s32 $0xFFFFFFFF  }
0xb7: {  	_ =	strace $0x9000004B  }
0xb8: {  	_ =	sfence  }
0xb9: {  	s30 =	sld [smem:$0x0];
	_ =	sdelay $0x2  }
0xba: {  	s31 =	sshll.u32 s1, $0xD;
	s1 =	sshrl.u32 s1, $0x2  }
0xbb: {  	s3 =	sand.u32 $0x4000, s31;
	s1 =	sadd.s32 s1, s30  }
0xbc: {  	s0 =	sor.u32 s3, s0;
	s1 =	sshll.u32 s1, $0x11  }
0xbd: {  	s0 =	sor.u32 s1, s0  }
0xbe: {  	s0 =	sadd.s32 $0x8F2B, s0  }
0xbf: {  	[sflag:s0] =	ssyncadd.remote.s32 $0x1  }
0xc0: {  	_ =	sfence.sel $0xFFFF  }
0xc1: {  	[dreg:$0x0] =	wrdreg $0xFFFFFFFF;
	(pc) =	sbr.abs _section_cstart, $3  }
0xc2: {  	[dreg:$0x1] =	wrdreg $0xFFFFFFFF  }
0xc3: {  	_ =	task.clear_ibuf [dreg:s6], $0x2FFFF;
	_ =	strace $0x9FFFFFFF  }
0xc4: {  	(tm) =	ssettm $0x7FFFFFFF  }
0xc5: {  	_ =	shalt  }
tec
execute0_lowered:
.L_overlay_start_1:
0x0: {  	(tag) =	ssettag $0x1  }
0x1: {  	s2 =	rddreg [dreg:$0x0]  }
0x2: {  	s4 =	rddreg [dreg:$0x1];
	_ =	strace $0x8000004A;
	s0 =	simm.s32 $0x1  }
0x3: {  	s3 =	simm.s32 $0x88;
	v0 =	vimm.s32 $0x0;
	[sflag:s0] =	ssyncpa.u1 $0x0  }
0x4: {  	[tilespmem:s3+$0x30] =	vst v0  }
0x5: {  	s1 =	sadd.s32 $0xD0600, s2;
	s0 =	sadd.s32 $0x7AA00, s2;
	s6 =	sadd.s32 $0x14E8400, s2;
	[tilespmem:s3+$0x20] =	vst v0  }
0x6: {  	s2 =	sadd.s32 $0x93200, s2;
	s7 =	sand.u32 $0x1, s4;
	s4 =	simm.s32 $0x40;
	[tilespmem:s3+$0x10] =	vst v0  }
.LBB2_1:
0x7: {  	s4 =	sadd.s32 $0x40, s4  }
0x8: {  	[tilespmem:s3+$0x0] =	vst v0;
	s3 =	sadd.s32 $0x40, s3;
	p0 =	slt.u32 s4, $0x5040  }
.Ltmp0:
0x9: {  	(pc) =	sbr.rel @p0 .LBB2_1-.Ltmp0, $4  }
0xa: {  	_ = 	snop  }
0xb: {  	[tilespmem:s3+$0x30] =	vst v0  }
0xc: {  	[tilespmem:s3+$0x20] =	vst v0  }
0xd: {  	[tilespmem:s3+$0x10] =	vst v0  }
0xe: {  	s8 =	stileid.u32  }
0xf: {  	s4 =	smul.u32 $0x4E, s8  }
0x10: {  	s5 =	smin.u32 s8, $0x2  }
0x11: {  	s4 =	sadd.s32 s5, s4  }
0x12: {  	p0 =	slt.u32 s8, $0x2;
	s12 =	smul.u32 $0x140, s4;
	s4 =	simm.s32 $0x62C0  }
0x13: {  	s4 =	simm.s32 @!p0 $0x6180  }
0x14: {  	s25 =	simm.s32 $0x2;
	s4 =	sadd.s32 s4, s12  }
0x15: {  	s28 =	simm.s32 $0x9;
	s9 =	simm.s32 $0xA;
	s14 =	smin.u32 s4, $0x61A80  }
0x16: {  	s30 =	simm.s32 $0xB;
	[dreg:$0x4] =	wrdreg s7;
	s4 =	ssub.s32 s14, s12  }
0x17: {  	s31 =	smul.u32 $0xC350, s7;
	s13 =	simm.s32 $0x1;
	p0 =	sgt.s32 s4, $0x0  }
0x18: {  	s19 =	simm.s32 $0x0;
	s20 =	simm.s32 $0xA808;
	s4 =	simm.s32 @!p0 $0x0  }
0x19: {  	s21 =	simm.s32 $0xFFFFFFFF;
	p1 =	por $0x0, $0x0;
	s26 =	smulhi.u32 $0x66666667, s4  }
0x1a: {  	[tilespmem:s3+$0x0] =	vst v0;
	s23 =	simm.s32 $0x0;
	[sflag:s25] =	ssyncpa.u1 $0x0;
	s18 =	sshll.u32 s8, $0x7  }
0x1b: {  	s0 =	sadd.s32 s31, s0;
	[dreg:$0xa] =	wrdreg s18;
	s3 =	sshrl.u32 s26, $0x7  }
0x1c: {  	v0 =	vimm.s32 $0xFFFFFFFF;
	s17 =	sadd.s32 s31, s2;
	[dreg:$0x9] =	wrdreg s0;
	s29 =	smul.u32 $0x140, s3  }
0x1d: {  	s25 =	simm.s32 $0x0;
	[tilespmem:$0xA108] =	vst v0;
	[sflag:s28] =	ssyncpa.u1 $0x0;
	[dreg:$0x8] =	wrdreg s17  }
.Ltmp1:
0x1e: {  	p0 =	sne.s32 s4, s29;
	s4 =	simm.s32 $0x1;
	(pc) =	sbr.rel .LBB2_3-.Ltmp1, $4  }
0x1f: {  	[sflag:s9] =	ssyncpa.u1 $0x0;
	[dreg:$0x5] =	wrdreg s12;
	s4 =	simm.s32 @!p0 $0x0  }
0x20: {  	[sflag:s30] =	ssyncpa.u1 $0x0;
	[dreg:$0x6] =	wrdreg s14;
	s15 =	sadd.s32 s4, s3  }
0x21: {  	s24 =	smov.u32 s12;
	s22 =	sadd.s32 $0x1, s15;
	[dreg:$0x7] =	wrdreg s15  }
0x22: {  	v0 =	vlaneseq.u32;
	s26 =	simm.s32 $0x0;
	p0 =	por $0x1, $0x1;
	[dreg:$0xb] =	wrdreg s22  }
.LBB2_22:
0x23: {  	s0 =	sshrl.u32 s3, $0x2  }
.LBB2_24:
0x24: {  	s3 =	simm.s32 $0xC  }
0x25: {  	_ =	swait.ge [sflag:s3], s0  }
0x26: {  	s31 =	ssub.s32 $0x0, s0;
	v1 =	vmov s4;
	vm0 =	veq.s32 v0, $0x0;
	[sflag:s3] =	ssyncset.done $0x0  }
0x27: {  	vm15 =	veq.s32 v0, $0x2;
	v1 =	vsel vm0, s2, v1;
	[sflag:s3] =	ssyncadd.s32 s31  }
0x28: {  	v1 =	vsel vm15, s26, v1;
	[sflag:s3] =	ssyncpa.u1 $0x1  }
0x29: {  	[tilespmem:$0xA108] =	vst v1  }
.LBB2_25:
0x2a: {  	s0 =	sadd.s32 $0x140, s24  }
0x2b: {  	s2 =	smov.u32 s12;
	p2 =	slt.s32 s0, s14  }
0x2c: {  	s2 =	smov.u32 @p2 s0;
	p2 =	sne.s32 s25, s22  }
.Ltmp2:
0x2d: {  	_ = 	snop;
	(pc) =	sbr.rel @!p2 .LBB2_26-.Ltmp2, $4  }
0x2e: {  	_ = 	snop  }
0x2f: {  	s26 =	smov.u32 s23;
	s31 =	sadd.s32 $0x1, s25;
	p0 =	por !p0, !p0  }
0x30: {  	s23 =	smov.u32 s24;
	s20 =	sadd.s32 $0x140, s20;
	s21 =	sadd.s32 $0x1, s21  }
0x31: {  	p1 =	por !p1, !p1;
	s25 =	smov.u32 s31;
	s24 =	smov.u32 s2  }
.LBB2_3:
0x32: {  	p2 =	sge.u32 s25, s15  }
0x33: {  	s0 =	smulhi.u32 @!p2 $0xAAAAAAAB, s25  }
0x34: {  	s2 =	smov.u32 s24;
	p3 =	sgt.s32 @!p2 s24, $0x61940  }
0x35: {  	s3 =	sshra.s32 @!p2 s24, $0x1F;
	p3 =	por !p3, p2;
	s0 =	sshrl.u32 @!p2 s0, $0x1  }
0x36: {  	s3 =	sand.u32 @!p2 s3, s24;
	s2 =	simm.s32 @p3 $0x61940;
	s0 =	smul.u32 @!p2 $0x3, s0  }
0x37: {  	s2 =	ssub.s32 @!p2 s2, s3  }
0x38: {  	s2 =	sadd.s32 @!p2 $0xFFF9E6C0, s2;
	s0 =	ssub.s32 @!p2 s25, s0  }
0x39: {  	s3 =	sshll.u32 @!p2 s2, $0x2;
	p3 =	sgt.s32 @!p2 s2, $0x13F;
	s0 =	smul.u32 @!p2 $0x500, s0  }
0x3a: {  	s4 =	sand.u32 @!p2 $0x7, s24;
	s2 =	ssub.s32 @!p2 $0x500, s3;
	p3 =	por !p3, p2  }
0x3b: {  	s3 =	sshrl.u32 @!p2 s24, $0x3;
	s2 =	sshrl.u32 @!p2 s2, $0x2;
	s0 =	sshrl.u32 @!p2 s0, $0x2  }
0x3c: {  	s3 =	sadd.s32 @!p2 s3, s17;
	s2 =	simm.s32 @!p3 $0x0;
	s0 =	sadd.s32 @!p2 $0xA948, s0  }
0x3d: {  	[tilespmem:s0], [sflag:$0xA] =	stream.linear.gather @!p2 [hbm4b:s3+s4], s2, $0x38;
	[tilespmem:$0x1EF88] =	vst v63  }
0x3e: {  	s0 =	sadd.s32 $0xFFFFFFFF, s25  }
0x3f: {  	p2 =	sge.u32 s0, s15  }
.Ltmp3:
0x40: {  	_ = 	snop;
	(pc) =	sbr.rel @p2 .LBB2_7-.Ltmp3, $1  }
0x41: {  	_ =	sdelay $0x3  }
0x42: {  	p2 =	sgt.s32 s23, $0x61940;
	s2 =	smov.u32 s23;
	s3 =	sshra.s32 s23, $0x1F  }
0x43: {  	s2 =	simm.s32 @!p2 $0x61940;
	s3 =	sand.u32 s3, s23  }
0x44: {  	s17 =	smulhi.u32 $0xAAAAAAAB, s21;
	s2 =	ssub.s32 s2, s3  }
0x45: {  	s0 =	sand.u32 $0x1, s0;
	s2 =	sadd.s32 $0xFFF9E6C0, s2  }
0x46: {  	s5 =	simm.s32 $0xA;
	s3 =	sshrl.u32 s17, $0x1;
	s4 =	sshll.u32 s2, $0x2  }
0x47: {  	s7 =	sshrl.u32 s23, $0x3;
	s3 =	smul.u32 $0xFFFFF100, s3;
	s4 =	ssub.s32 $0x500, s4  }
0x48: {  	s18 =	smul.u32 $0x500, s0;
	p2 =	sgt.s32 s2, $0x13F;
	s2 =	sshrl.u32 s4, $0x2  }
0x49: {  	s9 =	sand.u32 $0x7, s23;
	s3 =	sshra.s32 s3, $0x2;
	s2 =	simm.s32 @p2 $0x0  }
0x4a: {  	s0 =	sadd.s32 s3, s20;
	s4 =	sshrl.u32 s18, $0x2;
	_ =	swait.ge [sflag:s5], s2  }
0x4b: {  	s22 =	ssub.s32 $0x0, s2;
	[sflag:s5] =	ssyncset.done $0x0;
	s8 =	rddreg [dreg:$0x9]  }
0x4c: {  	s4 =	sadd.s32 $0xAD08, s4;
	[sflag:s5] =	ssyncadd.s32 s22;
	s3 =	sadd.s32 s7, s8  }
0x4d: {  	[tilespmem:s4], [sflag:$0xB] =	stream.linear.gather [hbm4b:s3+s9], s2, $0x38;
	[tilespmem:$0x1EF88] =	vst v63  }
0x4e: {  	v1 =	vld.msk [tilespmem:s0+$0x0], $0xffff;
	_ =	sdelay $0x4  }
0x4f: {  	v1 =	vshll.u32 v1, $0x4  }
0x50: {  	(v2sf) =	vpush v1, $0x0  }
0x51: {  	(v2sf) =	vpush v1, $0x1  }
0x52: {  	(v2sf) =	vpush v1, $0x2;
	_ =	sdelay $0x3  }
0x53: {  	(v2sf) =	vpush v1, $0x3;
	_ =	sdelay $0x1  }
0x54: {  	(v2sf) =	vpush v1, $0x4  }
0x55: {  	s2 =	simm.s32 $0x1;
	(v2sf) =	vpush v1, $0x5  }
0x56: {  	s2 =	simm.s32 @!p0 $0x0  }
0x57: {  	s2 =	smul.u32 $0x28000, s2;
	(v2sf) =	vpush v1, $0x6;
	_ =	sdelay $0x1  }
0x58: {  	s2 =	sshrl.u32 s2, $0x2  }
0x59: {  	s28 =	sadd.s32 $0xB708, s2  }
0x5a: {  	s12 =	sadd.s32 $0xFFFFF880, s28;
	s17 =	sadd.s32 $0xFFFFF900, s28;
	s10 =	spop (v2sf);
	(v2sf) =	vpush v1, $0x7  }
0x5b: {  	s18 =	sadd.s32 $0xFFFFF980, s28;
	s11 =	sand.u32 $0x1FFFFFF0, s10;
	s14 =	spop (v2sf)  }
0x5c: {  	(v2sf) =	vpush v1, $0x8;
	s2 =	sadd.s32 s6, s11;
	s15 =	sand.u32 $0x1FFFFFF0, s14;
	s16 =	spop (v2sf)  }
0x5d: {  	[tilespmem:s12], [sflag:$0x9] =	stream.linear.gather [hbm4b:s2+s19], $0x40, $0x38;
	[tilespmem:$0x1EF88] =	vst v63  }
0x5e: {  	s5 =	sadd.s32 $0xFFFFFA00, s28;
	s2 =	sadd.s32 s6, s15;
	s3 =	sand.u32 $0x1FFFFFF0, s16  }
0x5f: {  	(v2sf) =	vpush v1, $0x9;
	[tilespmem:s17], [sflag:$0x9] =	stream.linear.gather [hbm4b:s2+s19], $0x40, $0x38;
	[tilespmem:$0x1EF88] =	vst v63  }
0x60: {  	s7 =	sadd.s32 $0xFFFFFA80, s28;
	s22 =	spop (v2sf);
	s3 =	sadd.s32 s6, s3  }
0x61: {  	(v2sf) =	vpush v1, $0xA;
	[tilespmem:s18], [sflag:$0x9] =	stream.linear.gather [hbm4b:s3+s19], $0x40, $0x38;
	[tilespmem:$0x1EF88] =	vst v63  }
0x62: {  	s11 =	sadd.s32 $0xFFFFFB00, s28;
	s4 =	spop (v2sf);
	(v2sf) =	vpush v1, $0xB;
	s3 =	sand.u32 $0x1FFFFFF0, s22  }
0x63: {  	s8 =	spop (v2sf);
	s2 =	sadd.s32 s6, s3;
	s3 =	sand.u32 $0x1FFFFFF0, s4  }
0x64: {  	(v2sf) =	vpush v1, $0xC;
	[tilespmem:s5], [sflag:$0x9] =	stream.linear.gather [hbm4b:s2+s19], $0x40, $0x38;
	[tilespmem:$0x1EF88] =	vst v63  }
0x65: {  	s9 =	sand.u32 $0x1FFFFFF0, s8;
	s10 =	spop (v2sf);
	s3 =	sadd.s32 s6, s3  }
0x66: {  	(v2sf) =	vpush v1, $0xD;
	[tilespmem:s7], [sflag:$0x9] =	stream.linear.gather [hbm4b:s3+s19], $0x40, $0x38;
	[tilespmem:$0x1EF88] =	vst v63  }
0x67: {  	s12 =	sadd.s32 $0xFFFFFB80, s28;
	s2 =	sadd.s32 s6, s9;
	s3 =	sand.u32 $0x1FFFFFF0, s10  }
0x68: {  	[tilespmem:s11], [sflag:$0x9] =	stream.linear.gather [hbm4b:s2+s19], $0x40, $0x38;
	[tilespmem:$0x1EF88] =	vst v63  }
0x69: {  	s17 =	sadd.s32 $0xFFFFFC00, s28;
	s3 =	sadd.s32 s6, s3;
	s14 =	spop (v2sf)  }
0x6a: {  	[tilespmem:s12], [sflag:$0x9] =	stream.linear.gather [hbm4b:s3+s19], $0x40, $0x38;
	(v2sf) =	vpush v1, $0xE;
	[tilespmem:$0x1EF88] =	vst v63  }
0x6b: {  	s18 =	sadd.s32 $0xFFFFFC80, s28;
	s15 =	sand.u32 $0x1FFFFFF0, s14;
	s16 =	spop (v2sf)  }
0x6c: {  	s5 =	sadd.s32 $0xFFFFFD00, s28;
	(v2sf) =	vpush v1, $0xF;
	s2 =	sadd.s32 s6, s15;
	s3 =	sand.u32 $0x1FFFFFF0, s16  }
0x6d: {  	[tilespmem:s17], [sflag:$0x9] =	stream.linear.gather [hbm4b:s2+s19], $0x40, $0x38;
	[tilespmem:$0x1EF88] =	vst v63  }
0x6e: {  	s7 =	sadd.s32 $0xFFFFFD80, s28;
	s22 =	spop (v2sf);
	s3 =	sadd.s32 s6, s3  }
0x6f: {  	[tilespmem:s18], [sflag:$0x9] =	stream.linear.gather [hbm4b:s3+s19], $0x40, $0x38;
	[tilespmem:$0x1EF88] =	vst v63  }
0x70: {  	s11 =	sadd.s32 $0xFFFFFE00, s28;
	s4 =	spop (v2sf);
	s3 =	sand.u32 $0x1FFFFFF0, s22  }
0x71: {  	s8 =	spop (v2sf);
	s2 =	sadd.s32 s6, s3;
	s3 =	sand.u32 $0x1FFFFFF0, s4  }
0x72: {  	[tilespmem:s5], [sflag:$0x9] =	stream.linear.gather [hbm4b:s2+s19], $0x40, $0x38;
	[tilespmem:$0x1EF88] =	vst v63  }
0x73: {  	s9 =	sand.u32 $0x1FFFFFF0, s8;
	s10 =	spop (v2sf);
	s3 =	sadd.s32 s6, s3  }
0x74: {  	[tilespmem:s7], [sflag:$0x9] =	stream.linear.gather [hbm4b:s3+s19], $0x40, $0x38;
	[tilespmem:$0x1EF88] =	vst v63  }
0x75: {  	s14 =	spop (v2sf);
	s2 =	sadd.s32 s6, s9;
	s3 =	sand.u32 $0x1FFFFFF0, s10  }
0x76: {  	[tilespmem:s11], [sflag:$0x9] =	stream.linear.gather [hbm4b:s2+s19], $0x40, $0x38;
	[tilespmem:$0x1EF88] =	vst v63  }
0x77: {  	s12 =	sadd.s32 $0xFFFFFE80, s28;
	s15 =	sand.u32 $0x1FFFFFF0, s14;
	s3 =	sadd.s32 s6, s3  }
0x78: {  	[tilespmem:s12], [sflag:$0x9] =	stream.linear.gather [hbm4b:s3+s19], $0x40, $0x38;
	[tilespmem:$0x1EF88] =	vst v63  }
0x79: {  	s17 =	sadd.s32 $0xFFFFFF00, s28;
	s2 =	sadd.s32 s6, s15;
	s16 =	spop (v2sf)  }
0x7a: {  	[tilespmem:s17], [sflag:$0x9] =	stream.linear.gather [hbm4b:s2+s19], $0x40, $0x38;
	[tilespmem:$0x1EF88] =	vst v63  }
0x7b: {  	s29 =	simm.s32 $0x0;
	s3 =	sand.u32 $0x1FFFFFF0, s16;
	s18 =	spop (v2sf)  }
0x7c: {  	s22 =	sadd.s32 $0xFFFFFF80, s28;
	s3 =	sadd.s32 s6, s3;
	s2 =	sand.u32 $0x1FFFFFF0, s18  }
0x7d: {  	[tilespmem:s22], [sflag:$0x9] =	stream.linear.gather [hbm4b:s3+s19], $0x40, $0x38;
	[tilespmem:$0x1EF88] =	vst v63  }
0x7e: {  	s31 =	sadd.s32 $0x10, s0;
	s30 =	sadd.s32 $0x800, s28;
	s2 =	sadd.s32 s6, s2  }
.LBB2_5:
0x7f: {  	[tilespmem:s28], [sflag:$0x9] =	stream.linear.gather [hbm4b:s2+s19], $0x40, $0x38;
	[tilespmem:$0x1EF88] =	vst v63  }
0x80: {  	s29 =	sadd.s32 $0x10, s29;
	s28 =	smov.u32 s30  }
0x81: {  	p2 =	slt.u32 s29, $0x130;
	v1 =	vld.msk [tilespmem:s31+$0x0], $0xffff;
	_ =	sdelay $0x4  }
0x82: {  	v1 =	vshll.u32 v1, $0x4  }
0x83: {  	(v2sf) =	vpush v1, $0x0  }
0x84: {  	(v2sf) =	vpush v1, $0x1  }
0x85: {  	(v2sf) =	vpush v1, $0x2;
	_ =	sdelay $0x1  }
0x86: {  	(v2sf) =	vpush v1, $0x3;
	_ =	sdelay $0x1  }
0x87: {  	(v2sf) =	vpush v1, $0x4;
	_ =	sdelay $0x1  }
0x88: {  	(v2sf) =	vpush v1, $0x5;
	_ =	sdelay $0x1  }
0x89: {  	(v2sf) =	vpush v1, $0x6  }
0x8a: {  	s4 =	sadd.s32 $0xFFFFFE80, s30;
	s0 =	sadd.s32 $0xFFFFFF00, s30  }
0x8b: {  	s3 =	sadd.s32 $0xFFFFFD00, s30;
	s2 =	sadd.s32 $0xFFFFFD80, s30;
	s5 =	sadd.s32 $0xFFFFFE00, s30;
	(v2sf) =	vpush v1, $0x7  }
0x8c: {  	s10 =	sadd.s32 $0xFFFFFB80, s30;
	s9 =	sadd.s32 $0xFFFFFC00, s30;
	s16 =	sadd.s32 $0xFFFFFC80, s30  }
0x8d: {  	s11 =	sadd.s32 $0xFFFFFA00, s30;
	s12 =	sadd.s32 $0xFFFFFA80, s30;
	s15 =	sadd.s32 $0xFFFFFB00, s30;
	(v2sf) =	vpush v1, $0x8  }
0x8e: {  	s18 =	sadd.s32 $0xFFFFF900, s30;
	s7 =	sadd.s32 $0xFFFFF980, s30;
	s22 =	spop (v2sf)  }
0x8f: {  	s8 =	sadd.s32 $0xFFFFF880, s30;
	s22 =	sand.u32 $0x1FFFFFF0, s22;
	s14 =	spop (v2sf);
	(v2sf) =	vpush v1, $0x9  }
0x90: {  	s22 =	sadd.s32 s6, s22;
	s14 =	sand.u32 $0x1FFFFFF0, s14;
	s17 =	spop (v2sf)  }
0x91: {  	[tilespmem:s8], [sflag:$0x9] =	stream.linear.gather [hbm4b:s22+s19], $0x40, $0x38;
	(v2sf) =	vpush v1, $0xA;
	[tilespmem:$0x1EF88] =	vst v63  }
0x92: {  	s8 =	sadd.s32 s6, s14;
	s14 =	sand.u32 $0x1FFFFFF0, s17;
	s17 =	spop (v2sf)  }
0x93: {  	[tilespmem:s18], [sflag:$0x9] =	stream.linear.gather [hbm4b:s8+s19], $0x40, $0x38;
	(v2sf) =	vpush v1, $0xB;
	[tilespmem:$0x1EF88] =	vst v63  }
0x94: {  	s8 =	sadd.s32 s6, s14;
	s14 =	sand.u32 $0x1FFFFFF0, s17;
	s17 =	spop (v2sf)  }
0x95: {  	[tilespmem:s7], [sflag:$0x9] =	stream.linear.gather [hbm4b:s8+s19], $0x40, $0x38;
	(v2sf) =	vpush v1, $0xC;
	[tilespmem:$0x1EF88] =	vst v63  }
0x96: {  	s7 =	sadd.s32 s6, s14;
	s8 =	sand.u32 $0x1FFFFFF0, s17;
	s14 =	spop (v2sf)  }
0x97: {  	[tilespmem:s11], [sflag:$0x9] =	stream.linear.gather [hbm4b:s7+s19], $0x40, $0x38;
	(v2sf) =	vpush v1, $0xD;
	[tilespmem:$0x1EF88] =	vst v63  }
0x98: {  	s7 =	sadd.s32 s6, s8;
	s8 =	sand.u32 $0x1FFFFFF0, s14;
	s11 =	spop (v2sf)  }
0x99: {  	[tilespmem:s12], [sflag:$0x9] =	stream.linear.gather [hbm4b:s7+s19], $0x40, $0x38;
	(v2sf) =	vpush v1, $0xE;
	[tilespmem:$0x1EF88] =	vst v63  }
0x9a: {  	s7 =	sadd.s32 s6, s8;
	s8 =	sand.u32 $0x1FFFFFF0, s11;
	s11 =	spop (v2sf)  }
0x9b: {  	[tilespmem:s15], [sflag:$0x9] =	stream.linear.gather [hbm4b:s7+s19], $0x40, $0x38;
	(v2sf) =	vpush v1, $0xF;
	[tilespmem:$0x1EF88] =	vst v63  }
0x9c: {  	s7 =	sadd.s32 s6, s8;
	s8 =	sand.u32 $0x1FFFFFF0, s11;
	s11 =	spop (v2sf)  }
0x9d: {  	[tilespmem:s10], [sflag:$0x9] =	stream.linear.gather [hbm4b:s7+s19], $0x40, $0x38;
	[tilespmem:$0x1EF88] =	vst v63  }
0x9e: {  	s7 =	sadd.s32 s6, s8;
	s8 =	sand.u32 $0x1FFFFFF0, s11;
	s10 =	spop (v2sf)  }
0x9f: {  	[tilespmem:s9], [sflag:$0x9] =	stream.linear.gather [hbm4b:s7+s19], $0x40, $0x38;
	[tilespmem:$0x1EF88] =	vst v63  }
0xa0: {  	s7 =	sadd.s32 s6, s8;
	s8 =	sand.u32 $0x1FFFFFF0, s10;
	s9 =	spop (v2sf)  }
0xa1: {  	[tilespmem:s16], [sflag:$0x9] =	stream.linear.gather [hbm4b:s7+s19], $0x40, $0x38;
	[tilespmem:$0x1EF88] =	vst v63  }
0xa2: {  	s7 =	sadd.s32 s6, s8;
	s8 =	sand.u32 $0x1FFFFFF0, s9;
	s9 =	spop (v2sf)  }
0xa3: {  	[tilespmem:s3], [sflag:$0x9] =	stream.linear.gather [hbm4b:s7+s19], $0x40, $0x38;
	[tilespmem:$0x1EF88] =	vst v63  }
0xa4: {  	s3 =	sadd.s32 s6, s8;
	s7 =	sand.u32 $0x1FFFFFF0, s9;
	s8 =	spop (v2sf)  }
0xa5: {  	[tilespmem:s2], [sflag:$0x9] =	stream.linear.gather [hbm4b:s3+s19], $0x40, $0x38;
	[tilespmem:$0x1EF88] =	vst v63  }
0xa6: {  	s2 =	sadd.s32 s6, s7;
	s3 =	sand.u32 $0x1FFFFFF0, s8;
	s7 =	spop (v2sf)  }
0xa7: {  	[tilespmem:s5], [sflag:$0x9] =	stream.linear.gather [hbm4b:s2+s19], $0x40, $0x38;
	[tilespmem:$0x1EF88] =	vst v63  }
0xa8: {  	s2 =	sadd.s32 s6, s3;
	s3 =	sand.u32 $0x1FFFFFF0, s7;
	s5 =	spop (v2sf)  }
0xa9: {  	[tilespmem:s4], [sflag:$0x9] =	stream.linear.gather [hbm4b:s2+s19], $0x40, $0x38;
	[tilespmem:$0x1EF88] =	vst v63  }
0xaa: {  	s2 =	sadd.s32 s6, s3  }
.Ltmp4:
0xab: {  	s3 =	sand.u32 $0x1FFFFFF0, s5;
	s4 =	spop (v2sf);
	(pc) =	sbr.rel @p2 .LBB2_5-.Ltmp4, $4  }
0xac: {  	[tilespmem:s0], [sflag:$0x9] =	stream.linear.gather [hbm4b:s2+s19], $0x40, $0x38;
	[tilespmem:$0x1EF88] =	vst v63  }
0xad: {  	s0 =	sadd.s32 s6, s3;
	s2 =	sadd.s32 $0xFFFFFF80, s30;
	s3 =	sand.u32 $0x1FFFFFF0, s4  }
0xae: {  	[tilespmem:s2], [sflag:$0x9] =	stream.linear.gather [hbm4b:s0+s19], $0x40, $0x38;
	[tilespmem:$0x1EF88] =	vst v63  }
0xaf: {  	s31 =	sadd.s32 $0x10, s31;
	s30 =	sadd.s32 $0x800, s30;
	s2 =	sadd.s32 s6, s3  }
0xb0: {  	[tilespmem:s28], [sflag:$0x9] =	stream.linear.gather [hbm4b:s2+s19], $0x40, $0x38;
	[tilespmem:$0x1EF88] =	vst v63  }
0xb1: {  	s12 =	rddreg [dreg:$0x5]  }
0xb2: {  	s14 =	rddreg [dreg:$0x6]  }
0xb3: {  	s15 =	rddreg [dreg:$0x7]  }
0xb4: {  	s17 =	rddreg [dreg:$0x8]  }
0xb5: {  	s18 =	rddreg [dreg:$0xa]  }
0xb6: {  	s22 =	rddreg [dreg:$0xb]  }
.LBB2_7:
0xb7: {  	p2 =	slt.u32 s25, $0x2  }
.Ltmp5:
0xb8: {  	_ = 	snop;
	(pc) =	sbr.rel @p2 .LBB2_25-.Ltmp5, $1  }
0xb9: {  	_ =	sdelay $0x3  }
0xba: {  	p2 =	sgt.s32 s26, $0x61940;
	s0 =	smov.u32 s26;
	s2 =	sshra.s32 s26, $0x1F  }
0xbb: {  	s0 =	simm.s32 @!p2 $0x61940;
	s2 =	sand.u32 s2, s26  }
0xbc: {  	s0 =	ssub.s32 s0, s2  }
0xbd: {  	s0 =	sadd.s32 $0xFFF9E6C0, s0  }
0xbe: {  	s3 =	simm.s32 $0x9;
	s29 =	sshll.u32 s0, $0x2  }
0xbf: {  	_ =	swait.ge [sflag:s3], $0x5000;
	s2 =	ssub.s32 $0x500, s29  }
0xc0: {  	[sflag:s3] =	ssyncset.done $0x0;
	p2 =	sgt.s32 s0, $0x13F;
	s0 =	sshrl.u32 s2, $0x2  }
0xc1: {  	s30 =	simm.s32 $0xB;
	[sflag:s3] =	ssyncadd.s32 $0xFFFFB000;
	s0 =	simm.s32 @p2 $0x0  }
0xc2: {  	_ =	swait.ge [sflag:s30], s0  }
0xc3: {  	s0 =	ssub.s32 $0x0, s0;
	[sflag:s30] =	ssyncset.done $0x0  }
0xc4: {  	[sflag:s30] =	ssyncadd.s32 s0  }
0xc5: {  	v1 =	vld [tilespmem:$0xA108];
	_ =	sdelay $0x4  }
0xc6: {  	(v2sf) =	vpush v1, $0x0  }
0xc7: {  	(v2sf) =	vpush v1, $0x1  }
0xc8: {  	(v2sf) =	vpush v1, $0x2;
	_ =	sdelay $0x3  }
0xc9: {  	s0 =	sadd.s32 $0x140, s26  }
0xca: {  	s4 =	ssub.s32 $0xC3500, s26;
	p2 =	slt.s32 s14, s0  }
0xcb: {  	s0 =	smov.u32 @p2 s14;
	p2 =	sgt.s32 s4, $0x0  }
0xcc: {  	s0 =	ssub.s32 s0, s26;
	s4 =	simm.s32 @!p2 $0x0  }
0xcd: {  	p2 =	slt.s32 s4, s0  }
0xce: {  	s0 =	smov.u32 @p2 s4  }
0xcf: {  	s2 =	simm.s32 $0x1;
	p2 =	slt.s32 s0, $0x1  }
.Ltmp6:
0xd0: {  	s2 =	simm.s32 @!p1 $0x0;
	(pc) =	sbr.rel @p2 .LBB2_12-.Ltmp6, $4  }
0xd1: {  	s7 =	smul.u32 $0x500, s2  }
0xd2: {  	s3 =	spop (v2sf)  }
0xd3: {  	s31 =	sshrl.u32 s7, $0x2;
	s5 =	spop (v2sf)  }
0xd4: {  	s28 =	sadd.s32 $0xAD08, s31;
	s26 =	spop (v2sf)  }
0xd5: {  	s4 =	smin.u32 s0, $0x10  }
0xd6: {  	v1 =	vmov s4  }
0xd7: {  	p3 =	sgt.s32 s0, $0x10;
	vm1 =	vgt.u32 v1, v0  }
.Ltmp7:
0xd8: {  	_ = 	snop;
	(pc) =	sbr.rel @!p3 .LBB2_11-.Ltmp7, $2  }
0xd9: {  	_ =	sdelay $0x2  }
0xda: {  	s9 =	simm.s32 $0x10;
	s10 =	sadd.s32 $0xFFFFFFF0, s0;
	s4 =	smov.u32 s28;
	vm0 =	vmmov vm1  }
.LBB2_10:
0xdb: {  	s7 =	smin.u32 s10, $0x10;
	s9 =	sadd.s32 $0x10, s9;
	v1 =	vld.msk [tilespmem:s4+$0x0 ss:$0x1], vm1  }
0xdc: {  	v2 =	vmov s7;
	p3 =	slt.s32 s9, s0  }
0xdd: {  	vm1 =	vgt.u32 v2, v0  }
.Ltmp8:
0xde: {  	(pc) =	sbr.rel @p3 .LBB2_10-.Ltmp8, $3  }
0xdf: {  	_ =	sdelay $0x1  }
0xe0: {  	v1 =	vshll.u32 v1, $0x4  }
0xe1: {  	s10 =	sadd.s32 $0xFFFFFFF0, s10;
	[tilespmem:s4+$0x0] =	vst.msk vm0, v1;
	s4 =	sadd.s32 $0x10, s4;
	vm0 =	vmmov vm1  }
.LBB2_11:
0xe2: {  	_ =	sdelay $0x4  }
0xe3: {  	v1 =	vld.msk [tilespmem:s4+$0x0 ss:$0x1], vm1;
	_ =	sdelay $0x4  }
0xe4: {  	v1 =	vshll.u32 v1, $0x4  }
0xe5: {  	[tilespmem:s4+$0x0] =	vst.msk vm0, v1  }
.LBB2_12:
0xe6: {  	s4 =	sand.u32 $0x1, s25  }
0xe7: {  	s4 =	smul.u32 $0x140, s4  }
0xe8: {  	p3 =	sne.s32 s5, $0xFFFFFFFF  }
0xe9: {  	v1 =	vld.msk @!p3 [tilespmem:s4+$0xAD08], $0x1;
	_ =	sdelay $0x4  }
0xea: {  	(v2sf) =	vpush @!p3 v1, $0x0;
	_ =	sdelay $0xc  }
.Ltmp9:
0xeb: {  	_ = 	snop;
	(pc) =	sbr.rel @p2 .LBB2_23-.Ltmp9, $4  }
0xec: {  	_ = 	snop  }
0xed: {  	s29 =	spop @!p3 (v2sf)  }
0xee: {  	s31 =	simm.s32 $0xC;
	s26 =	simm.s32 @!p3 $0x0;
	s4 =	smov.u32 s29  }
0xef: {  	[sflag:s31] =	ssyncpa.u1 $0x0;
	s29 =	smov.u32 @p3 s3;
	s4 =	smov.u32 @p3 s5  }
0xf0: {  	v1 =	vld.msk [tilespmem:s28+$0x0], $0x1;
	_ =	sdelay $0x4  }
0xf1: {  	(v2sf) =	vpush v1, $0x0;
	_ =	sdelay $0xe  }
0xf2: {  	s2 =	smul.u32 $0x28000, s2;
	s5 =	spop (v2sf)  }
0xf3: {  	s31 =	ssub.s32 $0x0, s0;
	p2 =	seq.s32 s29, s5  }
0xf4: {  	s3 =	smov.u32 s29;
	s2 =	sshrl.u32 s2, $0x2;
	p3 =	sgt.s32 @!p2 s29, $0x0  }
0xf5: {  	s30 =	sadd.s32 $0xAFA8, s2;
	s2 =	sadd.s32 $0x1, s31;
	p3 =	por !p3, p2  }
0xf6: {  	s3 =	simm.s32 @p3 $0x0;
	p3 =	seq.s32 s2, $0x0  }
.Ltmp10:
0xf7: {  	_ = 	snop;
	(pc) =	sbr.rel @p3 .LBB2_15-.Ltmp10, $4  }
0xf8: {  	_ = 	snop  }
0xf9: {  	s0 =	simm.s32 $0x0;
	s9 =	simm.s32 @!p2 $0x1;
	s3 =	smin.u32 @!p2 s3, $0xC34F8  }
0xfa: {  	s10 =	simm.s32 @!p2 $0x50C8;
	s9 =	smov.u32 @p2 s0;
	s7 =	sand.u32 @!p2 $0xFFFF8, s3  }
0xfb: {  	s16 =	sand.u32 @!p2 $0x7, s3;
	s3 =	sadd.s32 $0x1, s28;
	s11 =	sadd.s32 @!p2 s1, s7  }
.LBB2_14:
0xfc: {  	s7 =	smov.u32 s9  }
0xfd: {  	[tilespmem:s10], [sflag:$0x2] =	stream.linear.gather @!p2 [hbm4b:s11+s16], $0x40, $0x38;
	[tilespmem:$0x1EF88] =	vst v63  }
0xfe: {  	s2 =	sadd.s32 $0x1, s2;
	s8 =	smov.u32 s5;
	v1 =	vld.msk [tilespmem:s3+$0x0], $0x1  }
0xff: {  	p3 =	seq.s32 s2, $0x0;
	_ =	sdelay $0x3  }
0x100: {  	(v2sf) =	vpush v1, $0x0;
	_ =	sdelay $0xe  }
0x101: {  	s5 =	spop (v2sf)  }
0x102: {  	p2 =	seq.s32 s8, s5  }
0x103: {  	p4 =	sgt.s32 @!p2 s8, $0x0;
	s10 =	sshll.u32 @!p2 s9, $0x8;
	s9 =	sadd.s32 @!p2 $0x1, s9  }
.Ltmp11:
0x104: {  	p4 =	por !p4, p2;
	s10 =	sshra.s32 @!p2 s10, $0x2;
	(pc) =	sbr.rel @!p3 .LBB2_14-.Ltmp11, $4  }
0x105: {  	s9 =	smov.u32 @p2 s7;
	s8 =	simm.s32 @p4 $0x0;
	s10 =	sadd.s32 @!p2 $0x50C8, s10  }
0x106: {  	s7 =	smin.u32 @!p2 s8, $0xC34F8  }
0x107: {  	s8 =	sand.u32 @!p2 $0xFFFF8, s7;
	s16 =	sand.u32 @!p2 $0x7, s7  }
0x108: {  	s3 =	sadd.s32 $0x1, s3;
	s11 =	sadd.s32 @!p2 s1, s8  }
.LBB2_15:
0x109: {  	[tilespmem:s10], [sflag:$0x2] =	stream.linear.gather @!p2 [hbm4b:s11+s16], $0x40, $0x38;
	[tilespmem:$0x1EF88] =	vst v63  }
.Ltmp12:
0x10a: {  	s2 =	sshll.u32 s9, $0x6;
	(pc) =	sbr.rel .LBB2_16-.Ltmp12, $4  }
0x10b: {  	s3 =	simm.s32 $0x2;
	s2 =	sand.u32 $0x3FFFFFC0, s2  }
0x10c: {  	_ =	swait.ge [sflag:s3], s2  }
0x10d: {  	s2 =	ssub.s32 $0x0, s2;
	[sflag:s3] =	ssyncset.done $0x0  }
0x10e: {  	[sflag:s3] =	ssyncadd.s32 s2;
	s3 =	simm.s32 $0x0  }
.LBB2_17:
0x10f: {  	v1 =	vld [tilespmem:s30+$0xFFFFFFE0];
	_ =	sdelay $0x4  }
0x110: {  	[tilespmem:s5+$0x88] =	vst.add.f32.msk $0xffff, v1  }
0x111: {  	v1 =	vld [tilespmem:s30+$0xFFFFFFF0];
	_ =	sdelay $0x4  }
0x112: {  	[tilespmem:s5+$0x98] =	vst.add.f32.msk $0xffff, v1  }
0x113: {  	v1 =	vld [tilespmem:s30+$0x0];
	_ =	sdelay $0x4  }
0x114: {  	[tilespmem:s5+$0xA8] =	vst.add.f32.msk $0xffff, v1  }
0x115: {  	v1 =	vld [tilespmem:s30+$0x10];
	_ =	sdelay $0x4  }
0x116: {  	[tilespmem:s5+$0xB8] =	vst.add.f32.msk $0xffff, v1  }
.LBB2_21:
0x117: {  	s31 =	sadd.s32 $0x1, s31  }
0x118: {  	p2 =	seq.s32 s31, $0x0  }
.Ltmp13:
0x119: {  	_ = 	snop;
	(pc) =	sbr.rel @p2 .LBB2_22-.Ltmp13, $2  }
0x11a: {  	_ =	sdelay $0x2  }
0x11b: {  	s30 =	sadd.s32 $0x80, s30;
	s28 =	sadd.s32 $0x1, s28;
	s29 =	smov.u32 s2  }
.LBB2_16:
0x11c: {  	v1 =	vld.msk [tilespmem:s28+$0x0], $0x1;
	_ =	sdelay $0x4  }
0x11d: {  	(v2sf) =	vpush v1, $0x0;
	_ =	sdelay $0xe  }
0x11e: {  	s2 =	spop (v2sf)  }
0x11f: {  	p2 =	sne.s32 s29, s2  }
.Ltmp14:
0x120: {  	_ = 	snop;
	(pc) =	sbr.rel @!p2 .LBB2_17-.Ltmp14, $3  }
0x121: {  	_ =	sdelay $0x1  }
0x122: {  	s5 =	sshll.u32 s26, $0x8  }
0x123: {  	s5 =	sshra.s32 s5, $0x2  }
0x124: {  	p2 =	seq.s32 s29, s4  }
.Ltmp15:
0x125: {  	_ = 	snop;
	(pc) =	sbr.rel @!p2 .LBB2_19-.Ltmp15, $1  }
0x126: {  	_ =	sdelay $0x3  }
.Ltmp16:
0x127: {  	s5 =	sadd.s32 $0x88, s5;
	(pc) =	sbr.rel .LBB2_20-.Ltmp16, $4  }
0x128: {  	[spmem:s18] =	stream.linear.scatter [tilespmem:s5], [sflag:$0x1], $0x40, $0x38;
	[tilespmem:$0x1EF88] =	vst v63  }
0x129: {  	_ =	swait.ge [sflag:s13], $0x40  }
0x12a: {  	[sflag:s13] =	ssyncset.done $0x0  }
0x12b: {  	[sflag:s13] =	ssyncadd.s32 $0xFFFFFFC0  }
.LBB2_19:
0x12c: {  	s7 =	sshll.u32 s0, $0x8  }
0x12d: {  	s7 =	sshra.s32 s7, $0x2  }
0x12e: {  	v1 =	vld [tilespmem:s7+$0x50C8];
	_ =	sdelay $0x4  }
0x12f: {  	[tilespmem:s5+$0x88] =	vst.add.f32.msk $0xffff, v1  }
0x130: {  	v1 =	vld [tilespmem:s7+$0x50D8];
	_ =	sdelay $0x4  }
0x131: {  	[tilespmem:s5+$0x98] =	vst.add.f32.msk $0xffff, v1  }
0x132: {  	v1 =	vld [tilespmem:s7+$0x50E8];
	_ =	sdelay $0x4  }
0x133: {  	[tilespmem:s5+$0xA8] =	vst.add.f32.msk $0xffff, v1  }
0x134: {  	v1 =	vld [tilespmem:s7+$0x50F8];
	_ =	sdelay $0x2  }
0x135: {  	p2 =	sgt.u32 s29, $0xC34F8  }
0x136: {  	s7 =	sand.u32 @!p2 $0xFFFF8, s29  }
0x137: {  	s8 =	sadd.s32 $0x88, s5;
	[tilespmem:s5+$0xB8] =	vst.add.f32.msk $0xffff, v1;
	s5 =	sadd.s32 @!p2 s1, s7;
	s7 =	sand.u32 @!p2 $0x7, s29  }
0x138: {  	[hbm4b:s5+s7] =	stream.linear.scatter @!p2 [tilespmem:s8], [sflag:$0xC], $0x40, $0x38;
	[tilespmem:$0x1EF88] =	vst v63  }
0x139: {  	s5 =	simm.s32 $0x0  }
0x13a: {  	s5 =	simm.s32 @!p2 $0x100  }
0x13b: {  	s3 =	sadd.s32 s5, s3  }
.LBB2_20:
0x13c: {  	s5 =	sadd.s32 $0x1, s26  }
0x13d: {  	s7 =	smulhi.u32 $0xCCCCCCCD, s5;
	_ =	sdelay $0x1  }
0x13e: {  	v1 =	vld [tilespmem:s30+$0xFFFFFFE0];
	s7 =	sshrl.u32 s7, $0x8  }
0x13f: {  	s7 =	smul.u32 $0x140, s7;
	_ =	sdelay $0x1  }
0x140: {  	s26 =	ssub.s32 s5, s7  }
0x141: {  	s5 =	sshll.u32 s26, $0x6  }
0x142: {  	[tilespmem:s5+$0x88] =	vst v1  }
0x143: {  	v1 =	vld [tilespmem:s30+$0xFFFFFFF0];
	_ =	sdelay $0x4  }
0x144: {  	[tilespmem:s5+$0x98] =	vst v1  }
0x145: {  	v1 =	vld [tilespmem:s30+$0x0];
	_ =	sdelay $0x4  }
0x146: {  	[tilespmem:s5+$0xA8] =	vst v1  }
0x147: {  	v1 =	vld [tilespmem:s30+$0x10]  }
.Ltmp17:
0x148: {  	_ = 	snop;
	(pc) =	sbr.rel .LBB2_21-.Ltmp17, $2  }
0x149: {  	_ =	sdelay $0x2  }
0x14a: {  	s0 =	sadd.s32 $0x1, s0;
	[tilespmem:s5+$0xB8] =	vst v1  }
.LBB2_23:
.Ltmp18:
0x14b: {  	(pc) =	sbr.rel .LBB2_24-.Ltmp18, $4  }
0x14c: {  	_ = 	snop  }
0x14d: {  	s0 =	simm.s32 $0x2  }
0x14e: {  	_ =	swait.ge [sflag:s0], $0x0  }
0x14f: {  	s2 =	smov.u32 s29;
	[sflag:s0] =	ssyncset.done $0x0;
	s0 =	simm.s32 $0x0  }
.LBB2_26:
0x150: {  	_ =	sfence.sel $0x180000  }
0x151: {  	s0 =	simm.s32 $0x9;
	[bflag:$0x0] =	sbarrier.arrive $0xFFFF  }
0x152: {  	s24 =	simm.s32 $0xA;
	[sflag:s0] =	ssyncpa.u1 $0x1  }
0x153: {  	s25 =	simm.s32 $0xB;
	[sflag:s24] =	ssyncpa.u1 $0x1  }
0x154: {  	s26 =	simm.s32 $0x2;
	[sflag:s25] =	ssyncpa.u1 $0x1  }
0x155: {  	[sflag:s26] =	ssyncpa.u1 $0x1  }
0x156: {  	v0 =	vld [tilespmem:$0xA108];
	_ =	sdelay $0x4  }
0x157: {  	(v2sf) =	vpush v0, $0x0  }
0x158: {  	(v2sf) =	vpush v0, $0x1;
	_ =	sdelay $0x1  }
0x159: {  	(v2sf) =	vpush v0, $0x2;
	_ =	sdelay $0xb  }
0x15a: {  	s0 =	spop (v2sf)  }
0x15b: {  	s2 =	spop (v2sf)  }
0x15c: {  	s3 =	smov.u32 s0;
	p0 =	sne.s32 s0, s2  }
0x15d: {  	s4 =	spop (v2sf);
	s3 =	simm.s32 @!p0 $0xFFFFFFFF  }
0x15e: {  	v2 =	vimm.s32 $0x1;
	v3 =	vlaneseq.u32;
	p0 =	seq.s32 s4, $0xFFFFFFFF;
	v1 =	vmov s3  }
0x15f: {  	s14 =	stileid.u32;
	v0 =	vperm.xlane v0, v2;
	p1 =	sne.s32 @!p0 s0, s2;
	v1 =	vperm.xlane v1, v3  }
0x160: {  	vm0 =	vcmask $0x3F04;
	s6 =	simm.s32 $0xA108;
	s0 =	simm.s32 @!p0 $0x1;
	p1 =	por !p1, p0  }
0x161: {  	s3 =	sshll.u32 s14, $0x1;
	s2 =	sshll.u32 @!p0 s4, $0x8;
	s0 =	simm.s32 @p1 $0x0;
	v0 =	vsel vm0, v1, v0  }
0x162: {  	s5 =	sor.u32 $0x800, s3;
	s2 =	sshra.s32 @!p0 s2, $0x2;
	s0 =	sor.u32 @!p0 s0, s3;
	[tilespmem:$0xA108] =	vst v0  }
0x163: {  	[spmem:s5] =	stream.linear.scatter [tilespmem:s6], [sflag:$0x1], $0x2, $0x38;
	[tilespmem:$0x1EF88] =	vst v63  }
0x164: {  	s2 =	sadd.s32 @!p0 $0x88, s2;
	s0 =	sshll.u32 @!p0 s0, $0x6  }
0x165: {  	[spmem:s0] =	stream.linear.scatter @!p0 [tilespmem:s2], [sflag:$0x1], $0x40, $0x38;
	[tilespmem:$0x1EF88] =	vst v63  }
0x166: {  	s0 =	simm.s32 @!p0 $0x42  }
0x167: {  	s28 =	simm.s32 $0x1;
	s0 =	simm.s32 @p0 $0x2  }
0x168: {  	_ =	swait.ge [sflag:s28], s0  }
0x169: {  	s0 =	ssub.s32 $0x0, s0;
	[sflag:s28] =	ssyncset.done $0x0  }
0x16a: {  	p0 =	sne.s32 s14, $0x0;
	[sflag:s28] =	ssyncadd.s32 s0  }
.Ltmp19:
0x16b: {  	_ =	sfence.stream.spmem;
	(pc) =	sbr.rel @p0 .LBB2_43-.Ltmp19, $4  }
0x16c: {  	s29 =	simm.s32 $0x3;
	[bflag:$0x0] =	sbarrier.arrive $0xFFFF  }
0x16d: {  	s30 =	simm.s32 $0x4;
	[sflag:s29] =	ssyncpa.u1 $0x1  }
0x16e: {  	s31 =	simm.s32 $0x3C;
	[sflag:s30] =	ssyncpa.u1 $0x1  }
0x16f: {  	s13 =	rddreg [dreg:$0x4];
	[sflag:s31] =	ssyncpa.u1 $0x1  }
0x170: {  	_ =	sfence.stream.spmem;
	s0 =	simm.s32 $0x5  }
0x171: {  	s2 =	simm.s32 $0x800;
	s3 =	simm.s32 $0xA118;
	[sflag:s0] =	ssyncpa.u1 $0x0  }
0x172: {  	[tilespmem:s3], [sflag:$0x5] =	stream.linear.gather [spmem:s2], $0x20, $0x38;
	[tilespmem:$0x1EF88] =	vst v63  }
0x173: {  	s26 =	simm.s32 $0x0;
	s28 =	simm.s32 $0xA138  }
0x174: {  	[tilespmem:s28], [sflag:$0x5] =	stream.linear.gather [spmem:s26], $0x800, $0x38;
	[tilespmem:$0x1EF88] =	vst v63  }
0x175: {  	_ =	swait.ge [sflag:s0], $0x820  }
0x176: {  	[sflag:s0] =	ssyncset.done $0x0  }
0x177: {  	s29 =	simm.s32 $0x0;
	[sflag:s0] =	ssyncadd.s32 $0xFFFFF7E0  }
0x178: {  	v0 =	vld.msk [tilespmem:s29+$0xA118], $0x1;
	_ =	sdelay $0x1  }
0x179: {  	s30 =	simm.s32 $0x1  }
0x17a: {  	v1 =	vld.msk [tilespmem:s30+$0xA118], $0x1;
	_ =	sdelay $0x1  }
0x17b: {  	(v2sf) =	vpush v0, $0x0;
	_ =	sdelay $0x2  }
0x17c: {  	(v2sf) =	vpush v1, $0x0;
	_ =	sdelay $0x2  }
0x17d: {  	s31 =	simm.s32 $0x2  }
0x17e: {  	v0 =	vld.msk [tilespmem:s31+$0xA118], $0x1;
	_ =	sdelay $0x2  }
0x17f: {  	s2 =	simm.s32 $0xFFFFFFFF;
	s3 =	simm.s32 $0xFFFFFFFF;
	s0 =	simm.s32 $0xC  }
.LBB2_28:
0x180: {  	s4 =	smov.u32 s3;
	s5 =	smov.u32 s2  }
0x181: {  	s2 =	sshra.s32 s0, $0x2;
	p1 =	sne.s32 s0, $0x7C;
	s0 =	sadd.s32 $0x4, s0;
	(v2sf) =	vpush v0, $0x0  }
0x182: {  	v0 =	vld.msk [tilespmem:s2+$0xA118], $0x1  }
.Ltmp20:
0x183: {  	(pc) =	sbr.rel @p1 .LBB2_28-.Ltmp20, $4  }
0x184: {  	s3 =	spop (v2sf)  }
0x185: {  	p2 =	sne.s32 s5, $0xFFFFFFFF;
	s2 =	smov.u32 s3  }
0x186: {  	p3 =	seq.s32 s3, $0xFFFFFFFF;
	s2 =	smov.u32 @p2 s5  }
0x187: {  	s3 =	smov.u32 @p3 s4;
	s2 =	smov.u32 @p3 s5  }
0x188: {  	(v2sf) =	vpush v0, $0x0;
	_ =	sdelay $0x8  }
0x189: {  	s0 =	spop (v2sf)  }
0x18a: {  	p1 =	sne.s32 s2, $0xFFFFFFFF;
	s4 =	smov.u32 s0  }
0x18b: {  	s6 =	simm.s32 $0x0;
	p2 =	seq.s32 s0, $0xFFFFFFFF;
	s4 =	smov.u32 @p1 s2  }
0x18c: {  	s9 =	simm.s32 $0xA0C8;
	s4 =	smov.u32 @p2 s2;
	s2 =	spop (v2sf)  }
0x18d: {  	s0 =	smov.u32 @p2 s3;
	p1 =	sne.s32 s4, $0xFFFFFFFF;
	s5 =	smov.u32 s2  }
.Ltmp21:
0x18e: {  	p2 =	seq.s32 s2, $0xFFFFFFFF;
	s5 =	smov.u32 @p1 s4;
	(pc) =	sbr.rel .LBB2_30-.Ltmp21, $4  }
0x18f: {  	s10 =	simm.s32 $0x0;
	s5 =	smov.u32 @p2 s4;
	s7 =	spop (v2sf)  }
0x190: {  	s2 =	smov.u32 @p2 s0;
	p1 =	sne.s32 s5, $0xFFFFFFFF;
	s8 =	smov.u32 s7  }
0x191: {  	s0 =	simm.s32 $0x6;
	p2 =	seq.s32 s7, $0xFFFFFFFF;
	s8 =	smov.u32 @p1 s5  }
0x192: {  	[sflag:s0] =	ssyncpa.u1 $0x0;
	s7 =	smov.u32 @p2 s2;
	s8 =	smov.u32 @p2 s5  }
.LBB2_36:
0x193: {  	p1 =	sgt.u32 s2, $0xC34F8  }
0x194: {  	p2 =	seq.s32 @!p1 s2, s8  }
0x195: {  	p1 =	por p1, p2  }
0x196: {  	p2 =	sne.s32 @!p1 s2, s7  }
0x197: {  	p1 =	por p1, !p2  }
0x198: {  	s2 =	sshll.u32 @p1 s10, $0x8  }
0x199: {  	s3 =	sand.u32 @!p1 $0xFFFF8, s2  }
0x19a: {  	s2 =	sand.u32 @!p1 $0x7, s2;
	s3 =	sadd.s32 @!p1 s1, s3  }
0x19b: {  	[tilespmem:s9], [sflag:$0x6] =	stream.linear.gather @!p1 [hbm4b:s3+s2], $0x40, $0x38;
	[tilespmem:$0x1EF88] =	vst v63  }
0x19c: {  	_ =	swait.ge @!p1 [sflag:s0], $0x40  }
0x19d: {  	[sflag:s0] =	ssyncset.done @!p1 $0x0  }
0x19e: {  	[sflag:s0] =	ssyncadd.s32 @!p1 $0xFFFFFFC0  }
0x19f: {  	v1 =	vld @!p1 [tilespmem:$0xA0C8];
	_ =	sdelay $0x2  }
0x1a0: {  	s2 =	sshll.u32 @!p1 s10, $0x8  }
0x1a1: {  	s3 =	sshrl.u32 @!p1 s2, $0x2  }
0x1a2: {  	[tilespmem:s3+$0xA138] =	vst.add.f32.msk @!p1 $0xffff, v1  }
0x1a3: {  	v1 =	vld @!p1 [tilespmem:$0xA0D8];
	_ =	sdelay $0x4  }
0x1a4: {  	[tilespmem:s3+$0xA148] =	vst.add.f32.msk @!p1 $0xffff, v1  }
0x1a5: {  	v1 =	vld @!p1 [tilespmem:$0xA0E8];
	_ =	sdelay $0x4  }
0x1a6: {  	[tilespmem:s3+$0xA158] =	vst.add.f32.msk @!p1 $0xffff, v1  }
0x1a7: {  	v1 =	vld @!p1 [tilespmem:$0xA0F8];
	_ =	sdelay $0x4  }
0x1a8: {  	[tilespmem:s3+$0xA168] =	vst.add.f32.msk @!p1 $0xffff, v1  }
0x1a9: {  	s2 =	sshrl.u32 s2, $0x2;
	[tilespmem:s6+$0xA118] =	vst.msk $0x1, v0  }
0x1aa: {  	v0 =	vld [tilespmem:s2+$0xA138];
	_ =	sdelay $0x2  }
0x1ab: {  	s31 =	sshll.u32 s6, $0x8  }
0x1ac: {  	s3 =	sshra.s32 s31, $0x2  }
0x1ad: {  	[tilespmem:s3+$0xA138] =	vst v0  }
0x1ae: {  	v0 =	vld [tilespmem:s2+$0xA148];
	_ =	sdelay $0x4  }
0x1af: {  	[tilespmem:s3+$0xA148] =	vst v0  }
0x1b0: {  	v0 =	vld [tilespmem:s2+$0xA158];
	_ =	sdelay $0x4  }
0x1b1: {  	[tilespmem:s3+$0xA158] =	vst v0  }
0x1b2: {  	v0 =	vld [tilespmem:s2+$0xA168];
	_ =	sdelay $0x4  }
0x1b3: {  	s6 =	sadd.s32 $0x1, s6;
	[tilespmem:s3+$0xA168] =	vst v0  }
.LBB2_37:
0x1b4: {  	s10 =	sadd.s32 $0x1, s10  }
0x1b5: {  	p1 =	sne.s32 s10, $0x20  }
.Ltmp22:
0x1b6: {  	_ = 	snop;
	(pc) =	sbr.rel @!p1 .LBB2_38-.Ltmp22, $1  }
0x1b7: {  	_ =	sdelay $0x3  }
.LBB2_30:
0x1b8: {  	v0 =	vld.msk [tilespmem:s10+$0xA118], $0x1;
	_ =	sdelay $0x4  }
0x1b9: {  	(v2sf) =	vpush v0, $0x0;
	_ =	sdelay $0xe  }
0x1ba: {  	s2 =	spop (v2sf)  }
0x1bb: {  	p1 =	seq.s32 s2, $0xFFFFFFFF  }
.Ltmp23:
0x1bc: {  	_ = 	snop;
	(pc) =	sbr.rel @p1 .LBB2_37-.Ltmp23, $1  }
0x1bd: {  	_ =	sdelay $0x3  }
0x1be: {  	p1 =	slt.s32 s6, $0x1  }
.Ltmp24:
0x1bf: {  	_ = 	snop;
	(pc) =	sbr.rel @p1 .LBB2_36-.Ltmp24, $1  }
0x1c0: {  	_ =	sdelay $0x3  }
0x1c1: {  	s3 =	simm.s32 $0xA118;
	p1 =	por $0x0, $0x0  }
0x1c2: {  	v1 =	vld.msk @!p1 [tilespmem:s3+$0x0], $0x1;
	_ =	sdelay $0x4  }
0x1c3: {  	(v2sf) =	vpush @!p1 v1, $0x0;
	_ =	sdelay $0xd  }
0x1c4: {  	p3 =	sne.s32 s6, $0x1  }
.Ltmp25:
0x1c5: {  	s4 =	spop @!p1 (v2sf);
	(pc) =	sbr.rel @!p3 .LBB2_34-.Ltmp25, $4  }
0x1c6: {  	p2 =	seq.s32 @!p1 s2, s4  }
0x1c7: {  	s4 =	simm.s32 $0x0;
	p2 =	por !p2, p1  }
0x1c8: {  	s11 =	simm.s32 $0xFFFFFFFF;
	s4 =	simm.s32 @p2 $0xFFFFFFFF  }
0x1c9: {  	s5 =	simm.s32 $0x1;
	s4 =	smov.u32 @p1 s11  }
.LBB2_33:
0x1ca: {  	s11 =	smov.u32 s4;
	p1 =	sne.s32 s4, $0xFFFFFFFF  }
0x1cb: {  	s3 =	sadd.s32 $0x1, s3;
	s4 =	smov.u32 s5;
	s5 =	sadd.s32 $0x1, s5  }
0x1cc: {  	p2 =	sne.s32 s6, s5;
	v1 =	vld.msk @!p1 [tilespmem:s3+$0x0], $0x1;
	_ =	sdelay $0x4  }
0x1cd: {  	(v2sf) =	vpush @!p1 v1, $0x0;
	_ =	sdelay $0xe  }
.Ltmp26:
0x1ce: {  	s12 =	spop @!p1 (v2sf);
	(pc) =	sbr.rel @p2 .LBB2_33-.Ltmp26, $4  }
0x1cf: {  	p3 =	seq.s32 @!p1 s2, s12  }
0x1d0: {  	p3 =	por !p3, p1  }
0x1d1: {  	s4 =	simm.s32 @p3 $0xFFFFFFFF  }
0x1d2: {  	s4 =	smov.u32 @p1 s11  }
.LBB2_34:
0x1d3: {  	p1 =	seq.s32 s4, $0xFFFFFFFF  }
.Ltmp27:
0x1d4: {  	_ = 	snop;
	(pc) =	sbr.rel @p1 .LBB2_36-.Ltmp27, $1  }
0x1d5: {  	_ =	sdelay $0x3  }
0x1d6: {  	s2 =	sshll.u32 s10, $0x6  }
0x1d7: {  	s2 =	sand.u32 $0x3FFFFFC0, s2  }
0x1d8: {  	v0 =	vld [tilespmem:s2+$0xA138];
	_ =	sdelay $0x2  }
0x1d9: {  	s3 =	sshll.u32 s4, $0x8  }
0x1da: {  	s3 =	sshra.s32 s3, $0x2  }
0x1db: {  	[tilespmem:s3+$0xA138] =	vst.add.f32.msk $0xffff, v0  }
0x1dc: {  	v0 =	vld [tilespmem:s2+$0xA148];
	_ =	sdelay $0x4  }
0x1dd: {  	[tilespmem:s3+$0xA148] =	vst.add.f32.msk $0xffff, v0  }
0x1de: {  	v0 =	vld [tilespmem:s2+$0xA158];
	_ =	sdelay $0x4  }
0x1df: {  	[tilespmem:s3+$0xA158] =	vst.add.f32.msk $0xffff, v0  }
0x1e0: {  	v0 =	vld [tilespmem:s2+$0xA168]  }
.Ltmp28:
0x1e1: {  	_ = 	snop;
	(pc) =	sbr.rel .LBB2_37-.Ltmp28, $2  }
0x1e2: {  	_ =	sdelay $0x2  }
0x1e3: {  	[tilespmem:s3+$0xA168] =	vst.add.f32.msk $0xffff, v0  }
.LBB2_38:
0x1e4: {  	s0 =	simm.s32 $0x6;
	p1 =	seq.s32 s6, $0x0  }
0x1e5: {  	[sflag:s0] =	ssyncpa.u1 $0x1;
	v0 =	vimm.s32 @p1 $0xFFFFFFFF  }
0x1e6: {  	s0 =	sadd.s32 $0xFFFFFFFF, s6;
	[tilespmem:$0xA938] =	vst @p1 v0  }
0x1e7: {  	v0 =	vld.msk @!p1 [tilespmem:s0+$0xA118], $0x1;
	_ =	sdelay $0x1  }
0x1e8: {  	v1 =	vld.msk @!p1 [tilespmem:$0xA118], $0x1;
	_ =	sdelay $0x2  }
0x1e9: {  	p2 =	seq.s32 @!p1 s0, $0x0;
	v0 =	vbroadcast @!p1 v0, $0x0  }
0x1ea: {  	vm0 =	vmmov @!p1 $0x1;
	p2 =	por !p2, p1  }
0x1eb: {  	v1 =	vnsel @!p1 vm0, $0xFFFFFFFF, v1;
	vm0 =	vcmask @!p1 $0x308;
	v0 =	vpsel !p2, $0xFFFFFFFF, v0  }
0x1ec: {  	p2 =	sne.s32 @!p1 s8, s7;
	v0 =	vsel @!p1 vm0, v1, v0  }
0x1ed: {  	s2 =	simm.s32 @!p1 $0xA138;
	s3 =	simm.s32 @!p1 $0x0;
	p3 =	por !p2, p1;
	[tilespmem:$0xA938] =	vst @!p1 v0  }
0x1ee: {  	[spmem:s3] =	stream.linear.scatter @!p1 [tilespmem:s2], [sflag:$0x1], $0x40, $0x38;
	[tilespmem:$0x1EF88] =	vst v63  }
0x1ef: {  	s2 =	sshll.u32 @!p3 s0, $0x8  }
0x1f0: {  	s2 =	sshra.s32 @!p3 s2, $0x2  }
0x1f1: {  	s3 =	simm.s32 @!p3 $0x40;
	s2 =	sadd.s32 @!p3 $0xA138, s2  }
0x1f2: {  	[spmem:s3] =	stream.linear.scatter @!p3 [tilespmem:s2], [sflag:$0x1], $0x40, $0x38;
	[tilespmem:$0x1EF88] =	vst v63  }
0x1f3: {  	s2 =	simm.s32 @!p3 $0x1  }
0x1f4: {  	_ =	swait.ge @!p3 [sflag:s2], $0x80  }
0x1f5: {  	p1 =	por p2, p1;
	[sflag:s2] =	ssyncset.done @!p3 $0x0  }
0x1f6: {  	[sflag:s2] =	ssyncadd.s32 @!p3 $0xFFFFFF80;
	s2 =	simm.s32 @!p1 $0x1  }
0x1f7: {  	_ =	swait.ge @!p1 [sflag:s2], $0x40  }
0x1f8: {  	s29 =	simm.s32 $0xA938;
	[sflag:s2] =	ssyncset.done @!p1 $0x0  }
0x1f9: {  	s30 =	simm.s32 $0x800;
	s31 =	simm.s32 $0x1;
	[sflag:s2] =	ssyncadd.s32 @!p1 $0xFFFFFFC0  }
0x1fa: {  	[spmem:s30] =	stream.linear.scatter [tilespmem:s29], [sflag:$0x1], $0x10, $0x38;
	[tilespmem:$0x1EF88] =	vst v63  }
0x1fb: {  	_ =	swait.ge [sflag:s31], $0x10  }
0x1fc: {  	[sflag:s31] =	ssyncset.done $0x0  }
0x1fd: {  	p1 =	seq.s32 s13, $0x0;
	s9 =	rddreg [dreg:$0x1];
	[sflag:s31] =	ssyncadd.s32 $0xFFFFFFF0  }
0x1fe: {  	s3 =	sshll.u32 @p1 s9, $0xE;
	s8 =	rddreg [dreg:$0x2]  }
0x1ff: {  	s2 =	sadd.s32 @p1 $0x15C3C, s3;
	s3 =	sshll.u32 @p1 s8, $0x11  }
0x200: {  	_ =	sfence.stream.spmem;
	s2 =	sor.u32 @p1 s3, s2  }
0x201: {  	[sflag:s2] =	ssyncadd.remote.s32 @p1 $0x1;
	s2 =	simm.s32 @p1 $0x4  }
0x202: {  	s4 =	simm.s32 @!p1 $0x3C;
	s3 =	sand.u32 $0xFFFFFFFE, s9;
	_ =	swait.ge @p1 [sflag:s2], $0x12  }
0x203: {  	s5 =	simm.s32 @!p1 $0x0;
	s3 =	sadd.s32 @!p1 $0x4, s3;
	[sflag:s2] =	ssyncset.done @p1 $0x0  }
0x204: {  	s7 =	simm.s32 @!p1 $0x80;
	[sflag:s2] =	ssyncadd.s32 @p1 $0xFFFFFFEE;
	s2 =	sshll.u32 @!p1 s3, $0x1A  }
0x205: {  	s3 =	sshll.u32 @!p1 s3, $0xD;
	s2 =	sor.u32 @!p1 s2, s8;
	_ =	swait.eq @!p1 [sflag:s4], $0x1  }
0x206: {  	s3 =	sor.u32 @!p1 $0x1C04, s3;
	s4 =	simm.s32 @!p1 $0x1C03;
	s2 =	sor.u32 @!p1 $0x80004000, s2  }
0x207: {  	[spmem:s7], [sflag:s3] =	dma.general @!p1 [spmem:s5], [sflag:s4], length:$0x10, [dreg:$0x0], stride_count:$0x0, ici_dest:s2, dma_misc:DstOpCode:WRITE  }
0x208: {  	p2 =	slt.s32 s0, $0x2;
	s5 =	simm.s32 @!p1 $0x100;
	s7 =	simm.s32 @!p1 $0x102  }
0x209: {  	[spmem:s7], [sflag:s3] =	dma.general @!p1 [spmem:s5], [sflag:s4], length:$0x2, [dreg:$0x0], stride_count:$0x0, ici_dest:s2, dma_misc:DstOpCode:WRITE  }
.Ltmp29:
0x20a: {  	s2 =	simm.s32 @!p1 $0x3;
	(pc) =	sbr.rel @p2 .LBB2_42-.Ltmp29, $4  }
0x20b: {  	s3 =	sshll.u32 @!p1 s9, $0xE;
	_ =	swait.ge @!p1 [sflag:s2], $0x12  }
0x20c: {  	s4 =	sshll.u32 @!p1 s8, $0x11;
	s3 =	sadd.s32 @!p1 $0x11C3C, s3;
	[sflag:s2] =	ssyncset.done @!p1 $0x0  }
0x20d: {  	[sflag:s2] =	ssyncadd.s32 @!p1 $0xFFFFFFEE;
	s2 =	sor.u32 @!p1 s4, s3  }
0x20e: {  	s0 =	simm.s32 $0x0;
	[sflag:s2] =	ssyncadd.remote.s32 @!p1 $0xFFFFFFFF  }
0x20f: {  	s0 =	simm.s32 $0xA119  }
0x210: {  	v0 =	vld.msk [tilespmem:s0+$0x0], $0x1;
	_ =	sdelay $0x4  }
0x211: {  	(v2sf) =	vpush v0, $0x0;
	_ =	sdelay $0xc  }
0x212: {  	s2 =	sadd.s32 $0xFFFFFFFE, s6  }
0x213: {  	s2 =	sadd.s32 $0xFFFFFFFF, s2  }
0x214: {  	p2 =	sne.s32 s2, $0x0;
	s3 =	spop (v2sf)  }
.Ltmp30:
0x215: {  	p1 =	sgt.u32 s3, $0xC34F8;
	(pc) =	sbr.rel @!p2 .LBB2_41-.Ltmp30, $4  }
0x216: {  	s5 =	simm.s32 $0x0;
	s4 =	sand.u32 @!p1 $0xFFFF8, s3  }
0x217: {  	s0 =	simm.s32 $0xA178;
	s3 =	sand.u32 @!p1 $0x7, s3;
	s4 =	sadd.s32 @!p1 s1, s4  }
0x218: {  	[hbm4b:s4+s3] =	stream.linear.scatter @!p1 [tilespmem:s0], [sflag:$0x5], $0x40, $0x38;
	[tilespmem:$0x1EF88] =	vst v63  }
0x219: {  	s5 =	simm.s32 @!p1 $0x100;
	s3 =	simm.s32 $0x0;
	s4 =	simm.s32 $0xA11A  }
.LBB2_40:
0x21a: {  	v0 =	vld.msk [tilespmem:s4+$0x0], $0x1;
	s2 =	sadd.s32 $0xFFFFFFFF, s2;
	s3 =	sadd.s32 s3, s5  }
0x21b: {  	p1 =	sne.s32 s2, $0x0;
	_ =	sdelay $0x3  }
0x21c: {  	(v2sf) =	vpush v0, $0x0;
	_ =	sdelay $0xe  }
.Ltmp31:
0x21d: {  	s6 =	spop (v2sf);
	(pc) =	sbr.rel @p1 .LBB2_40-.Ltmp31, $4  }
0x21e: {  	s5 =	simm.s32 $0x0;
	p2 =	sgt.u32 s6, $0xC34F8  }
0x21f: {  	s0 =	sadd.s32 $0x40, s0;
	s5 =	simm.s32 @!p2 $0x100;
	s7 =	sand.u32 @!p2 $0xFFFF8, s6  }
0x220: {  	s4 =	sadd.s32 $0x1, s4;
	s6 =	sand.u32 @!p2 $0x7, s6;
	s7 =	sadd.s32 @!p2 s1, s7  }
0x221: {  	[hbm4b:s7+s6] =	stream.linear.scatter @!p2 [tilespmem:s0], [sflag:$0x5], $0x40, $0x38;
	[tilespmem:$0x1EF88] =	vst v63  }
.LBB2_41:
0x222: {  	s0 =	sadd.s32 s3, s5  }
0x223: {  	s0 =	sshrl.u32 s0, $0x2  }
.LBB2_42:
0x224: {  	s2 =	simm.s32 $0x5  }
0x225: {  	_ =	swait.ge [sflag:s2], s0  }
0x226: {  	s31 =	ssub.s32 $0x0, s0;
	[sflag:s2] =	ssyncset.done $0x0  }
0x227: {  	[sflag:s2] =	ssyncadd.s32 s31  }
0x228: {  	[sflag:s2] =	ssyncpa.u1 $0x1  }
.LBB2_43:
0x229: {  	s0 =	sor.u32 s13, s14  }
0x22a: {  	p1 =	sne.s32 s0, $0x0  }
.Ltmp32:
0x22b: {  	_ = 	snop;
	(pc) =	sbr.rel @p1 .LBB2_58-.Ltmp32, $3  }
0x22c: {  	_ =	sdelay $0x1  }
0x22d: {  	[bflag:$0x0] =	sbarrier.arrive $0xFFFF  }
0x22e: {  	_ =	sfence  }
0x22f: {  	s2 =	simm.s32 $0x7  }
0x230: {  	s0 =	simm.s32 $0x800;
	s3 =	simm.s32 $0xA118;
	[sflag:s2] =	ssyncpa.u1 $0x0  }
0x231: {  	[tilespmem:s3], [sflag:$0x7] =	stream.linear.gather [spmem:s0], $0x20, $0x38;
	[tilespmem:$0x1EF88] =	vst v63  }
0x232: {  	s30 =	simm.s32 $0xA138;
	s0 =	simm.s32 $0x0  }
0x233: {  	[tilespmem:s30], [sflag:$0x7] =	stream.linear.gather [spmem:s0], $0x800, $0x38;
	[tilespmem:$0x1EF88] =	vst v63  }
.Ltmp33:
0x234: {  	_ = 	snop;
	(pc) =	sbr.rel .LBB2_45-.Ltmp33, $4  }
0x235: {  	_ =	swait.ge [sflag:s2], $0x820  }
0x236: {  	[sflag:s2] =	ssyncset.done $0x0  }
0x237: {  	s31 =	simm.s32 $0x8;
	[sflag:s2] =	ssyncadd.s32 $0xFFFFF7E0  }
0x238: {  	s2 =	simm.s32 $0x0;
	[sflag:s31] =	ssyncpa.u1 $0x0  }
.LBB2_51:
0x239: {  	p1 =	slt.u32 s3, $0xC34F9  }
0x23a: {  	s4 =	sand.u32 @p1 $0xFFFF8, s3  }
0x23b: {  	s3 =	sand.u32 @p1 $0x7, s3;
	s5 =	simm.s32 @p1 $0xA0C8;
	s4 =	sadd.s32 @p1 s1, s4  }
0x23c: {  	[tilespmem:s5], [sflag:$0x8] =	stream.linear.gather @p1 [hbm4b:s4+s3], $0x40, $0x38;
	[tilespmem:$0x1EF88] =	vst v63  }
0x23d: {  	s3 =	simm.s32 @p1 $0x8  }
0x23e: {  	_ =	swait.ge @p1 [sflag:s3], $0x40  }
0x23f: {  	[sflag:s3] =	ssyncset.done @p1 $0x0  }
0x240: {  	[sflag:s3] =	ssyncadd.s32 @p1 $0xFFFFFFC0  }
0x241: {  	v1 =	vld @p1 [tilespmem:$0xA0C8];
	_ =	sdelay $0x2  }
0x242: {  	s3 =	sshll.u32 @p1 s2, $0x8  }
0x243: {  	s4 =	sshrl.u32 @p1 s3, $0x2  }
0x244: {  	[tilespmem:s4+$0xA138] =	vst.add.f32.msk @p1 $0xffff, v1  }
0x245: {  	v1 =	vld @p1 [tilespmem:$0xA0D8];
	_ =	sdelay $0x4  }
0x246: {  	[tilespmem:s4+$0xA148] =	vst.add.f32.msk @p1 $0xffff, v1  }
0x247: {  	v1 =	vld @p1 [tilespmem:$0xA0E8];
	_ =	sdelay $0x4  }
0x248: {  	[tilespmem:s4+$0xA158] =	vst.add.f32.msk @p1 $0xffff, v1  }
0x249: {  	v1 =	vld @p1 [tilespmem:$0xA0F8];
	_ =	sdelay $0x3  }
0x24a: {  	s5 =	sshll.u32 @!p1 s2, $0x8  }
0x24b: {  	s5 =	smov.u32 @p1 s3;
	[tilespmem:s4+$0xA168] =	vst.add.f32.msk @p1 $0xffff, v1  }
0x24c: {  	s3 =	sshrl.u32 s5, $0x2;
	[tilespmem:s0+$0xA118] =	vst.msk $0x1, v0  }
0x24d: {  	v0 =	vld [tilespmem:s3+$0xA138];
	_ =	sdelay $0x2  }
0x24e: {  	s31 =	sshll.u32 s0, $0x8  }
0x24f: {  	s4 =	sshra.s32 s31, $0x2  }
0x250: {  	[tilespmem:s4+$0xA138] =	vst v0  }
0x251: {  	v0 =	vld [tilespmem:s3+$0xA148];
	_ =	sdelay $0x4  }
0x252: {  	[tilespmem:s4+$0xA148] =	vst v0  }
0x253: {  	v0 =	vld [tilespmem:s3+$0xA158];
	_ =	sdelay $0x4  }
0x254: {  	[tilespmem:s4+$0xA158] =	vst v0  }
0x255: {  	v0 =	vld [tilespmem:s3+$0xA168];
	_ =	sdelay $0x4  }
0x256: {  	s0 =	sadd.s32 $0x1, s0;
	[tilespmem:s4+$0xA168] =	vst v0  }
.LBB2_52:
0x257: {  	s2 =	sadd.s32 $0x1, s2  }
0x258: {  	p1 =	sne.s32 s2, $0x20  }
.Ltmp34:
0x259: {  	_ = 	snop;
	(pc) =	sbr.rel @!p1 .LBB2_53-.Ltmp34, $1  }
0x25a: {  	_ =	sdelay $0x3  }
.LBB2_45:
0x25b: {  	v0 =	vld.msk [tilespmem:s2+$0xA118], $0x1;
	_ =	sdelay $0x4  }
0x25c: {  	(v2sf) =	vpush v0, $0x0;
	_ =	sdelay $0xe  }
0x25d: {  	s3 =	spop (v2sf)  }
0x25e: {  	p1 =	seq.s32 s3, $0xFFFFFFFF  }
.Ltmp35:
0x25f: {  	_ = 	snop;
	(pc) =	sbr.rel @p1 .LBB2_52-.Ltmp35, $1  }
0x260: {  	_ =	sdelay $0x3  }
0x261: {  	p1 =	slt.s32 s0, $0x1  }
.Ltmp36:
0x262: {  	_ = 	snop;
	(pc) =	sbr.rel @p1 .LBB2_51-.Ltmp36, $1  }
0x263: {  	_ =	sdelay $0x3  }
0x264: {  	s4 =	simm.s32 $0xA118;
	p1 =	por $0x0, $0x0  }
0x265: {  	v1 =	vld.msk @!p1 [tilespmem:s4+$0x0], $0x1;
	_ =	sdelay $0x4  }
0x266: {  	(v2sf) =	vpush @!p1 v1, $0x0;
	_ =	sdelay $0xd  }
0x267: {  	p3 =	sne.s32 s0, $0x1  }
.Ltmp37:
0x268: {  	s5 =	spop @!p1 (v2sf);
	(pc) =	sbr.rel @!p3 .LBB2_49-.Ltmp37, $4  }
0x269: {  	p2 =	seq.s32 @!p1 s3, s5  }
0x26a: {  	s5 =	simm.s32 $0x0;
	p2 =	por !p2, p1  }
0x26b: {  	s7 =	simm.s32 $0xFFFFFFFF;
	s5 =	simm.s32 @p2 $0xFFFFFFFF  }
0x26c: {  	s6 =	simm.s32 $0x1;
	s5 =	smov.u32 @p1 s7  }
.LBB2_48:
0x26d: {  	s7 =	smov.u32 s5;
	p1 =	sne.s32 s5, $0xFFFFFFFF  }
0x26e: {  	s4 =	sadd.s32 $0x1, s4;
	s5 =	smov.u32 s6;
	s6 =	sadd.s32 $0x1, s6  }
0x26f: {  	p2 =	sne.s32 s0, s6;
	v1 =	vld.msk @!p1 [tilespmem:s4+$0x0], $0x1;
	_ =	sdelay $0x4  }
0x270: {  	(v2sf) =	vpush @!p1 v1, $0x0;
	_ =	sdelay $0xe  }
.Ltmp38:
0x271: {  	s8 =	spop @!p1 (v2sf);
	(pc) =	sbr.rel @p2 .LBB2_48-.Ltmp38, $4  }
0x272: {  	p3 =	seq.s32 @!p1 s3, s8  }
0x273: {  	p3 =	por !p3, p1  }
0x274: {  	s5 =	simm.s32 @p3 $0xFFFFFFFF  }
0x275: {  	s5 =	smov.u32 @p1 s7  }
.LBB2_49:
0x276: {  	p1 =	seq.s32 s5, $0xFFFFFFFF  }
.Ltmp39:
0x277: {  	_ = 	snop;
	(pc) =	sbr.rel @p1 .LBB2_51-.Ltmp39, $1  }
0x278: {  	_ =	sdelay $0x3  }
0x279: {  	s3 =	sshll.u32 s2, $0x6  }
0x27a: {  	s3 =	sand.u32 $0x3FFFFFC0, s3  }
0x27b: {  	v0 =	vld [tilespmem:s3+$0xA138];
	_ =	sdelay $0x2  }
0x27c: {  	s4 =	sshll.u32 s5, $0x8  }
0x27d: {  	s4 =	sshra.s32 s4, $0x2  }
0x27e: {  	[tilespmem:s4+$0xA138] =	vst.add.f32.msk $0xffff, v0  }
0x27f: {  	v0 =	vld [tilespmem:s3+$0xA148];
	_ =	sdelay $0x4  }
0x280: {  	[tilespmem:s4+$0xA148] =	vst.add.f32.msk $0xffff, v0  }
0x281: {  	v0 =	vld [tilespmem:s3+$0xA158];
	_ =	sdelay $0x4  }
0x282: {  	[tilespmem:s4+$0xA158] =	vst.add.f32.msk $0xffff, v0  }
0x283: {  	v0 =	vld [tilespmem:s3+$0xA168]  }
.Ltmp40:
0x284: {  	_ = 	snop;
	(pc) =	sbr.rel .LBB2_52-.Ltmp40, $2  }
0x285: {  	_ =	sdelay $0x2  }
0x286: {  	[tilespmem:s4+$0xA168] =	vst.add.f32.msk $0xffff, v0  }
.LBB2_53:
0x287: {  	p1 =	slt.s32 s0, $0x1  }
.Ltmp41:
0x288: {  	_ = 	snop;
	(pc) =	sbr.rel @p1 .LBB2_57-.Ltmp41, $3  }
0x289: {  	_ =	sdelay $0x1  }
0x28a: {  	s2 =	simm.s32 $0x8  }
0x28b: {  	[sflag:s2] =	ssyncpa.u1 $0x1;
	s2 =	simm.s32 $0x0  }
0x28c: {  	s3 =	simm.s32 $0xA118  }
0x28d: {  	v0 =	vld.msk [tilespmem:s3+$0x0], $0x1;
	_ =	sdelay $0x4  }
0x28e: {  	(v2sf) =	vpush v0, $0x0;
	_ =	sdelay $0xe  }
0x28f: {  	s0 =	sadd.s32 $0xFFFFFFFF, s0;
	s4 =	spop (v2sf)  }
0x290: {  	p2 =	sne.s32 s0, $0x0;
	p1 =	sgt.u32 s4, $0xC34F8  }
.Ltmp42:
0x291: {  	s5 =	sand.u32 @!p1 $0xFFFF8, s4;
	(pc) =	sbr.rel @!p2 .LBB2_56-.Ltmp42, $4  }
0x292: {  	s3 =	simm.s32 $0xA138;
	s4 =	sand.u32 @!p1 $0x7, s4;
	s5 =	sadd.s32 @!p1 s1, s5  }
0x293: {  	[hbm4b:s5+s4] =	stream.linear.scatter @!p1 [tilespmem:s3], [sflag:$0x7], $0x40, $0x38;
	[tilespmem:$0x1EF88] =	vst v63  }
0x294: {  	s5 =	simm.s32 $0x0  }
0x295: {  	s4 =	simm.s32 $0xA119;
	s5 =	simm.s32 @!p1 $0x100  }
.LBB2_55:
0x296: {  	v0 =	vld.msk [tilespmem:s4+$0x0], $0x1;
	s0 =	sadd.s32 $0xFFFFFFFF, s0;
	s2 =	sadd.s32 s2, s5  }
0x297: {  	p1 =	sne.s32 s0, $0x0;
	_ =	sdelay $0x3  }
0x298: {  	(v2sf) =	vpush v0, $0x0;
	_ =	sdelay $0xe  }
.Ltmp43:
0x299: {  	s6 =	spop (v2sf);
	(pc) =	sbr.rel @p1 .LBB2_55-.Ltmp43, $4  }
0x29a: {  	s5 =	simm.s32 $0x0;
	p2 =	sgt.u32 s6, $0xC34F8  }
0x29b: {  	s3 =	sadd.s32 $0x40, s3;
	s5 =	simm.s32 @!p2 $0x100;
	s7 =	sand.u32 @!p2 $0xFFFF8, s6  }
0x29c: {  	s4 =	sadd.s32 $0x1, s4;
	s6 =	sand.u32 @!p2 $0x7, s6;
	s7 =	sadd.s32 @!p2 s1, s7  }
0x29d: {  	[hbm4b:s7+s6] =	stream.linear.scatter @!p2 [tilespmem:s3], [sflag:$0x7], $0x40, $0x38;
	[tilespmem:$0x1EF88] =	vst v63  }
.LBB2_56:
0x29e: {  	s0 =	sadd.s32 s2, s5  }
0x29f: {  	s2 =	sshrl.u32 s0, $0x2  }
.LBB2_57:
0x2a0: {  	s0 =	simm.s32 $0x7  }
0x2a1: {  	_ =	swait.ge [sflag:s0], s2  }
0x2a2: {  	s1 =	ssub.s32 $0x0, s2;
	[sflag:s0] =	ssyncset.done $0x0  }
0x2a3: {  	[sflag:s0] =	ssyncadd.s32 s1  }
0x2a4: {  	[sflag:s0] =	ssyncpa.u1 $0x1  }
.LBB2_58:
0x2a5: {  	_ =	sfence;
	s0 =	simm.s32 $0x1  }
0x2a6: {  	[sflag:s0] =	ssyncpa.u1 $0x1  }
0x2a7: {  	_ =	strace $0x9000004A  }
0x2a8: {  	[bflag:$0x2] =	sbarrier.arrive $0xFFFF  }
0x2a9: {  	s0 =	rddreg [dreg:$0x3]  }
0x2aa: {  	s0 =	sadd.s32 @!p0 $0x100000, s0  }
0x2ab: {  	[sflag:s0] =	ssyncadd.tile.s32 @!p0 $0x1;
	_ =	shalt  }
.Lfunc_end2:
_tile_overlayer_lowered:
.L_overlay_start_2:
0x2ac: {  	(tag) =	ssettag $0x2  }
0x2ad: {  	s0 =	rddreg [dreg:$0x0];
	s2 =	stileid.u32  }
0x2ae: {  	s1 =	rddreg [dreg:$0x1];
	p0 =	sne.s32 s2, $0x0  }
0x2af: {  	s3 =	rddreg [dreg:$0x2];
	[bflag:$0x3] =	sbarrier.arrive $0xFFFF;
	s2 =	simm.s32 @!p0 $0x1C01  }
0x2b0: {  	[timem:s3], [sflag:s2] =	dma.local @!p0 [hbm:s0], s1  }
0x2b1: {  	s0 =	simm.s32 @!p0 $0x1  }
0x2b2: {  	_ =	swait.ge @!p0 [sflag:s0], s1  }
0x2b3: {  	s1 =	ssub.s32 @!p0 $0x0, s1;
	[sflag:s0] =	ssyncset.done @!p0 $0x0  }
0x2b4: {  	[sflag:s0] =	ssyncadd.s32 @!p0 s1  }
0x2b5: {  	[bflag:$0x3] =	sbarrier.arrive $0xFFFF  }
0x2b6: {  	_ =	shalt  }

// kernel: scatter_offload_async_start.2
scs
__scs_entry_jumppad:
0x0: {  	(pc) =	sbr.rel $0x88, $3  }
0x1: {  	(tag) =	ssettag $0x0;
	lr =	simm.s32 $0x1  }
0x2: {  	[smem:$0x3F7A] =	sst lr;
	_ =	strace $0xD0000000  }
0x3: {  	_ = 	snop  }
0x4: {  	_ = 	snop  }
0x5: {  	_ = 	snop  }
0x6: {  	_ = 	snop  }
0x7: {  	_ = 	snop  }
__scs_overlays_trampoline_lowered:
0x8: {  	[smem:$0x3F89] =	sst s0  }
0x9: {  	[smem:$0x3F8A] =	sst s1  }
0xa: {  	[smem:$0x3F8B] =	sst s2  }
0xb: {  	[smem:$0x3F8C] =	sst s3  }
0xc: {  	[smem:$0x3F8D] =	sst s4  }
0xd: {  	[smem:$0x3F8E] =	sst s5  }
0xe: {  	[smem:$0x3F8F] =	sst s6  }
0xf: {  	[smem:$0x3F90] =	sst s7  }
0x10: {  	[smem:$0x3F91] =	sst s8  }
0x11: {  	[smem:$0x3F92] =	sst s9;
	s0 =	simm.s32 @!p0 $0x0  }
0x12: {  	s1 =	sld [smem:$0x3F78];
	s0 =	simm.s32 @p0 $0x1  }
0x13: {  	[smem:$0x3F93] =	sst s0;
	s0 =	simm.s32 @!p1 $0x0  }
0x14: {  	s2 =	sld [smem:$0x3F77];
	s0 =	simm.s32 @p1 $0x1  }
0x15: {  	[smem:$0x3F94] =	sst s0;
	s0 =	simm.s32 @!p2 $0x0  }
0x16: {  	s3 =	sld [smem:$0x3FDB];
	s0 =	simm.s32 @p2 $0x1  }
0x17: {  	s4 =	simm.s32 $0x1BF5;
	[smem:$0x3F96] =	sst s0  }
0x18: {  	s0 =	sld [smem:$0x3F79];
	_ =	swait.ge [sflag:s4], $0x0  }
0x19: {  	s7 =	sld [smem:$0x3F7A]  }
0x1a: {  	s8 =	sadd.s32 $0xFFFFE003, lr  }
0x1b: {  	s9 =	sadd.s32 $0xFFFFFEF7, lr;
	s5 =	simm.s32 $0xFFFFFFFF;
	p2 =	slt.u32 s8, $0xFFFFF086  }
0x1c: {  	p1 =	slt.u32 s9, $0xF7A;
	s5 =	simm.s32 @!p2 $0x0  }
0x1d: {  	s5 =	simm.s32 @p1 $0x1;
	p0 =	seq.s32 s7, s2  }
0x1e: {  	s7 =	smul.u32 @!p0 $0xF7A, s2;
	p2 =	seq.s32 @!p0 s5, $0x0  }
0x1f: {  	s9 =	smul.u32 $0xF7A, s1;
	s8 =	simm.s32 @!p0 $0x1BF5;
	p2 =	por !p2, p0  }
0x20: {  	[sflag:s8] =	ssyncset.s32 @!p0 $0xFFFFF086;
	s6 =	sadd.s32 @!p0 s3, s7;
	s7 =	simm.s32 @!p0 $0x108  }
0x21: {  	s3 =	sadd.s32 s3, s9;
	s6 =	sadd.s32 @!p0 $0x88, s6;
	s7 =	simm.s32 @p2 $0x1082  }
0x22: {  	[simem:s7], [sflag:s8] =	dma.local @!p0 [hbm:s6], $0xF7A  }
0x23: {  	s9 =	sor.u32 $0xD0000000, s2;
	s6 =	simm.s32 $0x108;
	_ =	swait.ge @!p0 [sflag:s8], $0x0  }
0x24: {  	s3 =	sadd.s32 $0x88, s3;
	s6 =	simm.s32 @!p1 $0x1082;
	[sflag:s4] =	ssyncset.s32 $0xFFFFF086  }
0x25: {  	[simem:s6], [sflag:s4] =	dma.local [hbm:s3], $0xF7A  }
0x26: {  	[smem:$0x3F7A] =	sst s1;
	(tag) =	ssettag s2;
	_ =	strace s9  }
0x27: {  	s1 =	sld [smem:$0x3F8A]  }
0x28: {  	s2 =	sld [smem:$0x3F8B]  }
0x29: {  	s4 =	sld [smem:$0x3F8D]  }
0x2a: {  	p0 =	seq.s32 s5, $0x0;
	s5 =	sld [smem:$0x3F8E]  }
0x2b: {  	s6 =	sld [smem:$0x3F8F]  }
0x2c: {  	s7 =	sld [smem:$0x3F90]  }
0x2d: {  	s3 =	simm.s32 $0x108;
	s8 =	sld [smem:$0x3F91]  }
0x2e: {  	s3 =	simm.s32 @!p0 $0x1082;
	s9 =	sld [smem:$0x3F92]  }
0x2f: {  	lr =	sadd.s32 s0, s3;
	s0 =	sld [smem:$0x3F89]  }
0x30: {  	s3 =	sld [smem:$0x3F8C]  }
0x31: {  	[smem:$0x3F95] =	sst s10  }
0x32: {  	s10 =	sld [smem:$0x3F93];
	_ =	sdelay $0x3  }
0x33: {  	p0 =	seq.s32 s10, $0x1;
	s10 =	sld [smem:$0x3F95];
	_ =	sdelay $0x3  }
0x34: {  	[smem:$0x3F95] =	sst s10  }
0x35: {  	s10 =	sld [smem:$0x3F94];
	_ =	sdelay $0x3  }
0x36: {  	p1 =	seq.s32 s10, $0x1;
	s10 =	sld [smem:$0x3F95];
	_ =	sdelay $0x3  }
0x37: {  	[smem:$0x3F95] =	sst s10  }
0x38: {  	s10 =	sld [smem:$0x3F96]  }
0x39: {  	_ = 	snop;
	(pc) =	sbr.ind lr, $3  }
0x3a: {  	_ = 	snop  }
0x3b: {  	_ = 	snop  }
0x3c: {  	p2 =	seq.s32 s10, $0x1;
	s10 =	sld [smem:$0x3F95]  }
0x3d: {  	_ =	shalt  }
0x3e: {  	_ =	shalt  }
0x3f: {  	_ =	shalt  }
0x40: {  	_ =	shalt  }
0x41: {  	_ =	shalt  }
0x42: {  	_ =	shalt  }
0x43: {  	_ =	shalt  }
0x44: {  	_ =	shalt  }
0x45: {  	_ =	shalt  }
0x46: {  	_ =	shalt  }
0x47: {  	_ =	shalt  }
0x48: {  	_ =	shalt  }
0x49: {  	_ =	shalt  }
0x4a: {  	_ =	shalt  }
0x4b: {  	_ =	shalt  }
0x4c: {  	_ =	shalt  }
0x4d: {  	_ =	shalt  }
0x4e: {  	_ =	shalt  }
0x4f: {  	_ =	shalt  }
0x50: {  	_ =	shalt  }
0x51: {  	_ =	shalt  }
0x52: {  	_ =	shalt  }
0x53: {  	_ =	shalt  }
0x54: {  	_ =	shalt  }
0x55: {  	_ =	shalt  }
0x56: {  	_ =	shalt  }
0x57: {  	_ =	shalt  }
0x58: {  	_ =	shalt  }
0x59: {  	_ =	shalt  }
0x5a: {  	_ =	shalt  }
0x5b: {  	_ =	shalt  }
0x5c: {  	_ =	shalt  }
0x5d: {  	_ =	shalt  }
0x5e: {  	_ =	shalt  }
0x5f: {  	_ =	shalt  }
0x60: {  	_ =	shalt  }
0x61: {  	_ =	shalt  }
0x62: {  	_ =	shalt  }
0x63: {  	_ =	shalt  }
0x64: {  	_ =	shalt  }
0x65: {  	_ =	shalt  }
0x66: {  	_ =	shalt  }
0x67: {  	_ =	shalt  }
0x68: {  	_ =	shalt  }
0x69: {  	_ =	shalt  }
0x6a: {  	_ =	shalt  }
0x6b: {  	_ =	shalt  }
0x6c: {  	_ =	shalt  }
0x6d: {  	_ =	shalt  }
0x6e: {  	_ =	shalt  }
0x6f: {  	_ =	shalt  }
0x70: {  	_ =	shalt  }
0x71: {  	_ =	shalt  }
0x72: {  	_ =	shalt  }
0x73: {  	_ =	shalt  }
0x74: {  	_ =	shalt  }
0x75: {  	_ =	shalt  }
0x76: {  	_ =	shalt  }
0x77: {  	_ =	shalt  }
0x78: {  	_ =	shalt  }
0x79: {  	_ =	shalt  }
0x7a: {  	_ =	shalt  }
0x7b: {  	_ =	shalt  }
0x7c: {  	_ =	shalt  }
0x7d: {  	_ =	shalt  }
0x7e: {  	_ =	shalt  }
0x7f: {  	_ =	shalt  }
0x80: {  	_ =	shalt  }
0x81: {  	_ =	shalt  }
0x82: {  	_ =	shalt  }
0x83: {  	_ =	shalt  }
0x84: {  	_ =	shalt  }
0x85: {  	_ =	shalt  }
0x86: {  	_ =	shalt  }
0x87: {  	_ =	shalt  }
.Lfunc_end0:
.L_simem_size_0:
called_computation.2_lowered:
.L_overlay_start_0:
0x88: {  	s2 =	sld [smem:$0x3FD9]  }
0x89: {  	s3 =	sld [smem:$0x3FFE];
	_ =	sdelay $0x1  }
0x8a: {  	s1 =	srdreg.scid  }
0x8b: {  	s0 =	sand.u32 $0x1, s1  }
0x8c: {  	s13 =	sshll.u32 s0, $0xA;
	s2 =	sadd.s32 s3, s2  }
0x8d: {  	s2 =	sadd.s32 s2, s13  }
0x8e: {  	[smem:$0x3FA1] =	sst s2  }
0x8f: {  	_ = 	snop  }
0x90: {  	s2 =	sld [smem:$0x3FD0];
	_ =	sdelay $0x2  }
0x91: {  	s14 =	simm.s32 $0xB;
	s4 =	simm.s32 $0x10  }
0x92: {  	[smem:s4], [sflag:s14] =	dma.local [hbm:s2], $0x1  }
0x93: {  	_ =	swait.eq [sflag:s14], $0x1  }
0x94: {  	[sflag:s14] =	ssyncset.done $0x0  }
0x95: {  	[sflag:s14] =	ssyncadd.s32 $0xFFFFFFFF  }
0x96: {  	s15 =	sld [smem:$0x11];
	(tm) =	ssettm $0x1  }
0x97: {  	s16 =	sld [smem:$0x3FFB];
	_ =	sdelay $0x3  }
0x98: {  	_ =	strace s16  }
0x99: {  	s3 =	sld [smem:$0x3FFC];
	_ =	sdelay $0x3  }
0x9a: {  	_ =	strace s3  }
0x9b: {  	s3 =	sld [smem:$0x3FFD];
	_ =	sdelay $0x3  }
0x9c: {  	_ =	strace s3  }
0x9d: {  	_ =	strace $0x8FFFFFFF  }
0x9e: {  	s17 =	sld [smem:$0x3FDB];
	_ =	sdelay $0x1  }
0x9f: {  	s18 =	simm.s32 $_scs_section_size  }
0xa0: {  	s5 =	simm.s32 $_size__tile_overlayer_lowered;
	s6 =	simm.s32 $_tile_overlayer_lowered  }
0xa1: {  	s21 =	simm.s32 $0x1BFF;
	s20 =	sshll.u32 s6, $0x1;
	s3 =	sadd.s32 s18, s17  }
0xa2: {  	s7 =	simm.s32 $0x0;
	s19 =	sshll.u32 s5, $0x1;
	s5 =	sadd.s32 s20, s3  }
0xa3: {  	[timem:s7], [sflag:s21] =	dma.local [hbm:s5], s19  }
0xa4: {  	_ =	swait.ge [sflag:s21], s19  }
0xa5: {  	s4 =	ssub.s32 $0x0, s19;
	[sflag:s21] =	ssyncset.done $0x0  }
0xa6: {  	[sflag:s21] =	ssyncadd.s32 s4;
	_ =	sdelay $0x1  }
0xa7: {  	s22 =	simm.s32 $0x1B8B  }
0xa8: {  	_ =	swait.ge [sflag:s22], $0x1  }
0xa9: {  	[sflag:s22] =	ssyncset.done $0x0  }
0xaa: {  	s23 =	sld [smem:$0x3FFE];
	[sflag:s22] =	ssyncadd.s32 $0xFFFFFFFF  }
0xab: {  	s25 =	simm.s32 $0x1B8E;
	s24 =	sld [smem:$0x0]  }
0xac: {  	s26 =	simm.s32 $execute0_lowered;
	[smem:$0x3FD2] =	sst s25  }
0xad: {  	s6 =	sshll.u32 s26, $0x1;
	_ =	strace $0x80000052;
	[dreg:$0x1] =	wrdreg $0xFFFFFFFF  }
0xae: {  	s28 =	simm.s32 $_size_execute0_lowered;
	s3 =	sadd.s32 s3, s6;
	[dreg:$0x0] =	wrdreg $0x0  }
0xaf: {  	s6 =	sshll.u32 s28, $0x1;
	[dreg:$0x2] =	wrdreg s3  }
0xb0: {  	[dreg:$0x3] =	wrdreg s6  }
0xb1: {  	[dreg:$0x4] =	wrdreg $0xC0  }
0xb2: {  	_ =	task [dreg:s7], $0x5FFFF  }
0xb3: {  	[dreg:$0x1] =	wrdreg $0xFFFFFFFF  }
0xb4: {  	[dreg:$0x0] =	wrdreg $0x60  }
0xb5: {  	[dreg:$0x2] =	wrdreg s15  }
0xb6: {  	[dreg:$0x3] =	wrdreg s23  }
0xb7: {  	[dreg:$0x4] =	wrdreg s1  }
0xb8: {  	[dreg:$0x5] =	wrdreg s24  }
0xb9: {  	[dreg:$0x6] =	wrdreg $0x9  }
0xba: {  	_ =	task.clear_ibuf [dreg:s7], $0x7FFFF;
	_ =	strace $0x90000052  }
0xbb: {  	s29 =	simm.s32 $0x9;
	_ =	strace $0x80000054  }
0xbc: {  	_ =	swait.ge [sflag:s29], $0x1  }
0xbd: {  	[sflag:s29] =	ssyncadd.s32 $0xFFFFFFFF  }
0xbe: {  	_ =	strace $0x90000054  }
0xbf: {  	_ =	sfence  }
0xc0: {  	s30 =	sld [smem:$0x0];
	_ =	sdelay $0x2  }
0xc1: {  	s31 =	sshll.u32 s1, $0xD;
	s1 =	sshrl.u32 s1, $0x2  }
0xc2: {  	s3 =	sand.u32 $0x4000, s31;
	s1 =	sadd.s32 s1, s30  }
0xc3: {  	s0 =	sor.u32 s3, s0;
	s1 =	sshll.u32 s1, $0x11  }
0xc4: {  	s0 =	sor.u32 s1, s0  }
0xc5: {  	s0 =	sadd.s32 $0x8F2B, s0  }
0xc6: {  	[sflag:s0] =	ssyncadd.remote.s32 $0x1  }
0xc7: {  	_ =	sfence.sel $0xFFFF  }
0xc8: {  	[dreg:$0x0] =	wrdreg $0xFFFFFFFF;
	(pc) =	sbr.abs _section_cstart, $3  }
0xc9: {  	[dreg:$0x1] =	wrdreg $0xFFFFFFFF  }
0xca: {  	_ =	task.clear_ibuf [dreg:s7], $0x2FFFF;
	_ =	strace $0x9FFFFFFF  }
0xcb: {  	(tm) =	ssettm $0x7FFFFFFF  }
tec
execute0_lowered:
.L_overlay_start_1:
0x0: {  	(tag) =	ssettag $0x1  }
0x1: {  	s1 =	rddreg [dreg:$0x0]  }
0x2: {  	s11 =	rddreg [dreg:$0x1]  }
0x3: {  	s3 =	rddreg [dreg:$0x2];
	_ =	strace $0x80000053;
	s12 =	simm.s32 $0x1  }
0x4: {  	v0 =	vimm.s32 $0x0;
	[sflag:s12] =	ssyncpa.u1 $0x0  }
0x5: {  	[tilespmem:$0x28] =	vst v0  }
0x6: {  	[tilespmem:$0x38] =	vst v0  }
0x7: {  	[tilespmem:$0x48] =	vst v0  }
0x8: {  	[tilespmem:$0x58] =	vst v0  }
0x9: {  	[tilespmem:$0x68] =	vst v0  }
0xa: {  	[tilespmem:$0x78] =	vst v0  }
0xb: {  	[tilespmem:$0x88] =	vst v0  }
0xc: {  	[tilespmem:$0x98] =	vst v0  }
0xd: {  	[tilespmem:$0xA8] =	vst v0  }
0xe: {  	[tilespmem:$0xB8] =	vst v0  }
0xf: {  	[tilespmem:$0xC8] =	vst v0  }
0x10: {  	[tilespmem:$0xD8] =	vst v0  }
0x11: {  	[tilespmem:$0xE8] =	vst v0  }
0x12: {  	[tilespmem:$0xF8] =	vst v0  }
0x13: {  	[tilespmem:$0x108] =	vst v0  }
0x14: {  	[tilespmem:$0x118] =	vst v0  }
0x15: {  	[tilespmem:$0x128] =	vst v0  }
0x16: {  	[tilespmem:$0x138] =	vst v0  }
0x17: {  	[tilespmem:$0x148] =	vst v0  }
0x18: {  	[tilespmem:$0x158] =	vst v0  }
0x19: {  	[tilespmem:$0x168] =	vst v0  }
0x1a: {  	[tilespmem:$0x178] =	vst v0  }
0x1b: {  	[tilespmem:$0x188] =	vst v0  }
0x1c: {  	[tilespmem:$0x198] =	vst v0  }
0x1d: {  	[tilespmem:$0x1A8] =	vst v0  }
0x1e: {  	[tilespmem:$0x1B8] =	vst v0  }
0x1f: {  	[tilespmem:$0x1C8] =	vst v0  }
0x20: {  	[tilespmem:$0x1D8] =	vst v0  }
0x21: {  	[tilespmem:$0x1E8] =	vst v0  }
0x22: {  	[tilespmem:$0x1F8] =	vst v0  }
0x23: {  	[tilespmem:$0x208] =	vst v0  }
0x24: {  	[tilespmem:$0x218] =	vst v0  }
0x25: {  	[tilespmem:$0x228] =	vst v0  }
0x26: {  	[tilespmem:$0x238] =	vst v0  }
0x27: {  	[tilespmem:$0x248] =	vst v0  }
0x28: {  	[tilespmem:$0x258] =	vst v0  }
0x29: {  	[tilespmem:$0x268] =	vst v0  }
0x2a: {  	[tilespmem:$0x278] =	vst v0  }
0x2b: {  	[tilespmem:$0x288] =	vst v0  }
0x2c: {  	[tilespmem:$0x298] =	vst v0  }
0x2d: {  	[tilespmem:$0x2A8] =	vst v0  }
0x2e: {  	[tilespmem:$0x2B8] =	vst v0  }
0x2f: {  	[tilespmem:$0x2C8] =	vst v0  }
0x30: {  	[tilespmem:$0x2D8] =	vst v0  }
0x31: {  	[tilespmem:$0x2E8] =	vst v0  }
0x32: {  	[tilespmem:$0x2F8] =	vst v0  }
0x33: {  	[tilespmem:$0x308] =	vst v0  }
0x34: {  	[tilespmem:$0x318] =	vst v0  }
0x35: {  	[tilespmem:$0x328] =	vst v0  }
0x36: {  	[tilespmem:$0x338] =	vst v0  }
0x37: {  	[tilespmem:$0x348] =	vst v0  }
0x38: {  	[tilespmem:$0x358] =	vst v0  }
0x39: {  	[tilespmem:$0x368] =	vst v0  }
0x3a: {  	[tilespmem:$0x378] =	vst v0  }
0x3b: {  	[tilespmem:$0x388] =	vst v0  }
0x3c: {  	[tilespmem:$0x398] =	vst v0  }
0x3d: {  	[tilespmem:$0x3A8] =	vst v0  }
0x3e: {  	[tilespmem:$0x3B8] =	vst v0  }
0x3f: {  	[tilespmem:$0x3C8] =	vst v0  }
0x40: {  	[tilespmem:$0x3D8] =	vst v0  }
0x41: {  	[tilespmem:$0x3E8] =	vst v0  }
0x42: {  	[tilespmem:$0x3F8] =	vst v0  }
0x43: {  	[tilespmem:$0x408] =	vst v0  }
0x44: {  	[tilespmem:$0x418] =	vst v0  }
0x45: {  	[tilespmem:$0x428] =	vst v0  }
0x46: {  	[tilespmem:$0x438] =	vst v0  }
0x47: {  	[tilespmem:$0x448] =	vst v0  }
0x48: {  	[tilespmem:$0x458] =	vst v0  }
0x49: {  	[tilespmem:$0x468] =	vst v0  }
0x4a: {  	[tilespmem:$0x478] =	vst v0  }
0x4b: {  	[tilespmem:$0x488] =	vst v0  }
0x4c: {  	[tilespmem:$0x498] =	vst v0  }
0x4d: {  	[tilespmem:$0x4A8] =	vst v0  }
0x4e: {  	[tilespmem:$0x4B8] =	vst v0  }
0x4f: {  	[tilespmem:$0x4C8] =	vst v0  }
0x50: {  	[tilespmem:$0x4D8] =	vst v0  }
0x51: {  	[tilespmem:$0x4E8] =	vst v0  }
0x52: {  	[tilespmem:$0x4F8] =	vst v0  }
0x53: {  	[tilespmem:$0x508] =	vst v0  }
0x54: {  	[tilespmem:$0x518] =	vst v0  }
0x55: {  	[tilespmem:$0x528] =	vst v0  }
0x56: {  	[tilespmem:$0x538] =	vst v0  }
0x57: {  	[tilespmem:$0x548] =	vst v0  }
0x58: {  	[tilespmem:$0x558] =	vst v0  }
0x59: {  	[tilespmem:$0x568] =	vst v0  }
0x5a: {  	[tilespmem:$0x578] =	vst v0  }
0x5b: {  	[tilespmem:$0x588] =	vst v0  }
0x5c: {  	[tilespmem:$0x598] =	vst v0  }
0x5d: {  	[tilespmem:$0x5A8] =	vst v0  }
0x5e: {  	[tilespmem:$0x5B8] =	vst v0  }
0x5f: {  	[tilespmem:$0x5C8] =	vst v0  }
0x60: {  	[tilespmem:$0x5D8] =	vst v0  }
0x61: {  	[tilespmem:$0x5E8] =	vst v0  }
0x62: {  	[tilespmem:$0x5F8] =	vst v0  }
0x63: {  	[tilespmem:$0x608] =	vst v0  }
0x64: {  	[tilespmem:$0x618] =	vst v0  }
0x65: {  	[tilespmem:$0x628] =	vst v0  }
0x66: {  	[tilespmem:$0x638] =	vst v0  }
0x67: {  	[tilespmem:$0x648] =	vst v0  }
0x68: {  	[tilespmem:$0x658] =	vst v0  }
0x69: {  	[tilespmem:$0x668] =	vst v0  }
0x6a: {  	[tilespmem:$0x678] =	vst v0  }
0x6b: {  	[tilespmem:$0x688] =	vst v0  }
0x6c: {  	[tilespmem:$0x698] =	vst v0  }
0x6d: {  	[tilespmem:$0x6A8] =	vst v0  }
0x6e: {  	[tilespmem:$0x6B8] =	vst v0  }
0x6f: {  	[tilespmem:$0x6C8] =	vst v0  }
0x70: {  	[tilespmem:$0x6D8] =	vst v0  }
0x71: {  	[tilespmem:$0x6E8] =	vst v0  }
0x72: {  	[tilespmem:$0x6F8] =	vst v0  }
0x73: {  	[tilespmem:$0x708] =	vst v0  }
0x74: {  	[tilespmem:$0x718] =	vst v0  }
0x75: {  	[tilespmem:$0x728] =	vst v0  }
0x76: {  	[tilespmem:$0x738] =	vst v0  }
0x77: {  	[tilespmem:$0x748] =	vst v0  }
0x78: {  	[tilespmem:$0x758] =	vst v0  }
0x79: {  	[tilespmem:$0x768] =	vst v0  }
0x7a: {  	[tilespmem:$0x778] =	vst v0  }
0x7b: {  	[tilespmem:$0x788] =	vst v0  }
0x7c: {  	[tilespmem:$0x798] =	vst v0  }
0x7d: {  	[tilespmem:$0x7A8] =	vst v0  }
0x7e: {  	[tilespmem:$0x7B8] =	vst v0  }
0x7f: {  	[tilespmem:$0x7C8] =	vst v0  }
0x80: {  	[tilespmem:$0x7D8] =	vst v0  }
0x81: {  	[tilespmem:$0x7E8] =	vst v0  }
0x82: {  	[tilespmem:$0x7F8] =	vst v0  }
0x83: {  	[tilespmem:$0x808] =	vst v0  }
0x84: {  	[tilespmem:$0x818] =	vst v0  }
0x85: {  	[tilespmem:$0x828] =	vst v0  }
0x86: {  	[tilespmem:$0x838] =	vst v0  }
0x87: {  	[tilespmem:$0x848] =	vst v0  }
0x88: {  	[tilespmem:$0x858] =	vst v0  }
0x89: {  	[tilespmem:$0x868] =	vst v0  }
0x8a: {  	[tilespmem:$0x878] =	vst v0  }
0x8b: {  	[tilespmem:$0x888] =	vst v0  }
0x8c: {  	[tilespmem:$0x898] =	vst v0  }
0x8d: {  	[tilespmem:$0x8A8] =	vst v0  }
0x8e: {  	[tilespmem:$0x8B8] =	vst v0  }
0x8f: {  	[tilespmem:$0x8C8] =	vst v0  }
0x90: {  	[tilespmem:$0x8D8] =	vst v0  }
0x91: {  	[tilespmem:$0x8E8] =	vst v0  }
0x92: {  	[tilespmem:$0x8F8] =	vst v0  }
0x93: {  	[tilespmem:$0x908] =	vst v0  }
0x94: {  	[tilespmem:$0x918] =	vst v0  }
0x95: {  	[tilespmem:$0x928] =	vst v0  }
0x96: {  	[tilespmem:$0x938] =	vst v0  }
0x97: {  	[tilespmem:$0x948] =	vst v0  }
0x98: {  	[tilespmem:$0x958] =	vst v0  }
0x99: {  	[tilespmem:$0x968] =	vst v0  }
0x9a: {  	[tilespmem:$0x978] =	vst v0  }
0x9b: {  	[tilespmem:$0x988] =	vst v0  }
0x9c: {  	[tilespmem:$0x998] =	vst v0  }
0x9d: {  	[tilespmem:$0x9A8] =	vst v0  }
0x9e: {  	[tilespmem:$0x9B8] =	vst v0  }
0x9f: {  	[tilespmem:$0x9C8] =	vst v0  }
0xa0: {  	[tilespmem:$0x9D8] =	vst v0  }
0xa1: {  	[tilespmem:$0x9E8] =	vst v0  }
0xa2: {  	[tilespmem:$0x9F8] =	vst v0  }
0xa3: {  	[tilespmem:$0xA08] =	vst v0  }
0xa4: {  	[tilespmem:$0xA18] =	vst v0  }
0xa5: {  	[tilespmem:$0xA28] =	vst v0  }
0xa6: {  	[tilespmem:$0xA38] =	vst v0  }
0xa7: {  	[tilespmem:$0xA48] =	vst v0  }
0xa8: {  	[tilespmem:$0xA58] =	vst v0  }
0xa9: {  	[tilespmem:$0xA68] =	vst v0  }
0xaa: {  	[tilespmem:$0xA78] =	vst v0  }
0xab: {  	[tilespmem:$0xA88] =	vst v0  }
0xac: {  	[tilespmem:$0xA98] =	vst v0  }
0xad: {  	[tilespmem:$0xAA8] =	vst v0  }
0xae: {  	[tilespmem:$0xAB8] =	vst v0  }
0xaf: {  	[tilespmem:$0xAC8] =	vst v0  }
0xb0: {  	[tilespmem:$0xAD8] =	vst v0  }
0xb1: {  	[tilespmem:$0xAE8] =	vst v0  }
0xb2: {  	[tilespmem:$0xAF8] =	vst v0  }
0xb3: {  	[tilespmem:$0xB08] =	vst v0  }
0xb4: {  	[tilespmem:$0xB18] =	vst v0  }
0xb5: {  	[tilespmem:$0xB28] =	vst v0  }
0xb6: {  	[tilespmem:$0xB38] =	vst v0  }
0xb7: {  	[tilespmem:$0xB48] =	vst v0  }
0xb8: {  	[tilespmem:$0xB58] =	vst v0  }
0xb9: {  	[tilespmem:$0xB68] =	vst v0  }
0xba: {  	[tilespmem:$0xB78] =	vst v0  }
0xbb: {  	[tilespmem:$0xB88] =	vst v0  }
0xbc: {  	[tilespmem:$0xB98] =	vst v0  }
0xbd: {  	[tilespmem:$0xBA8] =	vst v0  }
0xbe: {  	[tilespmem:$0xBB8] =	vst v0  }
0xbf: {  	[tilespmem:$0xBC8] =	vst v0  }
0xc0: {  	[tilespmem:$0xBD8] =	vst v0  }
0xc1: {  	[tilespmem:$0xBE8] =	vst v0  }
0xc2: {  	[tilespmem:$0xBF8] =	vst v0  }
0xc3: {  	[tilespmem:$0xC08] =	vst v0  }
0xc4: {  	[tilespmem:$0xC18] =	vst v0  }
0xc5: {  	[tilespmem:$0xC28] =	vst v0  }
0xc6: {  	[tilespmem:$0xC38] =	vst v0  }
0xc7: {  	[tilespmem:$0xC48] =	vst v0  }
0xc8: {  	[tilespmem:$0xC58] =	vst v0  }
0xc9: {  	[tilespmem:$0xC68] =	vst v0  }
0xca: {  	[tilespmem:$0xC78] =	vst v0  }
0xcb: {  	[tilespmem:$0xC88] =	vst v0  }
0xcc: {  	[tilespmem:$0xC98] =	vst v0  }
0xcd: {  	[tilespmem:$0xCA8] =	vst v0  }
0xce: {  	[tilespmem:$0xCB8] =	vst v0  }
0xcf: {  	[tilespmem:$0xCC8] =	vst v0  }
0xd0: {  	[tilespmem:$0xCD8] =	vst v0  }
0xd1: {  	[tilespmem:$0xCE8] =	vst v0  }
0xd2: {  	[tilespmem:$0xCF8] =	vst v0  }
0xd3: {  	[tilespmem:$0xD08] =	vst v0  }
0xd4: {  	[tilespmem:$0xD18] =	vst v0  }
0xd5: {  	[tilespmem:$0xD28] =	vst v0  }
0xd6: {  	[tilespmem:$0xD38] =	vst v0  }
0xd7: {  	[tilespmem:$0xD48] =	vst v0  }
0xd8: {  	[tilespmem:$0xD58] =	vst v0  }
0xd9: {  	[tilespmem:$0xD68] =	vst v0  }
0xda: {  	[tilespmem:$0xD78] =	vst v0  }
0xdb: {  	[tilespmem:$0xD88] =	vst v0  }
0xdc: {  	[tilespmem:$0xD98] =	vst v0  }
0xdd: {  	[tilespmem:$0xDA8] =	vst v0  }
0xde: {  	[tilespmem:$0xDB8] =	vst v0  }
0xdf: {  	[tilespmem:$0xDC8] =	vst v0  }
0xe0: {  	[tilespmem:$0xDD8] =	vst v0  }
0xe1: {  	[tilespmem:$0xDE8] =	vst v0  }
0xe2: {  	[tilespmem:$0xDF8] =	vst v0  }
0xe3: {  	[tilespmem:$0xE08] =	vst v0  }
0xe4: {  	[tilespmem:$0xE18] =	vst v0  }
0xe5: {  	[tilespmem:$0xE28] =	vst v0  }
0xe6: {  	[tilespmem:$0xE38] =	vst v0  }
0xe7: {  	[tilespmem:$0xE48] =	vst v0  }
0xe8: {  	[tilespmem:$0xE58] =	vst v0  }
0xe9: {  	[tilespmem:$0xE68] =	vst v0  }
0xea: {  	[tilespmem:$0xE78] =	vst v0  }
0xeb: {  	[tilespmem:$0xE88] =	vst v0  }
0xec: {  	[tilespmem:$0xE98] =	vst v0  }
0xed: {  	[tilespmem:$0xEA8] =	vst v0  }
0xee: {  	[tilespmem:$0xEB8] =	vst v0  }
0xef: {  	[tilespmem:$0xEC8] =	vst v0  }
0xf0: {  	[tilespmem:$0xED8] =	vst v0  }
0xf1: {  	[tilespmem:$0xEE8] =	vst v0  }
0xf2: {  	[tilespmem:$0xEF8] =	vst v0  }
0xf3: {  	[tilespmem:$0xF08] =	vst v0  }
0xf4: {  	[tilespmem:$0xF18] =	vst v0  }
0xf5: {  	[tilespmem:$0xF28] =	vst v0  }
0xf6: {  	[tilespmem:$0xF38] =	vst v0  }
0xf7: {  	[tilespmem:$0xF48] =	vst v0  }
0xf8: {  	[tilespmem:$0xF58] =	vst v0  }
0xf9: {  	[tilespmem:$0xF68] =	vst v0  }
0xfa: {  	[tilespmem:$0xF78] =	vst v0  }
0xfb: {  	[tilespmem:$0xF88] =	vst v0  }
0xfc: {  	[tilespmem:$0xF98] =	vst v0  }
0xfd: {  	[tilespmem:$0xFA8] =	vst v0  }
0xfe: {  	[tilespmem:$0xFB8] =	vst v0  }
0xff: {  	[tilespmem:$0xFC8] =	vst v0  }
0x100: {  	[tilespmem:$0xFD8] =	vst v0  }
0x101: {  	[tilespmem:$0xFE8] =	vst v0  }
0x102: {  	[tilespmem:$0xFF8] =	vst v0  }
0x103: {  	[tilespmem:$0x1028] =	vst v0  }
0x104: {  	[tilespmem:$0x10E8] =	vst v0  }
0x105: {  	[tilespmem:$0x1068] =	vst v0  }
0x106: {  	[tilespmem:$0x1058] =	vst v0  }
0x107: {  	[tilespmem:$0x1B28] =	vst v0  }
0x108: {  	[tilespmem:$0x1B18] =	vst v0  }
0x109: {  	[tilespmem:$0x1B08] =	vst v0  }
0x10a: {  	[tilespmem:$0x1AF8] =	vst v0  }
0x10b: {  	[tilespmem:$0x1AE8] =	vst v0  }
0x10c: {  	[tilespmem:$0x1AD8] =	vst v0  }
0x10d: {  	[tilespmem:$0x1AC8] =	vst v0  }
0x10e: {  	[tilespmem:$0x1AB8] =	vst v0  }
0x10f: {  	[tilespmem:$0x1AA8] =	vst v0  }
0x110: {  	[tilespmem:$0x1A98] =	vst v0  }
0x111: {  	[tilespmem:$0x1A88] =	vst v0  }
0x112: {  	[tilespmem:$0x1A78] =	vst v0  }
0x113: {  	[tilespmem:$0x1A68] =	vst v0  }
0x114: {  	[tilespmem:$0x1A58] =	vst v0  }
0x115: {  	[tilespmem:$0x1A48] =	vst v0  }
0x116: {  	[tilespmem:$0x1A38] =	vst v0  }
0x117: {  	[tilespmem:$0x1A28] =	vst v0  }
0x118: {  	[tilespmem:$0x1A18] =	vst v0  }
0x119: {  	[tilespmem:$0x1A08] =	vst v0  }
0x11a: {  	[tilespmem:$0x19F8] =	vst v0  }
0x11b: {  	[tilespmem:$0x19E8] =	vst v0  }
0x11c: {  	[tilespmem:$0x19D8] =	vst v0  }
0x11d: {  	[tilespmem:$0x19C8] =	vst v0  }
0x11e: {  	[tilespmem:$0x19B8] =	vst v0  }
0x11f: {  	[tilespmem:$0x19A8] =	vst v0  }
0x120: {  	[tilespmem:$0x1998] =	vst v0  }
0x121: {  	[tilespmem:$0x1988] =	vst v0  }
0x122: {  	[tilespmem:$0x1978] =	vst v0  }
0x123: {  	[tilespmem:$0x1968] =	vst v0  }
0x124: {  	[tilespmem:$0x1958] =	vst v0  }
0x125: {  	[tilespmem:$0x1948] =	vst v0  }
0x126: {  	[tilespmem:$0x1938] =	vst v0  }
0x127: {  	[tilespmem:$0x1928] =	vst v0  }
0x128: {  	[tilespmem:$0x1918] =	vst v0  }
0x129: {  	[tilespmem:$0x1908] =	vst v0  }
0x12a: {  	[tilespmem:$0x18F8] =	vst v0  }
0x12b: {  	[tilespmem:$0x18E8] =	vst v0  }
0x12c: {  	[tilespmem:$0x18D8] =	vst v0  }
0x12d: {  	[tilespmem:$0x18C8] =	vst v0  }
0x12e: {  	[tilespmem:$0x18B8] =	vst v0  }
0x12f: {  	[tilespmem:$0x18A8] =	vst v0  }
0x130: {  	[tilespmem:$0x1898] =	vst v0  }
0x131: {  	[tilespmem:$0x1888] =	vst v0  }
0x132: {  	[tilespmem:$0x1878] =	vst v0  }
0x133: {  	[tilespmem:$0x1868] =	vst v0  }
0x134: {  	[tilespmem:$0x1858] =	vst v0  }
0x135: {  	[tilespmem:$0x1848] =	vst v0  }
0x136: {  	[tilespmem:$0x1838] =	vst v0  }
0x137: {  	[tilespmem:$0x1828] =	vst v0  }
0x138: {  	[tilespmem:$0x1818] =	vst v0  }
0x139: {  	[tilespmem:$0x1808] =	vst v0  }
0x13a: {  	[tilespmem:$0x17F8] =	vst v0  }
0x13b: {  	[tilespmem:$0x17E8] =	vst v0  }
0x13c: {  	[tilespmem:$0x17D8] =	vst v0  }
0x13d: {  	[tilespmem:$0x17C8] =	vst v0  }
0x13e: {  	[tilespmem:$0x17B8] =	vst v0  }
0x13f: {  	[tilespmem:$0x17A8] =	vst v0  }
0x140: {  	[tilespmem:$0x1798] =	vst v0  }
0x141: {  	[tilespmem:$0x1788] =	vst v0  }
0x142: {  	[tilespmem:$0x1778] =	vst v0  }
0x143: {  	[tilespmem:$0x1768] =	vst v0  }
0x144: {  	[tilespmem:$0x1758] =	vst v0  }
0x145: {  	[tilespmem:$0x1748] =	vst v0  }
0x146: {  	[tilespmem:$0x1738] =	vst v0  }
0x147: {  	[tilespmem:$0x1728] =	vst v0  }
0x148: {  	[tilespmem:$0x1718] =	vst v0  }
0x149: {  	[tilespmem:$0x1708] =	vst v0  }
0x14a: {  	[tilespmem:$0x16F8] =	vst v0  }
0x14b: {  	[tilespmem:$0x16E8] =	vst v0  }
0x14c: {  	[tilespmem:$0x16D8] =	vst v0  }
0x14d: {  	[tilespmem:$0x16C8] =	vst v0  }
0x14e: {  	[tilespmem:$0x16B8] =	vst v0  }
0x14f: {  	[tilespmem:$0x16A8] =	vst v0  }
0x150: {  	[tilespmem:$0x1698] =	vst v0  }
0x151: {  	[tilespmem:$0x1688] =	vst v0  }
0x152: {  	[tilespmem:$0x1678] =	vst v0  }
0x153: {  	[tilespmem:$0x1668] =	vst v0  }
0x154: {  	[tilespmem:$0x1658] =	vst v0  }
0x155: {  	[tilespmem:$0x1648] =	vst v0  }
0x156: {  	[tilespmem:$0x1638] =	vst v0  }
0x157: {  	[tilespmem:$0x1628] =	vst v0  }
0x158: {  	[tilespmem:$0x1618] =	vst v0  }
0x159: {  	[tilespmem:$0x1608] =	vst v0  }
0x15a: {  	[tilespmem:$0x15F8] =	vst v0  }
0x15b: {  	[tilespmem:$0x15E8] =	vst v0  }
0x15c: {  	[tilespmem:$0x15D8] =	vst v0  }
0x15d: {  	[tilespmem:$0x15C8] =	vst v0  }
0x15e: {  	[tilespmem:$0x15B8] =	vst v0  }
0x15f: {  	[tilespmem:$0x15A8] =	vst v0  }
0x160: {  	[tilespmem:$0x1598] =	vst v0  }
0x161: {  	[tilespmem:$0x1588] =	vst v0  }
0x162: {  	[tilespmem:$0x1578] =	vst v0  }
0x163: {  	[tilespmem:$0x1568] =	vst v0  }
0x164: {  	[tilespmem:$0x1558] =	vst v0  }
0x165: {  	[tilespmem:$0x1548] =	vst v0  }
0x166: {  	[tilespmem:$0x1538] =	vst v0  }
0x167: {  	[tilespmem:$0x1528] =	vst v0  }
0x168: {  	[tilespmem:$0x1518] =	vst v0  }
0x169: {  	[tilespmem:$0x1508] =	vst v0  }
0x16a: {  	[tilespmem:$0x14F8] =	vst v0  }
0x16b: {  	[tilespmem:$0x14E8] =	vst v0  }
0x16c: {  	[tilespmem:$0x14D8] =	vst v0  }
0x16d: {  	[tilespmem:$0x14C8] =	vst v0  }
0x16e: {  	[tilespmem:$0x14B8] =	vst v0  }
0x16f: {  	[tilespmem:$0x14A8] =	vst v0  }
0x170: {  	[tilespmem:$0x1498] =	vst v0  }
0x171: {  	[tilespmem:$0x1488] =	vst v0  }
0x172: {  	[tilespmem:$0x1478] =	vst v0  }
0x173: {  	[tilespmem:$0x1468] =	vst v0  }
0x174: {  	[tilespmem:$0x1458] =	vst v0  }
0x175: {  	[tilespmem:$0x1448] =	vst v0  }
0x176: {  	[tilespmem:$0x1438] =	vst v0  }
0x177: {  	[tilespmem:$0x1428] =	vst v0  }
0x178: {  	[tilespmem:$0x1418] =	vst v0  }
0x179: {  	[tilespmem:$0x1408] =	vst v0  }
0x17a: {  	[tilespmem:$0x13F8] =	vst v0  }
0x17b: {  	[tilespmem:$0x13E8] =	vst v0  }
0x17c: {  	[tilespmem:$0x13D8] =	vst v0  }
0x17d: {  	[tilespmem:$0x13C8] =	vst v0  }
0x17e: {  	[tilespmem:$0x13B8] =	vst v0  }
0x17f: {  	[tilespmem:$0x13A8] =	vst v0  }
0x180: {  	[tilespmem:$0x1398] =	vst v0  }
0x181: {  	[tilespmem:$0x1388] =	vst v0  }
0x182: {  	[tilespmem:$0x1378] =	vst v0  }
0x183: {  	[tilespmem:$0x1368] =	vst v0  }
0x184: {  	[tilespmem:$0x1358] =	vst v0  }
0x185: {  	[tilespmem:$0x1348] =	vst v0  }
0x186: {  	[tilespmem:$0x1338] =	vst v0  }
0x187: {  	[tilespmem:$0x1328] =	vst v0  }
0x188: {  	[tilespmem:$0x1318] =	vst v0  }
0x189: {  	[tilespmem:$0x1308] =	vst v0  }
0x18a: {  	[tilespmem:$0x12F8] =	vst v0  }
0x18b: {  	[tilespmem:$0x12E8] =	vst v0  }
0x18c: {  	[tilespmem:$0x12D8] =	vst v0  }
0x18d: {  	[tilespmem:$0x12C8] =	vst v0  }
0x18e: {  	[tilespmem:$0x12B8] =	vst v0  }
0x18f: {  	[tilespmem:$0x12A8] =	vst v0  }
0x190: {  	[tilespmem:$0x1298] =	vst v0  }
0x191: {  	[tilespmem:$0x1288] =	vst v0  }
0x192: {  	[tilespmem:$0x1278] =	vst v0  }
0x193: {  	[tilespmem:$0x1268] =	vst v0  }
0x194: {  	[tilespmem:$0x1258] =	vst v0  }
0x195: {  	[tilespmem:$0x1248] =	vst v0  }
0x196: {  	[tilespmem:$0x1238] =	vst v0  }
0x197: {  	[tilespmem:$0x1228] =	vst v0  }
0x198: {  	[tilespmem:$0x1218] =	vst v0  }
0x199: {  	[tilespmem:$0x1208] =	vst v0  }
0x19a: {  	[tilespmem:$0x11F8] =	vst v0  }
0x19b: {  	[tilespmem:$0x11E8] =	vst v0  }
0x19c: {  	[tilespmem:$0x11D8] =	vst v0  }
0x19d: {  	[tilespmem:$0x11C8] =	vst v0  }
0x19e: {  	[tilespmem:$0x11B8] =	vst v0  }
0x19f: {  	[tilespmem:$0x11A8] =	vst v0  }
0x1a0: {  	[tilespmem:$0x1198] =	vst v0  }
0x1a1: {  	[tilespmem:$0x1188] =	vst v0  }
0x1a2: {  	[tilespmem:$0x1178] =	vst v0  }
0x1a3: {  	[tilespmem:$0x1168] =	vst v0  }
0x1a4: {  	[tilespmem:$0x1158] =	vst v0  }
0x1a5: {  	[tilespmem:$0x1148] =	vst v0  }
0x1a6: {  	[tilespmem:$0x1138] =	vst v0  }
0x1a7: {  	s4 =	stileid.u32;
	[tilespmem:$0x1128] =	vst v0  }
0x1a8: {  	s0 =	smul.u32 $0x39, s4;
	[tilespmem:$0x1118] =	vst v0  }
0x1a9: {  	s2 =	smin.u32 s4, $0xE;
	[tilespmem:$0x1108] =	vst v0  }
0x1aa: {  	[tilespmem:$0x10F8] =	vst v0;
	s0 =	sadd.s32 s2, s0  }
0x1ab: {  	p0 =	slt.u32 s4, $0xE;
	[tilespmem:$0x10C8] =	vst v0;
	s2 =	simm.s32 $0x61E0;
	s6 =	smul.u32 $0x1B0, s0  }
0x1ac: {  	s2 =	simm.s32 @!p0 $0x6030;
	[tilespmem:$0x10D8] =	vst v0  }
0x1ad: {  	[tilespmem:$0x10B8] =	vst v0;
	s0 =	sadd.s32 s2, s6  }
0x1ae: {  	s5 =	simm.s32 $0x2;
	[tilespmem:$0x1038] =	vst v0;
	s7 =	smin.u32 s0, $0x61A80  }
0x1af: {  	s8 =	simm.s32 $0x9;
	s10 =	simm.s32 $0xA;
	[tilespmem:$0x10A8] =	vst v0;
	s0 =	ssub.s32 s7, s6  }
0x1b0: {  	s30 =	simm.s32 $0xB;
	s16 =	simm.s32 $0x0;
	[tilespmem:$0x1098] =	vst v0;
	p0 =	sgt.s32 s0, $0x0  }
0x1b1: {  	p4 =	por $0x0, $0x0;
	s17 =	simm.s32 $0xC;
	[tilespmem:$0x1088] =	vst v0;
	s0 =	simm.s32 @!p0 $0x0  }
0x1b2: {  	s21 =	simm.s32 $0x0;
	s18 =	simm.s32 $0x0;
	[tilespmem:$0x1078] =	vst v0;
	s28 =	smulhi.u32 $0x4BDA12F7, s0  }
0x1b3: {  	s20 =	simm.s32 $0x0;
	s3 =	sand.u32 $0x1, s3;
	s31 =	sshll.u32 s4, $0x5;
	[tilespmem:$0x1048] =	vst v0  }
0x1b4: {  	s2 =	sshrl.u32 s28, $0x7;
	[tilespmem:$0x1018] =	vst v0;
	[dreg:$0x6] =	wrdreg s3;
	s3 =	smul.u32 $0xC350, s3  }
0x1b5: {  	[tilespmem:$0x1008] =	vst v0;
	[sflag:s5] =	ssyncpa.u1 $0x0;
	v0 =	vimm.s32 $0xFFFFFFFF;
	[dreg:$0x5] =	wrdreg s31;
	s29 =	smul.u32 $0x1B0, s2  }
.Ltmp0:
0x1b6: {  	[tilespmem:$0x3648] =	vst v0;
	[sflag:s8] =	ssyncpa.u1 $0x0;
	s3 =	sadd.s32 s3, s11;
	(pc) =	sbr.rel .LBB2_1-.Ltmp0, $4  }
0x1b7: {  	[sflag:s10] =	ssyncpa.u1 $0x0;
	s11 =	sadd.s32 $0x193C00, s11;
	p0 =	sne.s32 s0, s29  }
0x1b8: {  	[sflag:s30] =	ssyncpa.u1 $0x0;
	s14 =	sadd.s32 $0x93200, s3;
	s12 =	simm.s32 @!p0 $0x0  }
0x1b9: {  	s15 =	sadd.s32 $0x7AA00, s3;
	s19 =	smov.u32 s6;
	s12 =	sadd.s32 s12, s2  }
0x1ba: {  	v0 =	vlaneseq.u32;
	[dreg:$0x7] =	wrdreg s6;
	p0 =	por $0x1, $0x1;
	s4 =	sadd.s32 $0x1, s12  }
.LBB2_18:
0x1bb: {  	s0 =	simm.s32 $0x2  }
0x1bc: {  	_ =	swait.ge [sflag:s0], $0x0  }
0x1bd: {  	[sflag:s0] =	ssyncset.done $0x0;
	s0 =	simm.s32 $0x0  }
.LBB2_19:
0x1be: {  	_ =	swait.ge [sflag:s17], s0  }
0x1bf: {  	s31 =	ssub.s32 $0x0, s0;
	v1 =	vmov s23;
	vm0 =	veq.s32 v0, $0x0;
	[sflag:s17] =	ssyncset.done $0x0  }
0x1c0: {  	vm15 =	veq.s32 v0, $0x2;
	v1 =	vsel vm0, s28, v1;
	[sflag:s17] =	ssyncadd.s32 s31  }
0x1c1: {  	v1 =	vsel vm15, s21, v1;
	[sflag:s17] =	ssyncpa.u1 $0x1  }
0x1c2: {  	[tilespmem:$0x3648] =	vst v1  }
.LBB2_20:
0x1c3: {  	s0 =	sadd.s32 $0x1B0, s19  }
0x1c4: {  	s2 =	smov.u32 s6;
	p1 =	slt.s32 s0, s7  }
0x1c5: {  	s2 =	smov.u32 @p1 s0;
	p1 =	sne.s32 s20, s4  }
.Ltmp1:
0x1c6: {  	_ = 	snop;
	(pc) =	sbr.rel @!p1 .LBB2_21-.Ltmp1, $4  }
0x1c7: {  	_ = 	snop  }
0x1c8: {  	s21 =	smov.u32 s18  }
0x1c9: {  	s31 =	sadd.s32 $0x1, s20;
	s18 =	smov.u32 s19;
	p0 =	por !p0, !p0  }
0x1ca: {  	p4 =	por !p4, !p4;
	s20 =	smov.u32 s31;
	s19 =	smov.u32 s2  }
.LBB2_1:
0x1cb: {  	p2 =	sge.u32 s20, s12  }
0x1cc: {  	s0 =	smulhi.u32 @!p2 $0xAAAAAAAB, s20  }
0x1cd: {  	s2 =	smov.u32 s19;
	p3 =	sgt.s32 @!p2 s19, $0x618D0  }
0x1ce: {  	s3 =	sshra.s32 @!p2 s19, $0x1F;
	p3 =	por !p3, p2;
	s0 =	sshrl.u32 @!p2 s0, $0x1  }
0x1cf: {  	s3 =	sand.u32 @!p2 s3, s19;
	s2 =	simm.s32 @p3 $0x618D0;
	s0 =	smul.u32 @!p2 $0x3, s0  }
0x1d0: {  	s2 =	ssub.s32 @!p2 s2, s3  }
0x1d1: {  	s23 =	sadd.s32 $0xFFFFFFFF, s20;
	s2 =	sadd.s32 @!p2 $0xFFF9E730, s2;
	s0 =	ssub.s32 @!p2 s20, s0  }
0x1d2: {  	s3 =	sshll.u32 @!p2 s2, $0x2;
	p3 =	sgt.s32 @!p2 s2, $0x1AF;
	s0 =	smul.u32 @!p2 $0x6C0, s0  }
0x1d3: {  	s5 =	sand.u32 @!p2 $0x7, s19;
	s2 =	ssub.s32 @!p2 $0x6C0, s3;
	p3 =	por !p3, p2  }
0x1d4: {  	s3 =	sshrl.u32 @!p2 s19, $0x3;
	s2 =	sshrl.u32 @!p2 s2, $0x2;
	s0 =	sshrl.u32 @!p2 s0, $0x2  }
0x1d5: {  	s3 =	sadd.s32 @!p2 s3, s14;
	s2 =	simm.s32 @!p3 $0x0;
	s0 =	sadd.s32 @!p2 $0x3888, s0  }
0x1d6: {  	[tilespmem:s0], [sflag:$0xA] =	stream.linear.gather @!p2 [hbm4b:s3+s5], s2, $0x38;
	[tilespmem:$0x1F0F8] =	vst v63  }
0x1d7: {  	p2 =	sge.u32 s23, s12  }
0x1d8: {  	p3 =	sgt.s32 @!p2 s18, $0x618D0  }
0x1d9: {  	s0 =	smov.u32 s18;
	s2 =	sshra.s32 @!p2 s18, $0x1F;
	p3 =	por !p3, p2  }
0x1da: {  	s2 =	sand.u32 @!p2 s2, s18;
	s0 =	simm.s32 @p3 $0x618D0  }
0x1db: {  	s0 =	ssub.s32 @!p2 s0, s2  }
0x1dc: {  	s0 =	sadd.s32 @!p2 $0xFFF9E730, s0  }
0x1dd: {  	s2 =	sshll.u32 @!p2 s0, $0x2  }
0x1de: {  	p3 =	sgt.s32 @!p2 s0, $0x1AF;
	s0 =	ssub.s32 @!p2 $0x6C0, s2  }
0x1df: {  	s22 =	ssub.s32 @!p2 $0x61A80, s18;
	p3 =	por !p3, p2;
	s0 =	sshrl.u32 @!p2 s0, $0x2  }
0x1e0: {  	s2 =	sand.u32 @!p2 $0x1, s23;
	s0 =	simm.s32 @!p3 $0x0;
	p3 =	slt.s32 @!p2 s22, $0x1  }
0x1e1: {  	s3 =	simm.s32 @!p2 $0xA;
	s2 =	smul.u32 @!p2 $0x6C0, s2;
	p3 =	por p2, p3  }
.Ltmp2:
0x1e2: {  	_ =	swait.ge @!p2 [sflag:s3], s0;
	(pc) =	sbr.rel @p3 .LBB2_7-.Ltmp2, $4  }
0x1e3: {  	s5 =	ssub.s32 @!p2 $0x0, s0;
	[sflag:s3] =	ssyncset.done @!p2 $0x0  }
0x1e4: {  	s2 =	sshrl.u32 @!p2 s2, $0x2;
	[sflag:s3] =	ssyncadd.s32 @!p2 s5;
	s3 =	sshrl.u32 @!p2 s18, $0x3  }
0x1e5: {  	s2 =	sadd.s32 @!p2 $0x3D98, s2;
	s5 =	sand.u32 @!p2 $0x7, s18;
	s3 =	sadd.s32 @!p2 s3, s15  }
0x1e6: {  	[tilespmem:s2], [sflag:$0xB] =	stream.linear.gather @!p2 [hbm4b:s3+s5], s0, $0x38;
	[tilespmem:$0x1F0F8] =	vst v63  }
0x1e7: {  	s0 =	smulhi.u32 $0xAAAAAAAB, s23;
	_ =	sdelay $0x1  }
0x1e8: {  	s0 =	sshrl.u32 s0, $0x1  }
0x1e9: {  	s0 =	smul.u32 $0x3, s0;
	_ =	sdelay $0x1  }
0x1ea: {  	s0 =	ssub.s32 s23, s0  }
0x1eb: {  	s2 =	simm.s32 $0x1;
	s0 =	smul.u32 $0x6C0, s0  }
.Ltmp3:
0x1ec: {  	s2 =	simm.s32 @!p0 $0x0;
	(pc) =	sbr.rel .LBB2_4-.Ltmp3, $4  }
0x1ed: {  	s2 =	smul.u32 $0x36000, s2  }
0x1ee: {  	p3 =	slt.s32 @!p2 s22, $0x1B0;
	s0 =	sshrl.u32 s0, $0x2  }
0x1ef: {  	p2 =	por !p3, p2;
	s2 =	sshrl.u32 s2, $0x2;
	s0 =	sadd.s32 $0x3888, s0  }
0x1f0: {  	s24 =	simm.s32 $0x0;
	s22 =	simm.s32 @p2 $0x1B0;
	s23 =	sadd.s32 $0x40F8, s2;
	v1 =	vmov s0  }
.LBB2_3:
0x1f1: {  	p2 =	sge.s32 s24, s22  }
.Ltmp4:
0x1f2: {  	_ = 	snop;
	(pc) =	sbr.rel @p2 .LBB2_7-.Ltmp4, $2  }
0x1f3: {  	_ =	sdelay $0x2  }
0x1f4: {  	s23 =	sadd.s32 $0x800, s23  }
.LBB2_4:
0x1f5: {  	p2 =	sle.s32 s22, s24  }
.Ltmp5:
0x1f6: {  	_ = 	snop;
	(pc) =	sbr.rel @p2 .LBB2_3-.Ltmp5, $2  }
0x1f7: {  	_ =	sdelay $0x2  }
0x1f8: {  	s0 =	smov.u32 s24;
	s24 =	sadd.s32 $0x10, s24  }
0x1f9: {  	s2 =	ssub.s32 s22, s0  }
0x1fa: {  	p2 =	slt.s32 s2, $0x10  }
0x1fb: {  	s2 =	simm.s32 @!p2 $0x10  }
0x1fc: {  	v2 =	vmov s2  }
0x1fd: {  	vm0 =	vgt.s32 v2, v0;
	_ =	sdelay $0x5  }
0x1fe: {  	v2 =	vld.idx.msk [tilespmem:v1+s0+$0x0 ss:$0x1], vm0;
	_ =	sdelay $0x2  }
0x1ff: {  	p2 =	slt.s32 s24, s22;
	s2 =	smov.u32 s22  }
0x200: {  	s3 =	smov.u32 s23;
	s25 =	simm.s32 $0x0;
	s2 =	smov.u32 @p2 s24  }
.LBB2_6:
0x201: {  	(v2sf) =	vpush v2, s25;
	_ =	sdelay $0xc  }
0x202: {  	s25 =	sadd.s32 $0x1, s25  }
0x203: {  	s31 =	sadd.s32 s25, s0  }
0x204: {  	p2 =	slt.s32 s31, s2;
	s5 =	spop (v2sf)  }
.Ltmp6:
0x205: {  	s5 =	sshll.u32 s5, $0x4;
	(pc) =	sbr.rel @p2 .LBB2_6-.Ltmp6, $4  }
0x206: {  	s5 =	sand.u32 $0x1FFFFFF0, s5  }
0x207: {  	s5 =	sadd.s32 s11, s5  }
0x208: {  	[tilespmem:s3], [sflag:$0x9] =	stream.linear.gather [hbm4b:s5+s16], $0x3, $0x38;
	[tilespmem:$0x1F0F8] =	vst v63  }
0x209: {  	s3 =	sadd.s32 $0x80, s3  }
.Ltmp7:
0x20a: {  	_ = 	snop;
	(pc) =	sbr.rel .LBB2_3-.Ltmp7, $1  }
0x20b: {  	_ =	sdelay $0x3  }
.LBB2_7:
0x20c: {  	p2 =	slt.u32 s20, $0x2  }
.Ltmp8:
0x20d: {  	_ = 	snop;
	(pc) =	sbr.rel @p2 .LBB2_20-.Ltmp8, $1  }
0x20e: {  	_ =	sdelay $0x3  }
0x20f: {  	s0 =	ssub.s32 $0x61A80, s21;
	p2 =	sgt.s32 s21, $0x618D0  }
0x210: {  	s2 =	smov.u32 s21;
	s3 =	sshra.s32 s21, $0x1F;
	p3 =	slt.s32 s0, $0x1B0  }
0x211: {  	s2 =	simm.s32 @!p2 $0x618D0;
	s3 =	sand.u32 s3, s21;
	s0 =	simm.s32 @!p3 $0x1B0  }
0x212: {  	s2 =	ssub.s32 s2, s3;
	s0 =	smul.u32 $0xC, s0  }
0x213: {  	s2 =	sadd.s32 $0xFFF9E730, s2  }
0x214: {  	s26 =	simm.s32 $0x9;
	s24 =	sshll.u32 s2, $0x2;
	s0 =	sshrl.u32 s0, $0x2  }
0x215: {  	p2 =	sgt.s32 s2, $0x1AF;
	s25 =	ssub.s32 $0x6C0, s24;
	_ =	swait.ge [sflag:s26], s0  }
0x216: {  	s0 =	ssub.s32 $0x0, s0;
	s2 =	sshrl.u32 s25, $0x2;
	[sflag:s26] =	ssyncset.done $0x0  }
0x217: {  	s28 =	simm.s32 $0xB;
	s2 =	simm.s32 @p2 $0x0;
	[sflag:s26] =	ssyncadd.s32 s0  }
0x218: {  	_ =	swait.ge [sflag:s28], s2  }
0x219: {  	s30 =	ssub.s32 $0x0, s2;
	[sflag:s28] =	ssyncset.done $0x0  }
0x21a: {  	[sflag:s28] =	ssyncadd.s32 s30  }
0x21b: {  	v1 =	vld [tilespmem:$0x3648];
	_ =	sdelay $0x4  }
0x21c: {  	(v2sf) =	vpush v1, $0x0  }
0x21d: {  	(v2sf) =	vpush v1, $0x1  }
0x21e: {  	(v2sf) =	vpush v1, $0x2;
	_ =	sdelay $0x3  }
0x21f: {  	s0 =	sadd.s32 $0x1B0, s21  }
0x220: {  	p2 =	slt.s32 s7, s0;
	s2 =	ssub.s32 $0xC3500, s21  }
0x221: {  	s0 =	smov.u32 @p2 s7;
	p2 =	sgt.s32 s2, $0x0  }
0x222: {  	s25 =	ssub.s32 s0, s21;
	s2 =	simm.s32 @!p2 $0x0  }
0x223: {  	p2 =	slt.s32 s2, s25  }
0x224: {  	s25 =	smov.u32 @p2 s2  }
0x225: {  	s24 =	simm.s32 $0x1;
	p2 =	slt.s32 s25, $0x1  }
.Ltmp9:
0x226: {  	s24 =	simm.s32 @!p4 $0x0;
	(pc) =	sbr.rel @p2 .LBB2_12-.Ltmp9, $4  }
0x227: {  	s31 =	smul.u32 $0x6C0, s24  }
0x228: {  	s26 =	spop (v2sf)  }
0x229: {  	s0 =	sshrl.u32 s31, $0x2;
	s29 =	spop (v2sf)  }
0x22a: {  	s22 =	sadd.s32 $0x3D98, s0;
	s21 =	spop (v2sf)  }
0x22b: {  	s0 =	smin.u32 s25, $0x10  }
0x22c: {  	v1 =	vmov s0  }
0x22d: {  	p3 =	sgt.s32 s25, $0x10;
	vm1 =	vgt.u32 v1, v0  }
.Ltmp10:
0x22e: {  	_ = 	snop;
	(pc) =	sbr.rel @!p3 .LBB2_11-.Ltmp10, $2  }
0x22f: {  	_ =	sdelay $0x2  }
0x230: {  	s23 =	simm.s32 $0x10;
	s28 =	sadd.s32 $0xFFFFFFF0, s25;
	s0 =	smov.u32 s22;
	vm0 =	vmmov vm1  }
.LBB2_10:
0x231: {  	s2 =	smin.u32 s28, $0x10;
	s23 =	sadd.s32 $0x10, s23;
	v1 =	vld.msk [tilespmem:s0+$0x0 ss:$0x1], vm1  }
0x232: {  	v2 =	vmov s2;
	p3 =	slt.s32 s23, s25  }
0x233: {  	vm1 =	vgt.u32 v2, v0  }
.Ltmp11:
0x234: {  	(pc) =	sbr.rel @p3 .LBB2_10-.Ltmp11, $3  }
0x235: {  	_ =	sdelay $0x1  }
0x236: {  	v1 =	vshll.u32 v1, $0x4  }
0x237: {  	s28 =	sadd.s32 $0xFFFFFFF0, s28;
	[tilespmem:s0+$0x0] =	vst.msk vm0, v1;
	s0 =	sadd.s32 $0x10, s0;
	vm0 =	vmmov vm1  }
.LBB2_11:
0x238: {  	_ =	sdelay $0x4  }
0x239: {  	v1 =	vld.msk [tilespmem:s0+$0x0 ss:$0x1], vm1;
	_ =	sdelay $0x4  }
0x23a: {  	v1 =	vshll.u32 v1, $0x4  }
0x23b: {  	[tilespmem:s0+$0x0] =	vst.msk vm0, v1  }
.LBB2_12:
0x23c: {  	s0 =	sand.u32 $0x1, s20  }
0x23d: {  	s0 =	smul.u32 $0x1B0, s0  }
0x23e: {  	p3 =	sne.s32 s29, $0xFFFFFFFF  }
0x23f: {  	v1 =	vld.msk @!p3 [tilespmem:s0+$0x3D98], $0x1;
	_ =	sdelay $0x4  }
0x240: {  	(v2sf) =	vpush @!p3 v1, $0x0;
	_ =	sdelay $0xc  }
.Ltmp12:
0x241: {  	_ = 	snop;
	(pc) =	sbr.rel @p2 .LBB2_18-.Ltmp12, $4  }
0x242: {  	_ = 	snop  }
0x243: {  	s28 =	spop @!p3 (v2sf)  }
0x244: {  	s21 =	simm.s32 @!p3 $0x0;
	s23 =	smov.u32 s28  }
0x245: {  	[sflag:s17] =	ssyncpa.u1 $0x0;
	s28 =	smov.u32 @p3 s26;
	s23 =	smov.u32 @p3 s29  }
0x246: {  	v1 =	vld.msk [tilespmem:s22+$0x0], $0x1;
	_ =	sdelay $0x4  }
0x247: {  	(v2sf) =	vpush v1, $0x0;
	_ =	sdelay $0xe  }
0x248: {  	s0 =	simm.s32 @!p4 $0x0;
	s26 =	smul.u32 $0x36000, s24;
	s31 =	spop (v2sf)  }
0x249: {  	s29 =	ssub.s32 $0x0, s25;
	s0 =	simm.s32 @p4 $0x1;
	p2 =	seq.s32 s28, s31  }
0x24a: {  	s2 =	smov.u32 s28;
	[smem:$0x7FD] =	sst s0;
	p3 =	sgt.s32 @!p2 s28, $0x0  }
0x24b: {  	s0 =	sshrl.u32 s26, $0x2;
	s26 =	sadd.s32 $0x1, s29;
	p3 =	por !p3, p2  }
0x24c: {  	s2 =	simm.s32 @p3 $0x0;
	p3 =	seq.s32 s26, $0x0  }
.Ltmp13:
0x24d: {  	_ = 	snop;
	(pc) =	sbr.rel @p3 .LBB2_15-.Ltmp13, $4  }
0x24e: {  	s6 =	smov.u32 s4;
	s25 =	simm.s32 $0x0  }
0x24f: {  	s24 =	sadd.s32 $0x40F8, s0;
	s0 =	simm.s32 @!p2 $0x1;
	s3 =	smin.u32 @!p2 s2, $0xC34FF  }
0x250: {  	s30 =	sadd.s32 $0x1, s22;
	s0 =	smov.u32 @p2 s25;
	s5 =	sand.u32 @!p2 $0xFFFF8, s3  }
0x251: {  	s2 =	simm.s32 @!p2 $0x1B38;
	s3 =	sand.u32 @!p2 $0x7, s3;
	s5 =	sadd.s32 @!p2 s1, s5  }
.LBB2_14:
0x252: {  	s4 =	smov.u32 s0  }
0x253: {  	[tilespmem:s2], [sflag:$0x2] =	stream.linear.gather @!p2 [hbm4b:s5+s3], $0x3, $0x38;
	[tilespmem:$0x1F0F8] =	vst v63  }
0x254: {  	s26 =	sadd.s32 $0x1, s26;
	s3 =	smov.u32 s31;
	v1 =	vld.msk [tilespmem:s30+$0x0], $0x1  }
0x255: {  	p3 =	seq.s32 s26, $0x0;
	_ =	sdelay $0x3  }
0x256: {  	(v2sf) =	vpush v1, $0x0;
	_ =	sdelay $0xe  }
0x257: {  	s31 =	spop (v2sf)  }
0x258: {  	p2 =	seq.s32 s3, s31  }
0x259: {  	p4 =	sgt.s32 @!p2 s3, $0x0;
	s2 =	sshll.u32 @!p2 s0, $0x6;
	s0 =	sadd.s32 @!p2 $0x1, s0  }
.Ltmp14:
0x25a: {  	p4 =	por !p4, p2;
	s2 =	sshra.s32 @!p2 s2, $0x2;
	(pc) =	sbr.rel @!p3 .LBB2_14-.Ltmp14, $4  }
0x25b: {  	s0 =	smov.u32 @p2 s4;
	s3 =	simm.s32 @p4 $0x0;
	s2 =	sadd.s32 @!p2 $0x1B38, s2  }
0x25c: {  	s3 =	smin.u32 @!p2 s3, $0xC34FF  }
0x25d: {  	s4 =	sand.u32 @!p2 $0xFFFF8, s3;
	s3 =	sand.u32 @!p2 $0x7, s3  }
0x25e: {  	s30 =	sadd.s32 $0x1, s30;
	s5 =	sadd.s32 @!p2 s1, s4  }
.LBB2_15:
0x25f: {  	s0 =	smul.u32 $0xC, s0  }
0x260: {  	[tilespmem:s2], [sflag:$0x2] =	stream.linear.gather @!p2 [hbm4b:s5+s3], $0x3, $0x38;
	[tilespmem:$0x1F0F8] =	vst v63  }
0x261: {  	s31 =	simm.s32 $0x2;
	s0 =	sshrl.u32 s0, $0x2  }
0x262: {  	_ =	swait.ge [sflag:s31], s0  }
0x263: {  	s0 =	ssub.s32 $0x0, s0;
	[sflag:s31] =	ssyncset.done $0x0  }
0x264: {  	[sflag:s31] =	ssyncadd.s32 s0  }
0x265: {  	v1 =	vld.msk [tilespmem:s22+$0x0], $0x1;
	_ =	sdelay $0x4  }
0x266: {  	(v2sf) =	vpush v1, $0x0;
	_ =	sdelay $0xe  }
0x267: {  	s26 =	spop (v2sf)  }
0x268: {  	p2 =	sne.s32 s28, s26  }
0x269: {  	p4 =	sne.s32 @p2 s28, s23  }
0x26a: {  	p3 =	por !p4, !p2  }
0x26b: {  	s0 =	simm.s32 @!p3 $0x0  }
0x26c: {  	v1 =	vld.msk @!p3 [tilespmem:s0+$0x1B38], $0x7  }
0x26d: {  	p5 =	sgt.u32 @!p3 s28, $0xC34FF  }
0x26e: {  	s2 =	sshll.u32 @!p3 s21, $0x6;
	p6 =	por @p2 p5, !p4  }
0x26f: {  	s2 =	sshra.s32 @!p3 s2, $0x2;
	p1 =	por p6, !p2;
	p6 =	por p4, !p2  }
0x270: {  	s3 =	sadd.s32 @!p3 $0x28, s2;
	s4 =	sand.u32 @!p1 $0xFFFF8, s28;
	s5 =	sshll.u32 @!p6 s21, $0x6  }
0x271: {  	s28 =	sand.u32 @!p1 $0x7, s28;
	[tilespmem:s2+$0x28] =	vst.add.f32.msk @!p3 $0x7, v1;
	s2 =	sadd.s32 @!p1 s1, s4;
	s4 =	sshra.s32 @!p6 s5, $0x2  }
0x272: {  	[hbm4b:s2+s28] =	stream.linear.scatter @!p1 [tilespmem:s3], [sflag:$0xC], $0x3, $0x38;
	[tilespmem:$0x1F0F8] =	vst v63  }
0x273: {  	s0 =	rddreg [dreg:$0x5];
	s2 =	sadd.s32 @!p6 $0x28, s4;
	s3 =	simm.s32 @!p6 $0x1  }
0x274: {  	[spmem:s0] =	stream.linear.scatter @!p6 [tilespmem:s2], [sflag:$0x1], $0x3, $0x38;
	[tilespmem:$0x1F0F8] =	vst v63  }
0x275: {  	s0 =	sadd.s32 @p2 $0x1, s21;
	_ =	swait.ge @!p6 [sflag:s3], $0x3  }
0x276: {  	s2 =	sshrl.u32 @p2 s0, $0x4;
	[sflag:s3] =	ssyncset.done @!p6 $0x0  }
0x277: {  	s2 =	smulhi.u32 @p2 $0x97B425F, s2;
	[sflag:s3] =	ssyncadd.s32 @!p6 $0xFFFFFFFD  }
0x278: {  	s28 =	sadd.s32 $0x1, s29;
	v1 =	vld.msk @p2 [tilespmem:s24+$0x0], $0x7  }
0x279: {  	p1 =	por @p2 !p5, !p4;
	p4 =	seq.s32 s28, $0x0;
	s2 =	smul.u32 @p2 $0x1B0, s2  }
.Ltmp15:
0x27a: {  	p1 =	por !p1, !p2;
	s3 =	simm.s32 @!p3 $0x0;
	(pc) =	sbr.rel @p4 .LBB2_17-.Ltmp15, $4  }
0x27b: {  	s4 =	sshll.u32 @!p2 s21, $0x6;
	s3 =	simm.s32 @!p1 $0xC;
	s0 =	ssub.s32 @p2 s0, s2  }
0x27c: {  	s29 =	simm.s32 $0x0;
	s3 =	sadd.s32 @!p3 $0x0, s3;
	s5 =	sshll.u32 @p2 s0, $0x4  }
0x27d: {  	s30 =	sshra.s32 @!p2 s4, $0x2;
	s2 =	simm.s32 @p2 $0x1;
	s3 =	smov.u32 @p3 s25;
	[tilespmem:s5+$0x28] =	vst.msk @p2 $0x7, v1  }
0x27e: {  	s21 =	smov.u32 @p2 s0;
	s29 =	smov.u32 @p2 s3;
	s25 =	smov.u32 @p2 s2;
	v1 =	vld.msk @!p2 [tilespmem:s24+$0x0], $0x7  }
.LBB2_16:
0x27f: {  	_ =	sdelay $0x3  }
0x280: {  	s22 =	sadd.s32 $0x1, s22;
	[tilespmem:s30+$0x28] =	vst.add.f32.msk @!p2 $0x7, v1  }
0x281: {  	v1 =	vld.msk [tilespmem:s22+$0x0], $0x1;
	_ =	sdelay $0x4  }
0x282: {  	(v2sf) =	vpush v1, $0x0;
	_ =	sdelay $0xe  }
0x283: {  	s0 =	smov.u32 s26;
	s26 =	spop (v2sf)  }
0x284: {  	p2 =	sne.s32 s0, s26  }
0x285: {  	p5 =	sne.s32 @p2 s0, s23  }
0x286: {  	s4 =	sshll.u32 @!p2 s21, $0x6;
	p4 =	por !p5, !p2  }
0x287: {  	s30 =	sshra.s32 @!p2 s4, $0x2;
	s4 =	sshll.u32 @!p4 s25, $0x6  }
0x288: {  	s4 =	sshra.s32 @!p4 s4, $0x2  }
0x289: {  	p1 =	sgt.u32 @!p4 s0, $0xC34FF;
	v1 =	vld.msk @!p4 [tilespmem:s4+$0x1B38], $0x7  }
0x28a: {  	s31 =	sshll.u32 @!p4 s21, $0x6;
	p6 =	por @p2 p1, !p5;
	p1 =	por @p2 !p1, !p5  }
0x28b: {  	s8 =	simm.s32 @!p4 $0x0;
	s31 =	sshra.s32 @!p4 s31, $0x2;
	p1 =	por !p1, !p2  }
0x28c: {  	p5 =	por p5, !p2;
	s8 =	simm.s32 @!p1 $0xC;
	p1 =	por p6, !p2  }
0x28d: {  	s4 =	sadd.s32 @!p4 $0x28, s31;
	s13 =	sshll.u32 @!p5 s21, $0x6;
	s10 =	sand.u32 @!p1 $0xFFFF8, s0  }
0x28e: {  	s13 =	sshra.s32 @!p5 s13, $0x2;
	s0 =	sand.u32 @!p1 $0x7, s0;
	s10 =	sadd.s32 @!p1 s1, s10;
	[tilespmem:s31+$0x28] =	vst.add.f32.msk @!p4 $0x7, v1  }
0x28f: {  	[hbm4b:s10+s0] =	stream.linear.scatter @!p1 [tilespmem:s4], [sflag:$0xC], $0x3, $0x38;
	[tilespmem:$0x1F0F8] =	vst v63  }
0x290: {  	s2 =	rddreg [dreg:$0x5];
	s0 =	sadd.s32 @!p5 $0x28, s13;
	s4 =	simm.s32 @!p5 $0x1  }
0x291: {  	[spmem:s2] =	stream.linear.scatter @!p5 [tilespmem:s0], [sflag:$0x1], $0x3, $0x38;
	[tilespmem:$0x1F0F8] =	vst v63  }
0x292: {  	s3 =	sadd.s32 @p2 $0x1, s21;
	_ =	swait.ge @!p5 [sflag:s4], $0x3  }
0x293: {  	s5 =	sshrl.u32 @p2 s3, $0x4;
	[sflag:s4] =	ssyncset.done @!p5 $0x0  }
0x294: {  	s24 =	sadd.s32 $0x80, s24;
	s5 =	smulhi.u32 @p2 $0x97B425F, s5;
	[sflag:s4] =	ssyncadd.s32 @!p5 $0xFFFFFFFD  }
0x295: {  	s28 =	sadd.s32 $0x1, s28;
	v1 =	vld.msk @p2 [tilespmem:s24+$0x0], $0x7  }
0x296: {  	p3 =	seq.s32 s28, $0x0;
	s5 =	smul.u32 @p2 $0x1B0, s5  }
.Ltmp16:
0x297: {  	_ = 	snop;
	(pc) =	sbr.rel @!p3 .LBB2_16-.Ltmp16, $4  }
0x298: {  	s3 =	ssub.s32 @p2 s3, s5  }
0x299: {  	s8 =	sadd.s32 @!p4 s8, s29;
	s5 =	sshll.u32 @p2 s3, $0x4  }
0x29a: {  	s9 =	sadd.s32 @p2 $0x1, s25;
	s8 =	smov.u32 @p4 s29;
	[tilespmem:s5+$0x28] =	vst.msk @p2 $0x7, v1  }
0x29b: {  	s25 =	smov.u32 @p2 s9;
	s21 =	smov.u32 @p2 s3;
	s29 =	smov.u32 @p2 s8;
	v1 =	vld.msk @!p2 [tilespmem:s24+$0x0], $0x7  }
.LBB2_17:
.Ltmp17:
0x29c: {  	_ = 	snop;
	(pc) =	sbr.rel .LBB2_19-.Ltmp17, $3  }
0x29d: {  	s2 =	sld [smem:$0x7FD];
	_ =	sdelay $0x1  }
0x29e: {  	s0 =	sshrl.u32 s29, $0x2;
	s28 =	smov.u32 s26  }
0x29f: {  	s4 =	smov.u32 s6;
	s6 =	rddreg [dreg:$0x7];
	p4 =	seq.s32 s2, $0x1;
	[tilespmem:s30+$0x28] =	vst.add.f32.msk @!p2 $0x7, v1  }
.LBB2_21:
0x2a0: {  	_ =	sfence.sel $0x180000  }
0x2a1: {  	s0 =	simm.s32 $0x9;
	[bflag:$0x0] =	sbarrier.arrive $0xFFFF  }
0x2a2: {  	s24 =	simm.s32 $0xA;
	[sflag:s0] =	ssyncpa.u1 $0x1  }
0x2a3: {  	s25 =	simm.s32 $0xB;
	[sflag:s24] =	ssyncpa.u1 $0x1  }
0x2a4: {  	s26 =	simm.s32 $0x2;
	[sflag:s25] =	ssyncpa.u1 $0x1  }
0x2a5: {  	[sflag:s26] =	ssyncpa.u1 $0x1  }
0x2a6: {  	v0 =	vld [tilespmem:$0x3648];
	_ =	sdelay $0x4  }
0x2a7: {  	(v2sf) =	vpush v0, $0x0  }
0x2a8: {  	(v2sf) =	vpush v0, $0x1;
	_ =	sdelay $0x1  }
0x2a9: {  	(v2sf) =	vpush v0, $0x2;
	_ =	sdelay $0xb  }
0x2aa: {  	s0 =	spop (v2sf)  }
0x2ab: {  	s2 =	spop (v2sf)  }
0x2ac: {  	s3 =	smov.u32 s0;
	p0 =	sne.s32 s0, s2  }
0x2ad: {  	s4 =	spop (v2sf);
	s3 =	simm.s32 @!p0 $0xFFFFFFFF  }
0x2ae: {  	v2 =	vimm.s32 $0x1;
	v3 =	vlaneseq.u32;
	p0 =	seq.s32 s4, $0xFFFFFFFF;
	v1 =	vmov s3  }
0x2af: {  	s16 =	stileid.u32;
	v0 =	vperm.xlane v0, v2;
	p1 =	sne.s32 @!p0 s0, s2;
	v1 =	vperm.xlane v1, v3  }
0x2b0: {  	vm0 =	vcmask $0x3F04;
	s6 =	simm.s32 $0x3648;
	s0 =	simm.s32 @!p0 $0x1;
	p1 =	por !p1, p0  }
0x2b1: {  	s3 =	sshll.u32 s16, $0x1;
	s2 =	sshll.u32 @!p0 s4, $0x6;
	s0 =	simm.s32 @p1 $0x0;
	v0 =	vsel vm0, v1, v0  }
0x2b2: {  	s5 =	sor.u32 $0x200, s3;
	s2 =	sshra.s32 @!p0 s2, $0x2;
	s0 =	sor.u32 @!p0 s0, s3;
	[tilespmem:$0x3648] =	vst v0  }
0x2b3: {  	[spmem:s5] =	stream.linear.scatter [tilespmem:s6], [sflag:$0x1], $0x2, $0x38;
	[tilespmem:$0x1F0F8] =	vst v63  }
0x2b4: {  	s2 =	sadd.s32 @!p0 $0x28, s2;
	s0 =	sshll.u32 @!p0 s0, $0x4  }
0x2b5: {  	[spmem:s0] =	stream.linear.scatter @!p0 [tilespmem:s2], [sflag:$0x1], $0x10, $0x38;
	[tilespmem:$0x1F0F8] =	vst v63  }
0x2b6: {  	s0 =	simm.s32 @!p0 $0x12  }
0x2b7: {  	s28 =	simm.s32 $0x1;
	s0 =	simm.s32 @p0 $0x2  }
0x2b8: {  	_ =	swait.ge [sflag:s28], s0  }
0x2b9: {  	s0 =	ssub.s32 $0x0, s0;
	[sflag:s28] =	ssyncset.done $0x0  }
0x2ba: {  	p0 =	sne.s32 s16, $0x0;
	[sflag:s28] =	ssyncadd.s32 s0  }
.Ltmp18:
0x2bb: {  	_ =	sfence.stream.spmem;
	(pc) =	sbr.rel @p0 .LBB2_38-.Ltmp18, $4  }
0x2bc: {  	s29 =	simm.s32 $0x3;
	[bflag:$0x0] =	sbarrier.arrive $0xFFFF  }
0x2bd: {  	s30 =	simm.s32 $0x4;
	[sflag:s29] =	ssyncpa.u1 $0x1  }
0x2be: {  	s31 =	simm.s32 $0x3C;
	[sflag:s30] =	ssyncpa.u1 $0x1  }
0x2bf: {  	s17 =	rddreg [dreg:$0x6];
	[sflag:s31] =	ssyncpa.u1 $0x1  }
0x2c0: {  	_ =	sfence.stream.spmem;
	s0 =	simm.s32 $0x5  }
0x2c1: {  	s2 =	simm.s32 $0x200;
	s3 =	simm.s32 $0x3658;
	[sflag:s0] =	ssyncpa.u1 $0x0  }
0x2c2: {  	[tilespmem:s3], [sflag:$0x5] =	stream.linear.gather [spmem:s2], $0x20, $0x38;
	[tilespmem:$0x1F0F8] =	vst v63  }
0x2c3: {  	s26 =	simm.s32 $0x0;
	s28 =	simm.s32 $0x3678  }
0x2c4: {  	[tilespmem:s28], [sflag:$0x5] =	stream.linear.gather [spmem:s26], $0x200, $0x38;
	[tilespmem:$0x1F0F8] =	vst v63  }
0x2c5: {  	_ =	swait.ge [sflag:s0], $0x220  }
0x2c6: {  	[sflag:s0] =	ssyncset.done $0x0  }
0x2c7: {  	s29 =	simm.s32 $0x0;
	[sflag:s0] =	ssyncadd.s32 $0xFFFFFDE0  }
0x2c8: {  	v0 =	vld.msk [tilespmem:s29+$0x3658], $0x1;
	_ =	sdelay $0x1  }
0x2c9: {  	s30 =	simm.s32 $0x1  }
0x2ca: {  	v1 =	vld.msk [tilespmem:s30+$0x3658], $0x1;
	_ =	sdelay $0x1  }
0x2cb: {  	(v2sf) =	vpush v0, $0x0;
	_ =	sdelay $0x2  }
0x2cc: {  	(v2sf) =	vpush v1, $0x0;
	_ =	sdelay $0x2  }
0x2cd: {  	s31 =	simm.s32 $0x2  }
0x2ce: {  	v0 =	vld.msk [tilespmem:s31+$0x3658], $0x1;
	_ =	sdelay $0x2  }
0x2cf: {  	s6 =	simm.s32 $0xFFFFFFFF;
	s2 =	simm.s32 $0xFFFFFFFF;
	s0 =	simm.s32 $0xC  }
.LBB2_23:
0x2d0: {  	s3 =	smov.u32 s6;
	s4 =	smov.u32 s2  }
0x2d1: {  	s2 =	sshra.s32 s0, $0x2;
	p1 =	sne.s32 s0, $0x7C;
	s0 =	sadd.s32 $0x4, s0;
	(v2sf) =	vpush v0, $0x0  }
0x2d2: {  	v0 =	vld.msk [tilespmem:s2+$0x3658], $0x1  }
.Ltmp19:
0x2d3: {  	(pc) =	sbr.rel @p1 .LBB2_23-.Ltmp19, $4  }
0x2d4: {  	s6 =	spop (v2sf)  }
0x2d5: {  	p2 =	sne.s32 s4, $0xFFFFFFFF;
	s2 =	smov.u32 s6  }
0x2d6: {  	p3 =	seq.s32 s6, $0xFFFFFFFF;
	s2 =	smov.u32 @p2 s4  }
0x2d7: {  	s6 =	smov.u32 @p3 s3;
	s2 =	smov.u32 @p3 s4  }
0x2d8: {  	(v2sf) =	vpush v0, $0x0;
	_ =	sdelay $0x8  }
0x2d9: {  	s0 =	spop (v2sf)  }
0x2da: {  	p1 =	sne.s32 s2, $0xFFFFFFFF;
	s3 =	smov.u32 s0  }
0x2db: {  	s9 =	simm.s32 $0x6;
	p2 =	seq.s32 s0, $0xFFFFFFFF;
	s3 =	smov.u32 @p1 s2  }
0x2dc: {  	s10 =	simm.s32 $0x3638;
	s3 =	smov.u32 @p2 s2;
	s2 =	spop (v2sf)  }
0x2dd: {  	s0 =	smov.u32 @p2 s6;
	p1 =	sne.s32 s3, $0xFFFFFFFF;
	s4 =	smov.u32 s2  }
.Ltmp20:
0x2de: {  	p2 =	seq.s32 s2, $0xFFFFFFFF;
	s4 =	smov.u32 @p1 s3;
	(pc) =	sbr.rel .LBB2_25-.Ltmp20, $4  }
0x2df: {  	s11 =	simm.s32 $0x0;
	s4 =	smov.u32 @p2 s3;
	s7 =	spop (v2sf)  }
0x2e0: {  	[sflag:s9] =	ssyncpa.u1 $0x0;
	p1 =	sne.s32 s4, $0xFFFFFFFF;
	s8 =	smov.u32 s7  }
0x2e1: {  	s2 =	smov.u32 @p2 s0;
	p2 =	seq.s32 s7, $0xFFFFFFFF;
	s8 =	smov.u32 @p1 s4  }
0x2e2: {  	s6 =	simm.s32 $0x0;
	s7 =	smov.u32 @p2 s2;
	s8 =	smov.u32 @p2 s4  }
.LBB2_30:
0x2e3: {  	p1 =	sgt.u32 s12, $0xC34FF  }
0x2e4: {  	p2 =	seq.s32 @!p1 s12, s8  }
0x2e5: {  	p1 =	por p1, p2  }
0x2e6: {  	p2 =	sne.s32 @!p1 s12, s7  }
0x2e7: {  	p1 =	por p1, !p2  }
0x2e8: {  	s0 =	sshll.u32 @p1 s11, $0x6  }
0x2e9: {  	s0 =	sand.u32 @!p1 $0xFFFF8, s12  }
0x2ea: {  	s2 =	sand.u32 @!p1 $0x7, s12;
	s0 =	sadd.s32 @!p1 s1, s0  }
0x2eb: {  	[tilespmem:s10], [sflag:$0x6] =	stream.linear.gather @!p1 [hbm4b:s0+s2], $0x3, $0x38;
	[tilespmem:$0x1F0F8] =	vst v63  }
0x2ec: {  	_ =	swait.ge @!p1 [sflag:s9], $0x3  }
0x2ed: {  	[sflag:s9] =	ssyncset.done @!p1 $0x0  }
0x2ee: {  	[sflag:s9] =	ssyncadd.s32 @!p1 $0xFFFFFFFD  }
0x2ef: {  	v1 =	vld @!p1 [tilespmem:$0x3638];
	_ =	sdelay $0x2  }
0x2f0: {  	s0 =	sshll.u32 @!p1 s11, $0x6  }
0x2f1: {  	s2 =	sshrl.u32 @!p1 s0, $0x2  }
0x2f2: {  	[tilespmem:s2+$0x3678] =	vst.add.f32.msk @!p1 $0xffff, v1  }
0x2f3: {  	s0 =	sshrl.u32 s0, $0x2;
	[tilespmem:s6+$0x3658] =	vst.msk $0x1, v0  }
0x2f4: {  	v0 =	vld [tilespmem:s0+$0x3678];
	_ =	sdelay $0x2  }
0x2f5: {  	s31 =	sshll.u32 s6, $0x6  }
0x2f6: {  	s0 =	sshra.s32 s31, $0x2  }
0x2f7: {  	s6 =	sadd.s32 $0x1, s6;
	[tilespmem:s0+$0x3678] =	vst v0  }
.LBB2_32:
0x2f8: {  	s11 =	sadd.s32 $0x1, s11  }
0x2f9: {  	p1 =	sne.s32 s11, $0x20  }
.Ltmp21:
0x2fa: {  	_ = 	snop;
	(pc) =	sbr.rel @!p1 .LBB2_33-.Ltmp21, $1  }
0x2fb: {  	_ =	sdelay $0x3  }
.LBB2_25:
0x2fc: {  	v0 =	vld.msk [tilespmem:s11+$0x3658], $0x1;
	_ =	sdelay $0x4  }
0x2fd: {  	(v2sf) =	vpush v0, $0x0;
	_ =	sdelay $0xe  }
0x2fe: {  	s12 =	spop (v2sf)  }
0x2ff: {  	p1 =	seq.s32 s12, $0xFFFFFFFF  }
.Ltmp22:
0x300: {  	_ = 	snop;
	(pc) =	sbr.rel @p1 .LBB2_32-.Ltmp22, $1  }
0x301: {  	_ =	sdelay $0x3  }
0x302: {  	p1 =	slt.s32 s6, $0x1  }
.Ltmp23:
0x303: {  	_ = 	snop;
	(pc) =	sbr.rel @p1 .LBB2_30-.Ltmp23, $1  }
0x304: {  	_ =	sdelay $0x3  }
0x305: {  	s13 =	simm.s32 $0x3658;
	p1 =	por $0x0, $0x0  }
0x306: {  	v1 =	vld.msk @!p1 [tilespmem:s13+$0x0], $0x1;
	_ =	sdelay $0x4  }
0x307: {  	(v2sf) =	vpush @!p1 v1, $0x0;
	_ =	sdelay $0xd  }
0x308: {  	p3 =	sne.s32 s6, $0x1  }
.Ltmp24:
0x309: {  	s0 =	spop @!p1 (v2sf);
	(pc) =	sbr.rel @!p3 .LBB2_29-.Ltmp24, $4  }
0x30a: {  	p2 =	seq.s32 @!p1 s12, s0  }
0x30b: {  	s14 =	simm.s32 $0x0;
	p2 =	por !p2, p1  }
0x30c: {  	s0 =	simm.s32 $0xFFFFFFFF;
	s14 =	simm.s32 @p2 $0xFFFFFFFF  }
0x30d: {  	s15 =	simm.s32 $0x1;
	s14 =	smov.u32 @p1 s0  }
.LBB2_28:
0x30e: {  	s0 =	smov.u32 s14;
	p1 =	sne.s32 s14, $0xFFFFFFFF  }
0x30f: {  	s13 =	sadd.s32 $0x1, s13;
	s14 =	smov.u32 s15;
	s15 =	sadd.s32 $0x1, s15  }
0x310: {  	p2 =	sne.s32 s6, s15;
	v1 =	vld.msk @!p1 [tilespmem:s13+$0x0], $0x1;
	_ =	sdelay $0x4  }
0x311: {  	(v2sf) =	vpush @!p1 v1, $0x0;
	_ =	sdelay $0xe  }
.Ltmp25:
0x312: {  	s2 =	spop @!p1 (v2sf);
	(pc) =	sbr.rel @p2 .LBB2_28-.Ltmp25, $4  }
0x313: {  	p3 =	seq.s32 @!p1 s12, s2  }
0x314: {  	p3 =	por !p3, p1  }
0x315: {  	s14 =	simm.s32 @p3 $0xFFFFFFFF  }
0x316: {  	s14 =	smov.u32 @p1 s0  }
.LBB2_29:
0x317: {  	p1 =	sne.s32 s14, $0xFFFFFFFF  }
.Ltmp26:
0x318: {  	_ = 	snop;
	(pc) =	sbr.rel @!p1 .LBB2_30-.Ltmp26, $1  }
0x319: {  	_ =	sdelay $0x3  }
0x31a: {  	s0 =	sshll.u32 s11, $0x4  }
0x31b: {  	s0 =	sand.u32 $0x3FFFFFF0, s0  }
0x31c: {  	v0 =	vld [tilespmem:s0+$0x3678]  }
.Ltmp27:
0x31d: {  	_ = 	snop;
	(pc) =	sbr.rel .LBB2_32-.Ltmp27, $4  }
0x31e: {  	_ = 	snop  }
0x31f: {  	s31 =	sshll.u32 s14, $0x6  }
0x320: {  	s0 =	sshra.s32 s31, $0x2  }
0x321: {  	[tilespmem:s0+$0x3678] =	vst.add.f32.msk $0xffff, v0  }
.LBB2_33:
0x322: {  	s0 =	simm.s32 $0x6;
	p1 =	seq.s32 s6, $0x0  }
0x323: {  	[sflag:s0] =	ssyncpa.u1 $0x1;
	v0 =	vimm.s32 @p1 $0xFFFFFFFF  }
0x324: {  	s9 =	sadd.s32 $0xFFFFFFFF, s6;
	[tilespmem:$0x3878] =	vst @p1 v0  }
0x325: {  	v0 =	vld.msk @!p1 [tilespmem:s9+$0x3658], $0x1;
	_ =	sdelay $0x1  }
0x326: {  	v1 =	vld.msk @!p1 [tilespmem:$0x3658], $0x1;
	_ =	sdelay $0x2  }
0x327: {  	p2 =	seq.s32 @!p1 s9, $0x0;
	v0 =	vbroadcast @!p1 v0, $0x0  }
0x328: {  	vm0 =	vmmov @!p1 $0x1;
	p2 =	por !p2, p1  }
0x329: {  	v1 =	vnsel @!p1 vm0, $0xFFFFFFFF, v1;
	vm0 =	vcmask @!p1 $0x308;
	v0 =	vpsel !p2, $0xFFFFFFFF, v0  }
0x32a: {  	p2 =	sne.s32 @!p1 s8, s7;
	v0 =	vsel @!p1 vm0, v1, v0  }
0x32b: {  	s0 =	simm.s32 @!p1 $0x3678;
	s2 =	simm.s32 @!p1 $0x0;
	p3 =	por !p2, p1;
	[tilespmem:$0x3878] =	vst @!p1 v0  }
0x32c: {  	[spmem:s2] =	stream.linear.scatter @!p1 [tilespmem:s0], [sflag:$0x1], $0x10, $0x38;
	[tilespmem:$0x1F0F8] =	vst v63  }
0x32d: {  	s0 =	sshll.u32 @!p3 s9, $0x6  }
0x32e: {  	s0 =	sshra.s32 @!p3 s0, $0x2  }
0x32f: {  	s2 =	simm.s32 @!p3 $0x10;
	s0 =	sadd.s32 @!p3 $0x3678, s0  }
0x330: {  	[spmem:s2] =	stream.linear.scatter @!p3 [tilespmem:s0], [sflag:$0x1], $0x10, $0x38;
	[tilespmem:$0x1F0F8] =	vst v63  }
0x331: {  	s0 =	simm.s32 @!p3 $0x1  }
0x332: {  	_ =	swait.ge @!p3 [sflag:s0], $0x20  }
0x333: {  	p1 =	por p2, p1;
	[sflag:s0] =	ssyncset.done @!p3 $0x0  }
0x334: {  	[sflag:s0] =	ssyncadd.s32 @!p3 $0xFFFFFFE0;
	s0 =	simm.s32 @!p1 $0x1  }
0x335: {  	_ =	swait.ge @!p1 [sflag:s0], $0x10  }
0x336: {  	s29 =	simm.s32 $0x3878;
	[sflag:s0] =	ssyncset.done @!p1 $0x0  }
0x337: {  	s30 =	simm.s32 $0x200;
	s31 =	simm.s32 $0x1;
	[sflag:s0] =	ssyncadd.s32 @!p1 $0xFFFFFFF0  }
0x338: {  	[spmem:s30] =	stream.linear.scatter [tilespmem:s29], [sflag:$0x1], $0x10, $0x38;
	[tilespmem:$0x1F0F8] =	vst v63  }
0x339: {  	_ =	swait.ge [sflag:s31], $0x10  }
0x33a: {  	[sflag:s31] =	ssyncset.done $0x0  }
0x33b: {  	p1 =	seq.s32 s17, $0x0;
	s8 =	rddreg [dreg:$0x2];
	[sflag:s31] =	ssyncadd.s32 $0xFFFFFFF0  }
0x33c: {  	s2 =	sshll.u32 @p1 s8, $0xE;
	s7 =	rddreg [dreg:$0x3]  }
0x33d: {  	s0 =	sadd.s32 @p1 $0x15C3C, s2;
	s2 =	sshll.u32 @p1 s7, $0x11  }
0x33e: {  	_ =	sfence.stream.spmem;
	s0 =	sor.u32 @p1 s2, s0  }
0x33f: {  	[sflag:s0] =	ssyncadd.remote.s32 @p1 $0x1;
	s0 =	simm.s32 @p1 $0x4  }
0x340: {  	s3 =	simm.s32 @!p1 $0x3C;
	s2 =	sand.u32 $0xFFFFFFFE, s8;
	_ =	swait.ge @p1 [sflag:s0], $0x6  }
0x341: {  	s4 =	simm.s32 @!p1 $0x0;
	s2 =	sadd.s32 @!p1 $0x4, s2;
	[sflag:s0] =	ssyncset.done @p1 $0x0  }
0x342: {  	s5 =	simm.s32 @!p1 $0x20;
	[sflag:s0] =	ssyncadd.s32 @p1 $0xFFFFFFFA;
	s0 =	sshll.u32 @!p1 s2, $0x1A  }
0x343: {  	s2 =	sshll.u32 @!p1 s2, $0xD;
	s0 =	sor.u32 @!p1 s0, s7;
	_ =	swait.eq @!p1 [sflag:s3], $0x1  }
0x344: {  	s2 =	sor.u32 @!p1 $0x1C04, s2;
	s3 =	simm.s32 @!p1 $0x1C03;
	s0 =	sor.u32 @!p1 $0x80004000, s0  }
0x345: {  	[spmem:s5], [sflag:s2] =	dma.general @!p1 [spmem:s4], [sflag:s3], length:$0x4, [dreg:$0x0], stride_count:$0x0, ici_dest:s0, dma_misc:DstOpCode:WRITE  }
0x346: {  	p2 =	slt.s32 s9, $0x2;
	s4 =	simm.s32 @!p1 $0x40;
	s5 =	simm.s32 @!p1 $0x42  }
0x347: {  	[spmem:s5], [sflag:s2] =	dma.general @!p1 [spmem:s4], [sflag:s3], length:$0x2, [dreg:$0x0], stride_count:$0x0, ici_dest:s0, dma_misc:DstOpCode:WRITE  }
.Ltmp28:
0x348: {  	s0 =	simm.s32 @!p1 $0x3;
	(pc) =	sbr.rel @p2 .LBB2_37-.Ltmp28, $4  }
0x349: {  	s2 =	sshll.u32 @!p1 s8, $0xE;
	_ =	swait.ge @!p1 [sflag:s0], $0x6  }
0x34a: {  	s3 =	sshll.u32 @!p1 s7, $0x11;
	s2 =	sadd.s32 @!p1 $0x11C3C, s2;
	[sflag:s0] =	ssyncset.done @!p1 $0x0  }
0x34b: {  	[sflag:s0] =	ssyncadd.s32 @!p1 $0xFFFFFFFA;
	s0 =	sor.u32 @!p1 s3, s2  }
0x34c: {  	[sflag:s0] =	ssyncadd.remote.s32 @!p1 $0xFFFFFFFF;
	s0 =	simm.s32 $0x0  }
0x34d: {  	s0 =	simm.s32 $0x3659  }
0x34e: {  	v0 =	vld.msk [tilespmem:s0+$0x0], $0x1;
	_ =	sdelay $0x4  }
0x34f: {  	(v2sf) =	vpush v0, $0x0;
	_ =	sdelay $0xd  }
0x350: {  	s3 =	sadd.s32 $0xFFFFFFFE, s6  }
0x351: {  	s3 =	sadd.s32 $0xFFFFFFFF, s3;
	s0 =	spop (v2sf)  }
0x352: {  	p2 =	sne.s32 s3, $0x0;
	p1 =	sgt.u32 s0, $0xC34FF  }
.Ltmp29:
0x353: {  	s4 =	sand.u32 @!p1 $0xFFFF8, s0;
	(pc) =	sbr.rel @!p2 .LBB2_36-.Ltmp29, $4  }
0x354: {  	s2 =	simm.s32 $0x3688;
	s0 =	sand.u32 @!p1 $0x7, s0;
	s4 =	sadd.s32 @!p1 s1, s4  }
0x355: {  	[hbm4b:s4+s0] =	stream.linear.scatter @!p1 [tilespmem:s2], [sflag:$0x5], $0x3, $0x38;
	[tilespmem:$0x1F0F8] =	vst v63  }
0x356: {  	s0 =	simm.s32 $0x0  }
0x357: {  	s6 =	simm.s32 $0x0;
	s7 =	simm.s32 $0x365A;
	s0 =	simm.s32 @!p1 $0xC  }
.LBB2_35:
0x358: {  	v0 =	vld.msk [tilespmem:s7+$0x0], $0x1;
	s3 =	sadd.s32 $0xFFFFFFFF, s3;
	s6 =	sadd.s32 s6, s0  }
0x359: {  	p1 =	sne.s32 s3, $0x0;
	_ =	sdelay $0x3  }
0x35a: {  	(v2sf) =	vpush v0, $0x0;
	_ =	sdelay $0xe  }
.Ltmp30:
0x35b: {  	s4 =	spop (v2sf);
	(pc) =	sbr.rel @p1 .LBB2_35-.Ltmp30, $4  }
0x35c: {  	s0 =	simm.s32 $0x0;
	p2 =	sgt.u32 s4, $0xC34FF  }
0x35d: {  	s2 =	sadd.s32 $0x10, s2;
	s0 =	simm.s32 @!p2 $0xC;
	s5 =	sand.u32 @!p2 $0xFFFF8, s4  }
0x35e: {  	s7 =	sadd.s32 $0x1, s7;
	s4 =	sand.u32 @!p2 $0x7, s4;
	s5 =	sadd.s32 @!p2 s1, s5  }
0x35f: {  	[hbm4b:s5+s4] =	stream.linear.scatter @!p2 [tilespmem:s2], [sflag:$0x5], $0x3, $0x38;
	[tilespmem:$0x1F0F8] =	vst v63  }
.LBB2_36:
0x360: {  	s0 =	sadd.s32 s6, s0  }
0x361: {  	s0 =	sshrl.u32 s0, $0x2  }
.LBB2_37:
0x362: {  	s2 =	simm.s32 $0x5  }
0x363: {  	_ =	swait.ge [sflag:s2], s0  }
0x364: {  	s31 =	ssub.s32 $0x0, s0;
	[sflag:s2] =	ssyncset.done $0x0  }
0x365: {  	[sflag:s2] =	ssyncadd.s32 s31  }
0x366: {  	[sflag:s2] =	ssyncpa.u1 $0x1  }
.LBB2_38:
0x367: {  	s0 =	sor.u32 s17, s16  }
0x368: {  	p1 =	sne.s32 s0, $0x0  }
.Ltmp31:
0x369: {  	_ = 	snop;
	(pc) =	sbr.rel @p1 .LBB2_53-.Ltmp31, $3  }
0x36a: {  	_ =	sdelay $0x1  }
0x36b: {  	[bflag:$0x0] =	sbarrier.arrive $0xFFFF  }
0x36c: {  	_ =	sfence  }
0x36d: {  	s0 =	simm.s32 $0x7  }
0x36e: {  	s2 =	simm.s32 $0x200;
	s3 =	simm.s32 $0x3658;
	[sflag:s0] =	ssyncpa.u1 $0x0  }
0x36f: {  	[tilespmem:s3], [sflag:$0x7] =	stream.linear.gather [spmem:s2], $0x20, $0x38;
	[tilespmem:$0x1F0F8] =	vst v63  }
0x370: {  	s30 =	simm.s32 $0x3678;
	s2 =	simm.s32 $0x0  }
0x371: {  	[tilespmem:s30], [sflag:$0x7] =	stream.linear.gather [spmem:s2], $0x200, $0x38;
	[tilespmem:$0x1F0F8] =	vst v63  }
.Ltmp32:
0x372: {  	_ = 	snop;
	(pc) =	sbr.rel .LBB2_40-.Ltmp32, $4  }
0x373: {  	_ =	swait.ge [sflag:s0], $0x220  }
0x374: {  	[sflag:s0] =	ssyncset.done $0x0  }
0x375: {  	s31 =	simm.s32 $0x8;
	[sflag:s0] =	ssyncadd.s32 $0xFFFFFDE0  }
0x376: {  	s3 =	simm.s32 $0x0;
	[sflag:s31] =	ssyncpa.u1 $0x0  }
.LBB2_45:
0x377: {  	p1 =	slt.u32 s4, $0xC3500  }
0x378: {  	s0 =	sand.u32 @p1 $0xFFFF8, s4  }
0x379: {  	s4 =	sand.u32 @p1 $0x7, s4;
	s5 =	simm.s32 @p1 $0x3638;
	s0 =	sadd.s32 @p1 s1, s0  }
0x37a: {  	[tilespmem:s5], [sflag:$0x8] =	stream.linear.gather @p1 [hbm4b:s0+s4], $0x3, $0x38;
	[tilespmem:$0x1F0F8] =	vst v63  }
0x37b: {  	s0 =	simm.s32 @p1 $0x8  }
0x37c: {  	_ =	swait.ge @p1 [sflag:s0], $0x3  }
0x37d: {  	[sflag:s0] =	ssyncset.done @p1 $0x0  }
0x37e: {  	[sflag:s0] =	ssyncadd.s32 @p1 $0xFFFFFFFD  }
0x37f: {  	v1 =	vld @p1 [tilespmem:$0x3638];
	_ =	sdelay $0x2  }
0x380: {  	s0 =	sshll.u32 @p1 s3, $0x6  }
0x381: {  	s5 =	sshll.u32 @!p1 s3, $0x6;
	s4 =	sshrl.u32 @p1 s0, $0x2  }
0x382: {  	s5 =	smov.u32 @p1 s0;
	[tilespmem:s4+$0x3678] =	vst.add.f32.msk @p1 $0xffff, v1  }
0x383: {  	s0 =	sshrl.u32 s5, $0x2;
	[tilespmem:s2+$0x3658] =	vst.msk $0x1, v0  }
0x384: {  	v0 =	vld [tilespmem:s0+$0x3678];
	_ =	sdelay $0x2  }
0x385: {  	s31 =	sshll.u32 s2, $0x6  }
0x386: {  	s0 =	sshra.s32 s31, $0x2  }
0x387: {  	s2 =	sadd.s32 $0x1, s2;
	[tilespmem:s0+$0x3678] =	vst v0  }
.LBB2_47:
0x388: {  	s3 =	sadd.s32 $0x1, s3  }
0x389: {  	p1 =	sne.s32 s3, $0x20  }
.Ltmp33:
0x38a: {  	_ = 	snop;
	(pc) =	sbr.rel @!p1 .LBB2_48-.Ltmp33, $1  }
0x38b: {  	_ =	sdelay $0x3  }
.LBB2_40:
0x38c: {  	v0 =	vld.msk [tilespmem:s3+$0x3658], $0x1;
	_ =	sdelay $0x4  }
0x38d: {  	(v2sf) =	vpush v0, $0x0;
	_ =	sdelay $0xe  }
0x38e: {  	s4 =	spop (v2sf)  }
0x38f: {  	p1 =	seq.s32 s4, $0xFFFFFFFF  }
.Ltmp34:
0x390: {  	_ = 	snop;
	(pc) =	sbr.rel @p1 .LBB2_47-.Ltmp34, $1  }
0x391: {  	_ =	sdelay $0x3  }
0x392: {  	p1 =	slt.s32 s2, $0x1  }
.Ltmp35:
0x393: {  	_ = 	snop;
	(pc) =	sbr.rel @p1 .LBB2_45-.Ltmp35, $1  }
0x394: {  	_ =	sdelay $0x3  }
0x395: {  	s5 =	simm.s32 $0x3658;
	p1 =	por $0x0, $0x0  }
0x396: {  	v1 =	vld.msk @!p1 [tilespmem:s5+$0x0], $0x1;
	_ =	sdelay $0x4  }
0x397: {  	(v2sf) =	vpush @!p1 v1, $0x0;
	_ =	sdelay $0xd  }
0x398: {  	p3 =	sne.s32 s2, $0x1  }
.Ltmp36:
0x399: {  	s0 =	spop @!p1 (v2sf);
	(pc) =	sbr.rel @!p3 .LBB2_44-.Ltmp36, $4  }
0x39a: {  	p2 =	seq.s32 @!p1 s4, s0  }
0x39b: {  	s6 =	simm.s32 $0x0;
	p2 =	por !p2, p1  }
0x39c: {  	s0 =	simm.s32 $0xFFFFFFFF;
	s6 =	simm.s32 @p2 $0xFFFFFFFF  }
0x39d: {  	s7 =	simm.s32 $0x1;
	s6 =	smov.u32 @p1 s0  }
.LBB2_43:
0x39e: {  	s0 =	smov.u32 s6;
	p1 =	sne.s32 s6, $0xFFFFFFFF  }
0x39f: {  	s5 =	sadd.s32 $0x1, s5;
	s6 =	smov.u32 s7;
	s7 =	sadd.s32 $0x1, s7  }
0x3a0: {  	p2 =	sne.s32 s2, s7;
	v1 =	vld.msk @!p1 [tilespmem:s5+$0x0], $0x1;
	_ =	sdelay $0x4  }
0x3a1: {  	(v2sf) =	vpush @!p1 v1, $0x0;
	_ =	sdelay $0xe  }
.Ltmp37:
0x3a2: {  	s8 =	spop @!p1 (v2sf);
	(pc) =	sbr.rel @p2 .LBB2_43-.Ltmp37, $4  }
0x3a3: {  	p3 =	seq.s32 @!p1 s4, s8  }
0x3a4: {  	p3 =	por !p3, p1  }
0x3a5: {  	s6 =	simm.s32 @p3 $0xFFFFFFFF  }
0x3a6: {  	s6 =	smov.u32 @p1 s0  }
.LBB2_44:
0x3a7: {  	p1 =	sne.s32 s6, $0xFFFFFFFF  }
.Ltmp38:
0x3a8: {  	_ = 	snop;
	(pc) =	sbr.rel @!p1 .LBB2_45-.Ltmp38, $1  }
0x3a9: {  	_ =	sdelay $0x3  }
0x3aa: {  	s0 =	sshll.u32 s3, $0x4  }
0x3ab: {  	s0 =	sand.u32 $0x3FFFFFF0, s0  }
0x3ac: {  	v0 =	vld [tilespmem:s0+$0x3678]  }
.Ltmp39:
0x3ad: {  	_ = 	snop;
	(pc) =	sbr.rel .LBB2_47-.Ltmp39, $4  }
0x3ae: {  	_ = 	snop  }
0x3af: {  	s31 =	sshll.u32 s6, $0x6  }
0x3b0: {  	s0 =	sshra.s32 s31, $0x2  }
0x3b1: {  	[tilespmem:s0+$0x3678] =	vst.add.f32.msk $0xffff, v0  }
.LBB2_48:
0x3b2: {  	p1 =	slt.s32 s2, $0x1  }
.Ltmp40:
0x3b3: {  	_ = 	snop;
	(pc) =	sbr.rel @p1 .LBB2_52-.Ltmp40, $3  }
0x3b4: {  	_ =	sdelay $0x1  }
0x3b5: {  	s0 =	simm.s32 $0x8  }
0x3b6: {  	s3 =	simm.s32 $0x0;
	[sflag:s0] =	ssyncpa.u1 $0x1  }
0x3b7: {  	s0 =	simm.s32 $0x3658  }
0x3b8: {  	v0 =	vld.msk [tilespmem:s0+$0x0], $0x1;
	_ =	sdelay $0x4  }
0x3b9: {  	(v2sf) =	vpush v0, $0x0;
	_ =	sdelay $0xe  }
0x3ba: {  	s2 =	sadd.s32 $0xFFFFFFFF, s2;
	s0 =	spop (v2sf)  }
0x3bb: {  	p2 =	sne.s32 s2, $0x0;
	p1 =	sgt.u32 s0, $0xC34FF  }
.Ltmp41:
0x3bc: {  	s5 =	sand.u32 @!p1 $0xFFFF8, s0;
	(pc) =	sbr.rel @!p2 .LBB2_51-.Ltmp41, $4  }
0x3bd: {  	s4 =	simm.s32 $0x3678;
	s0 =	sand.u32 @!p1 $0x7, s0;
	s5 =	sadd.s32 @!p1 s1, s5  }
0x3be: {  	[hbm4b:s5+s0] =	stream.linear.scatter @!p1 [tilespmem:s4], [sflag:$0x7], $0x3, $0x38;
	[tilespmem:$0x1F0F8] =	vst v63  }
0x3bf: {  	s0 =	simm.s32 $0x0  }
0x3c0: {  	s5 =	simm.s32 $0x3659;
	s0 =	simm.s32 @!p1 $0xC  }
.LBB2_50:
0x3c1: {  	v0 =	vld.msk [tilespmem:s5+$0x0], $0x1;
	s2 =	sadd.s32 $0xFFFFFFFF, s2;
	s3 =	sadd.s32 s3, s0  }
0x3c2: {  	p1 =	sne.s32 s2, $0x0;
	_ =	sdelay $0x3  }
0x3c3: {  	(v2sf) =	vpush v0, $0x0;
	_ =	sdelay $0xe  }
.Ltmp42:
0x3c4: {  	s6 =	spop (v2sf);
	(pc) =	sbr.rel @p1 .LBB2_50-.Ltmp42, $4  }
0x3c5: {  	s0 =	simm.s32 $0x0;
	p2 =	sgt.u32 s6, $0xC34FF  }
0x3c6: {  	s4 =	sadd.s32 $0x10, s4;
	s0 =	simm.s32 @!p2 $0xC;
	s7 =	sand.u32 @!p2 $0xFFFF8, s6  }
0x3c7: {  	s5 =	sadd.s32 $0x1, s5;
	s6 =	sand.u32 @!p2 $0x7, s6;
	s7 =	sadd.s32 @!p2 s1, s7  }
0x3c8: {  	[hbm4b:s7+s6] =	stream.linear.scatter @!p2 [tilespmem:s4], [sflag:$0x7], $0x3, $0x38;
	[tilespmem:$0x1F0F8] =	vst v63  }
.LBB2_51:
0x3c9: {  	s0 =	sadd.s32 s3, s0  }
0x3ca: {  	s3 =	sshrl.u32 s0, $0x2  }
.LBB2_52:
0x3cb: {  	s0 =	simm.s32 $0x7  }
0x3cc: {  	_ =	swait.ge [sflag:s0], s3  }
0x3cd: {  	s1 =	ssub.s32 $0x0, s3;
	[sflag:s0] =	ssyncset.done $0x0  }
0x3ce: {  	[sflag:s0] =	ssyncadd.s32 s1  }
0x3cf: {  	[sflag:s0] =	ssyncpa.u1 $0x1  }
.LBB2_53:
0x3d0: {  	_ =	sfence;
	s0 =	simm.s32 $0x1  }
0x3d1: {  	[sflag:s0] =	ssyncpa.u1 $0x1  }
0x3d2: {  	_ =	strace $0x90000053  }
0x3d3: {  	[bflag:$0x2] =	sbarrier.arrive $0xFFFF  }
0x3d4: {  	s0 =	rddreg [dreg:$0x4]  }
0x3d5: {  	s0 =	sadd.s32 @!p0 $0x100000, s0  }
0x3d6: {  	[sflag:s0] =	ssyncadd.tile.s32 @!p0 $0x1;
	_ =	shalt  }
.Lfunc_end2:
_tile_overlayer_lowered:
.L_overlay_start_2:
0x3d7: {  	(tag) =	ssettag $0x2  }
0x3d8: {  	s0 =	rddreg [dreg:$0x0];
	s2 =	stileid.u32  }
0x3d9: {  	s1 =	rddreg [dreg:$0x1];
	p0 =	sne.s32 s2, $0x0  }
0x3da: {  	s3 =	rddreg [dreg:$0x2];
	[bflag:$0x3] =	sbarrier.arrive $0xFFFF;
	s2 =	simm.s32 @!p0 $0x1C01  }
0x3db: {  	[timem:s3], [sflag:s2] =	dma.local @!p0 [hbm:s0], s1  }
0x3dc: {  	s0 =	simm.s32 @!p0 $0x1  }
0x3dd: {  	_ =	swait.ge @!p0 [sflag:s0], s1  }
0x3de: {  	s1 =	ssub.s32 @!p0 $0x0, s1;
	[sflag:s0] =	ssyncset.done @!p0 $0x0  }
0x3df: {  	[sflag:s0] =	ssyncadd.s32 @!p0 s1  }
0x3e0: {  	[bflag:$0x3] =	sbarrier.arrive $0xFFFF  }
0x3e1: {  	_ =	shalt  }

// kernel: scatter_offload_async_start.3
scs
__scs_entry_jumppad:
0x0: {  	(pc) =	sbr.rel $0x88, $3  }
0x1: {  	(tag) =	ssettag $0x0;
	lr =	simm.s32 $0x1  }
0x2: {  	[smem:$0x3F7A] =	sst lr;
	_ =	strace $0xD0000000  }
0x3: {  	_ = 	snop  }
0x4: {  	_ = 	snop  }
0x5: {  	_ = 	snop  }
0x6: {  	_ = 	snop  }
0x7: {  	_ = 	snop  }
__scs_overlays_trampoline_lowered:
0x8: {  	[smem:$0x3F89] =	sst s0  }
0x9: {  	[smem:$0x3F8A] =	sst s1  }
0xa: {  	[smem:$0x3F8B] =	sst s2  }
0xb: {  	[smem:$0x3F8C] =	sst s3  }
0xc: {  	[smem:$0x3F8D] =	sst s4  }
0xd: {  	[smem:$0x3F8E] =	sst s5  }
0xe: {  	[smem:$0x3F8F] =	sst s6  }
0xf: {  	[smem:$0x3F90] =	sst s7  }
0x10: {  	[smem:$0x3F91] =	sst s8  }
0x11: {  	[smem:$0x3F92] =	sst s9;
	s0 =	simm.s32 @!p0 $0x0  }
0x12: {  	s1 =	sld [smem:$0x3F78];
	s0 =	simm.s32 @p0 $0x1  }
0x13: {  	[smem:$0x3F93] =	sst s0;
	s0 =	simm.s32 @!p1 $0x0  }
0x14: {  	s2 =	sld [smem:$0x3F77];
	s0 =	simm.s32 @p1 $0x1  }
0x15: {  	[smem:$0x3F94] =	sst s0;
	s0 =	simm.s32 @!p2 $0x0  }
0x16: {  	s3 =	sld [smem:$0x3FDB];
	s0 =	simm.s32 @p2 $0x1  }
0x17: {  	s4 =	simm.s32 $0x1BF5;
	[smem:$0x3F96] =	sst s0  }
0x18: {  	s0 =	sld [smem:$0x3F79];
	_ =	swait.ge [sflag:s4], $0x0  }
0x19: {  	s7 =	sld [smem:$0x3F7A]  }
0x1a: {  	s8 =	sadd.s32 $0xFFFFE003, lr  }
0x1b: {  	s9 =	sadd.s32 $0xFFFFFEF7, lr;
	s5 =	simm.s32 $0xFFFFFFFF;
	p2 =	slt.u32 s8, $0xFFFFF086  }
0x1c: {  	p1 =	slt.u32 s9, $0xF7A;
	s5 =	simm.s32 @!p2 $0x0  }
0x1d: {  	s5 =	simm.s32 @p1 $0x1;
	p0 =	seq.s32 s7, s2  }
0x1e: {  	s7 =	smul.u32 @!p0 $0xF7A, s2;
	p2 =	seq.s32 @!p0 s5, $0x0  }
0x1f: {  	s9 =	smul.u32 $0xF7A, s1;
	s8 =	simm.s32 @!p0 $0x1BF5;
	p2 =	por !p2, p0  }
0x20: {  	[sflag:s8] =	ssyncset.s32 @!p0 $0xFFFFF086;
	s6 =	sadd.s32 @!p0 s3, s7;
	s7 =	simm.s32 @!p0 $0x108  }
0x21: {  	s3 =	sadd.s32 s3, s9;
	s6 =	sadd.s32 @!p0 $0x88, s6;
	s7 =	simm.s32 @p2 $0x1082  }
0x22: {  	[simem:s7], [sflag:s8] =	dma.local @!p0 [hbm:s6], $0xF7A  }
0x23: {  	s9 =	sor.u32 $0xD0000000, s2;
	s6 =	simm.s32 $0x108;
	_ =	swait.ge @!p0 [sflag:s8], $0x0  }
0x24: {  	s3 =	sadd.s32 $0x88, s3;
	s6 =	simm.s32 @!p1 $0x1082;
	[sflag:s4] =	ssyncset.s32 $0xFFFFF086  }
0x25: {  	[simem:s6], [sflag:s4] =	dma.local [hbm:s3], $0xF7A  }
0x26: {  	[smem:$0x3F7A] =	sst s1;
	(tag) =	ssettag s2;
	_ =	strace s9  }
0x27: {  	s1 =	sld [smem:$0x3F8A]  }
0x28: {  	s2 =	sld [smem:$0x3F8B]  }
0x29: {  	s4 =	sld [smem:$0x3F8D]  }
0x2a: {  	p0 =	seq.s32 s5, $0x0;
	s5 =	sld [smem:$0x3F8E]  }
0x2b: {  	s6 =	sld [smem:$0x3F8F]  }
0x2c: {  	s7 =	sld [smem:$0x3F90]  }
0x2d: {  	s3 =	simm.s32 $0x108;
	s8 =	sld [smem:$0x3F91]  }
0x2e: {  	s3 =	simm.s32 @!p0 $0x1082;
	s9 =	sld [smem:$0x3F92]  }
0x2f: {  	lr =	sadd.s32 s0, s3;
	s0 =	sld [smem:$0x3F89]  }
0x30: {  	s3 =	sld [smem:$0x3F8C]  }
0x31: {  	[smem:$0x3F95] =	sst s10  }
0x32: {  	s10 =	sld [smem:$0x3F93];
	_ =	sdelay $0x3  }
0x33: {  	p0 =	seq.s32 s10, $0x1;
	s10 =	sld [smem:$0x3F95];
	_ =	sdelay $0x3  }
0x34: {  	[smem:$0x3F95] =	sst s10  }
0x35: {  	s10 =	sld [smem:$0x3F94];
	_ =	sdelay $0x3  }
0x36: {  	p1 =	seq.s32 s10, $0x1;
	s10 =	sld [smem:$0x3F95];
	_ =	sdelay $0x3  }
0x37: {  	[smem:$0x3F95] =	sst s10  }
0x38: {  	s10 =	sld [smem:$0x3F96]  }
0x39: {  	_ = 	snop;
	(pc) =	sbr.ind lr, $3  }
0x3a: {  	_ = 	snop  }
0x3b: {  	_ = 	snop  }
0x3c: {  	p2 =	seq.s32 s10, $0x1;
	s10 =	sld [smem:$0x3F95]  }
0x3d: {  	_ =	shalt  }
0x3e: {  	_ =	shalt  }
0x3f: {  	_ =	shalt  }
0x40: {  	_ =	shalt  }
0x41: {  	_ =	shalt  }
0x42: {  	_ =	shalt  }
0x43: {  	_ =	shalt  }
0x44: {  	_ =	shalt  }
0x45: {  	_ =	shalt  }
0x46: {  	_ =	shalt  }
0x47: {  	_ =	shalt  }
0x48: {  	_ =	shalt  }
0x49: {  	_ =	shalt  }
0x4a: {  	_ =	shalt  }
0x4b: {  	_ =	shalt  }
0x4c: {  	_ =	shalt  }
0x4d: {  	_ =	shalt  }
0x4e: {  	_ =	shalt  }
0x4f: {  	_ =	shalt  }
0x50: {  	_ =	shalt  }
0x51: {  	_ =	shalt  }
0x52: {  	_ =	shalt  }
0x53: {  	_ =	shalt  }
0x54: {  	_ =	shalt  }
0x55: {  	_ =	shalt  }
0x56: {  	_ =	shalt  }
0x57: {  	_ =	shalt  }
0x58: {  	_ =	shalt  }
0x59: {  	_ =	shalt  }
0x5a: {  	_ =	shalt  }
0x5b: {  	_ =	shalt  }
0x5c: {  	_ =	shalt  }
0x5d: {  	_ =	shalt  }
0x5e: {  	_ =	shalt  }
0x5f: {  	_ =	shalt  }
0x60: {  	_ =	shalt  }
0x61: {  	_ =	shalt  }
0x62: {  	_ =	shalt  }
0x63: {  	_ =	shalt  }
0x64: {  	_ =	shalt  }
0x65: {  	_ =	shalt  }
0x66: {  	_ =	shalt  }
0x67: {  	_ =	shalt  }
0x68: {  	_ =	shalt  }
0x69: {  	_ =	shalt  }
0x6a: {  	_ =	shalt  }
0x6b: {  	_ =	shalt  }
0x6c: {  	_ =	shalt  }
0x6d: {  	_ =	shalt  }
0x6e: {  	_ =	shalt  }
0x6f: {  	_ =	shalt  }
0x70: {  	_ =	shalt  }
0x71: {  	_ =	shalt  }
0x72: {  	_ =	shalt  }
0x73: {  	_ =	shalt  }
0x74: {  	_ =	shalt  }
0x75: {  	_ =	shalt  }
0x76: {  	_ =	shalt  }
0x77: {  	_ =	shalt  }
0x78: {  	_ =	shalt  }
0x79: {  	_ =	shalt  }
0x7a: {  	_ =	shalt  }
0x7b: {  	_ =	shalt  }
0x7c: {  	_ =	shalt  }
0x7d: {  	_ =	shalt  }
0x7e: {  	_ =	shalt  }
0x7f: {  	_ =	shalt  }
0x80: {  	_ =	shalt  }
0x81: {  	_ =	shalt  }
0x82: {  	_ =	shalt  }
0x83: {  	_ =	shalt  }
0x84: {  	_ =	shalt  }
0x85: {  	_ =	shalt  }
0x86: {  	_ =	shalt  }
0x87: {  	_ =	shalt  }
.Lfunc_end0:
.L_simem_size_0:
called_computation.3_lowered:
.L_overlay_start_0:
0x88: {  	s2 =	sld [smem:$0x3FD9]  }
0x89: {  	s3 =	sld [smem:$0x3FFE];
	_ =	sdelay $0x1  }
0x8a: {  	s1 =	srdreg.scid  }
0x8b: {  	s0 =	sand.u32 $0x1, s1  }
0x8c: {  	s17 =	sshll.u32 s0, $0xA;
	s2 =	sadd.s32 s3, s2  }
0x8d: {  	s2 =	sadd.s32 s2, s17  }
0x8e: {  	[smem:$0x3FA1] =	sst s2  }
0x8f: {  	_ = 	snop  }
0x90: {  	(tm) =	ssettm $0x1  }
0x91: {  	s18 =	sld [smem:$0x3FFB];
	_ =	sdelay $0x3  }
0x92: {  	_ =	strace s18  }
0x93: {  	s2 =	sld [smem:$0x3FFC];
	_ =	sdelay $0x3  }
0x94: {  	_ =	strace s2  }
0x95: {  	s2 =	sld [smem:$0x3FFD];
	_ =	sdelay $0x3  }
0x96: {  	_ =	strace s2  }
0x97: {  	_ =	strace $0x8FFFFFFF  }
0x98: {  	s19 =	sld [smem:$0x3FDB];
	_ =	sdelay $0x1  }
0x99: {  	s20 =	simm.s32 $_scs_section_size  }
0x9a: {  	s4 =	simm.s32 $_size__tile_overlayer_lowered;
	s5 =	simm.s32 $_tile_overlayer_lowered  }
0x9b: {  	s6 =	simm.s32 $0x1BFF;
	s21 =	sshll.u32 s5, $0x1;
	s3 =	sadd.s32 s20, s19  }
0x9c: {  	s22 =	simm.s32 $0x0;
	s4 =	sshll.u32 s4, $0x1;
	s5 =	sadd.s32 s21, s3  }
0x9d: {  	[timem:s22], [sflag:s6] =	dma.local [hbm:s5], s4  }
0x9e: {  	_ =	swait.ge [sflag:s6], s4  }
0x9f: {  	s4 =	ssub.s32 $0x0, s4;
	[sflag:s6] =	ssyncset.done $0x0  }
0xa0: {  	[sflag:s6] =	ssyncadd.s32 s4;
	_ =	sdelay $0x1  }
0xa1: {  	s23 =	simm.s32 $0x1B8B  }
0xa2: {  	_ =	swait.ge [sflag:s23], $0x1  }
0xa3: {  	[sflag:s23] =	ssyncset.done $0x0  }
0xa4: {  	[sflag:s23] =	ssyncadd.s32 $0xFFFFFFFF  }
0xa5: {  	s4 =	sld [smem:$0x0]  }
0xa6: {  	s5 =	sand.u32 $0xFFFFFFFE, s1  }
0xa7: {  	p0 =	sne.s32 s1, s5  }
0xa8: {  	s5 =	sshll.u32 @p0 s5, $0xE  }
0xa9: {  	s5 =	sadd.s32 @p0 $0x11B8D, s5;
	s6 =	sshll.u32 @p0 s4, $0x11  }
0xaa: {  	s5 =	sor.u32 @p0 s6, s5  }
0xab: {  	[sflag:s5] =	ssyncadd.remote.s32 @p0 $0x1;
	_ =	sdelay $0x1  }
0xac: {  	s5 =	simm.s32 @p0 $0x1B8D  }
0xad: {  	_ =	swait.eq @p0 [sflag:s5], $0x1  }
0xae: {  	[sflag:s5] =	ssyncadd.s32 @p0 $0xFFFFFFFF  }
0xaf: {  	s6 =	sshll.u32 @!p0 s1, $0xE  }
0xb0: {  	s6 =	sor.u32 @!p0 $0x4000, s6;
	s5 =	simm.s32 @!p0 $0x1B8D  }
0xb1: {  	s7 =	sshll.u32 @!p0 s4, $0x11;
	s6 =	sadd.s32 @!p0 $0x11B8D, s6;
	_ =	swait.eq @!p0 [sflag:s5], $0x1  }
0xb2: {  	[sflag:s5] =	ssyncadd.s32 @!p0 $0xFFFFFFFF;
	s5 =	sor.u32 @!p0 s7, s6  }
0xb3: {  	s25 =	simm.s32 $0x1B8E;
	s24 =	sld [smem:$0x3FFE];
	[sflag:s5] =	ssyncadd.remote.s32 @!p0 $0x1  }
0xb4: {  	s26 =	simm.s32 $execute0_lowered;
	[smem:$0x3FD2] =	sst s25  }
0xb5: {  	s6 =	sshll.u32 s26, $0x1;
	_ =	strace $0x80000055;
	[dreg:$0x1] =	wrdreg $0xFFFFFFFF  }
0xb6: {  	s28 =	simm.s32 $_size_execute0_lowered;
	s3 =	sadd.s32 s3, s6;
	[dreg:$0x0] =	wrdreg $0x0  }
0xb7: {  	s6 =	sshll.u32 s28, $0x1;
	[dreg:$0x2] =	wrdreg s3  }
0xb8: {  	[dreg:$0x3] =	wrdreg s6  }
0xb9: {  	[dreg:$0x4] =	wrdreg $0xC0  }
0xba: {  	_ =	task [dreg:s22], $0x5FFFF  }
0xbb: {  	[dreg:$0x1] =	wrdreg $0xFFFFFFFF  }
0xbc: {  	[dreg:$0x0] =	wrdreg $0x60  }
0xbd: {  	[dreg:$0x2] =	wrdreg s24  }
0xbe: {  	[dreg:$0x3] =	wrdreg s1  }
0xbf: {  	[dreg:$0x4] =	wrdreg s4  }
0xc0: {  	[dreg:$0x5] =	wrdreg $0xA  }
0xc1: {  	_ =	task.clear_ibuf [dreg:s22], $0x6FFFF;
	_ =	strace $0x90000055  }
0xc2: {  	s29 =	simm.s32 $0xA;
	_ =	strace $0x80000057  }
0xc3: {  	_ =	swait.ge [sflag:s29], $0x1  }
0xc4: {  	[sflag:s29] =	ssyncadd.s32 $0xFFFFFFFF  }
0xc5: {  	_ =	strace $0x90000057  }
0xc6: {  	_ =	sfence  }
0xc7: {  	s30 =	sld [smem:$0x0];
	_ =	sdelay $0x2  }
0xc8: {  	s31 =	sshll.u32 s1, $0xD;
	s1 =	sshrl.u32 s1, $0x2  }
0xc9: {  	s4 =	sand.u32 $0x4000, s31;
	s1 =	sadd.s32 s1, s30  }
0xca: {  	s0 =	sor.u32 s4, s0;
	s1 =	sshll.u32 s1, $0x11  }
0xcb: {  	s0 =	sor.u32 s1, s0  }
0xcc: {  	s0 =	sadd.s32 $0x8F2B, s0  }
0xcd: {  	[sflag:s0] =	ssyncadd.remote.s32 $0x1  }
0xce: {  	_ =	sfence.sel $0xFFFF  }
0xcf: {  	[dreg:$0x0] =	wrdreg $0xFFFFFFFF;
	(pc) =	sbr.abs _section_cstart, $3  }
0xd0: {  	[dreg:$0x1] =	wrdreg $0xFFFFFFFF  }
0xd1: {  	_ =	task.clear_ibuf [dreg:s22], $0x2FFFF;
	_ =	strace $0x9FFFFFFF  }
0xd2: {  	(tm) =	ssettm $0x7FFFFFFF  }
0xd3: {  	_ =	shalt  }
tec
execute0_lowered:
.L_overlay_start_1:
0x0: {  	(tag) =	ssettag $0x1  }
0x1: {  	s2 =	rddreg [dreg:$0x0]  }
0x2: {  	s4 =	rddreg [dreg:$0x1];
	_ =	strace $0x80000056;
	s0 =	simm.s32 $0x1  }
0x3: {  	s3 =	simm.s32 $0x88;
	v0 =	vimm.s32 $0x0;
	[sflag:s0] =	ssyncpa.u1 $0x0  }
0x4: {  	[tilespmem:s3+$0x30] =	vst v0  }
0x5: {  	s1 =	sadd.s32 $0xD0600, s2;
	s0 =	sadd.s32 $0x7AA00, s2;
	s6 =	sadd.s32 $0x1A0E400, s2;
	[tilespmem:s3+$0x20] =	vst v0  }
0x6: {  	s2 =	sadd.s32 $0x93200, s2;
	s7 =	sand.u32 $0x1, s4;
	s4 =	simm.s32 $0x40;
	[tilespmem:s3+$0x10] =	vst v0  }
.LBB2_1:
0x7: {  	s4 =	sadd.s32 $0x40, s4  }
0x8: {  	[tilespmem:s3+$0x0] =	vst v0;
	s3 =	sadd.s32 $0x40, s3;
	p0 =	slt.u32 s4, $0x5040  }
.Ltmp0:
0x9: {  	(pc) =	sbr.rel @p0 .LBB2_1-.Ltmp0, $4  }
0xa: {  	_ = 	snop  }
0xb: {  	[tilespmem:s3+$0x30] =	vst v0  }
0xc: {  	[tilespmem:s3+$0x20] =	vst v0  }
0xd: {  	[tilespmem:s3+$0x10] =	vst v0  }
0xe: {  	s8 =	stileid.u32  }
0xf: {  	s4 =	smul.u32 $0x4E, s8  }
0x10: {  	s5 =	smin.u32 s8, $0x2  }
0x11: {  	s4 =	sadd.s32 s5, s4  }
0x12: {  	p0 =	slt.u32 s8, $0x2;
	s12 =	smul.u32 $0x140, s4;
	s4 =	simm.s32 $0x62C0  }
0x13: {  	s4 =	simm.s32 @!p0 $0x6180  }
0x14: {  	s25 =	simm.s32 $0x2;
	s4 =	sadd.s32 s4, s12  }
0x15: {  	s28 =	simm.s32 $0x9;
	s9 =	simm.s32 $0xA;
	s14 =	smin.u32 s4, $0x61A80  }
0x16: {  	s30 =	simm.s32 $0xB;
	[dreg:$0x4] =	wrdreg s7;
	s4 =	ssub.s32 s14, s12  }
0x17: {  	s31 =	smul.u32 $0xC350, s7;
	s13 =	simm.s32 $0x1;
	p0 =	sgt.s32 s4, $0x0  }
0x18: {  	s19 =	simm.s32 $0x0;
	s20 =	simm.s32 $0xA808;
	s4 =	simm.s32 @!p0 $0x0  }
0x19: {  	s21 =	simm.s32 $0xFFFFFFFF;
	p1 =	por $0x0, $0x0;
	s26 =	smulhi.u32 $0x66666667, s4  }
0x1a: {  	[tilespmem:s3+$0x0] =	vst v0;
	s23 =	simm.s32 $0x0;
	[sflag:s25] =	ssyncpa.u1 $0x0;
	s18 =	sshll.u32 s8, $0x7  }
0x1b: {  	s0 =	sadd.s32 s31, s0;
	[dreg:$0xa] =	wrdreg s18;
	s3 =	sshrl.u32 s26, $0x7  }
0x1c: {  	v0 =	vimm.s32 $0xFFFFFFFF;
	s17 =	sadd.s32 s31, s2;
	[dreg:$0x9] =	wrdreg s0;
	s29 =	smul.u32 $0x140, s3  }
0x1d: {  	s25 =	simm.s32 $0x0;
	[tilespmem:$0xA108] =	vst v0;
	[sflag:s28] =	ssyncpa.u1 $0x0;
	[dreg:$0x8] =	wrdreg s17  }
.Ltmp1:
0x1e: {  	p0 =	sne.s32 s4, s29;
	s4 =	simm.s32 $0x1;
	(pc) =	sbr.rel .LBB2_3-.Ltmp1, $4  }
0x1f: {  	[sflag:s9] =	ssyncpa.u1 $0x0;
	[dreg:$0x5] =	wrdreg s12;
	s4 =	simm.s32 @!p0 $0x0  }
0x20: {  	[sflag:s30] =	ssyncpa.u1 $0x0;
	[dreg:$0x6] =	wrdreg s14;
	s15 =	sadd.s32 s4, s3  }
0x21: {  	s24 =	smov.u32 s12;
	s22 =	sadd.s32 $0x1, s15;
	[dreg:$0x7] =	wrdreg s15  }
0x22: {  	v0 =	vlaneseq.u32;
	s26 =	simm.s32 $0x0;
	p0 =	por $0x1, $0x1;
	[dreg:$0xb] =	wrdreg s22  }
.LBB2_22:
0x23: {  	s0 =	sshrl.u32 s3, $0x2  }
.LBB2_24:
0x24: {  	s3 =	simm.s32 $0xC  }
0x25: {  	_ =	swait.ge [sflag:s3], s0  }
0x26: {  	s31 =	ssub.s32 $0x0, s0;
	v1 =	vmov s4;
	vm0 =	veq.s32 v0, $0x0;
	[sflag:s3] =	ssyncset.done $0x0  }
0x27: {  	vm15 =	veq.s32 v0, $0x2;
	v1 =	vsel vm0, s2, v1;
	[sflag:s3] =	ssyncadd.s32 s31  }
0x28: {  	v1 =	vsel vm15, s26, v1;
	[sflag:s3] =	ssyncpa.u1 $0x1  }
0x29: {  	[tilespmem:$0xA108] =	vst v1  }
.LBB2_25:
0x2a: {  	s0 =	sadd.s32 $0x140, s24  }
0x2b: {  	s2 =	smov.u32 s12;
	p2 =	slt.s32 s0, s14  }
0x2c: {  	s2 =	smov.u32 @p2 s0;
	p2 =	sne.s32 s25, s22  }
.Ltmp2:
0x2d: {  	_ = 	snop;
	(pc) =	sbr.rel @!p2 .LBB2_26-.Ltmp2, $4  }
0x2e: {  	_ = 	snop  }
0x2f: {  	s26 =	smov.u32 s23;
	s31 =	sadd.s32 $0x1, s25;
	p0 =	por !p0, !p0  }
0x30: {  	s23 =	smov.u32 s24;
	s20 =	sadd.s32 $0x140, s20;
	s21 =	sadd.s32 $0x1, s21  }
0x31: {  	p1 =	por !p1, !p1;
	s25 =	smov.u32 s31;
	s24 =	smov.u32 s2  }
.LBB2_3:
0x32: {  	p2 =	sge.u32 s25, s15  }
0x33: {  	s0 =	smulhi.u32 @!p2 $0xAAAAAAAB, s25  }
0x34: {  	s2 =	smov.u32 s24;
	p3 =	sgt.s32 @!p2 s24, $0x61940  }
0x35: {  	s3 =	sshra.s32 @!p2 s24, $0x1F;
	p3 =	por !p3, p2;
	s0 =	sshrl.u32 @!p2 s0, $0x1  }
0x36: {  	s3 =	sand.u32 @!p2 s3, s24;
	s2 =	simm.s32 @p3 $0x61940;
	s0 =	smul.u32 @!p2 $0x3, s0  }
0x37: {  	s2 =	ssub.s32 @!p2 s2, s3  }
0x38: {  	s2 =	sadd.s32 @!p2 $0xFFF9E6C0, s2;
	s0 =	ssub.s32 @!p2 s25, s0  }
0x39: {  	s3 =	sshll.u32 @!p2 s2, $0x2;
	p3 =	sgt.s32 @!p2 s2, $0x13F;
	s0 =	smul.u32 @!p2 $0x500, s0  }
0x3a: {  	s4 =	sand.u32 @!p2 $0x7, s24;
	s2 =	ssub.s32 @!p2 $0x500, s3;
	p3 =	por !p3, p2  }
0x3b: {  	s3 =	sshrl.u32 @!p2 s24, $0x3;
	s2 =	sshrl.u32 @!p2 s2, $0x2;
	s0 =	sshrl.u32 @!p2 s0, $0x2  }
0x3c: {  	s3 =	sadd.s32 @!p2 s3, s17;
	s2 =	simm.s32 @!p3 $0x0;
	s0 =	sadd.s32 @!p2 $0xA948, s0  }
0x3d: {  	[tilespmem:s0], [sflag:$0xA] =	stream.linear.gather @!p2 [hbm4b:s3+s4], s2, $0x38;
	[tilespmem:$0x1EF88] =	vst v63  }
0x3e: {  	s0 =	sadd.s32 $0xFFFFFFFF, s25  }
0x3f: {  	p2 =	sge.u32 s0, s15  }
.Ltmp3:
0x40: {  	_ = 	snop;
	(pc) =	sbr.rel @p2 .LBB2_7-.Ltmp3, $1  }
0x41: {  	_ =	sdelay $0x3  }
0x42: {  	p2 =	sgt.s32 s23, $0x61940;
	s2 =	smov.u32 s23;
	s3 =	sshra.s32 s23, $0x1F  }
0x43: {  	s2 =	simm.s32 @!p2 $0x61940;
	s3 =	sand.u32 s3, s23  }
0x44: {  	s17 =	smulhi.u32 $0xAAAAAAAB, s21;
	s2 =	ssub.s32 s2, s3  }
0x45: {  	s0 =	sand.u32 $0x1, s0;
	s2 =	sadd.s32 $0xFFF9E6C0, s2  }
0x46: {  	s5 =	simm.s32 $0xA;
	s3 =	sshrl.u32 s17, $0x1;
	s4 =	sshll.u32 s2, $0x2  }
0x47: {  	s7 =	sshrl.u32 s23, $0x3;
	s3 =	smul.u32 $0xFFFFF100, s3;
	s4 =	ssub.s32 $0x500, s4  }
0x48: {  	s18 =	smul.u32 $0x500, s0;
	p2 =	sgt.s32 s2, $0x13F;
	s2 =	sshrl.u32 s4, $0x2  }
0x49: {  	s9 =	sand.u32 $0x7, s23;
	s3 =	sshra.s32 s3, $0x2;
	s2 =	simm.s32 @p2 $0x0  }
0x4a: {  	s0 =	sadd.s32 s3, s20;
	s4 =	sshrl.u32 s18, $0x2;
	_ =	swait.ge [sflag:s5], s2  }
0x4b: {  	s22 =	ssub.s32 $0x0, s2;
	[sflag:s5] =	ssyncset.done $0x0;
	s8 =	rddreg [dreg:$0x9]  }
0x4c: {  	s4 =	sadd.s32 $0xAD08, s4;
	[sflag:s5] =	ssyncadd.s32 s22;
	s3 =	sadd.s32 s7, s8  }
0x4d: {  	[tilespmem:s4], [sflag:$0xB] =	stream.linear.gather [hbm4b:s3+s9], s2, $0x38;
	[tilespmem:$0x1EF88] =	vst v63  }
0x4e: {  	v1 =	vld.msk [tilespmem:s0+$0x0], $0xffff;
	_ =	sdelay $0x4  }
0x4f: {  	v1 =	vshll.u32 v1, $0x4  }
0x50: {  	(v2sf) =	vpush v1, $0x0  }
0x51: {  	(v2sf) =	vpush v1, $0x1  }
0x52: {  	(v2sf) =	vpush v1, $0x2;
	_ =	sdelay $0x3  }
0x53: {  	(v2sf) =	vpush v1, $0x3;
	_ =	sdelay $0x1  }
0x54: {  	(v2sf) =	vpush v1, $0x4  }
0x55: {  	s2 =	simm.s32 $0x1;
	(v2sf) =	vpush v1, $0x5  }
0x56: {  	s2 =	simm.s32 @!p0 $0x0  }
0x57: {  	s2 =	smul.u32 $0x28000, s2;
	(v2sf) =	vpush v1, $0x6;
	_ =	sdelay $0x1  }
0x58: {  	s2 =	sshrl.u32 s2, $0x2  }
0x59: {  	s28 =	sadd.s32 $0xB708, s2  }
0x5a: {  	s12 =	sadd.s32 $0xFFFFF880, s28;
	s17 =	sadd.s32 $0xFFFFF900, s28;
	s10 =	spop (v2sf);
	(v2sf) =	vpush v1, $0x7  }
0x5b: {  	s18 =	sadd.s32 $0xFFFFF980, s28;
	s11 =	sand.u32 $0x1FFFFFF0, s10;
	s14 =	spop (v2sf)  }
0x5c: {  	(v2sf) =	vpush v1, $0x8;
	s2 =	sadd.s32 s6, s11;
	s15 =	sand.u32 $0x1FFFFFF0, s14;
	s16 =	spop (v2sf)  }
0x5d: {  	[tilespmem:s12], [sflag:$0x9] =	stream.linear.gather [hbm4b:s2+s19], $0x40, $0x38;
	[tilespmem:$0x1EF88] =	vst v63  }
0x5e: {  	s5 =	sadd.s32 $0xFFFFFA00, s28;
	s2 =	sadd.s32 s6, s15;
	s3 =	sand.u32 $0x1FFFFFF0, s16  }
0x5f: {  	(v2sf) =	vpush v1, $0x9;
	[tilespmem:s17], [sflag:$0x9] =	stream.linear.gather [hbm4b:s2+s19], $0x40, $0x38;
	[tilespmem:$0x1EF88] =	vst v63  }
0x60: {  	s7 =	sadd.s32 $0xFFFFFA80, s28;
	s22 =	spop (v2sf);
	s3 =	sadd.s32 s6, s3  }
0x61: {  	(v2sf) =	vpush v1, $0xA;
	[tilespmem:s18], [sflag:$0x9] =	stream.linear.gather [hbm4b:s3+s19], $0x40, $0x38;
	[tilespmem:$0x1EF88] =	vst v63  }
0x62: {  	s11 =	sadd.s32 $0xFFFFFB00, s28;
	s4 =	spop (v2sf);
	(v2sf) =	vpush v1, $0xB;
	s3 =	sand.u32 $0x1FFFFFF0, s22  }
0x63: {  	s8 =	spop (v2sf);
	s2 =	sadd.s32 s6, s3;
	s3 =	sand.u32 $0x1FFFFFF0, s4  }
0x64: {  	(v2sf) =	vpush v1, $0xC;
	[tilespmem:s5], [sflag:$0x9] =	stream.linear.gather [hbm4b:s2+s19], $0x40, $0x38;
	[tilespmem:$0x1EF88] =	vst v63  }
0x65: {  	s9 =	sand.u32 $0x1FFFFFF0, s8;
	s10 =	spop (v2sf);
	s3 =	sadd.s32 s6, s3  }
0x66: {  	(v2sf) =	vpush v1, $0xD;
	[tilespmem:s7], [sflag:$0x9] =	stream.linear.gather [hbm4b:s3+s19], $0x40, $0x38;
	[tilespmem:$0x1EF88] =	vst v63  }
0x67: {  	s12 =	sadd.s32 $0xFFFFFB80, s28;
	s2 =	sadd.s32 s6, s9;
	s3 =	sand.u32 $0x1FFFFFF0, s10  }
0x68: {  	[tilespmem:s11], [sflag:$0x9] =	stream.linear.gather [hbm4b:s2+s19], $0x40, $0x38;
	[tilespmem:$0x1EF88] =	vst v63  }
0x69: {  	s17 =	sadd.s32 $0xFFFFFC00, s28;
	s3 =	sadd.s32 s6, s3;
	s14 =	spop (v2sf)  }
0x6a: {  	[tilespmem:s12], [sflag:$0x9] =	stream.linear.gather [hbm4b:s3+s19], $0x40, $0x38;
	(v2sf) =	vpush v1, $0xE;
	[tilespmem:$0x1EF88] =	vst v63  }
0x6b: {  	s18 =	sadd.s32 $0xFFFFFC80, s28;
	s15 =	sand.u32 $0x1FFFFFF0, s14;
	s16 =	spop (v2sf)  }
0x6c: {  	s5 =	sadd.s32 $0xFFFFFD00, s28;
	(v2sf) =	vpush v1, $0xF;
	s2 =	sadd.s32 s6, s15;
	s3 =	sand.u32 $0x1FFFFFF0, s16  }
0x6d: {  	[tilespmem:s17], [sflag:$0x9] =	stream.linear.gather [hbm4b:s2+s19], $0x40, $0x38;
	[tilespmem:$0x1EF88] =	vst v63  }
0x6e: {  	s7 =	sadd.s32 $0xFFFFFD80, s28;
	s22 =	spop (v2sf);
	s3 =	sadd.s32 s6, s3  }
0x6f: {  	[tilespmem:s18], [sflag:$0x9] =	stream.linear.gather [hbm4b:s3+s19], $0x40, $0x38;
	[tilespmem:$0x1EF88] =	vst v63  }
0x70: {  	s11 =	sadd.s32 $0xFFFFFE00, s28;
	s4 =	spop (v2sf);
	s3 =	sand.u32 $0x1FFFFFF0, s22  }
0x71: {  	s8 =	spop (v2sf);
	s2 =	sadd.s32 s6, s3;
	s3 =	sand.u32 $0x1FFFFFF0, s4  }
0x72: {  	[tilespmem:s5], [sflag:$0x9] =	stream.linear.gather [hbm4b:s2+s19], $0x40, $0x38;
	[tilespmem:$0x1EF88] =	vst v63  }
0x73: {  	s9 =	sand.u32 $0x1FFFFFF0, s8;
	s10 =	spop (v2sf);
	s3 =	sadd.s32 s6, s3  }
0x74: {  	[tilespmem:s7], [sflag:$0x9] =	stream.linear.gather [hbm4b:s3+s19], $0x40, $0x38;
	[tilespmem:$0x1EF88] =	vst v63  }
0x75: {  	s14 =	spop (v2sf);
	s2 =	sadd.s32 s6, s9;
	s3 =	sand.u32 $0x1FFFFFF0, s10  }
0x76: {  	[tilespmem:s11], [sflag:$0x9] =	stream.linear.gather [hbm4b:s2+s19], $0x40, $0x38;
	[tilespmem:$0x1EF88] =	vst v63  }
0x77: {  	s12 =	sadd.s32 $0xFFFFFE80, s28;
	s15 =	sand.u32 $0x1FFFFFF0, s14;
	s3 =	sadd.s32 s6, s3  }
0x78: {  	[tilespmem:s12], [sflag:$0x9] =	stream.linear.gather [hbm4b:s3+s19], $0x40, $0x38;
	[tilespmem:$0x1EF88] =	vst v63  }
0x79: {  	s17 =	sadd.s32 $0xFFFFFF00, s28;
	s2 =	sadd.s32 s6, s15;
	s16 =	spop (v2sf)  }
0x7a: {  	[tilespmem:s17], [sflag:$0x9] =	stream.linear.gather [hbm4b:s2+s19], $0x40, $0x38;
	[tilespmem:$0x1EF88] =	vst v63  }
0x7b: {  	s29 =	simm.s32 $0x0;
	s3 =	sand.u32 $0x1FFFFFF0, s16;
	s18 =	spop (v2sf)  }
0x7c: {  	s22 =	sadd.s32 $0xFFFFFF80, s28;
	s3 =	sadd.s32 s6, s3;
	s2 =	sand.u32 $0x1FFFFFF0, s18  }
0x7d: {  	[tilespmem:s22], [sflag:$0x9] =	stream.linear.gather [hbm4b:s3+s19], $0x40, $0x38;
	[tilespmem:$0x1EF88] =	vst v63  }
0x7e: {  	s31 =	sadd.s32 $0x10, s0;
	s30 =	sadd.s32 $0x800, s28;
	s2 =	sadd.s32 s6, s2  }
.LBB2_5:
0x7f: {  	[tilespmem:s28], [sflag:$0x9] =	stream.linear.gather [hbm4b:s2+s19], $0x40, $0x38;
	[tilespmem:$0x1EF88] =	vst v63  }
0x80: {  	s29 =	sadd.s32 $0x10, s29;
	s28 =	smov.u32 s30  }
0x81: {  	p2 =	slt.u32 s29, $0x130;
	v1 =	vld.msk [tilespmem:s31+$0x0], $0xffff;
	_ =	sdelay $0x4  }
0x82: {  	v1 =	vshll.u32 v1, $0x4  }
0x83: {  	(v2sf) =	vpush v1, $0x0  }
0x84: {  	(v2sf) =	vpush v1, $0x1  }
0x85: {  	(v2sf) =	vpush v1, $0x2;
	_ =	sdelay $0x1  }
0x86: {  	(v2sf) =	vpush v1, $0x3;
	_ =	sdelay $0x1  }
0x87: {  	(v2sf) =	vpush v1, $0x4;
	_ =	sdelay $0x1  }
0x88: {  	(v2sf) =	vpush v1, $0x5;
	_ =	sdelay $0x1  }
0x89: {  	(v2sf) =	vpush v1, $0x6  }
0x8a: {  	s4 =	sadd.s32 $0xFFFFFE80, s30;
	s0 =	sadd.s32 $0xFFFFFF00, s30  }
0x8b: {  	s3 =	sadd.s32 $0xFFFFFD00, s30;
	s2 =	sadd.s32 $0xFFFFFD80, s30;
	s5 =	sadd.s32 $0xFFFFFE00, s30;
	(v2sf) =	vpush v1, $0x7  }
0x8c: {  	s10 =	sadd.s32 $0xFFFFFB80, s30;
	s9 =	sadd.s32 $0xFFFFFC00, s30;
	s16 =	sadd.s32 $0xFFFFFC80, s30  }
0x8d: {  	s11 =	sadd.s32 $0xFFFFFA00, s30;
	s12 =	sadd.s32 $0xFFFFFA80, s30;
	s15 =	sadd.s32 $0xFFFFFB00, s30;
	(v2sf) =	vpush v1, $0x8  }
0x8e: {  	s18 =	sadd.s32 $0xFFFFF900, s30;
	s7 =	sadd.s32 $0xFFFFF980, s30;
	s22 =	spop (v2sf)  }
0x8f: {  	s8 =	sadd.s32 $0xFFFFF880, s30;
	s22 =	sand.u32 $0x1FFFFFF0, s22;
	s14 =	spop (v2sf);
	(v2sf) =	vpush v1, $0x9  }
0x90: {  	s22 =	sadd.s32 s6, s22;
	s14 =	sand.u32 $0x1FFFFFF0, s14;
	s17 =	spop (v2sf)  }
0x91: {  	[tilespmem:s8], [sflag:$0x9] =	stream.linear.gather [hbm4b:s22+s19], $0x40, $0x38;
	(v2sf) =	vpush v1, $0xA;
	[tilespmem:$0x1EF88] =	vst v63  }
0x92: {  	s8 =	sadd.s32 s6, s14;
	s14 =	sand.u32 $0x1FFFFFF0, s17;
	s17 =	spop (v2sf)  }
0x93: {  	[tilespmem:s18], [sflag:$0x9] =	stream.linear.gather [hbm4b:s8+s19], $0x40, $0x38;
	(v2sf) =	vpush v1, $0xB;
	[tilespmem:$0x1EF88] =	vst v63  }
0x94: {  	s8 =	sadd.s32 s6, s14;
	s14 =	sand.u32 $0x1FFFFFF0, s17;
	s17 =	spop (v2sf)  }
0x95: {  	[tilespmem:s7], [sflag:$0x9] =	stream.linear.gather [hbm4b:s8+s19], $0x40, $0x38;
	(v2sf) =	vpush v1, $0xC;
	[tilespmem:$0x1EF88] =	vst v63  }
0x96: {  	s7 =	sadd.s32 s6, s14;
	s8 =	sand.u32 $0x1FFFFFF0, s17;
	s14 =	spop (v2sf)  }
0x97: {  	[tilespmem:s11], [sflag:$0x9] =	stream.linear.gather [hbm4b:s7+s19], $0x40, $0x38;
	(v2sf) =	vpush v1, $0xD;
	[tilespmem:$0x1EF88] =	vst v63  }
0x98: {  	s7 =	sadd.s32 s6, s8;
	s8 =	sand.u32 $0x1FFFFFF0, s14;
	s11 =	spop (v2sf)  }
0x99: {  	[tilespmem:s12], [sflag:$0x9] =	stream.linear.gather [hbm4b:s7+s19], $0x40, $0x38;
	(v2sf) =	vpush v1, $0xE;
	[tilespmem:$0x1EF88] =	vst v63  }
0x9a: {  	s7 =	sadd.s32 s6, s8;
	s8 =	sand.u32 $0x1FFFFFF0, s11;
	s11 =	spop (v2sf)  }
0x9b: {  	[tilespmem:s15], [sflag:$0x9] =	stream.linear.gather [hbm4b:s7+s19], $0x40, $0x38;
	(v2sf) =	vpush v1, $0xF;
	[tilespmem:$0x1EF88] =	vst v63  }
0x9c: {  	s7 =	sadd.s32 s6, s8;
	s8 =	sand.u32 $0x1FFFFFF0, s11;
	s11 =	spop (v2sf)  }
0x9d: {  	[tilespmem:s10], [sflag:$0x9] =	stream.linear.gather [hbm4b:s7+s19], $0x40, $0x38;
	[tilespmem:$0x1EF88] =	vst v63  }
0x9e: {  	s7 =	sadd.s32 s6, s8;
	s8 =	sand.u32 $0x1FFFFFF0, s11;
	s10 =	spop (v2sf)  }
0x9f: {  	[tilespmem:s9], [sflag:$0x9] =	stream.linear.gather [hbm4b:s7+s19], $0x40, $0x38;
	[tilespmem:$0x1EF88] =	vst v63  }
0xa0: {  	s7 =	sadd.s32 s6, s8;
	s8 =	sand.u32 $0x1FFFFFF0, s10;
	s9 =	spop (v2sf)  }
0xa1: {  	[tilespmem:s16], [sflag:$0x9] =	stream.linear.gather [hbm4b:s7+s19], $0x40, $0x38;
	[tilespmem:$0x1EF88] =	vst v63  }
0xa2: {  	s7 =	sadd.s32 s6, s8;
	s8 =	sand.u32 $0x1FFFFFF0, s9;
	s9 =	spop (v2sf)  }
0xa3: {  	[tilespmem:s3], [sflag:$0x9] =	stream.linear.gather [hbm4b:s7+s19], $0x40, $0x38;
	[tilespmem:$0x1EF88] =	vst v63  }
0xa4: {  	s3 =	sadd.s32 s6, s8;
	s7 =	sand.u32 $0x1FFFFFF0, s9;
	s8 =	spop (v2sf)  }
0xa5: {  	[tilespmem:s2], [sflag:$0x9] =	stream.linear.gather [hbm4b:s3+s19], $0x40, $0x38;
	[tilespmem:$0x1EF88] =	vst v63  }
0xa6: {  	s2 =	sadd.s32 s6, s7;
	s3 =	sand.u32 $0x1FFFFFF0, s8;
	s7 =	spop (v2sf)  }
0xa7: {  	[tilespmem:s5], [sflag:$0x9] =	stream.linear.gather [hbm4b:s2+s19], $0x40, $0x38;
	[tilespmem:$0x1EF88] =	vst v63  }
0xa8: {  	s2 =	sadd.s32 s6, s3;
	s3 =	sand.u32 $0x1FFFFFF0, s7;
	s5 =	spop (v2sf)  }
0xa9: {  	[tilespmem:s4], [sflag:$0x9] =	stream.linear.gather [hbm4b:s2+s19], $0x40, $0x38;
	[tilespmem:$0x1EF88] =	vst v63  }
0xaa: {  	s2 =	sadd.s32 s6, s3  }
.Ltmp4:
0xab: {  	s3 =	sand.u32 $0x1FFFFFF0, s5;
	s4 =	spop (v2sf);
	(pc) =	sbr.rel @p2 .LBB2_5-.Ltmp4, $4  }
0xac: {  	[tilespmem:s0], [sflag:$0x9] =	stream.linear.gather [hbm4b:s2+s19], $0x40, $0x38;
	[tilespmem:$0x1EF88] =	vst v63  }
0xad: {  	s0 =	sadd.s32 s6, s3;
	s2 =	sadd.s32 $0xFFFFFF80, s30;
	s3 =	sand.u32 $0x1FFFFFF0, s4  }
0xae: {  	[tilespmem:s2], [sflag:$0x9] =	stream.linear.gather [hbm4b:s0+s19], $0x40, $0x38;
	[tilespmem:$0x1EF88] =	vst v63  }
0xaf: {  	s31 =	sadd.s32 $0x10, s31;
	s30 =	sadd.s32 $0x800, s30;
	s2 =	sadd.s32 s6, s3  }
0xb0: {  	[tilespmem:s28], [sflag:$0x9] =	stream.linear.gather [hbm4b:s2+s19], $0x40, $0x38;
	[tilespmem:$0x1EF88] =	vst v63  }
0xb1: {  	s12 =	rddreg [dreg:$0x5]  }
0xb2: {  	s14 =	rddreg [dreg:$0x6]  }
0xb3: {  	s15 =	rddreg [dreg:$0x7]  }
0xb4: {  	s17 =	rddreg [dreg:$0x8]  }
0xb5: {  	s18 =	rddreg [dreg:$0xa]  }
0xb6: {  	s22 =	rddreg [dreg:$0xb]  }
.LBB2_7:
0xb7: {  	p2 =	slt.u32 s25, $0x2  }
.Ltmp5:
0xb8: {  	_ = 	snop;
	(pc) =	sbr.rel @p2 .LBB2_25-.Ltmp5, $1  }
0xb9: {  	_ =	sdelay $0x3  }
0xba: {  	p2 =	sgt.s32 s26, $0x61940;
	s0 =	smov.u32 s26;
	s2 =	sshra.s32 s26, $0x1F  }
0xbb: {  	s0 =	simm.s32 @!p2 $0x61940;
	s2 =	sand.u32 s2, s26  }
0xbc: {  	s0 =	ssub.s32 s0, s2  }
0xbd: {  	s0 =	sadd.s32 $0xFFF9E6C0, s0  }
0xbe: {  	s3 =	simm.s32 $0x9;
	s29 =	sshll.u32 s0, $0x2  }
0xbf: {  	_ =	swait.ge [sflag:s3], $0x5000;
	s2 =	ssub.s32 $0x500, s29  }
0xc0: {  	[sflag:s3] =	ssyncset.done $0x0;
	p2 =	sgt.s32 s0, $0x13F;
	s0 =	sshrl.u32 s2, $0x2  }
0xc1: {  	s30 =	simm.s32 $0xB;
	[sflag:s3] =	ssyncadd.s32 $0xFFFFB000;
	s0 =	simm.s32 @p2 $0x0  }
0xc2: {  	_ =	swait.ge [sflag:s30], s0  }
0xc3: {  	s0 =	ssub.s32 $0x0, s0;
	[sflag:s30] =	ssyncset.done $0x0  }
0xc4: {  	[sflag:s30] =	ssyncadd.s32 s0  }
0xc5: {  	v1 =	vld [tilespmem:$0xA108];
	_ =	sdelay $0x4  }
0xc6: {  	(v2sf) =	vpush v1, $0x0  }
0xc7: {  	(v2sf) =	vpush v1, $0x1  }
0xc8: {  	(v2sf) =	vpush v1, $0x2;
	_ =	sdelay $0x3  }
0xc9: {  	s0 =	sadd.s32 $0x140, s26  }
0xca: {  	s4 =	ssub.s32 $0xC3500, s26;
	p2 =	slt.s32 s14, s0  }
0xcb: {  	s0 =	smov.u32 @p2 s14;
	p2 =	sgt.s32 s4, $0x0  }
0xcc: {  	s0 =	ssub.s32 s0, s26;
	s4 =	simm.s32 @!p2 $0x0  }
0xcd: {  	p2 =	slt.s32 s4, s0  }
0xce: {  	s0 =	smov.u32 @p2 s4  }
0xcf: {  	s2 =	simm.s32 $0x1;
	p2 =	slt.s32 s0, $0x1  }
.Ltmp6:
0xd0: {  	s2 =	simm.s32 @!p1 $0x0;
	(pc) =	sbr.rel @p2 .LBB2_12-.Ltmp6, $4  }
0xd1: {  	s7 =	smul.u32 $0x500, s2  }
0xd2: {  	s3 =	spop (v2sf)  }
0xd3: {  	s31 =	sshrl.u32 s7, $0x2;
	s5 =	spop (v2sf)  }
0xd4: {  	s28 =	sadd.s32 $0xAD08, s31;
	s26 =	spop (v2sf)  }
0xd5: {  	s4 =	smin.u32 s0, $0x10  }
0xd6: {  	v1 =	vmov s4  }
0xd7: {  	p3 =	sgt.s32 s0, $0x10;
	vm1 =	vgt.u32 v1, v0  }
.Ltmp7:
0xd8: {  	_ = 	snop;
	(pc) =	sbr.rel @!p3 .LBB2_11-.Ltmp7, $2  }
0xd9: {  	_ =	sdelay $0x2  }
0xda: {  	s9 =	simm.s32 $0x10;
	s10 =	sadd.s32 $0xFFFFFFF0, s0;
	s4 =	smov.u32 s28;
	vm0 =	vmmov vm1  }
.LBB2_10:
0xdb: {  	s7 =	smin.u32 s10, $0x10;
	s9 =	sadd.s32 $0x10, s9;
	v1 =	vld.msk [tilespmem:s4+$0x0 ss:$0x1], vm1  }
0xdc: {  	v2 =	vmov s7;
	p3 =	slt.s32 s9, s0  }
0xdd: {  	vm1 =	vgt.u32 v2, v0  }
.Ltmp8:
0xde: {  	(pc) =	sbr.rel @p3 .LBB2_10-.Ltmp8, $3  }
0xdf: {  	_ =	sdelay $0x1  }
0xe0: {  	v1 =	vshll.u32 v1, $0x4  }
0xe1: {  	s10 =	sadd.s32 $0xFFFFFFF0, s10;
	[tilespmem:s4+$0x0] =	vst.msk vm0, v1;
	s4 =	sadd.s32 $0x10, s4;
	vm0 =	vmmov vm1  }
.LBB2_11:
0xe2: {  	_ =	sdelay $0x4  }
0xe3: {  	v1 =	vld.msk [tilespmem:s4+$0x0 ss:$0x1], vm1;
	_ =	sdelay $0x4  }
0xe4: {  	v1 =	vshll.u32 v1, $0x4  }
0xe5: {  	[tilespmem:s4+$0x0] =	vst.msk vm0, v1  }
.LBB2_12:
0xe6: {  	s4 =	sand.u32 $0x1, s25  }
0xe7: {  	s4 =	smul.u32 $0x140, s4  }
0xe8: {  	p3 =	sne.s32 s5, $0xFFFFFFFF  }
0xe9: {  	v1 =	vld.msk @!p3 [tilespmem:s4+$0xAD08], $0x1;
	_ =	sdelay $0x4  }
0xea: {  	(v2sf) =	vpush @!p3 v1, $0x0;
	_ =	sdelay $0xc  }
.Ltmp9:
0xeb: {  	_ = 	snop;
	(pc) =	sbr.rel @p2 .LBB2_23-.Ltmp9, $4  }
0xec: {  	_ = 	snop  }
0xed: {  	s29 =	spop @!p3 (v2sf)  }
0xee: {  	s31 =	simm.s32 $0xC;
	s26 =	simm.s32 @!p3 $0x0;
	s4 =	smov.u32 s29  }
0xef: {  	[sflag:s31] =	ssyncpa.u1 $0x0;
	s29 =	smov.u32 @p3 s3;
	s4 =	smov.u32 @p3 s5  }
0xf0: {  	v1 =	vld.msk [tilespmem:s28+$0x0], $0x1;
	_ =	sdelay $0x4  }
0xf1: {  	(v2sf) =	vpush v1, $0x0;
	_ =	sdelay $0xe  }
0xf2: {  	s2 =	smul.u32 $0x28000, s2;
	s5 =	spop (v2sf)  }
0xf3: {  	s31 =	ssub.s32 $0x0, s0;
	p2 =	seq.s32 s29, s5  }
0xf4: {  	s3 =	smov.u32 s29;
	s2 =	sshrl.u32 s2, $0x2;
	p3 =	sgt.s32 @!p2 s29, $0x0  }
0xf5: {  	s30 =	sadd.s32 $0xAFA8, s2;
	s2 =	sadd.s32 $0x1, s31;
	p3 =	por !p3, p2  }
0xf6: {  	s3 =	simm.s32 @p3 $0x0;
	p3 =	seq.s32 s2, $0x0  }
.Ltmp10:
0xf7: {  	_ = 	snop;
	(pc) =	sbr.rel @p3 .LBB2_15-.Ltmp10, $4  }
0xf8: {  	_ = 	snop  }
0xf9: {  	s0 =	simm.s32 $0x0;
	s9 =	simm.s32 @!p2 $0x1;
	s3 =	smin.u32 @!p2 s3, $0xC34F8  }
0xfa: {  	s10 =	simm.s32 @!p2 $0x50C8;
	s9 =	smov.u32 @p2 s0;
	s7 =	sand.u32 @!p2 $0xFFFF8, s3  }
0xfb: {  	s16 =	sand.u32 @!p2 $0x7, s3;
	s3 =	sadd.s32 $0x1, s28;
	s11 =	sadd.s32 @!p2 s1, s7  }
.LBB2_14:
0xfc: {  	s7 =	smov.u32 s9  }
0xfd: {  	[tilespmem:s10], [sflag:$0x2] =	stream.linear.gather @!p2 [hbm4b:s11+s16], $0x40, $0x38;
	[tilespmem:$0x1EF88] =	vst v63  }
0xfe: {  	s2 =	sadd.s32 $0x1, s2;
	s8 =	smov.u32 s5;
	v1 =	vld.msk [tilespmem:s3+$0x0], $0x1  }
0xff: {  	p3 =	seq.s32 s2, $0x0;
	_ =	sdelay $0x3  }
0x100: {  	(v2sf) =	vpush v1, $0x0;
	_ =	sdelay $0xe  }
0x101: {  	s5 =	spop (v2sf)  }
0x102: {  	p2 =	seq.s32 s8, s5  }
0x103: {  	p4 =	sgt.s32 @!p2 s8, $0x0;
	s10 =	sshll.u32 @!p2 s9, $0x8;
	s9 =	sadd.s32 @!p2 $0x1, s9  }
.Ltmp11:
0x104: {  	p4 =	por !p4, p2;
	s10 =	sshra.s32 @!p2 s10, $0x2;
	(pc) =	sbr.rel @!p3 .LBB2_14-.Ltmp11, $4  }
0x105: {  	s9 =	smov.u32 @p2 s7;
	s8 =	simm.s32 @p4 $0x0;
	s10 =	sadd.s32 @!p2 $0x50C8, s10  }
0x106: {  	s7 =	smin.u32 @!p2 s8, $0xC34F8  }
0x107: {  	s8 =	sand.u32 @!p2 $0xFFFF8, s7;
	s16 =	sand.u32 @!p2 $0x7, s7  }
0x108: {  	s3 =	sadd.s32 $0x1, s3;
	s11 =	sadd.s32 @!p2 s1, s8  }
.LBB2_15:
0x109: {  	[tilespmem:s10], [sflag:$0x2] =	stream.linear.gather @!p2 [hbm4b:s11+s16], $0x40, $0x38;
	[tilespmem:$0x1EF88] =	vst v63  }
.Ltmp12:
0x10a: {  	s2 =	sshll.u32 s9, $0x6;
	(pc) =	sbr.rel .LBB2_16-.Ltmp12, $4  }
0x10b: {  	s3 =	simm.s32 $0x2;
	s2 =	sand.u32 $0x3FFFFFC0, s2  }
0x10c: {  	_ =	swait.ge [sflag:s3], s2  }
0x10d: {  	s2 =	ssub.s32 $0x0, s2;
	[sflag:s3] =	ssyncset.done $0x0  }
0x10e: {  	[sflag:s3] =	ssyncadd.s32 s2;
	s3 =	simm.s32 $0x0  }
.LBB2_17:
0x10f: {  	v1 =	vld [tilespmem:s30+$0xFFFFFFE0];
	_ =	sdelay $0x4  }
0x110: {  	[tilespmem:s5+$0x88] =	vst.add.f32.msk $0xffff, v1  }
0x111: {  	v1 =	vld [tilespmem:s30+$0xFFFFFFF0];
	_ =	sdelay $0x4  }
0x112: {  	[tilespmem:s5+$0x98] =	vst.add.f32.msk $0xffff, v1  }
0x113: {  	v1 =	vld [tilespmem:s30+$0x0];
	_ =	sdelay $0x4  }
0x114: {  	[tilespmem:s5+$0xA8] =	vst.add.f32.msk $0xffff, v1  }
0x115: {  	v1 =	vld [tilespmem:s30+$0x10];
	_ =	sdelay $0x4  }
0x116: {  	[tilespmem:s5+$0xB8] =	vst.add.f32.msk $0xffff, v1  }
.LBB2_21:
0x117: {  	s31 =	sadd.s32 $0x1, s31  }
0x118: {  	p2 =	seq.s32 s31, $0x0  }
.Ltmp13:
0x119: {  	_ = 	snop;
	(pc) =	sbr.rel @p2 .LBB2_22-.Ltmp13, $2  }
0x11a: {  	_ =	sdelay $0x2  }
0x11b: {  	s30 =	sadd.s32 $0x80, s30;
	s28 =	sadd.s32 $0x1, s28;
	s29 =	smov.u32 s2  }
.LBB2_16:
0x11c: {  	v1 =	vld.msk [tilespmem:s28+$0x0], $0x1;
	_ =	sdelay $0x4  }
0x11d: {  	(v2sf) =	vpush v1, $0x0;
	_ =	sdelay $0xe  }
0x11e: {  	s2 =	spop (v2sf)  }
0x11f: {  	p2 =	sne.s32 s29, s2  }
.Ltmp14:
0x120: {  	_ = 	snop;
	(pc) =	sbr.rel @!p2 .LBB2_17-.Ltmp14, $3  }
0x121: {  	_ =	sdelay $0x1  }
0x122: {  	s5 =	sshll.u32 s26, $0x8  }
0x123: {  	s5 =	sshra.s32 s5, $0x2  }
0x124: {  	p2 =	seq.s32 s29, s4  }
.Ltmp15:
0x125: {  	_ = 	snop;
	(pc) =	sbr.rel @!p2 .LBB2_19-.Ltmp15, $1  }
0x126: {  	_ =	sdelay $0x3  }
.Ltmp16:
0x127: {  	s5 =	sadd.s32 $0x88, s5;
	(pc) =	sbr.rel .LBB2_20-.Ltmp16, $4  }
0x128: {  	[spmem:s18] =	stream.linear.scatter [tilespmem:s5], [sflag:$0x1], $0x40, $0x38;
	[tilespmem:$0x1EF88] =	vst v63  }
0x129: {  	_ =	swait.ge [sflag:s13], $0x40  }
0x12a: {  	[sflag:s13] =	ssyncset.done $0x0  }
0x12b: {  	[sflag:s13] =	ssyncadd.s32 $0xFFFFFFC0  }
.LBB2_19:
0x12c: {  	s7 =	sshll.u32 s0, $0x8  }
0x12d: {  	s7 =	sshra.s32 s7, $0x2  }
0x12e: {  	v1 =	vld [tilespmem:s7+$0x50C8];
	_ =	sdelay $0x4  }
0x12f: {  	[tilespmem:s5+$0x88] =	vst.add.f32.msk $0xffff, v1  }
0x130: {  	v1 =	vld [tilespmem:s7+$0x50D8];
	_ =	sdelay $0x4  }
0x131: {  	[tilespmem:s5+$0x98] =	vst.add.f32.msk $0xffff, v1  }
0x132: {  	v1 =	vld [tilespmem:s7+$0x50E8];
	_ =	sdelay $0x4  }
0x133: {  	[tilespmem:s5+$0xA8] =	vst.add.f32.msk $0xffff, v1  }
0x134: {  	v1 =	vld [tilespmem:s7+$0x50F8];
	_ =	sdelay $0x2  }
0x135: {  	p2 =	sgt.u32 s29, $0xC34F8  }
0x136: {  	s7 =	sand.u32 @!p2 $0xFFFF8, s29  }
0x137: {  	s8 =	sadd.s32 $0x88, s5;
	[tilespmem:s5+$0xB8] =	vst.add.f32.msk $0xffff, v1;
	s5 =	sadd.s32 @!p2 s1, s7;
	s7 =	sand.u32 @!p2 $0x7, s29  }
0x138: {  	[hbm4b:s5+s7] =	stream.linear.scatter @!p2 [tilespmem:s8], [sflag:$0xC], $0x40, $0x38;
	[tilespmem:$0x1EF88] =	vst v63  }
0x139: {  	s5 =	simm.s32 $0x0  }
0x13a: {  	s5 =	simm.s32 @!p2 $0x100  }
0x13b: {  	s3 =	sadd.s32 s5, s3  }
.LBB2_20:
0x13c: {  	s5 =	sadd.s32 $0x1, s26  }
0x13d: {  	s7 =	smulhi.u32 $0xCCCCCCCD, s5;
	_ =	sdelay $0x1  }
0x13e: {  	v1 =	vld [tilespmem:s30+$0xFFFFFFE0];
	s7 =	sshrl.u32 s7, $0x8  }
0x13f: {  	s7 =	smul.u32 $0x140, s7;
	_ =	sdelay $0x1  }
0x140: {  	s26 =	ssub.s32 s5, s7  }
0x141: {  	s5 =	sshll.u32 s26, $0x6  }
0x142: {  	[tilespmem:s5+$0x88] =	vst v1  }
0x143: {  	v1 =	vld [tilespmem:s30+$0xFFFFFFF0];
	_ =	sdelay $0x4  }
0x144: {  	[tilespmem:s5+$0x98] =	vst v1  }
0x145: {  	v1 =	vld [tilespmem:s30+$0x0];
	_ =	sdelay $0x4  }
0x146: {  	[tilespmem:s5+$0xA8] =	vst v1  }
0x147: {  	v1 =	vld [tilespmem:s30+$0x10]  }
.Ltmp17:
0x148: {  	_ = 	snop;
	(pc) =	sbr.rel .LBB2_21-.Ltmp17, $2  }
0x149: {  	_ =	sdelay $0x2  }
0x14a: {  	s0 =	sadd.s32 $0x1, s0;
	[tilespmem:s5+$0xB8] =	vst v1  }
.LBB2_23:
.Ltmp18:
0x14b: {  	(pc) =	sbr.rel .LBB2_24-.Ltmp18, $4  }
0x14c: {  	_ = 	snop  }
0x14d: {  	s0 =	simm.s32 $0x2  }
0x14e: {  	_ =	swait.ge [sflag:s0], $0x0  }
0x14f: {  	s2 =	smov.u32 s29;
	[sflag:s0] =	ssyncset.done $0x0;
	s0 =	simm.s32 $0x0  }
.LBB2_26:
0x150: {  	_ =	sfence.sel $0x180000  }
0x151: {  	s0 =	simm.s32 $0x9;
	[bflag:$0x0] =	sbarrier.arrive $0xFFFF  }
0x152: {  	s24 =	simm.s32 $0xA;
	[sflag:s0] =	ssyncpa.u1 $0x1  }
0x153: {  	s25 =	simm.s32 $0xB;
	[sflag:s24] =	ssyncpa.u1 $0x1  }
0x154: {  	s26 =	simm.s32 $0x2;
	[sflag:s25] =	ssyncpa.u1 $0x1  }
0x155: {  	[sflag:s26] =	ssyncpa.u1 $0x1  }
0x156: {  	v0 =	vld [tilespmem:$0xA108];
	_ =	sdelay $0x4  }
0x157: {  	(v2sf) =	vpush v0, $0x0  }
0x158: {  	(v2sf) =	vpush v0, $0x1;
	_ =	sdelay $0x1  }
0x159: {  	(v2sf) =	vpush v0, $0x2;
	_ =	sdelay $0xb  }
0x15a: {  	s0 =	spop (v2sf)  }
0x15b: {  	s2 =	spop (v2sf)  }
0x15c: {  	s3 =	smov.u32 s0;
	p0 =	sne.s32 s0, s2  }
0x15d: {  	s4 =	spop (v2sf);
	s3 =	simm.s32 @!p0 $0xFFFFFFFF  }
0x15e: {  	v2 =	vimm.s32 $0x1;
	v3 =	vlaneseq.u32;
	p0 =	seq.s32 s4, $0xFFFFFFFF;
	v1 =	vmov s3  }
0x15f: {  	s14 =	stileid.u32;
	v0 =	vperm.xlane v0, v2;
	p1 =	sne.s32 @!p0 s0, s2;
	v1 =	vperm.xlane v1, v3  }
0x160: {  	vm0 =	vcmask $0x3F04;
	s6 =	simm.s32 $0xA108;
	s0 =	simm.s32 @!p0 $0x1;
	p1 =	por !p1, p0  }
0x161: {  	s3 =	sshll.u32 s14, $0x1;
	s2 =	sshll.u32 @!p0 s4, $0x8;
	s0 =	simm.s32 @p1 $0x0;
	v0 =	vsel vm0, v1, v0  }
0x162: {  	s5 =	sor.u32 $0x800, s3;
	s2 =	sshra.s32 @!p0 s2, $0x2;
	s0 =	sor.u32 @!p0 s0, s3;
	[tilespmem:$0xA108] =	vst v0  }
0x163: {  	[spmem:s5] =	stream.linear.scatter [tilespmem:s6], [sflag:$0x1], $0x2, $0x38;
	[tilespmem:$0x1EF88] =	vst v63  }
0x164: {  	s2 =	sadd.s32 @!p0 $0x88, s2;
	s0 =	sshll.u32 @!p0 s0, $0x6  }
0x165: {  	[spmem:s0] =	stream.linear.scatter @!p0 [tilespmem:s2], [sflag:$0x1], $0x40, $0x38;
	[tilespmem:$0x1EF88] =	vst v63  }
0x166: {  	s0 =	simm.s32 @!p0 $0x42  }
0x167: {  	s28 =	simm.s32 $0x1;
	s0 =	simm.s32 @p0 $0x2  }
0x168: {  	_ =	swait.ge [sflag:s28], s0  }
0x169: {  	s0 =	ssub.s32 $0x0, s0;
	[sflag:s28] =	ssyncset.done $0x0  }
0x16a: {  	p0 =	sne.s32 s14, $0x0;
	[sflag:s28] =	ssyncadd.s32 s0  }
.Ltmp19:
0x16b: {  	_ =	sfence.stream.spmem;
	(pc) =	sbr.rel @p0 .LBB2_43-.Ltmp19, $4  }
0x16c: {  	s29 =	simm.s32 $0x3;
	[bflag:$0x0] =	sbarrier.arrive $0xFFFF  }
0x16d: {  	s30 =	simm.s32 $0x4;
	[sflag:s29] =	ssyncpa.u1 $0x1  }
0x16e: {  	s31 =	simm.s32 $0x3C;
	[sflag:s30] =	ssyncpa.u1 $0x1  }
0x16f: {  	s13 =	rddreg [dreg:$0x4];
	[sflag:s31] =	ssyncpa.u1 $0x1  }
0x170: {  	_ =	sfence.stream.spmem;
	s0 =	simm.s32 $0x5  }
0x171: {  	s2 =	simm.s32 $0x800;
	s3 =	simm.s32 $0xA118;
	[sflag:s0] =	ssyncpa.u1 $0x0  }
0x172: {  	[tilespmem:s3], [sflag:$0x5] =	stream.linear.gather [spmem:s2], $0x20, $0x38;
	[tilespmem:$0x1EF88] =	vst v63  }
0x173: {  	s26 =	simm.s32 $0x0;
	s28 =	simm.s32 $0xA138  }
0x174: {  	[tilespmem:s28], [sflag:$0x5] =	stream.linear.gather [spmem:s26], $0x800, $0x38;
	[tilespmem:$0x1EF88] =	vst v63  }
0x175: {  	_ =	swait.ge [sflag:s0], $0x820  }
0x176: {  	[sflag:s0] =	ssyncset.done $0x0  }
0x177: {  	s29 =	simm.s32 $0x0;
	[sflag:s0] =	ssyncadd.s32 $0xFFFFF7E0  }
0x178: {  	v0 =	vld.msk [tilespmem:s29+$0xA118], $0x1;
	_ =	sdelay $0x1  }
0x179: {  	s30 =	simm.s32 $0x1  }
0x17a: {  	v1 =	vld.msk [tilespmem:s30+$0xA118], $0x1;
	_ =	sdelay $0x1  }
0x17b: {  	(v2sf) =	vpush v0, $0x0;
	_ =	sdelay $0x2  }
0x17c: {  	(v2sf) =	vpush v1, $0x0;
	_ =	sdelay $0x2  }
0x17d: {  	s31 =	simm.s32 $0x2  }
0x17e: {  	v0 =	vld.msk [tilespmem:s31+$0xA118], $0x1;
	_ =	sdelay $0x2  }
0x17f: {  	s2 =	simm.s32 $0xFFFFFFFF;
	s3 =	simm.s32 $0xFFFFFFFF;
	s0 =	simm.s32 $0xC  }
.LBB2_28:
0x180: {  	s4 =	smov.u32 s3;
	s5 =	smov.u32 s2  }
0x181: {  	s2 =	sshra.s32 s0, $0x2;
	p1 =	sne.s32 s0, $0x7C;
	s0 =	sadd.s32 $0x4, s0;
	(v2sf) =	vpush v0, $0x0  }
0x182: {  	v0 =	vld.msk [tilespmem:s2+$0xA118], $0x1  }
.Ltmp20:
0x183: {  	(pc) =	sbr.rel @p1 .LBB2_28-.Ltmp20, $4  }
0x184: {  	s3 =	spop (v2sf)  }
0x185: {  	p2 =	sne.s32 s5, $0xFFFFFFFF;
	s2 =	smov.u32 s3  }
0x186: {  	p3 =	seq.s32 s3, $0xFFFFFFFF;
	s2 =	smov.u32 @p2 s5  }
0x187: {  	s3 =	smov.u32 @p3 s4;
	s2 =	smov.u32 @p3 s5  }
0x188: {  	(v2sf) =	vpush v0, $0x0;
	_ =	sdelay $0x8  }
0x189: {  	s0 =	spop (v2sf)  }
0x18a: {  	p1 =	sne.s32 s2, $0xFFFFFFFF;
	s4 =	smov.u32 s0  }
0x18b: {  	s6 =	simm.s32 $0x0;
	p2 =	seq.s32 s0, $0xFFFFFFFF;
	s4 =	smov.u32 @p1 s2  }
0x18c: {  	s9 =	simm.s32 $0xA0C8;
	s4 =	smov.u32 @p2 s2;
	s2 =	spop (v2sf)  }
0x18d: {  	s0 =	smov.u32 @p2 s3;
	p1 =	sne.s32 s4, $0xFFFFFFFF;
	s5 =	smov.u32 s2  }
.Ltmp21:
0x18e: {  	p2 =	seq.s32 s2, $0xFFFFFFFF;
	s5 =	smov.u32 @p1 s4;
	(pc) =	sbr.rel .LBB2_30-.Ltmp21, $4  }
0x18f: {  	s10 =	simm.s32 $0x0;
	s5 =	smov.u32 @p2 s4;
	s7 =	spop (v2sf)  }
0x190: {  	s2 =	smov.u32 @p2 s0;
	p1 =	sne.s32 s5, $0xFFFFFFFF;
	s8 =	smov.u32 s7  }
0x191: {  	s0 =	simm.s32 $0x6;
	p2 =	seq.s32 s7, $0xFFFFFFFF;
	s8 =	smov.u32 @p1 s5  }
0x192: {  	[sflag:s0] =	ssyncpa.u1 $0x0;
	s7 =	smov.u32 @p2 s2;
	s8 =	smov.u32 @p2 s5  }
.LBB2_36:
0x193: {  	p1 =	sgt.u32 s2, $0xC34F8  }
0x194: {  	p2 =	seq.s32 @!p1 s2, s8  }
0x195: {  	p1 =	por p1, p2  }
0x196: {  	p2 =	sne.s32 @!p1 s2, s7  }
0x197: {  	p1 =	por p1, !p2  }
0x198: {  	s2 =	sshll.u32 @p1 s10, $0x8  }
0x199: {  	s3 =	sand.u32 @!p1 $0xFFFF8, s2  }
0x19a: {  	s2 =	sand.u32 @!p1 $0x7, s2;
	s3 =	sadd.s32 @!p1 s1, s3  }
0x19b: {  	[tilespmem:s9], [sflag:$0x6] =	stream.linear.gather @!p1 [hbm4b:s3+s2], $0x40, $0x38;
	[tilespmem:$0x1EF88] =	vst v63  }
0x19c: {  	_ =	swait.ge @!p1 [sflag:s0], $0x40  }
0x19d: {  	[sflag:s0] =	ssyncset.done @!p1 $0x0  }
0x19e: {  	[sflag:s0] =	ssyncadd.s32 @!p1 $0xFFFFFFC0  }
0x19f: {  	v1 =	vld @!p1 [tilespmem:$0xA0C8];
	_ =	sdelay $0x2  }
0x1a0: {  	s2 =	sshll.u32 @!p1 s10, $0x8  }
0x1a1: {  	s3 =	sshrl.u32 @!p1 s2, $0x2  }
0x1a2: {  	[tilespmem:s3+$0xA138] =	vst.add.f32.msk @!p1 $0xffff, v1  }
0x1a3: {  	v1 =	vld @!p1 [tilespmem:$0xA0D8];
	_ =	sdelay $0x4  }
0x1a4: {  	[tilespmem:s3+$0xA148] =	vst.add.f32.msk @!p1 $0xffff, v1  }
0x1a5: {  	v1 =	vld @!p1 [tilespmem:$0xA0E8];
	_ =	sdelay $0x4  }
0x1a6: {  	[tilespmem:s3+$0xA158] =	vst.add.f32.msk @!p1 $0xffff, v1  }
0x1a7: {  	v1 =	vld @!p1 [tilespmem:$0xA0F8];
	_ =	sdelay $0x4  }
0x1a8: {  	[tilespmem:s3+$0xA168] =	vst.add.f32.msk @!p1 $0xffff, v1  }
0x1a9: {  	s2 =	sshrl.u32 s2, $0x2;
	[tilespmem:s6+$0xA118] =	vst.msk $0x1, v0  }
0x1aa: {  	v0 =	vld [tilespmem:s2+$0xA138];
	_ =	sdelay $0x2  }
0x1ab: {  	s31 =	sshll.u32 s6, $0x8  }
0x1ac: {  	s3 =	sshra.s32 s31, $0x2  }
0x1ad: {  	[tilespmem:s3+$0xA138] =	vst v0  }
0x1ae: {  	v0 =	vld [tilespmem:s2+$0xA148];
	_ =	sdelay $0x4  }
0x1af: {  	[tilespmem:s3+$0xA148] =	vst v0  }
0x1b0: {  	v0 =	vld [tilespmem:s2+$0xA158];
	_ =	sdelay $0x4  }
0x1b1: {  	[tilespmem:s3+$0xA158] =	vst v0  }
0x1b2: {  	v0 =	vld [tilespmem:s2+$0xA168];
	_ =	sdelay $0x4  }
0x1b3: {  	s6 =	sadd.s32 $0x1, s6;
	[tilespmem:s3+$0xA168] =	vst v0  }
.LBB2_37:
0x1b4: {  	s10 =	sadd.s32 $0x1, s10  }
0x1b5: {  	p1 =	sne.s32 s10, $0x20  }
.Ltmp22:
0x1b6: {  	_ = 	snop;
	(pc) =	sbr.rel @!p1 .LBB2_38-.Ltmp22, $1  }
0x1b7: {  	_ =	sdelay $0x3  }
.LBB2_30:
0x1b8: {  	v0 =	vld.msk [tilespmem:s10+$0xA118], $0x1;
	_ =	sdelay $0x4  }
0x1b9: {  	(v2sf) =	vpush v0, $0x0;
	_ =	sdelay $0xe  }
0x1ba: {  	s2 =	spop (v2sf)  }
0x1bb: {  	p1 =	seq.s32 s2, $0xFFFFFFFF  }
.Ltmp23:
0x1bc: {  	_ = 	snop;
	(pc) =	sbr.rel @p1 .LBB2_37-.Ltmp23, $1  }
0x1bd: {  	_ =	sdelay $0x3  }
0x1be: {  	p1 =	slt.s32 s6, $0x1  }
.Ltmp24:
0x1bf: {  	_ = 	snop;
	(pc) =	sbr.rel @p1 .LBB2_36-.Ltmp24, $1  }
0x1c0: {  	_ =	sdelay $0x3  }
0x1c1: {  	s3 =	simm.s32 $0xA118;
	p1 =	por $0x0, $0x0  }
0x1c2: {  	v1 =	vld.msk @!p1 [tilespmem:s3+$0x0], $0x1;
	_ =	sdelay $0x4  }
0x1c3: {  	(v2sf) =	vpush @!p1 v1, $0x0;
	_ =	sdelay $0xd  }
0x1c4: {  	p3 =	sne.s32 s6, $0x1  }
.Ltmp25:
0x1c5: {  	s4 =	spop @!p1 (v2sf);
	(pc) =	sbr.rel @!p3 .LBB2_34-.Ltmp25, $4  }
0x1c6: {  	p2 =	seq.s32 @!p1 s2, s4  }
0x1c7: {  	s4 =	simm.s32 $0x0;
	p2 =	por !p2, p1  }
0x1c8: {  	s11 =	simm.s32 $0xFFFFFFFF;
	s4 =	simm.s32 @p2 $0xFFFFFFFF  }
0x1c9: {  	s5 =	simm.s32 $0x1;
	s4 =	smov.u32 @p1 s11  }
.LBB2_33:
0x1ca: {  	s11 =	smov.u32 s4;
	p1 =	sne.s32 s4, $0xFFFFFFFF  }
0x1cb: {  	s3 =	sadd.s32 $0x1, s3;
	s4 =	smov.u32 s5;
	s5 =	sadd.s32 $0x1, s5  }
0x1cc: {  	p2 =	sne.s32 s6, s5;
	v1 =	vld.msk @!p1 [tilespmem:s3+$0x0], $0x1;
	_ =	sdelay $0x4  }
0x1cd: {  	(v2sf) =	vpush @!p1 v1, $0x0;
	_ =	sdelay $0xe  }
.Ltmp26:
0x1ce: {  	s12 =	spop @!p1 (v2sf);
	(pc) =	sbr.rel @p2 .LBB2_33-.Ltmp26, $4  }
0x1cf: {  	p3 =	seq.s32 @!p1 s2, s12  }
0x1d0: {  	p3 =	por !p3, p1  }
0x1d1: {  	s4 =	simm.s32 @p3 $0xFFFFFFFF  }
0x1d2: {  	s4 =	smov.u32 @p1 s11  }
.LBB2_34:
0x1d3: {  	p1 =	seq.s32 s4, $0xFFFFFFFF  }
.Ltmp27:
0x1d4: {  	_ = 	snop;
	(pc) =	sbr.rel @p1 .LBB2_36-.Ltmp27, $1  }
0x1d5: {  	_ =	sdelay $0x3  }
0x1d6: {  	s2 =	sshll.u32 s10, $0x6  }
0x1d7: {  	s2 =	sand.u32 $0x3FFFFFC0, s2  }
0x1d8: {  	v0 =	vld [tilespmem:s2+$0xA138];
	_ =	sdelay $0x2  }
0x1d9: {  	s3 =	sshll.u32 s4, $0x8  }
0x1da: {  	s3 =	sshra.s32 s3, $0x2  }
0x1db: {  	[tilespmem:s3+$0xA138] =	vst.add.f32.msk $0xffff, v0  }
0x1dc: {  	v0 =	vld [tilespmem:s2+$0xA148];
	_ =	sdelay $0x4  }
0x1dd: {  	[tilespmem:s3+$0xA148] =	vst.add.f32.msk $0xffff, v0  }
0x1de: {  	v0 =	vld [tilespmem:s2+$0xA158];
	_ =	sdelay $0x4  }
0x1df: {  	[tilespmem:s3+$0xA158] =	vst.add.f32.msk $0xffff, v0  }
0x1e0: {  	v0 =	vld [tilespmem:s2+$0xA168]  }
.Ltmp28:
0x1e1: {  	_ = 	snop;
	(pc) =	sbr.rel .LBB2_37-.Ltmp28, $2  }
0x1e2: {  	_ =	sdelay $0x2  }
0x1e3: {  	[tilespmem:s3+$0xA168] =	vst.add.f32.msk $0xffff, v0  }
.LBB2_38:
0x1e4: {  	s0 =	simm.s32 $0x6;
	p1 =	seq.s32 s6, $0x0  }
0x1e5: {  	[sflag:s0] =	ssyncpa.u1 $0x1;
	v0 =	vimm.s32 @p1 $0xFFFFFFFF  }
0x1e6: {  	s0 =	sadd.s32 $0xFFFFFFFF, s6;
	[tilespmem:$0xA938] =	vst @p1 v0  }
0x1e7: {  	v0 =	vld.msk @!p1 [tilespmem:s0+$0xA118], $0x1;
	_ =	sdelay $0x1  }
0x1e8: {  	v1 =	vld.msk @!p1 [tilespmem:$0xA118], $0x1;
	_ =	sdelay $0x2  }
0x1e9: {  	p2 =	seq.s32 @!p1 s0, $0x0;
	v0 =	vbroadcast @!p1 v0, $0x0  }
0x1ea: {  	vm0 =	vmmov @!p1 $0x1;
	p2 =	por !p2, p1  }
0x1eb: {  	v1 =	vnsel @!p1 vm0, $0xFFFFFFFF, v1;
	vm0 =	vcmask @!p1 $0x308;
	v0 =	vpsel !p2, $0xFFFFFFFF, v0  }
0x1ec: {  	p2 =	sne.s32 @!p1 s8, s7;
	v0 =	vsel @!p1 vm0, v1, v0  }
0x1ed: {  	s2 =	simm.s32 @!p1 $0xA138;
	s3 =	simm.s32 @!p1 $0x0;
	p3 =	por !p2, p1;
	[tilespmem:$0xA938] =	vst @!p1 v0  }
0x1ee: {  	[spmem:s3] =	stream.linear.scatter @!p1 [tilespmem:s2], [sflag:$0x1], $0x40, $0x38;
	[tilespmem:$0x1EF88] =	vst v63  }
0x1ef: {  	s2 =	sshll.u32 @!p3 s0, $0x8  }
0x1f0: {  	s2 =	sshra.s32 @!p3 s2, $0x2  }
0x1f1: {  	s3 =	simm.s32 @!p3 $0x40;
	s2 =	sadd.s32 @!p3 $0xA138, s2  }
0x1f2: {  	[spmem:s3] =	stream.linear.scatter @!p3 [tilespmem:s2], [sflag:$0x1], $0x40, $0x38;
	[tilespmem:$0x1EF88] =	vst v63  }
0x1f3: {  	s2 =	simm.s32 @!p3 $0x1  }
0x1f4: {  	_ =	swait.ge @!p3 [sflag:s2], $0x80  }
0x1f5: {  	p1 =	por p2, p1;
	[sflag:s2] =	ssyncset.done @!p3 $0x0  }
0x1f6: {  	[sflag:s2] =	ssyncadd.s32 @!p3 $0xFFFFFF80;
	s2 =	simm.s32 @!p1 $0x1  }
0x1f7: {  	_ =	swait.ge @!p1 [sflag:s2], $0x40  }
0x1f8: {  	s29 =	simm.s32 $0xA938;
	[sflag:s2] =	ssyncset.done @!p1 $0x0  }
0x1f9: {  	s30 =	simm.s32 $0x800;
	s31 =	simm.s32 $0x1;
	[sflag:s2] =	ssyncadd.s32 @!p1 $0xFFFFFFC0  }
0x1fa: {  	[spmem:s30] =	stream.linear.scatter [tilespmem:s29], [sflag:$0x1], $0x10, $0x38;
	[tilespmem:$0x1EF88] =	vst v63  }
0x1fb: {  	_ =	swait.ge [sflag:s31], $0x10  }
0x1fc: {  	[sflag:s31] =	ssyncset.done $0x0  }
0x1fd: {  	p1 =	seq.s32 s13, $0x0;
	s9 =	rddreg [dreg:$0x1];
	[sflag:s31] =	ssyncadd.s32 $0xFFFFFFF0  }
0x1fe: {  	s3 =	sshll.u32 @p1 s9, $0xE;
	s8 =	rddreg [dreg:$0x2]  }
0x1ff: {  	s2 =	sadd.s32 @p1 $0x15C3C, s3;
	s3 =	sshll.u32 @p1 s8, $0x11  }
0x200: {  	_ =	sfence.stream.spmem;
	s2 =	sor.u32 @p1 s3, s2  }
0x201: {  	[sflag:s2] =	ssyncadd.remote.s32 @p1 $0x1;
	s2 =	simm.s32 @p1 $0x4  }
0x202: {  	s4 =	simm.s32 @!p1 $0x3C;
	s3 =	sand.u32 $0xFFFFFFFE, s9;
	_ =	swait.ge @p1 [sflag:s2], $0x12  }
0x203: {  	s5 =	simm.s32 @!p1 $0x0;
	s3 =	sadd.s32 @!p1 $0x4, s3;
	[sflag:s2] =	ssyncset.done @p1 $0x0  }
0x204: {  	s7 =	simm.s32 @!p1 $0x80;
	[sflag:s2] =	ssyncadd.s32 @p1 $0xFFFFFFEE;
	s2 =	sshll.u32 @!p1 s3, $0x1A  }
0x205: {  	s3 =	sshll.u32 @!p1 s3, $0xD;
	s2 =	sor.u32 @!p1 s2, s8;
	_ =	swait.eq @!p1 [sflag:s4], $0x1  }
0x206: {  	s3 =	sor.u32 @!p1 $0x1C04, s3;
	s4 =	simm.s32 @!p1 $0x1C03;
	s2 =	sor.u32 @!p1 $0x80004000, s2  }
0x207: {  	[spmem:s7], [sflag:s3] =	dma.general @!p1 [spmem:s5], [sflag:s4], length:$0x10, [dreg:$0x0], stride_count:$0x0, ici_dest:s2, dma_misc:DstOpCode:WRITE  }
0x208: {  	p2 =	slt.s32 s0, $0x2;
	s5 =	simm.s32 @!p1 $0x100;
	s7 =	simm.s32 @!p1 $0x102  }
0x209: {  	[spmem:s7], [sflag:s3] =	dma.general @!p1 [spmem:s5], [sflag:s4], length:$0x2, [dreg:$0x0], stride_count:$0x0, ici_dest:s2, dma_misc:DstOpCode:WRITE  }
.Ltmp29:
0x20a: {  	s2 =	simm.s32 @!p1 $0x3;
	(pc) =	sbr.rel @p2 .LBB2_42-.Ltmp29, $4  }
0x20b: {  	s3 =	sshll.u32 @!p1 s9, $0xE;
	_ =	swait.ge @!p1 [sflag:s2], $0x12  }
0x20c: {  	s4 =	sshll.u32 @!p1 s8, $0x11;
	s3 =	sadd.s32 @!p1 $0x11C3C, s3;
	[sflag:s2] =	ssyncset.done @!p1 $0x0  }
0x20d: {  	[sflag:s2] =	ssyncadd.s32 @!p1 $0xFFFFFFEE;
	s2 =	sor.u32 @!p1 s4, s3  }
0x20e: {  	s0 =	simm.s32 $0x0;
	[sflag:s2] =	ssyncadd.remote.s32 @!p1 $0xFFFFFFFF  }
0x20f: {  	s0 =	simm.s32 $0xA119  }
0x210: {  	v0 =	vld.msk [tilespmem:s0+$0x0], $0x1;
	_ =	sdelay $0x4  }
0x211: {  	(v2sf) =	vpush v0, $0x0;
	_ =	sdelay $0xc  }
0x212: {  	s2 =	sadd.s32 $0xFFFFFFFE, s6  }
0x213: {  	s2 =	sadd.s32 $0xFFFFFFFF, s2  }
0x214: {  	p2 =	sne.s32 s2, $0x0;
	s3 =	spop (v2sf)  }
.Ltmp30:
0x215: {  	p1 =	sgt.u32 s3, $0xC34F8;
	(pc) =	sbr.rel @!p2 .LBB2_41-.Ltmp30, $4  }
0x216: {  	s5 =	simm.s32 $0x0;
	s4 =	sand.u32 @!p1 $0xFFFF8, s3  }
0x217: {  	s0 =	simm.s32 $0xA178;
	s3 =	sand.u32 @!p1 $0x7, s3;
	s4 =	sadd.s32 @!p1 s1, s4  }
0x218: {  	[hbm4b:s4+s3] =	stream.linear.scatter @!p1 [tilespmem:s0], [sflag:$0x5], $0x40, $0x38;
	[tilespmem:$0x1EF88] =	vst v63  }
0x219: {  	s5 =	simm.s32 @!p1 $0x100;
	s3 =	simm.s32 $0x0;
	s4 =	simm.s32 $0xA11A  }
.LBB2_40:
0x21a: {  	v0 =	vld.msk [tilespmem:s4+$0x0], $0x1;
	s2 =	sadd.s32 $0xFFFFFFFF, s2;
	s3 =	sadd.s32 s3, s5  }
0x21b: {  	p1 =	sne.s32 s2, $0x0;
	_ =	sdelay $0x3  }
0x21c: {  	(v2sf) =	vpush v0, $0x0;
	_ =	sdelay $0xe  }
.Ltmp31:
0x21d: {  	s6 =	spop (v2sf);
	(pc) =	sbr.rel @p1 .LBB2_40-.Ltmp31, $4  }
0x21e: {  	s5 =	simm.s32 $0x0;
	p2 =	sgt.u32 s6, $0xC34F8  }
0x21f: {  	s0 =	sadd.s32 $0x40, s0;
	s5 =	simm.s32 @!p2 $0x100;
	s7 =	sand.u32 @!p2 $0xFFFF8, s6  }
0x220: {  	s4 =	sadd.s32 $0x1, s4;
	s6 =	sand.u32 @!p2 $0x7, s6;
	s7 =	sadd.s32 @!p2 s1, s7  }
0x221: {  	[hbm4b:s7+s6] =	stream.linear.scatter @!p2 [tilespmem:s0], [sflag:$0x5], $0x40, $0x38;
	[tilespmem:$0x1EF88] =	vst v63  }
.LBB2_41:
0x222: {  	s0 =	sadd.s32 s3, s5  }
0x223: {  	s0 =	sshrl.u32 s0, $0x2  }
.LBB2_42:
0x224: {  	s2 =	simm.s32 $0x5  }
0x225: {  	_ =	swait.ge [sflag:s2], s0  }
0x226: {  	s31 =	ssub.s32 $0x0, s0;
	[sflag:s2] =	ssyncset.done $0x0  }
0x227: {  	[sflag:s2] =	ssyncadd.s32 s31  }
0x228: {  	[sflag:s2] =	ssyncpa.u1 $0x1  }
.LBB2_43:
0x229: {  	s0 =	sor.u32 s13, s14  }
0x22a: {  	p1 =	sne.s32 s0, $0x0  }
.Ltmp32:
0x22b: {  	_ = 	snop;
	(pc) =	sbr.rel @p1 .LBB2_58-.Ltmp32, $3  }
0x22c: {  	_ =	sdelay $0x1  }
0x22d: {  	[bflag:$0x0] =	sbarrier.arrive $0xFFFF  }
0x22e: {  	_ =	sfence  }
0x22f: {  	s2 =	simm.s32 $0x7  }
0x230: {  	s0 =	simm.s32 $0x800;
	s3 =	simm.s32 $0xA118;
	[sflag:s2] =	ssyncpa.u1 $0x0  }
0x231: {  	[tilespmem:s3], [sflag:$0x7] =	stream.linear.gather [spmem:s0], $0x20, $0x38;
	[tilespmem:$0x1EF88] =	vst v63  }
0x232: {  	s30 =	simm.s32 $0xA138;
	s0 =	simm.s32 $0x0  }
0x233: {  	[tilespmem:s30], [sflag:$0x7] =	stream.linear.gather [spmem:s0], $0x800, $0x38;
	[tilespmem:$0x1EF88] =	vst v63  }
.Ltmp33:
0x234: {  	_ = 	snop;
	(pc) =	sbr.rel .LBB2_45-.Ltmp33, $4  }
0x235: {  	_ =	swait.ge [sflag:s2], $0x820  }
0x236: {  	[sflag:s2] =	ssyncset.done $0x0  }
0x237: {  	s31 =	simm.s32 $0x8;
	[sflag:s2] =	ssyncadd.s32 $0xFFFFF7E0  }
0x238: {  	s2 =	simm.s32 $0x0;
	[sflag:s31] =	ssyncpa.u1 $0x0  }
.LBB2_51:
0x239: {  	p1 =	slt.u32 s3, $0xC34F9  }
0x23a: {  	s4 =	sand.u32 @p1 $0xFFFF8, s3  }
0x23b: {  	s3 =	sand.u32 @p1 $0x7, s3;
	s5 =	simm.s32 @p1 $0xA0C8;
	s4 =	sadd.s32 @p1 s1, s4  }
0x23c: {  	[tilespmem:s5], [sflag:$0x8] =	stream.linear.gather @p1 [hbm4b:s4+s3], $0x40, $0x38;
	[tilespmem:$0x1EF88] =	vst v63  }
0x23d: {  	s3 =	simm.s32 @p1 $0x8  }
0x23e: {  	_ =	swait.ge @p1 [sflag:s3], $0x40  }
0x23f: {  	[sflag:s3] =	ssyncset.done @p1 $0x0  }
0x240: {  	[sflag:s3] =	ssyncadd.s32 @p1 $0xFFFFFFC0  }
0x241: {  	v1 =	vld @p1 [tilespmem:$0xA0C8];
	_ =	sdelay $0x2  }
0x242: {  	s3 =	sshll.u32 @p1 s2, $0x8  }
0x243: {  	s4 =	sshrl.u32 @p1 s3, $0x2  }
0x244: {  	[tilespmem:s4+$0xA138] =	vst.add.f32.msk @p1 $0xffff, v1  }
0x245: {  	v1 =	vld @p1 [tilespmem:$0xA0D8];
	_ =	sdelay $0x4  }
0x246: {  	[tilespmem:s4+$0xA148] =	vst.add.f32.msk @p1 $0xffff, v1  }
0x247: {  	v1 =	vld @p1 [tilespmem:$0xA0E8];
	_ =	sdelay $0x4  }
0x248: {  	[tilespmem:s4+$0xA158] =	vst.add.f32.msk @p1 $0xffff, v1  }
0x249: {  	v1 =	vld @p1 [tilespmem:$0xA0F8];
	_ =	sdelay $0x3  }
0x24a: {  	s5 =	sshll.u32 @!p1 s2, $0x8  }
0x24b: {  	s5 =	smov.u32 @p1 s3;
	[tilespmem:s4+$0xA168] =	vst.add.f32.msk @p1 $0xffff, v1  }
0x24c: {  	s3 =	sshrl.u32 s5, $0x2;
	[tilespmem:s0+$0xA118] =	vst.msk $0x1, v0  }
0x24d: {  	v0 =	vld [tilespmem:s3+$0xA138];
	_ =	sdelay $0x2  }
0x24e: {  	s31 =	sshll.u32 s0, $0x8  }
0x24f: {  	s4 =	sshra.s32 s31, $0x2  }
0x250: {  	[tilespmem:s4+$0xA138] =	vst v0  }
0x251: {  	v0 =	vld [tilespmem:s3+$0xA148];
	_ =	sdelay $0x4  }
0x252: {  	[tilespmem:s4+$0xA148] =	vst v0  }
0x253: {  	v0 =	vld [tilespmem:s3+$0xA158];
	_ =	sdelay $0x4  }
0x254: {  	[tilespmem:s4+$0xA158] =	vst v0  }
0x255: {  	v0 =	vld [tilespmem:s3+$0xA168];
	_ =	sdelay $0x4  }
0x256: {  	s0 =	sadd.s32 $0x1, s0;
	[tilespmem:s4+$0xA168] =	vst v0  }
.LBB2_52:
0x257: {  	s2 =	sadd.s32 $0x1, s2  }
0x258: {  	p1 =	sne.s32 s2, $0x20  }
.Ltmp34:
0x259: {  	_ = 	snop;
	(pc) =	sbr.rel @!p1 .LBB2_53-.Ltmp34, $1  }
0x25a: {  	_ =	sdelay $0x3  }
.LBB2_45:
0x25b: {  	v0 =	vld.msk [tilespmem:s2+$0xA118], $0x1;
	_ =	sdelay $0x4  }
0x25c: {  	(v2sf) =	vpush v0, $0x0;
	_ =	sdelay $0xe  }
0x25d: {  	s3 =	spop (v2sf)  }
0x25e: {  	p1 =	seq.s32 s3, $0xFFFFFFFF  }
.Ltmp35:
0x25f: {  	_ = 	snop;
	(pc) =	sbr.rel @p1 .LBB2_52-.Ltmp35, $1  }
0x260: {  	_ =	sdelay $0x3  }
0x261: {  	p1 =	slt.s32 s0, $0x1  }
.Ltmp36:
0x262: {  	_ = 	snop;
	(pc) =	sbr.rel @p1 .LBB2_51-.Ltmp36, $1  }
0x263: {  	_ =	sdelay $0x3  }
0x264: {  	s4 =	simm.s32 $0xA118;
	p1 =	por $0x0, $0x0  }
0x265: {  	v1 =	vld.msk @!p1 [tilespmem:s4+$0x0], $0x1;
	_ =	sdelay $0x4  }
0x266: {  	(v2sf) =	vpush @!p1 v1, $0x0;
	_ =	sdelay $0xd  }
0x267: {  	p3 =	sne.s32 s0, $0x1  }
.Ltmp37:
0x268: {  	s5 =	spop @!p1 (v2sf);
	(pc) =	sbr.rel @!p3 .LBB2_49-.Ltmp37, $4  }
0x269: {  	p2 =	seq.s32 @!p1 s3, s5  }
0x26a: {  	s5 =	simm.s32 $0x0;
	p2 =	por !p2, p1  }
0x26b: {  	s7 =	simm.s32 $0xFFFFFFFF;
	s5 =	simm.s32 @p2 $0xFFFFFFFF  }
0x26c: {  	s6 =	simm.s32 $0x1;
	s5 =	smov.u32 @p1 s7  }
.LBB2_48:
0x26d: {  	s7 =	smov.u32 s5;
	p1 =	sne.s32 s5, $0xFFFFFFFF  }
0x26e: {  	s4 =	sadd.s32 $0x1, s4;
	s5 =	smov.u32 s6;
	s6 =	sadd.s32 $0x1, s6  }
0x26f: {  	p2 =	sne.s32 s0, s6;
	v1 =	vld.msk @!p1 [tilespmem:s4+$0x0], $0x1;
	_ =	sdelay $0x4  }
0x270: {  	(v2sf) =	vpush @!p1 v1, $0x0;
	_ =	sdelay $0xe  }
.Ltmp38:
0x271: {  	s8 =	spop @!p1 (v2sf);
	(pc) =	sbr.rel @p2 .LBB2_48-.Ltmp38, $4  }
0x272: {  	p3 =	seq.s32 @!p1 s3, s8  }
0x273: {  	p3 =	por !p3, p1  }
0x274: {  	s5 =	simm.s32 @p3 $0xFFFFFFFF  }
0x275: {  	s5 =	smov.u32 @p1 s7  }
.LBB2_49:
0x276: {  	p1 =	seq.s32 s5, $0xFFFFFFFF  }
.Ltmp39:
0x277: {  	_ = 	snop;
	(pc) =	sbr.rel @p1 .LBB2_51-.Ltmp39, $1  }
0x278: {  	_ =	sdelay $0x3  }
0x279: {  	s3 =	sshll.u32 s2, $0x6  }
0x27a: {  	s3 =	sand.u32 $0x3FFFFFC0, s3  }
0x27b: {  	v0 =	vld [tilespmem:s3+$0xA138];
	_ =	sdelay $0x2  }
0x27c: {  	s4 =	sshll.u32 s5, $0x8  }
0x27d: {  	s4 =	sshra.s32 s4, $0x2  }
0x27e: {  	[tilespmem:s4+$0xA138] =	vst.add.f32.msk $0xffff, v0  }
0x27f: {  	v0 =	vld [tilespmem:s3+$0xA148];
	_ =	sdelay $0x4  }
0x280: {  	[tilespmem:s4+$0xA148] =	vst.add.f32.msk $0xffff, v0  }
0x281: {  	v0 =	vld [tilespmem:s3+$0xA158];
	_ =	sdelay $0x4  }
0x282: {  	[tilespmem:s4+$0xA158] =	vst.add.f32.msk $0xffff, v0  }
0x283: {  	v0 =	vld [tilespmem:s3+$0xA168]  }
.Ltmp40:
0x284: {  	_ = 	snop;
	(pc) =	sbr.rel .LBB2_52-.Ltmp40, $2  }
0x285: {  	_ =	sdelay $0x2  }
0x286: {  	[tilespmem:s4+$0xA168] =	vst.add.f32.msk $0xffff, v0  }
.LBB2_53:
0x287: {  	p1 =	slt.s32 s0, $0x1  }
.Ltmp41:
0x288: {  	_ = 	snop;
	(pc) =	sbr.rel @p1 .LBB2_57-.Ltmp41, $3  }
0x289: {  	_ =	sdelay $0x1  }
0x28a: {  	s2 =	simm.s32 $0x8  }
0x28b: {  	[sflag:s2] =	ssyncpa.u1 $0x1;
	s2 =	simm.s32 $0x0  }
0x28c: {  	s3 =	simm.s32 $0xA118  }
0x28d: {  	v0 =	vld.msk [tilespmem:s3+$0x0], $0x1;
	_ =	sdelay $0x4  }
0x28e: {  	(v2sf) =	vpush v0, $0x0;
	_ =	sdelay $0xe  }
0x28f: {  	s0 =	sadd.s32 $0xFFFFFFFF, s0;
	s4 =	spop (v2sf)  }
0x290: {  	p2 =	sne.s32 s0, $0x0;
	p1 =	sgt.u32 s4, $0xC34F8  }
.Ltmp42:
0x291: {  	s5 =	sand.u32 @!p1 $0xFFFF8, s4;
	(pc) =	sbr.rel @!p2 .LBB2_56-.Ltmp42, $4  }
0x292: {  	s3 =	simm.s32 $0xA138;
	s4 =	sand.u32 @!p1 $0x7, s4;
	s5 =	sadd.s32 @!p1 s1, s5  }
0x293: {  	[hbm4b:s5+s4] =	stream.linear.scatter @!p1 [tilespmem:s3], [sflag:$0x7], $0x40, $0x38;
	[tilespmem:$0x1EF88] =	vst v63  }
0x294: {  	s5 =	simm.s32 $0x0  }
0x295: {  	s4 =	simm.s32 $0xA119;
	s5 =	simm.s32 @!p1 $0x100  }
.LBB2_55:
0x296: {  	v0 =	vld.msk [tilespmem:s4+$0x0], $0x1;
	s0 =	sadd.s32 $0xFFFFFFFF, s0;
	s2 =	sadd.s32 s2, s5  }
0x297: {  	p1 =	sne.s32 s0, $0x0;
	_ =	sdelay $0x3  }
0x298: {  	(v2sf) =	vpush v0, $0x0;
	_ =	sdelay $0xe  }
.Ltmp43:
0x299: {  	s6 =	spop (v2sf);
	(pc) =	sbr.rel @p1 .LBB2_55-.Ltmp43, $4  }
0x29a: {  	s5 =	simm.s32 $0x0;
	p2 =	sgt.u32 s6, $0xC34F8  }
0x29b: {  	s3 =	sadd.s32 $0x40, s3;
	s5 =	simm.s32 @!p2 $0x100;
	s7 =	sand.u32 @!p2 $0xFFFF8, s6  }
0x29c: {  	s4 =	sadd.s32 $0x1, s4;
	s6 =	sand.u32 @!p2 $0x7, s6;
	s7 =	sadd.s32 @!p2 s1, s7  }
0x29d: {  	[hbm4b:s7+s6] =	stream.linear.scatter @!p2 [tilespmem:s3], [sflag:$0x7], $0x40, $0x38;
	[tilespmem:$0x1EF88] =	vst v63  }
.LBB2_56:
0x29e: {  	s0 =	sadd.s32 s2, s5  }
0x29f: {  	s2 =	sshrl.u32 s0, $0x2  }
.LBB2_57:
0x2a0: {  	s0 =	simm.s32 $0x7  }
0x2a1: {  	_ =	swait.ge [sflag:s0], s2  }
0x2a2: {  	s1 =	ssub.s32 $0x0, s2;
	[sflag:s0] =	ssyncset.done $0x0  }
0x2a3: {  	[sflag:s0] =	ssyncadd.s32 s1  }
0x2a4: {  	[sflag:s0] =	ssyncpa.u1 $0x1  }
.LBB2_58:
0x2a5: {  	_ =	sfence;
	s0 =	simm.s32 $0x1  }
0x2a6: {  	[sflag:s0] =	ssyncpa.u1 $0x1  }
0x2a7: {  	_ =	strace $0x90000056  }
0x2a8: {  	[bflag:$0x2] =	sbarrier.arrive $0xFFFF  }
0x2a9: {  	s0 =	rddreg [dreg:$0x3]  }
0x2aa: {  	s0 =	sadd.s32 @!p0 $0x100000, s0  }
0x2ab: {  	[sflag:s0] =	ssyncadd.tile.s32 @!p0 $0x1;
	_ =	shalt  }
.Lfunc_end2:
_tile_overlayer_lowered:
.L_overlay_start_2:
0x2ac: {  	(tag) =	ssettag $0x2  }
0x2ad: {  	s0 =	rddreg [dreg:$0x0];
	s2 =	stileid.u32  }
0x2ae: {  	s1 =	rddreg [dreg:$0x1];
	p0 =	sne.s32 s2, $0x0  }
0x2af: {  	s3 =	rddreg [dreg:$0x2];
	[bflag:$0x3] =	sbarrier.arrive $0xFFFF;
	s2 =	simm.s32 @!p0 $0x1C01  }
0x2b0: {  	[timem:s3], [sflag:s2] =	dma.local @!p0 [hbm:s0], s1  }
0x2b1: {  	s0 =	simm.s32 @!p0 $0x1  }
0x2b2: {  	_ =	swait.ge @!p0 [sflag:s0], s1  }
0x2b3: {  	s1 =	ssub.s32 @!p0 $0x0, s1;
	[sflag:s0] =	ssyncset.done @!p0 $0x0  }
0x2b4: {  	[sflag:s0] =	ssyncadd.s32 @!p0 s1  }
0x2b5: {  	[bflag:$0x3] =	sbarrier.arrive $0xFFFF  }
0x2b6: {  	_ =	shalt  }

// kernel: scatter_offload_async_start
scs
__scs_entry_jumppad:
0x0: {  	(pc) =	sbr.rel $0x88, $3  }
0x1: {  	(tag) =	ssettag $0x0;
	lr =	simm.s32 $0x1  }
0x2: {  	[smem:$0x3F7A] =	sst lr;
	_ =	strace $0xD0000000  }
0x3: {  	_ = 	snop  }
0x4: {  	_ = 	snop  }
0x5: {  	_ = 	snop  }
0x6: {  	_ = 	snop  }
0x7: {  	_ = 	snop  }
__scs_overlays_trampoline_lowered:
0x8: {  	[smem:$0x3F89] =	sst s0  }
0x9: {  	[smem:$0x3F8A] =	sst s1  }
0xa: {  	[smem:$0x3F8B] =	sst s2  }
0xb: {  	[smem:$0x3F8C] =	sst s3  }
0xc: {  	[smem:$0x3F8D] =	sst s4  }
0xd: {  	[smem:$0x3F8E] =	sst s5  }
0xe: {  	[smem:$0x3F8F] =	sst s6  }
0xf: {  	[smem:$0x3F90] =	sst s7  }
0x10: {  	[smem:$0x3F91] =	sst s8  }
0x11: {  	[smem:$0x3F92] =	sst s9;
	s0 =	simm.s32 @!p0 $0x0  }
0x12: {  	s1 =	sld [smem:$0x3F78];
	s0 =	simm.s32 @p0 $0x1  }
0x13: {  	[smem:$0x3F93] =	sst s0;
	s0 =	simm.s32 @!p1 $0x0  }
0x14: {  	s2 =	sld [smem:$0x3F77];
	s0 =	simm.s32 @p1 $0x1  }
0x15: {  	[smem:$0x3F94] =	sst s0;
	s0 =	simm.s32 @!p2 $0x0  }
0x16: {  	s3 =	sld [smem:$0x3FDB];
	s0 =	simm.s32 @p2 $0x1  }
0x17: {  	s4 =	simm.s32 $0x1BF5;
	[smem:$0x3F96] =	sst s0  }
0x18: {  	s0 =	sld [smem:$0x3F79];
	_ =	swait.ge [sflag:s4], $0x0  }
0x19: {  	s7 =	sld [smem:$0x3F7A]  }
0x1a: {  	s8 =	sadd.s32 $0xFFFFE003, lr  }
0x1b: {  	s9 =	sadd.s32 $0xFFFFFEF7, lr;
	s5 =	simm.s32 $0xFFFFFFFF;
	p2 =	slt.u32 s8, $0xFFFFF086  }
0x1c: {  	p1 =	slt.u32 s9, $0xF7A;
	s5 =	simm.s32 @!p2 $0x0  }
0x1d: {  	s5 =	simm.s32 @p1 $0x1;
	p0 =	seq.s32 s7, s2  }
0x1e: {  	s7 =	smul.u32 @!p0 $0xF7A, s2;
	p2 =	seq.s32 @!p0 s5, $0x0  }
0x1f: {  	s9 =	smul.u32 $0xF7A, s1;
	s8 =	simm.s32 @!p0 $0x1BF5;
	p2 =	por !p2, p0  }
0x20: {  	[sflag:s8] =	ssyncset.s32 @!p0 $0xFFFFF086;
	s6 =	sadd.s32 @!p0 s3, s7;
	s7 =	simm.s32 @!p0 $0x108  }
0x21: {  	s3 =	sadd.s32 s3, s9;
	s6 =	sadd.s32 @!p0 $0x88, s6;
	s7 =	simm.s32 @p2 $0x1082  }
0x22: {  	[simem:s7], [sflag:s8] =	dma.local @!p0 [hbm:s6], $0xF7A  }
0x23: {  	s9 =	sor.u32 $0xD0000000, s2;
	s6 =	simm.s32 $0x108;
	_ =	swait.ge @!p0 [sflag:s8], $0x0  }
0x24: {  	s3 =	sadd.s32 $0x88, s3;
	s6 =	simm.s32 @!p1 $0x1082;
	[sflag:s4] =	ssyncset.s32 $0xFFFFF086  }
0x25: {  	[simem:s6], [sflag:s4] =	dma.local [hbm:s3], $0xF7A  }
0x26: {  	[smem:$0x3F7A] =	sst s1;
	(tag) =	ssettag s2;
	_ =	strace s9  }
0x27: {  	s1 =	sld [smem:$0x3F8A]  }
0x28: {  	s2 =	sld [smem:$0x3F8B]  }
0x29: {  	s4 =	sld [smem:$0x3F8D]  }
0x2a: {  	p0 =	seq.s32 s5, $0x0;
	s5 =	sld [smem:$0x3F8E]  }
0x2b: {  	s6 =	sld [smem:$0x3F8F]  }
0x2c: {  	s7 =	sld [smem:$0x3F90]  }
0x2d: {  	s3 =	simm.s32 $0x108;
	s8 =	sld [smem:$0x3F91]  }
0x2e: {  	s3 =	simm.s32 @!p0 $0x1082;
	s9 =	sld [smem:$0x3F92]  }
0x2f: {  	lr =	sadd.s32 s0, s3;
	s0 =	sld [smem:$0x3F89]  }
0x30: {  	s3 =	sld [smem:$0x3F8C]  }
0x31: {  	[smem:$0x3F95] =	sst s10  }
0x32: {  	s10 =	sld [smem:$0x3F93];
	_ =	sdelay $0x3  }
0x33: {  	p0 =	seq.s32 s10, $0x1;
	s10 =	sld [smem:$0x3F95];
	_ =	sdelay $0x3  }
0x34: {  	[smem:$0x3F95] =	sst s10  }
0x35: {  	s10 =	sld [smem:$0x3F94];
	_ =	sdelay $0x3  }
0x36: {  	p1 =	seq.s32 s10, $0x1;
	s10 =	sld [smem:$0x3F95];
	_ =	sdelay $0x3  }
0x37: {  	[smem:$0x3F95] =	sst s10  }
0x38: {  	s10 =	sld [smem:$0x3F96]  }
0x39: {  	_ = 	snop;
	(pc) =	sbr.ind lr, $3  }
0x3a: {  	_ = 	snop  }
0x3b: {  	_ = 	snop  }
0x3c: {  	p2 =	seq.s32 s10, $0x1;
	s10 =	sld [smem:$0x3F95]  }
0x3d: {  	_ =	shalt  }
0x3e: {  	_ =	shalt  }
0x3f: {  	_ =	shalt  }
0x40: {  	_ =	shalt  }
0x41: {  	_ =	shalt  }
0x42: {  	_ =	shalt  }
0x43: {  	_ =	shalt  }
0x44: {  	_ =	shalt  }
0x45: {  	_ =	shalt  }
0x46: {  	_ =	shalt  }
0x47: {  	_ =	shalt  }
0x48: {  	_ =	shalt  }
0x49: {  	_ =	shalt  }
0x4a: {  	_ =	shalt  }
0x4b: {  	_ =	shalt  }
0x4c: {  	_ =	shalt  }
0x4d: {  	_ =	shalt  }
0x4e: {  	_ =	shalt  }
0x4f: {  	_ =	shalt  }
0x50: {  	_ =	shalt  }
0x51: {  	_ =	shalt  }
0x52: {  	_ =	shalt  }
0x53: {  	_ =	shalt  }
0x54: {  	_ =	shalt  }
0x55: {  	_ =	shalt  }
0x56: {  	_ =	shalt  }
0x57: {  	_ =	shalt  }
0x58: {  	_ =	shalt  }
0x59: {  	_ =	shalt  }
0x5a: {  	_ =	shalt  }
0x5b: {  	_ =	shalt  }
0x5c: {  	_ =	shalt  }
0x5d: {  	_ =	shalt  }
0x5e: {  	_ =	shalt  }
0x5f: {  	_ =	shalt  }
0x60: {  	_ =	shalt  }
0x61: {  	_ =	shalt  }
0x62: {  	_ =	shalt  }
0x63: {  	_ =	shalt  }
0x64: {  	_ =	shalt  }
0x65: {  	_ =	shalt  }
0x66: {  	_ =	shalt  }
0x67: {  	_ =	shalt  }
0x68: {  	_ =	shalt  }
0x69: {  	_ =	shalt  }
0x6a: {  	_ =	shalt  }
0x6b: {  	_ =	shalt  }
0x6c: {  	_ =	shalt  }
0x6d: {  	_ =	shalt  }
0x6e: {  	_ =	shalt  }
0x6f: {  	_ =	shalt  }
0x70: {  	_ =	shalt  }
0x71: {  	_ =	shalt  }
0x72: {  	_ =	shalt  }
0x73: {  	_ =	shalt  }
0x74: {  	_ =	shalt  }
0x75: {  	_ =	shalt  }
0x76: {  	_ =	shalt  }
0x77: {  	_ =	shalt  }
0x78: {  	_ =	shalt  }
0x79: {  	_ =	shalt  }
0x7a: {  	_ =	shalt  }
0x7b: {  	_ =	shalt  }
0x7c: {  	_ =	shalt  }
0x7d: {  	_ =	shalt  }
0x7e: {  	_ =	shalt  }
0x7f: {  	_ =	shalt  }
0x80: {  	_ =	shalt  }
0x81: {  	_ =	shalt  }
0x82: {  	_ =	shalt  }
0x83: {  	_ =	shalt  }
0x84: {  	_ =	shalt  }
0x85: {  	_ =	shalt  }
0x86: {  	_ =	shalt  }
0x87: {  	_ =	shalt  }
.Lfunc_end0:
.L_simem_size_0:
called_computation_lowered:
.L_overlay_start_0:
0x88: {  	s2 =	sld [smem:$0x3FD9]  }
0x89: {  	s3 =	sld [smem:$0x3FFE];
	_ =	sdelay $0x1  }
0x8a: {  	s1 =	srdreg.scid  }
0x8b: {  	s0 =	sand.u32 $0x1, s1  }
0x8c: {  	s15 =	sshll.u32 s0, $0xA;
	s2 =	sadd.s32 s3, s2  }
0x8d: {  	s2 =	sadd.s32 s2, s15  }
0x8e: {  	[smem:$0x3FA1] =	sst s2  }
0x8f: {  	_ = 	snop  }
0x90: {  	s2 =	sld [smem:$0x3FD0];
	_ =	sdelay $0x2  }
0x91: {  	s16 =	simm.s32 $0xB;
	s4 =	simm.s32 $0x10  }
0x92: {  	[smem:s4], [sflag:s16] =	dma.local [hbm:s2], $0x1  }
0x93: {  	_ =	swait.eq [sflag:s16], $0x1  }
0x94: {  	[sflag:s16] =	ssyncset.done $0x0  }
0x95: {  	[sflag:s16] =	ssyncadd.s32 $0xFFFFFFFF  }
0x96: {  	s17 =	sld [smem:$0x11];
	(tm) =	ssettm $0x1  }
0x97: {  	s18 =	sld [smem:$0x3FFB];
	_ =	sdelay $0x3  }
0x98: {  	_ =	strace s18  }
0x99: {  	s2 =	sld [smem:$0x3FFC];
	_ =	sdelay $0x3  }
0x9a: {  	_ =	strace s2  }
0x9b: {  	s2 =	sld [smem:$0x3FFD];
	_ =	sdelay $0x3  }
0x9c: {  	_ =	strace s2  }
0x9d: {  	_ =	strace $0x8FFFFFFF  }
0x9e: {  	s19 =	sld [smem:$0x3FDB];
	_ =	sdelay $0x1  }
0x9f: {  	s20 =	simm.s32 $_scs_section_size  }
0xa0: {  	s5 =	simm.s32 $_size__tile_overlayer_lowered;
	s6 =	simm.s32 $_tile_overlayer_lowered  }
0xa1: {  	s7 =	simm.s32 $0x1BFF;
	s21 =	sshll.u32 s6, $0x1;
	s4 =	sadd.s32 s20, s19  }
0xa2: {  	s22 =	simm.s32 $0x0;
	s5 =	sshll.u32 s5, $0x1;
	s6 =	sadd.s32 s21, s4  }
0xa3: {  	[timem:s22], [sflag:s7] =	dma.local [hbm:s6], s5  }
0xa4: {  	_ =	swait.ge [sflag:s7], s5  }
0xa5: {  	s5 =	ssub.s32 $0x0, s5;
	[sflag:s7] =	ssyncset.done $0x0  }
0xa6: {  	[sflag:s7] =	ssyncadd.s32 s5;
	_ =	sdelay $0x1  }
0xa7: {  	s23 =	simm.s32 $0x1B8B  }
0xa8: {  	_ =	swait.ge [sflag:s23], $0x1  }
0xa9: {  	[sflag:s23] =	ssyncset.done $0x0  }
0xaa: {  	[sflag:s23] =	ssyncadd.s32 $0xFFFFFFFF  }
0xab: {  	s5 =	sld [smem:$0x0]  }
0xac: {  	s6 =	sand.u32 $0xFFFFFFFE, s1  }
0xad: {  	p0 =	sne.s32 s1, s6  }
0xae: {  	s6 =	sshll.u32 @p0 s6, $0xE  }
0xaf: {  	s6 =	sadd.s32 @p0 $0x11B8D, s6;
	s7 =	sshll.u32 @p0 s5, $0x11  }
0xb0: {  	s6 =	sor.u32 @p0 s7, s6  }
0xb1: {  	[sflag:s6] =	ssyncadd.remote.s32 @p0 $0x1;
	_ =	sdelay $0x1  }
0xb2: {  	s6 =	simm.s32 @p0 $0x1B8D  }
0xb3: {  	_ =	swait.eq @p0 [sflag:s6], $0x1  }
0xb4: {  	[sflag:s6] =	ssyncadd.s32 @p0 $0xFFFFFFFF  }
0xb5: {  	s7 =	sshll.u32 @!p0 s1, $0xE  }
0xb6: {  	s7 =	sor.u32 @!p0 $0x4000, s7;
	s6 =	simm.s32 @!p0 $0x1B8D  }
0xb7: {  	s8 =	sshll.u32 @!p0 s5, $0x11;
	s7 =	sadd.s32 @!p0 $0x11B8D, s7;
	_ =	swait.eq @!p0 [sflag:s6], $0x1  }
0xb8: {  	[sflag:s6] =	ssyncadd.s32 @!p0 $0xFFFFFFFF;
	s6 =	sor.u32 @!p0 s8, s7  }
0xb9: {  	s25 =	simm.s32 $0x1B8E;
	s24 =	sld [smem:$0x3FFE];
	[sflag:s6] =	ssyncadd.remote.s32 @!p0 $0x1  }
0xba: {  	s26 =	simm.s32 $execute0_lowered;
	[smem:$0x3FD2] =	sst s25  }
0xbb: {  	s7 =	sshll.u32 s26, $0x1;
	_ =	strace $0x8000004C;
	[dreg:$0x1] =	wrdreg $0xFFFFFFFF  }
0xbc: {  	s28 =	simm.s32 $_size_execute0_lowered;
	s4 =	sadd.s32 s4, s7;
	[dreg:$0x0] =	wrdreg $0x0  }
0xbd: {  	s7 =	sshll.u32 s28, $0x1;
	[dreg:$0x2] =	wrdreg s4  }
0xbe: {  	[dreg:$0x3] =	wrdreg s7  }
0xbf: {  	[dreg:$0x4] =	wrdreg $0xC0  }
0xc0: {  	_ =	task [dreg:s22], $0x5FFFF  }
0xc1: {  	[dreg:$0x1] =	wrdreg $0xFFFFFFFF  }
0xc2: {  	[dreg:$0x0] =	wrdreg $0x60  }
0xc3: {  	[dreg:$0x2] =	wrdreg s17  }
0xc4: {  	[dreg:$0x3] =	wrdreg s24  }
0xc5: {  	[dreg:$0x4] =	wrdreg s1  }
0xc6: {  	[dreg:$0x5] =	wrdreg s5  }
0xc7: {  	[dreg:$0x6] =	wrdreg $0x9  }
0xc8: {  	_ =	task.clear_ibuf [dreg:s22], $0x7FFFF;
	_ =	strace $0x9000004C  }
0xc9: {  	s29 =	simm.s32 $0x9;
	_ =	strace $0x8000004E  }
0xca: {  	_ =	swait.ge [sflag:s29], $0x1  }
0xcb: {  	[sflag:s29] =	ssyncadd.s32 $0xFFFFFFFF  }
0xcc: {  	_ =	strace $0x9000004E  }
0xcd: {  	_ =	sfence  }
0xce: {  	s30 =	sld [smem:$0x0];
	_ =	sdelay $0x2  }
0xcf: {  	s31 =	sshll.u32 s1, $0xD;
	s1 =	sshrl.u32 s1, $0x2  }
0xd0: {  	s4 =	sand.u32 $0x4000, s31;
	s1 =	sadd.s32 s1, s30  }
0xd1: {  	s0 =	sor.u32 s4, s0;
	s1 =	sshll.u32 s1, $0x11  }
0xd2: {  	s0 =	sor.u32 s1, s0  }
0xd3: {  	s0 =	sadd.s32 $0x8F2B, s0  }
0xd4: {  	[sflag:s0] =	ssyncadd.remote.s32 $0x1  }
0xd5: {  	_ =	sfence.sel $0xFFFF  }
0xd6: {  	[dreg:$0x0] =	wrdreg $0xFFFFFFFF;
	(pc) =	sbr.abs _section_cstart, $3  }
0xd7: {  	[dreg:$0x1] =	wrdreg $0xFFFFFFFF  }
0xd8: {  	_ =	task.clear_ibuf [dreg:s22], $0x2FFFF;
	_ =	strace $0x9FFFFFFF  }
0xd9: {  	(tm) =	ssettm $0x7FFFFFFF  }
tec
execute0_lowered:
.L_overlay_start_1:
0x0: {  	(tag) =	ssettag $0x1  }
0x1: {  	s1 =	rddreg [dreg:$0x0]  }
0x2: {  	s11 =	rddreg [dreg:$0x1]  }
0x3: {  	s3 =	rddreg [dreg:$0x2];
	_ =	strace $0x8000004D;
	s12 =	simm.s32 $0x1  }
0x4: {  	v0 =	vimm.s32 $0x0;
	[sflag:s12] =	ssyncpa.u1 $0x0  }
0x5: {  	[tilespmem:$0x28] =	vst v0  }
0x6: {  	[tilespmem:$0x38] =	vst v0  }
0x7: {  	[tilespmem:$0x48] =	vst v0  }
0x8: {  	[tilespmem:$0x58] =	vst v0  }
0x9: {  	[tilespmem:$0x68] =	vst v0  }
0xa: {  	[tilespmem:$0x78] =	vst v0  }
0xb: {  	[tilespmem:$0x88] =	vst v0  }
0xc: {  	[tilespmem:$0x98] =	vst v0  }
0xd: {  	[tilespmem:$0xA8] =	vst v0  }
0xe: {  	[tilespmem:$0xB8] =	vst v0  }
0xf: {  	[tilespmem:$0xC8] =	vst v0  }
0x10: {  	[tilespmem:$0xD8] =	vst v0  }
0x11: {  	[tilespmem:$0xE8] =	vst v0  }
0x12: {  	[tilespmem:$0xF8] =	vst v0  }
0x13: {  	[tilespmem:$0x108] =	vst v0  }
0x14: {  	[tilespmem:$0x118] =	vst v0  }
0x15: {  	[tilespmem:$0x128] =	vst v0  }
0x16: {  	[tilespmem:$0x138] =	vst v0  }
0x17: {  	[tilespmem:$0x148] =	vst v0  }
0x18: {  	[tilespmem:$0x158] =	vst v0  }
0x19: {  	[tilespmem:$0x168] =	vst v0  }
0x1a: {  	[tilespmem:$0x178] =	vst v0  }
0x1b: {  	[tilespmem:$0x188] =	vst v0  }
0x1c: {  	[tilespmem:$0x198] =	vst v0  }
0x1d: {  	[tilespmem:$0x1A8] =	vst v0  }
0x1e: {  	[tilespmem:$0x1B8] =	vst v0  }
0x1f: {  	[tilespmem:$0x1C8] =	vst v0  }
0x20: {  	[tilespmem:$0x1D8] =	vst v0  }
0x21: {  	[tilespmem:$0x1E8] =	vst v0  }
0x22: {  	[tilespmem:$0x1F8] =	vst v0  }
0x23: {  	[tilespmem:$0x208] =	vst v0  }
0x24: {  	[tilespmem:$0x218] =	vst v0  }
0x25: {  	[tilespmem:$0x228] =	vst v0  }
0x26: {  	[tilespmem:$0x238] =	vst v0  }
0x27: {  	[tilespmem:$0x248] =	vst v0  }
0x28: {  	[tilespmem:$0x258] =	vst v0  }
0x29: {  	[tilespmem:$0x268] =	vst v0  }
0x2a: {  	[tilespmem:$0x278] =	vst v0  }
0x2b: {  	[tilespmem:$0x288] =	vst v0  }
0x2c: {  	[tilespmem:$0x298] =	vst v0  }
0x2d: {  	[tilespmem:$0x2A8] =	vst v0  }
0x2e: {  	[tilespmem:$0x2B8] =	vst v0  }
0x2f: {  	[tilespmem:$0x2C8] =	vst v0  }
0x30: {  	[tilespmem:$0x2D8] =	vst v0  }
0x31: {  	[tilespmem:$0x2E8] =	vst v0  }
0x32: {  	[tilespmem:$0x2F8] =	vst v0  }
0x33: {  	[tilespmem:$0x308] =	vst v0  }
0x34: {  	[tilespmem:$0x318] =	vst v0  }
0x35: {  	[tilespmem:$0x328] =	vst v0  }
0x36: {  	[tilespmem:$0x338] =	vst v0  }
0x37: {  	[tilespmem:$0x348] =	vst v0  }
0x38: {  	[tilespmem:$0x358] =	vst v0  }
0x39: {  	[tilespmem:$0x368] =	vst v0  }
0x3a: {  	[tilespmem:$0x378] =	vst v0  }
0x3b: {  	[tilespmem:$0x388] =	vst v0  }
0x3c: {  	[tilespmem:$0x398] =	vst v0  }
0x3d: {  	[tilespmem:$0x3A8] =	vst v0  }
0x3e: {  	[tilespmem:$0x3B8] =	vst v0  }
0x3f: {  	[tilespmem:$0x3C8] =	vst v0  }
0x40: {  	[tilespmem:$0x3D8] =	vst v0  }
0x41: {  	[tilespmem:$0x3E8] =	vst v0  }
0x42: {  	[tilespmem:$0x3F8] =	vst v0  }
0x43: {  	[tilespmem:$0x408] =	vst v0  }
0x44: {  	[tilespmem:$0x418] =	vst v0  }
0x45: {  	[tilespmem:$0x428] =	vst v0  }
0x46: {  	[tilespmem:$0x438] =	vst v0  }
0x47: {  	[tilespmem:$0x448] =	vst v0  }
0x48: {  	[tilespmem:$0x458] =	vst v0  }
0x49: {  	[tilespmem:$0x468] =	vst v0  }
0x4a: {  	[tilespmem:$0x478] =	vst v0  }
0x4b: {  	[tilespmem:$0x488] =	vst v0  }
0x4c: {  	[tilespmem:$0x498] =	vst v0  }
0x4d: {  	[tilespmem:$0x4A8] =	vst v0  }
0x4e: {  	[tilespmem:$0x4B8] =	vst v0  }
0x4f: {  	[tilespmem:$0x4C8] =	vst v0  }
0x50: {  	[tilespmem:$0x4D8] =	vst v0  }
0x51: {  	[tilespmem:$0x4E8] =	vst v0  }
0x52: {  	[tilespmem:$0x4F8] =	vst v0  }
0x53: {  	[tilespmem:$0x508] =	vst v0  }
0x54: {  	[tilespmem:$0x518] =	vst v0  }
0x55: {  	[tilespmem:$0x528] =	vst v0  }
0x56: {  	[tilespmem:$0x538] =	vst v0  }
0x57: {  	[tilespmem:$0x548] =	vst v0  }
0x58: {  	[tilespmem:$0x558] =	vst v0  }
0x59: {  	[tilespmem:$0x568] =	vst v0  }
0x5a: {  	[tilespmem:$0x578] =	vst v0  }
0x5b: {  	[tilespmem:$0x588] =	vst v0  }
0x5c: {  	[tilespmem:$0x598] =	vst v0  }
0x5d: {  	[tilespmem:$0x5A8] =	vst v0  }
0x5e: {  	[tilespmem:$0x5B8] =	vst v0  }
0x5f: {  	[tilespmem:$0x5C8] =	vst v0  }
0x60: {  	[tilespmem:$0x5D8] =	vst v0  }
0x61: {  	[tilespmem:$0x5E8] =	vst v0  }
0x62: {  	[tilespmem:$0x5F8] =	vst v0  }
0x63: {  	[tilespmem:$0x608] =	vst v0  }
0x64: {  	[tilespmem:$0x618] =	vst v0  }
0x65: {  	[tilespmem:$0x628] =	vst v0  }
0x66: {  	[tilespmem:$0x638] =	vst v0  }
0x67: {  	[tilespmem:$0x648] =	vst v0  }
0x68: {  	[tilespmem:$0x658] =	vst v0  }
0x69: {  	[tilespmem:$0x668] =	vst v0  }
0x6a: {  	[tilespmem:$0x678] =	vst v0  }
0x6b: {  	[tilespmem:$0x688] =	vst v0  }
0x6c: {  	[tilespmem:$0x698] =	vst v0  }
0x6d: {  	[tilespmem:$0x6A8] =	vst v0  }
0x6e: {  	[tilespmem:$0x6B8] =	vst v0  }
0x6f: {  	[tilespmem:$0x6C8] =	vst v0  }
0x70: {  	[tilespmem:$0x6D8] =	vst v0  }
0x71: {  	[tilespmem:$0x6E8] =	vst v0  }
0x72: {  	[tilespmem:$0x6F8] =	vst v0  }
0x73: {  	[tilespmem:$0x708] =	vst v0  }
0x74: {  	[tilespmem:$0x718] =	vst v0  }
0x75: {  	[tilespmem:$0x728] =	vst v0  }
0x76: {  	[tilespmem:$0x738] =	vst v0  }
0x77: {  	[tilespmem:$0x748] =	vst v0  }
0x78: {  	[tilespmem:$0x758] =	vst v0  }
0x79: {  	[tilespmem:$0x768] =	vst v0  }
0x7a: {  	[tilespmem:$0x778] =	vst v0  }
0x7b: {  	[tilespmem:$0x788] =	vst v0  }
0x7c: {  	[tilespmem:$0x798] =	vst v0  }
0x7d: {  	[tilespmem:$0x7A8] =	vst v0  }
0x7e: {  	[tilespmem:$0x7B8] =	vst v0  }
0x7f: {  	[tilespmem:$0x7C8] =	vst v0  }
0x80: {  	[tilespmem:$0x7D8] =	vst v0  }
0x81: {  	[tilespmem:$0x7E8] =	vst v0  }
0x82: {  	[tilespmem:$0x7F8] =	vst v0  }
0x83: {  	[tilespmem:$0x808] =	vst v0  }
0x84: {  	[tilespmem:$0x818] =	vst v0  }
0x85: {  	[tilespmem:$0x828] =	vst v0  }
0x86: {  	[tilespmem:$0x838] =	vst v0  }
0x87: {  	[tilespmem:$0x848] =	vst v0  }
0x88: {  	[tilespmem:$0x858] =	vst v0  }
0x89: {  	[tilespmem:$0x868] =	vst v0  }
0x8a: {  	[tilespmem:$0x878] =	vst v0  }
0x8b: {  	[tilespmem:$0x888] =	vst v0  }
0x8c: {  	[tilespmem:$0x898] =	vst v0  }
0x8d: {  	[tilespmem:$0x8A8] =	vst v0  }
0x8e: {  	[tilespmem:$0x8B8] =	vst v0  }
0x8f: {  	[tilespmem:$0x8C8] =	vst v0  }
0x90: {  	[tilespmem:$0x8D8] =	vst v0  }
0x91: {  	[tilespmem:$0x8E8] =	vst v0  }
0x92: {  	[tilespmem:$0x8F8] =	vst v0  }
0x93: {  	[tilespmem:$0x908] =	vst v0  }
0x94: {  	[tilespmem:$0x918] =	vst v0  }
0x95: {  	[tilespmem:$0x928] =	vst v0  }
0x96: {  	[tilespmem:$0x938] =	vst v0  }
0x97: {  	[tilespmem:$0x948] =	vst v0  }
0x98: {  	[tilespmem:$0x958] =	vst v0  }
0x99: {  	[tilespmem:$0x968] =	vst v0  }
0x9a: {  	[tilespmem:$0x978] =	vst v0  }
0x9b: {  	[tilespmem:$0x988] =	vst v0  }
0x9c: {  	[tilespmem:$0x998] =	vst v0  }
0x9d: {  	[tilespmem:$0x9A8] =	vst v0  }
0x9e: {  	[tilespmem:$0x9B8] =	vst v0  }
0x9f: {  	[tilespmem:$0x9C8] =	vst v0  }
0xa0: {  	[tilespmem:$0x9D8] =	vst v0  }
0xa1: {  	[tilespmem:$0x9E8] =	vst v0  }
0xa2: {  	[tilespmem:$0x9F8] =	vst v0  }
0xa3: {  	[tilespmem:$0xA08] =	vst v0  }
0xa4: {  	[tilespmem:$0xA18] =	vst v0  }
0xa5: {  	[tilespmem:$0xA28] =	vst v0  }
0xa6: {  	[tilespmem:$0xA38] =	vst v0  }
0xa7: {  	[tilespmem:$0xA48] =	vst v0  }
0xa8: {  	[tilespmem:$0xA58] =	vst v0  }
0xa9: {  	[tilespmem:$0xA68] =	vst v0  }
0xaa: {  	[tilespmem:$0xA78] =	vst v0  }
0xab: {  	[tilespmem:$0xA88] =	vst v0  }
0xac: {  	[tilespmem:$0xA98] =	vst v0  }
0xad: {  	[tilespmem:$0xAA8] =	vst v0  }
0xae: {  	[tilespmem:$0xAB8] =	vst v0  }
0xaf: {  	[tilespmem:$0xAC8] =	vst v0  }
0xb0: {  	[tilespmem:$0xAD8] =	vst v0  }
0xb1: {  	[tilespmem:$0xAE8] =	vst v0  }
0xb2: {  	[tilespmem:$0xAF8] =	vst v0  }
0xb3: {  	[tilespmem:$0xB08] =	vst v0  }
0xb4: {  	[tilespmem:$0xB18] =	vst v0  }
0xb5: {  	[tilespmem:$0xB28] =	vst v0  }
0xb6: {  	[tilespmem:$0xB38] =	vst v0  }
0xb7: {  	[tilespmem:$0xB48] =	vst v0  }
0xb8: {  	[tilespmem:$0xB58] =	vst v0  }
0xb9: {  	[tilespmem:$0xB68] =	vst v0  }
0xba: {  	[tilespmem:$0xB78] =	vst v0  }
0xbb: {  	[tilespmem:$0xB88] =	vst v0  }
0xbc: {  	[tilespmem:$0xB98] =	vst v0  }
0xbd: {  	[tilespmem:$0xBA8] =	vst v0  }
0xbe: {  	[tilespmem:$0xBB8] =	vst v0  }
0xbf: {  	[tilespmem:$0xBC8] =	vst v0  }
0xc0: {  	[tilespmem:$0xBD8] =	vst v0  }
0xc1: {  	[tilespmem:$0xBE8] =	vst v0  }
0xc2: {  	[tilespmem:$0xBF8] =	vst v0  }
0xc3: {  	[tilespmem:$0xC08] =	vst v0  }
0xc4: {  	[tilespmem:$0xC18] =	vst v0  }
0xc5: {  	[tilespmem:$0xC28] =	vst v0  }
0xc6: {  	[tilespmem:$0xC38] =	vst v0  }
0xc7: {  	[tilespmem:$0xC48] =	vst v0  }
0xc8: {  	[tilespmem:$0xC58] =	vst v0  }
0xc9: {  	[tilespmem:$0xC68] =	vst v0  }
0xca: {  	[tilespmem:$0xC78] =	vst v0  }
0xcb: {  	[tilespmem:$0xC88] =	vst v0  }
0xcc: {  	[tilespmem:$0xC98] =	vst v0  }
0xcd: {  	[tilespmem:$0xCA8] =	vst v0  }
0xce: {  	[tilespmem:$0xCB8] =	vst v0  }
0xcf: {  	[tilespmem:$0xCC8] =	vst v0  }
0xd0: {  	[tilespmem:$0xCD8] =	vst v0  }
0xd1: {  	[tilespmem:$0xCE8] =	vst v0  }
0xd2: {  	[tilespmem:$0xCF8] =	vst v0  }
0xd3: {  	[tilespmem:$0xD08] =	vst v0  }
0xd4: {  	[tilespmem:$0xD18] =	vst v0  }
0xd5: {  	[tilespmem:$0xD28] =	vst v0  }
0xd6: {  	[tilespmem:$0xD38] =	vst v0  }
0xd7: {  	[tilespmem:$0xD48] =	vst v0  }
0xd8: {  	[tilespmem:$0xD58] =	vst v0  }
0xd9: {  	[tilespmem:$0xD68] =	vst v0  }
0xda: {  	[tilespmem:$0xD78] =	vst v0  }
0xdb: {  	[tilespmem:$0xD88] =	vst v0  }
0xdc: {  	[tilespmem:$0xD98] =	vst v0  }
0xdd: {  	[tilespmem:$0xDA8] =	vst v0  }
0xde: {  	[tilespmem:$0xDB8] =	vst v0  }
0xdf: {  	[tilespmem:$0xDC8] =	vst v0  }
0xe0: {  	[tilespmem:$0xDD8] =	vst v0  }
0xe1: {  	[tilespmem:$0xDE8] =	vst v0  }
0xe2: {  	[tilespmem:$0xDF8] =	vst v0  }
0xe3: {  	[tilespmem:$0xE08] =	vst v0  }
0xe4: {  	[tilespmem:$0xE18] =	vst v0  }
0xe5: {  	[tilespmem:$0xE28] =	vst v0  }
0xe6: {  	[tilespmem:$0xE38] =	vst v0  }
0xe7: {  	[tilespmem:$0xE48] =	vst v0  }
0xe8: {  	[tilespmem:$0xE58] =	vst v0  }
0xe9: {  	[tilespmem:$0xE68] =	vst v0  }
0xea: {  	[tilespmem:$0xE78] =	vst v0  }
0xeb: {  	[tilespmem:$0xE88] =	vst v0  }
0xec: {  	[tilespmem:$0xE98] =	vst v0  }
0xed: {  	[tilespmem:$0xEA8] =	vst v0  }
0xee: {  	[tilespmem:$0xEB8] =	vst v0  }
0xef: {  	[tilespmem:$0xEC8] =	vst v0  }
0xf0: {  	[tilespmem:$0xED8] =	vst v0  }
0xf1: {  	[tilespmem:$0xEE8] =	vst v0  }
0xf2: {  	[tilespmem:$0xEF8] =	vst v0  }
0xf3: {  	[tilespmem:$0xF08] =	vst v0  }
0xf4: {  	[tilespmem:$0xF18] =	vst v0  }
0xf5: {  	[tilespmem:$0xF28] =	vst v0  }
0xf6: {  	[tilespmem:$0xF38] =	vst v0  }
0xf7: {  	[tilespmem:$0xF48] =	vst v0  }
0xf8: {  	[tilespmem:$0xF58] =	vst v0  }
0xf9: {  	[tilespmem:$0xF68] =	vst v0  }
0xfa: {  	[tilespmem:$0xF78] =	vst v0  }
0xfb: {  	[tilespmem:$0xF88] =	vst v0  }
0xfc: {  	[tilespmem:$0xF98] =	vst v0  }
0xfd: {  	[tilespmem:$0xFA8] =	vst v0  }
0xfe: {  	[tilespmem:$0xFB8] =	vst v0  }
0xff: {  	[tilespmem:$0xFC8] =	vst v0  }
0x100: {  	[tilespmem:$0xFD8] =	vst v0  }
0x101: {  	[tilespmem:$0xFE8] =	vst v0  }
0x102: {  	[tilespmem:$0xFF8] =	vst v0  }
0x103: {  	[tilespmem:$0x1028] =	vst v0  }
0x104: {  	[tilespmem:$0x10E8] =	vst v0  }
0x105: {  	[tilespmem:$0x1068] =	vst v0  }
0x106: {  	[tilespmem:$0x1058] =	vst v0  }
0x107: {  	[tilespmem:$0x1B28] =	vst v0  }
0x108: {  	[tilespmem:$0x1B18] =	vst v0  }
0x109: {  	[tilespmem:$0x1B08] =	vst v0  }
0x10a: {  	[tilespmem:$0x1AF8] =	vst v0  }
0x10b: {  	[tilespmem:$0x1AE8] =	vst v0  }
0x10c: {  	[tilespmem:$0x1AD8] =	vst v0  }
0x10d: {  	[tilespmem:$0x1AC8] =	vst v0  }
0x10e: {  	[tilespmem:$0x1AB8] =	vst v0  }
0x10f: {  	[tilespmem:$0x1AA8] =	vst v0  }
0x110: {  	[tilespmem:$0x1A98] =	vst v0  }
0x111: {  	[tilespmem:$0x1A88] =	vst v0  }
0x112: {  	[tilespmem:$0x1A78] =	vst v0  }
0x113: {  	[tilespmem:$0x1A68] =	vst v0  }
0x114: {  	[tilespmem:$0x1A58] =	vst v0  }
0x115: {  	[tilespmem:$0x1A48] =	vst v0  }
0x116: {  	[tilespmem:$0x1A38] =	vst v0  }
0x117: {  	[tilespmem:$0x1A28] =	vst v0  }
0x118: {  	[tilespmem:$0x1A18] =	vst v0  }
0x119: {  	[tilespmem:$0x1A08] =	vst v0  }
0x11a: {  	[tilespmem:$0x19F8] =	vst v0  }
0x11b: {  	[tilespmem:$0x19E8] =	vst v0  }
0x11c: {  	[tilespmem:$0x19D8] =	vst v0  }
0x11d: {  	[tilespmem:$0x19C8] =	vst v0  }
0x11e: {  	[tilespmem:$0x19B8] =	vst v0  }
0x11f: {  	[tilespmem:$0x19A8] =	vst v0  }
0x120: {  	[tilespmem:$0x1998] =	vst v0  }
0x121: {  	[tilespmem:$0x1988] =	vst v0  }
0x122: {  	[tilespmem:$0x1978] =	vst v0  }
0x123: {  	[tilespmem:$0x1968] =	vst v0  }
0x124: {  	[tilespmem:$0x1958] =	vst v0  }
0x125: {  	[tilespmem:$0x1948] =	vst v0  }
0x126: {  	[tilespmem:$0x1938] =	vst v0  }
0x127: {  	[tilespmem:$0x1928] =	vst v0  }
0x128: {  	[tilespmem:$0x1918] =	vst v0  }
0x129: {  	[tilespmem:$0x1908] =	vst v0  }
0x12a: {  	[tilespmem:$0x18F8] =	vst v0  }
0x12b: {  	[tilespmem:$0x18E8] =	vst v0  }
0x12c: {  	[tilespmem:$0x18D8] =	vst v0  }
0x12d: {  	[tilespmem:$0x18C8] =	vst v0  }
0x12e: {  	[tilespmem:$0x18B8] =	vst v0  }
0x12f: {  	[tilespmem:$0x18A8] =	vst v0  }
0x130: {  	[tilespmem:$0x1898] =	vst v0  }
0x131: {  	[tilespmem:$0x1888] =	vst v0  }
0x132: {  	[tilespmem:$0x1878] =	vst v0  }
0x133: {  	[tilespmem:$0x1868] =	vst v0  }
0x134: {  	[tilespmem:$0x1858] =	vst v0  }
0x135: {  	[tilespmem:$0x1848] =	vst v0  }
0x136: {  	[tilespmem:$0x1838] =	vst v0  }
0x137: {  	[tilespmem:$0x1828] =	vst v0  }
0x138: {  	[tilespmem:$0x1818] =	vst v0  }
0x139: {  	[tilespmem:$0x1808] =	vst v0  }
0x13a: {  	[tilespmem:$0x17F8] =	vst v0  }
0x13b: {  	[tilespmem:$0x17E8] =	vst v0  }
0x13c: {  	[tilespmem:$0x17D8] =	vst v0  }
0x13d: {  	[tilespmem:$0x17C8] =	vst v0  }
0x13e: {  	[tilespmem:$0x17B8] =	vst v0  }
0x13f: {  	[tilespmem:$0x17A8] =	vst v0  }
0x140: {  	[tilespmem:$0x1798] =	vst v0  }
0x141: {  	[tilespmem:$0x1788] =	vst v0  }
0x142: {  	[tilespmem:$0x1778] =	vst v0  }
0x143: {  	[tilespmem:$0x1768] =	vst v0  }
0x144: {  	[tilespmem:$0x1758] =	vst v0  }
0x145: {  	[tilespmem:$0x1748] =	vst v0  }
0x146: {  	[tilespmem:$0x1738] =	vst v0  }
0x147: {  	[tilespmem:$0x1728] =	vst v0  }
0x148: {  	[tilespmem:$0x1718] =	vst v0  }
0x149: {  	[tilespmem:$0x1708] =	vst v0  }
0x14a: {  	[tilespmem:$0x16F8] =	vst v0  }
0x14b: {  	[tilespmem:$0x16E8] =	vst v0  }
0x14c: {  	[tilespmem:$0x16D8] =	vst v0  }
0x14d: {  	[tilespmem:$0x16C8] =	vst v0  }
0x14e: {  	[tilespmem:$0x16B8] =	vst v0  }
0x14f: {  	[tilespmem:$0x16A8] =	vst v0  }
0x150: {  	[tilespmem:$0x1698] =	vst v0  }
0x151: {  	[tilespmem:$0x1688] =	vst v0  }
0x152: {  	[tilespmem:$0x1678] =	vst v0  }
0x153: {  	[tilespmem:$0x1668] =	vst v0  }
0x154: {  	[tilespmem:$0x1658] =	vst v0  }
0x155: {  	[tilespmem:$0x1648] =	vst v0  }
0x156: {  	[tilespmem:$0x1638] =	vst v0  }
0x157: {  	[tilespmem:$0x1628] =	vst v0  }
0x158: {  	[tilespmem:$0x1618] =	vst v0  }
0x159: {  	[tilespmem:$0x1608] =	vst v0  }
0x15a: {  	[tilespmem:$0x15F8] =	vst v0  }
0x15b: {  	[tilespmem:$0x15E8] =	vst v0  }
0x15c: {  	[tilespmem:$0x15D8] =	vst v0  }
0x15d: {  	[tilespmem:$0x15C8] =	vst v0  }
0x15e: {  	[tilespmem:$0x15B8] =	vst v0  }
0x15f: {  	[tilespmem:$0x15A8] =	vst v0  }
0x160: {  	[tilespmem:$0x1598] =	vst v0  }
0x161: {  	[tilespmem:$0x1588] =	vst v0  }
0x162: {  	[tilespmem:$0x1578] =	vst v0  }
0x163: {  	[tilespmem:$0x1568] =	vst v0  }
0x164: {  	[tilespmem:$0x1558] =	vst v0  }
0x165: {  	[tilespmem:$0x1548] =	vst v0  }
0x166: {  	[tilespmem:$0x1538] =	vst v0  }
0x167: {  	[tilespmem:$0x1528] =	vst v0  }
0x168: {  	[tilespmem:$0x1518] =	vst v0  }
0x169: {  	[tilespmem:$0x1508] =	vst v0  }
0x16a: {  	[tilespmem:$0x14F8] =	vst v0  }
0x16b: {  	[tilespmem:$0x14E8] =	vst v0  }
0x16c: {  	[tilespmem:$0x14D8] =	vst v0  }
0x16d: {  	[tilespmem:$0x14C8] =	vst v0  }
0x16e: {  	[tilespmem:$0x14B8] =	vst v0  }
0x16f: {  	[tilespmem:$0x14A8] =	vst v0  }
0x170: {  	[tilespmem:$0x1498] =	vst v0  }
0x171: {  	[tilespmem:$0x1488] =	vst v0  }
0x172: {  	[tilespmem:$0x1478] =	vst v0  }
0x173: {  	[tilespmem:$0x1468] =	vst v0  }
0x174: {  	[tilespmem:$0x1458] =	vst v0  }
0x175: {  	[tilespmem:$0x1448] =	vst v0  }
0x176: {  	[tilespmem:$0x1438] =	vst v0  }
0x177: {  	[tilespmem:$0x1428] =	vst v0  }
0x178: {  	[tilespmem:$0x1418] =	vst v0  }
0x179: {  	[tilespmem:$0x1408] =	vst v0  }
0x17a: {  	[tilespmem:$0x13F8] =	vst v0  }
0x17b: {  	[tilespmem:$0x13E8] =	vst v0  }
0x17c: {  	[tilespmem:$0x13D8] =	vst v0  }
0x17d: {  	[tilespmem:$0x13C8] =	vst v0  }
0x17e: {  	[tilespmem:$0x13B8] =	vst v0  }
0x17f: {  	[tilespmem:$0x13A8] =	vst v0  }
0x180: {  	[tilespmem:$0x1398] =	vst v0  }
0x181: {  	[tilespmem:$0x1388] =	vst v0  }
0x182: {  	[tilespmem:$0x1378] =	vst v0  }
0x183: {  	[tilespmem:$0x1368] =	vst v0  }
0x184: {  	[tilespmem:$0x1358] =	vst v0  }
0x185: {  	[tilespmem:$0x1348] =	vst v0  }
0x186: {  	[tilespmem:$0x1338] =	vst v0  }
0x187: {  	[tilespmem:$0x1328] =	vst v0  }
0x188: {  	[tilespmem:$0x1318] =	vst v0  }
0x189: {  	[tilespmem:$0x1308] =	vst v0  }
0x18a: {  	[tilespmem:$0x12F8] =	vst v0  }
0x18b: {  	[tilespmem:$0x12E8] =	vst v0  }
0x18c: {  	[tilespmem:$0x12D8] =	vst v0  }
0x18d: {  	[tilespmem:$0x12C8] =	vst v0  }
0x18e: {  	[tilespmem:$0x12B8] =	vst v0  }
0x18f: {  	[tilespmem:$0x12A8] =	vst v0  }
0x190: {  	[tilespmem:$0x1298] =	vst v0  }
0x191: {  	[tilespmem:$0x1288] =	vst v0  }
0x192: {  	[tilespmem:$0x1278] =	vst v0  }
0x193: {  	[tilespmem:$0x1268] =	vst v0  }
0x194: {  	[tilespmem:$0x1258] =	vst v0  }
0x195: {  	[tilespmem:$0x1248] =	vst v0  }
0x196: {  	[tilespmem:$0x1238] =	vst v0  }
0x197: {  	[tilespmem:$0x1228] =	vst v0  }
0x198: {  	[tilespmem:$0x1218] =	vst v0  }
0x199: {  	[tilespmem:$0x1208] =	vst v0  }
0x19a: {  	[tilespmem:$0x11F8] =	vst v0  }
0x19b: {  	[tilespmem:$0x11E8] =	vst v0  }
0x19c: {  	[tilespmem:$0x11D8] =	vst v0  }
0x19d: {  	[tilespmem:$0x11C8] =	vst v0  }
0x19e: {  	[tilespmem:$0x11B8] =	vst v0  }
0x19f: {  	[tilespmem:$0x11A8] =	vst v0  }
0x1a0: {  	[tilespmem:$0x1198] =	vst v0  }
0x1a1: {  	[tilespmem:$0x1188] =	vst v0  }
0x1a2: {  	[tilespmem:$0x1178] =	vst v0  }
0x1a3: {  	[tilespmem:$0x1168] =	vst v0  }
0x1a4: {  	[tilespmem:$0x1158] =	vst v0  }
0x1a5: {  	[tilespmem:$0x1148] =	vst v0  }
0x1a6: {  	[tilespmem:$0x1138] =	vst v0  }
0x1a7: {  	s4 =	stileid.u32;
	[tilespmem:$0x1128] =	vst v0  }
0x1a8: {  	s0 =	smul.u32 $0x39, s4;
	[tilespmem:$0x1118] =	vst v0  }
0x1a9: {  	s2 =	smin.u32 s4, $0xE;
	[tilespmem:$0x1108] =	vst v0  }
0x1aa: {  	[tilespmem:$0x10F8] =	vst v0;
	s0 =	sadd.s32 s2, s0  }
0x1ab: {  	p0 =	slt.u32 s4, $0xE;
	[tilespmem:$0x10C8] =	vst v0;
	s2 =	simm.s32 $0x61E0;
	s6 =	smul.u32 $0x1B0, s0  }
0x1ac: {  	s2 =	simm.s32 @!p0 $0x6030;
	[tilespmem:$0x10D8] =	vst v0  }
0x1ad: {  	[tilespmem:$0x10B8] =	vst v0;
	s0 =	sadd.s32 s2, s6  }
0x1ae: {  	s5 =	simm.s32 $0x2;
	[tilespmem:$0x1038] =	vst v0;
	s7 =	smin.u32 s0, $0x61A80  }
0x1af: {  	s8 =	simm.s32 $0x9;
	s10 =	simm.s32 $0xA;
	[tilespmem:$0x10A8] =	vst v0;
	s0 =	ssub.s32 s7, s6  }
0x1b0: {  	s30 =	simm.s32 $0xB;
	s16 =	simm.s32 $0x0;
	[tilespmem:$0x1098] =	vst v0;
	p0 =	sgt.s32 s0, $0x0  }
0x1b1: {  	p4 =	por $0x0, $0x0;
	s17 =	simm.s32 $0xC;
	[tilespmem:$0x1088] =	vst v0;
	s0 =	simm.s32 @!p0 $0x0  }
0x1b2: {  	s21 =	simm.s32 $0x0;
	s18 =	simm.s32 $0x0;
	[tilespmem:$0x1078] =	vst v0;
	s28 =	smulhi.u32 $0x4BDA12F7, s0  }
0x1b3: {  	s20 =	simm.s32 $0x0;
	s3 =	sand.u32 $0x1, s3;
	s31 =	sshll.u32 s4, $0x5;
	[tilespmem:$0x1048] =	vst v0  }
0x1b4: {  	s2 =	sshrl.u32 s28, $0x7;
	[tilespmem:$0x1018] =	vst v0;
	[dreg:$0x6] =	wrdreg s3;
	s3 =	smul.u32 $0xC350, s3  }
0x1b5: {  	[tilespmem:$0x1008] =	vst v0;
	[sflag:s5] =	ssyncpa.u1 $0x0;
	v0 =	vimm.s32 $0xFFFFFFFF;
	[dreg:$0x5] =	wrdreg s31;
	s29 =	smul.u32 $0x1B0, s2  }
.Ltmp0:
0x1b6: {  	[tilespmem:$0x3648] =	vst v0;
	[sflag:s8] =	ssyncpa.u1 $0x0;
	s3 =	sadd.s32 s3, s11;
	(pc) =	sbr.rel .LBB2_1-.Ltmp0, $4  }
0x1b7: {  	[sflag:s10] =	ssyncpa.u1 $0x0;
	s11 =	sadd.s32 $0x211D400, s11;
	p0 =	sne.s32 s0, s29  }
0x1b8: {  	[sflag:s30] =	ssyncpa.u1 $0x0;
	s14 =	sadd.s32 $0x93200, s3;
	s12 =	simm.s32 @!p0 $0x0  }
0x1b9: {  	s15 =	sadd.s32 $0x7AA00, s3;
	s19 =	smov.u32 s6;
	s12 =	sadd.s32 s12, s2  }
0x1ba: {  	v0 =	vlaneseq.u32;
	[dreg:$0x7] =	wrdreg s6;
	p0 =	por $0x1, $0x1;
	s4 =	sadd.s32 $0x1, s12  }
.LBB2_18:
0x1bb: {  	s0 =	simm.s32 $0x2  }
0x1bc: {  	_ =	swait.ge [sflag:s0], $0x0  }
0x1bd: {  	[sflag:s0] =	ssyncset.done $0x0;
	s0 =	simm.s32 $0x0  }
.LBB2_19:
0x1be: {  	_ =	swait.ge [sflag:s17], s0  }
0x1bf: {  	s31 =	ssub.s32 $0x0, s0;
	v1 =	vmov s23;
	vm0 =	veq.s32 v0, $0x0;
	[sflag:s17] =	ssyncset.done $0x0  }
0x1c0: {  	vm15 =	veq.s32 v0, $0x2;
	v1 =	vsel vm0, s28, v1;
	[sflag:s17] =	ssyncadd.s32 s31  }
0x1c1: {  	v1 =	vsel vm15, s21, v1;
	[sflag:s17] =	ssyncpa.u1 $0x1  }
0x1c2: {  	[tilespmem:$0x3648] =	vst v1  }
.LBB2_20:
0x1c3: {  	s0 =	sadd.s32 $0x1B0, s19  }
0x1c4: {  	s2 =	smov.u32 s6;
	p1 =	slt.s32 s0, s7  }
0x1c5: {  	s2 =	smov.u32 @p1 s0;
	p1 =	sne.s32 s20, s4  }
.Ltmp1:
0x1c6: {  	_ = 	snop;
	(pc) =	sbr.rel @!p1 .LBB2_21-.Ltmp1, $4  }
0x1c7: {  	_ = 	snop  }
0x1c8: {  	s21 =	smov.u32 s18  }
0x1c9: {  	s31 =	sadd.s32 $0x1, s20;
	s18 =	smov.u32 s19;
	p0 =	por !p0, !p0  }
0x1ca: {  	p4 =	por !p4, !p4;
	s20 =	smov.u32 s31;
	s19 =	smov.u32 s2  }
.LBB2_1:
0x1cb: {  	p2 =	sge.u32 s20, s12  }
0x1cc: {  	s0 =	smulhi.u32 @!p2 $0xAAAAAAAB, s20  }
0x1cd: {  	s2 =	smov.u32 s19;
	p3 =	sgt.s32 @!p2 s19, $0x618D0  }
0x1ce: {  	s3 =	sshra.s32 @!p2 s19, $0x1F;
	p3 =	por !p3, p2;
	s0 =	sshrl.u32 @!p2 s0, $0x1  }
0x1cf: {  	s3 =	sand.u32 @!p2 s3, s19;
	s2 =	simm.s32 @p3 $0x618D0;
	s0 =	smul.u32 @!p2 $0x3, s0  }
0x1d0: {  	s2 =	ssub.s32 @!p2 s2, s3  }
0x1d1: {  	s23 =	sadd.s32 $0xFFFFFFFF, s20;
	s2 =	sadd.s32 @!p2 $0xFFF9E730, s2;
	s0 =	ssub.s32 @!p2 s20, s0  }
0x1d2: {  	s3 =	sshll.u32 @!p2 s2, $0x2;
	p3 =	sgt.s32 @!p2 s2, $0x1AF;
	s0 =	smul.u32 @!p2 $0x6C0, s0  }
0x1d3: {  	s5 =	sand.u32 @!p2 $0x7, s19;
	s2 =	ssub.s32 @!p2 $0x6C0, s3;
	p3 =	por !p3, p2  }
0x1d4: {  	s3 =	sshrl.u32 @!p2 s19, $0x3;
	s2 =	sshrl.u32 @!p2 s2, $0x2;
	s0 =	sshrl.u32 @!p2 s0, $0x2  }
0x1d5: {  	s3 =	sadd.s32 @!p2 s3, s14;
	s2 =	simm.s32 @!p3 $0x0;
	s0 =	sadd.s32 @!p2 $0x3888, s0  }
0x1d6: {  	[tilespmem:s0], [sflag:$0xA] =	stream.linear.gather @!p2 [hbm4b:s3+s5], s2, $0x38;
	[tilespmem:$0x1F0F8] =	vst v63  }
0x1d7: {  	p2 =	sge.u32 s23, s12  }
0x1d8: {  	p3 =	sgt.s32 @!p2 s18, $0x618D0  }
0x1d9: {  	s0 =	smov.u32 s18;
	s2 =	sshra.s32 @!p2 s18, $0x1F;
	p3 =	por !p3, p2  }
0x1da: {  	s2 =	sand.u32 @!p2 s2, s18;
	s0 =	simm.s32 @p3 $0x618D0  }
0x1db: {  	s0 =	ssub.s32 @!p2 s0, s2  }
0x1dc: {  	s0 =	sadd.s32 @!p2 $0xFFF9E730, s0  }
0x1dd: {  	s2 =	sshll.u32 @!p2 s0, $0x2  }
0x1de: {  	p3 =	sgt.s32 @!p2 s0, $0x1AF;
	s0 =	ssub.s32 @!p2 $0x6C0, s2  }
0x1df: {  	s22 =	ssub.s32 @!p2 $0x61A80, s18;
	p3 =	por !p3, p2;
	s0 =	sshrl.u32 @!p2 s0, $0x2  }
0x1e0: {  	s2 =	sand.u32 @!p2 $0x1, s23;
	s0 =	simm.s32 @!p3 $0x0;
	p3 =	slt.s32 @!p2 s22, $0x1  }
0x1e1: {  	s3 =	simm.s32 @!p2 $0xA;
	s2 =	smul.u32 @!p2 $0x6C0, s2;
	p3 =	por p2, p3  }
.Ltmp2:
0x1e2: {  	_ =	swait.ge @!p2 [sflag:s3], s0;
	(pc) =	sbr.rel @p3 .LBB2_7-.Ltmp2, $4  }
0x1e3: {  	s5 =	ssub.s32 @!p2 $0x0, s0;
	[sflag:s3] =	ssyncset.done @!p2 $0x0  }
0x1e4: {  	s2 =	sshrl.u32 @!p2 s2, $0x2;
	[sflag:s3] =	ssyncadd.s32 @!p2 s5;
	s3 =	sshrl.u32 @!p2 s18, $0x3  }
0x1e5: {  	s2 =	sadd.s32 @!p2 $0x3D98, s2;
	s5 =	sand.u32 @!p2 $0x7, s18;
	s3 =	sadd.s32 @!p2 s3, s15  }
0x1e6: {  	[tilespmem:s2], [sflag:$0xB] =	stream.linear.gather @!p2 [hbm4b:s3+s5], s0, $0x38;
	[tilespmem:$0x1F0F8] =	vst v63  }
0x1e7: {  	s0 =	smulhi.u32 $0xAAAAAAAB, s23;
	_ =	sdelay $0x1  }
0x1e8: {  	s0 =	sshrl.u32 s0, $0x1  }
0x1e9: {  	s0 =	smul.u32 $0x3, s0;
	_ =	sdelay $0x1  }
0x1ea: {  	s0 =	ssub.s32 s23, s0  }
0x1eb: {  	s2 =	simm.s32 $0x1;
	s0 =	smul.u32 $0x6C0, s0  }
.Ltmp3:
0x1ec: {  	s2 =	simm.s32 @!p0 $0x0;
	(pc) =	sbr.rel .LBB2_4-.Ltmp3, $4  }
0x1ed: {  	s2 =	smul.u32 $0x36000, s2  }
0x1ee: {  	p3 =	slt.s32 @!p2 s22, $0x1B0;
	s0 =	sshrl.u32 s0, $0x2  }
0x1ef: {  	p2 =	por !p3, p2;
	s2 =	sshrl.u32 s2, $0x2;
	s0 =	sadd.s32 $0x3888, s0  }
0x1f0: {  	s24 =	simm.s32 $0x0;
	s22 =	simm.s32 @p2 $0x1B0;
	s23 =	sadd.s32 $0x40F8, s2;
	v1 =	vmov s0  }
.LBB2_3:
0x1f1: {  	p2 =	sge.s32 s24, s22  }
.Ltmp4:
0x1f2: {  	_ = 	snop;
	(pc) =	sbr.rel @p2 .LBB2_7-.Ltmp4, $2  }
0x1f3: {  	_ =	sdelay $0x2  }
0x1f4: {  	s23 =	sadd.s32 $0x800, s23  }
.LBB2_4:
0x1f5: {  	p2 =	sle.s32 s22, s24  }
.Ltmp5:
0x1f6: {  	_ = 	snop;
	(pc) =	sbr.rel @p2 .LBB2_3-.Ltmp5, $2  }
0x1f7: {  	_ =	sdelay $0x2  }
0x1f8: {  	s0 =	smov.u32 s24;
	s24 =	sadd.s32 $0x10, s24  }
0x1f9: {  	s2 =	ssub.s32 s22, s0  }
0x1fa: {  	p2 =	slt.s32 s2, $0x10  }
0x1fb: {  	s2 =	simm.s32 @!p2 $0x10  }
0x1fc: {  	v2 =	vmov s2  }
0x1fd: {  	vm0 =	vgt.s32 v2, v0;
	_ =	sdelay $0x5  }
0x1fe: {  	v2 =	vld.idx.msk [tilespmem:v1+s0+$0x0 ss:$0x1], vm0;
	_ =	sdelay $0x2  }
0x1ff: {  	p2 =	slt.s32 s24, s22;
	s2 =	smov.u32 s22  }
0x200: {  	s3 =	smov.u32 s23;
	s25 =	simm.s32 $0x0;
	s2 =	smov.u32 @p2 s24  }
.LBB2_6:
0x201: {  	(v2sf) =	vpush v2, s25;
	_ =	sdelay $0xc  }
0x202: {  	s25 =	sadd.s32 $0x1, s25  }
0x203: {  	s31 =	sadd.s32 s25, s0  }
0x204: {  	p2 =	slt.s32 s31, s2;
	s5 =	spop (v2sf)  }
.Ltmp6:
0x205: {  	s5 =	sshll.u32 s5, $0x4;
	(pc) =	sbr.rel @p2 .LBB2_6-.Ltmp6, $4  }
0x206: {  	s5 =	sand.u32 $0x1FFFFFF0, s5  }
0x207: {  	s5 =	sadd.s32 s11, s5  }
0x208: {  	[tilespmem:s3], [sflag:$0x9] =	stream.linear.gather [hbm4b:s5+s16], $0x3, $0x38;
	[tilespmem:$0x1F0F8] =	vst v63  }
0x209: {  	s3 =	sadd.s32 $0x80, s3  }
.Ltmp7:
0x20a: {  	_ = 	snop;
	(pc) =	sbr.rel .LBB2_3-.Ltmp7, $1  }
0x20b: {  	_ =	sdelay $0x3  }
.LBB2_7:
0x20c: {  	p2 =	slt.u32 s20, $0x2  }
.Ltmp8:
0x20d: {  	_ = 	snop;
	(pc) =	sbr.rel @p2 .LBB2_20-.Ltmp8, $1  }
0x20e: {  	_ =	sdelay $0x3  }
0x20f: {  	s0 =	ssub.s32 $0x61A80, s21;
	p2 =	sgt.s32 s21, $0x618D0  }
0x210: {  	s2 =	smov.u32 s21;
	s3 =	sshra.s32 s21, $0x1F;
	p3 =	slt.s32 s0, $0x1B0  }
0x211: {  	s2 =	simm.s32 @!p2 $0x618D0;
	s3 =	sand.u32 s3, s21;
	s0 =	simm.s32 @!p3 $0x1B0  }
0x212: {  	s2 =	ssub.s32 s2, s3;
	s0 =	smul.u32 $0xC, s0  }
0x213: {  	s2 =	sadd.s32 $0xFFF9E730, s2  }
0x214: {  	s26 =	simm.s32 $0x9;
	s24 =	sshll.u32 s2, $0x2;
	s0 =	sshrl.u32 s0, $0x2  }
0x215: {  	p2 =	sgt.s32 s2, $0x1AF;
	s25 =	ssub.s32 $0x6C0, s24;
	_ =	swait.ge [sflag:s26], s0  }
0x216: {  	s0 =	ssub.s32 $0x0, s0;
	s2 =	sshrl.u32 s25, $0x2;
	[sflag:s26] =	ssyncset.done $0x0  }
0x217: {  	s28 =	simm.s32 $0xB;
	s2 =	simm.s32 @p2 $0x0;
	[sflag:s26] =	ssyncadd.s32 s0  }
0x218: {  	_ =	swait.ge [sflag:s28], s2  }
0x219: {  	s30 =	ssub.s32 $0x0, s2;
	[sflag:s28] =	ssyncset.done $0x0  }
0x21a: {  	[sflag:s28] =	ssyncadd.s32 s30  }
0x21b: {  	v1 =	vld [tilespmem:$0x3648];
	_ =	sdelay $0x4  }
0x21c: {  	(v2sf) =	vpush v1, $0x0  }
0x21d: {  	(v2sf) =	vpush v1, $0x1  }
0x21e: {  	(v2sf) =	vpush v1, $0x2;
	_ =	sdelay $0x3  }
0x21f: {  	s0 =	sadd.s32 $0x1B0, s21  }
0x220: {  	p2 =	slt.s32 s7, s0;
	s2 =	ssub.s32 $0xC3500, s21  }
0x221: {  	s0 =	smov.u32 @p2 s7;
	p2 =	sgt.s32 s2, $0x0  }
0x222: {  	s25 =	ssub.s32 s0, s21;
	s2 =	simm.s32 @!p2 $0x0  }
0x223: {  	p2 =	slt.s32 s2, s25  }
0x224: {  	s25 =	smov.u32 @p2 s2  }
0x225: {  	s24 =	simm.s32 $0x1;
	p2 =	slt.s32 s25, $0x1  }
.Ltmp9:
0x226: {  	s24 =	simm.s32 @!p4 $0x0;
	(pc) =	sbr.rel @p2 .LBB2_12-.Ltmp9, $4  }
0x227: {  	s31 =	smul.u32 $0x6C0, s24  }
0x228: {  	s26 =	spop (v2sf)  }
0x229: {  	s0 =	sshrl.u32 s31, $0x2;
	s29 =	spop (v2sf)  }
0x22a: {  	s22 =	sadd.s32 $0x3D98, s0;
	s21 =	spop (v2sf)  }
0x22b: {  	s0 =	smin.u32 s25, $0x10  }
0x22c: {  	v1 =	vmov s0  }
0x22d: {  	p3 =	sgt.s32 s25, $0x10;
	vm1 =	vgt.u32 v1, v0  }
.Ltmp10:
0x22e: {  	_ = 	snop;
	(pc) =	sbr.rel @!p3 .LBB2_11-.Ltmp10, $2  }
0x22f: {  	_ =	sdelay $0x2  }
0x230: {  	s23 =	simm.s32 $0x10;
	s28 =	sadd.s32 $0xFFFFFFF0, s25;
	s0 =	smov.u32 s22;
	vm0 =	vmmov vm1  }
.LBB2_10:
0x231: {  	s2 =	smin.u32 s28, $0x10;
	s23 =	sadd.s32 $0x10, s23;
	v1 =	vld.msk [tilespmem:s0+$0x0 ss:$0x1], vm1  }
0x232: {  	v2 =	vmov s2;
	p3 =	slt.s32 s23, s25  }
0x233: {  	vm1 =	vgt.u32 v2, v0  }
.Ltmp11:
0x234: {  	(pc) =	sbr.rel @p3 .LBB2_10-.Ltmp11, $3  }
0x235: {  	_ =	sdelay $0x1  }
0x236: {  	v1 =	vshll.u32 v1, $0x4  }
0x237: {  	s28 =	sadd.s32 $0xFFFFFFF0, s28;
	[tilespmem:s0+$0x0] =	vst.msk vm0, v1;
	s0 =	sadd.s32 $0x10, s0;
	vm0 =	vmmov vm1  }
.LBB2_11:
0x238: {  	_ =	sdelay $0x4  }
0x239: {  	v1 =	vld.msk [tilespmem:s0+$0x0 ss:$0x1], vm1;
	_ =	sdelay $0x4  }
0x23a: {  	v1 =	vshll.u32 v1, $0x4  }
0x23b: {  	[tilespmem:s0+$0x0] =	vst.msk vm0, v1  }
.LBB2_12:
0x23c: {  	s0 =	sand.u32 $0x1, s20  }
0x23d: {  	s0 =	smul.u32 $0x1B0, s0  }
0x23e: {  	p3 =	sne.s32 s29, $0xFFFFFFFF  }
0x23f: {  	v1 =	vld.msk @!p3 [tilespmem:s0+$0x3D98], $0x1;
	_ =	sdelay $0x4  }
0x240: {  	(v2sf) =	vpush @!p3 v1, $0x0;
	_ =	sdelay $0xc  }
.Ltmp12:
0x241: {  	_ = 	snop;
	(pc) =	sbr.rel @p2 .LBB2_18-.Ltmp12, $4  }
0x242: {  	_ = 	snop  }
0x243: {  	s28 =	spop @!p3 (v2sf)  }
0x244: {  	s21 =	simm.s32 @!p3 $0x0;
	s23 =	smov.u32 s28  }
0x245: {  	[sflag:s17] =	ssyncpa.u1 $0x0;
	s28 =	smov.u32 @p3 s26;
	s23 =	smov.u32 @p3 s29  }
0x246: {  	v1 =	vld.msk [tilespmem:s22+$0x0], $0x1;
	_ =	sdelay $0x4  }
0x247: {  	(v2sf) =	vpush v1, $0x0;
	_ =	sdelay $0xe  }
0x248: {  	s0 =	simm.s32 @!p4 $0x0;
	s26 =	smul.u32 $0x36000, s24;
	s31 =	spop (v2sf)  }
0x249: {  	s29 =	ssub.s32 $0x0, s25;
	s0 =	simm.s32 @p4 $0x1;
	p2 =	seq.s32 s28, s31  }
0x24a: {  	s2 =	smov.u32 s28;
	[smem:$0x7FD] =	sst s0;
	p3 =	sgt.s32 @!p2 s28, $0x0  }
0x24b: {  	s0 =	sshrl.u32 s26, $0x2;
	s26 =	sadd.s32 $0x1, s29;
	p3 =	por !p3, p2  }
0x24c: {  	s2 =	simm.s32 @p3 $0x0;
	p3 =	seq.s32 s26, $0x0  }
.Ltmp13:
0x24d: {  	_ = 	snop;
	(pc) =	sbr.rel @p3 .LBB2_15-.Ltmp13, $4  }
0x24e: {  	s6 =	smov.u32 s4;
	s25 =	simm.s32 $0x0  }
0x24f: {  	s24 =	sadd.s32 $0x40F8, s0;
	s0 =	simm.s32 @!p2 $0x1;
	s3 =	smin.u32 @!p2 s2, $0xC34FF  }
0x250: {  	s30 =	sadd.s32 $0x1, s22;
	s0 =	smov.u32 @p2 s25;
	s5 =	sand.u32 @!p2 $0xFFFF8, s3  }
0x251: {  	s2 =	simm.s32 @!p2 $0x1B38;
	s3 =	sand.u32 @!p2 $0x7, s3;
	s5 =	sadd.s32 @!p2 s1, s5  }
.LBB2_14:
0x252: {  	s4 =	smov.u32 s0  }
0x253: {  	[tilespmem:s2], [sflag:$0x2] =	stream.linear.gather @!p2 [hbm4b:s5+s3], $0x3, $0x38;
	[tilespmem:$0x1F0F8] =	vst v63  }
0x254: {  	s26 =	sadd.s32 $0x1, s26;
	s3 =	smov.u32 s31;
	v1 =	vld.msk [tilespmem:s30+$0x0], $0x1  }
0x255: {  	p3 =	seq.s32 s26, $0x0;
	_ =	sdelay $0x3  }
0x256: {  	(v2sf) =	vpush v1, $0x0;
	_ =	sdelay $0xe  }
0x257: {  	s31 =	spop (v2sf)  }
0x258: {  	p2 =	seq.s32 s3, s31  }
0x259: {  	p4 =	sgt.s32 @!p2 s3, $0x0;
	s2 =	sshll.u32 @!p2 s0, $0x6;
	s0 =	sadd.s32 @!p2 $0x1, s0  }
.Ltmp14:
0x25a: {  	p4 =	por !p4, p2;
	s2 =	sshra.s32 @!p2 s2, $0x2;
	(pc) =	sbr.rel @!p3 .LBB2_14-.Ltmp14, $4  }
0x25b: {  	s0 =	smov.u32 @p2 s4;
	s3 =	simm.s32 @p4 $0x0;
	s2 =	sadd.s32 @!p2 $0x1B38, s2  }
0x25c: {  	s3 =	smin.u32 @!p2 s3, $0xC34FF  }
0x25d: {  	s4 =	sand.u32 @!p2 $0xFFFF8, s3;
	s3 =	sand.u32 @!p2 $0x7, s3  }
0x25e: {  	s30 =	sadd.s32 $0x1, s30;
	s5 =	sadd.s32 @!p2 s1, s4  }
.LBB2_15:
0x25f: {  	s0 =	smul.u32 $0xC, s0  }
0x260: {  	[tilespmem:s2], [sflag:$0x2] =	stream.linear.gather @!p2 [hbm4b:s5+s3], $0x3, $0x38;
	[tilespmem:$0x1F0F8] =	vst v63  }
0x261: {  	s31 =	simm.s32 $0x2;
	s0 =	sshrl.u32 s0, $0x2  }
0x262: {  	_ =	swait.ge [sflag:s31], s0  }
0x263: {  	s0 =	ssub.s32 $0x0, s0;
	[sflag:s31] =	ssyncset.done $0x0  }
0x264: {  	[sflag:s31] =	ssyncadd.s32 s0  }
0x265: {  	v1 =	vld.msk [tilespmem:s22+$0x0], $0x1;
	_ =	sdelay $0x4  }
0x266: {  	(v2sf) =	vpush v1, $0x0;
	_ =	sdelay $0xe  }
0x267: {  	s26 =	spop (v2sf)  }
0x268: {  	p2 =	sne.s32 s28, s26  }
0x269: {  	p4 =	sne.s32 @p2 s28, s23  }
0x26a: {  	p3 =	por !p4, !p2  }
0x26b: {  	s0 =	simm.s32 @!p3 $0x0  }
0x26c: {  	v1 =	vld.msk @!p3 [tilespmem:s0+$0x1B38], $0x7  }
0x26d: {  	p5 =	sgt.u32 @!p3 s28, $0xC34FF  }
0x26e: {  	s2 =	sshll.u32 @!p3 s21, $0x6;
	p6 =	por @p2 p5, !p4  }
0x26f: {  	s2 =	sshra.s32 @!p3 s2, $0x2;
	p1 =	por p6, !p2;
	p6 =	por p4, !p2  }
0x270: {  	s3 =	sadd.s32 @!p3 $0x28, s2;
	s4 =	sand.u32 @!p1 $0xFFFF8, s28;
	s5 =	sshll.u32 @!p6 s21, $0x6  }
0x271: {  	s28 =	sand.u32 @!p1 $0x7, s28;
	[tilespmem:s2+$0x28] =	vst.add.f32.msk @!p3 $0x7, v1;
	s2 =	sadd.s32 @!p1 s1, s4;
	s4 =	sshra.s32 @!p6 s5, $0x2  }
0x272: {  	[hbm4b:s2+s28] =	stream.linear.scatter @!p1 [tilespmem:s3], [sflag:$0xC], $0x3, $0x38;
	[tilespmem:$0x1F0F8] =	vst v63  }
0x273: {  	s0 =	rddreg [dreg:$0x5];
	s2 =	sadd.s32 @!p6 $0x28, s4;
	s3 =	simm.s32 @!p6 $0x1  }
0x274: {  	[spmem:s0] =	stream.linear.scatter @!p6 [tilespmem:s2], [sflag:$0x1], $0x3, $0x38;
	[tilespmem:$0x1F0F8] =	vst v63  }
0x275: {  	s0 =	sadd.s32 @p2 $0x1, s21;
	_ =	swait.ge @!p6 [sflag:s3], $0x3  }
0x276: {  	s2 =	sshrl.u32 @p2 s0, $0x4;
	[sflag:s3] =	ssyncset.done @!p6 $0x0  }
0x277: {  	s2 =	smulhi.u32 @p2 $0x97B425F, s2;
	[sflag:s3] =	ssyncadd.s32 @!p6 $0xFFFFFFFD  }
0x278: {  	s28 =	sadd.s32 $0x1, s29;
	v1 =	vld.msk @p2 [tilespmem:s24+$0x0], $0x7  }
0x279: {  	p1 =	por @p2 !p5, !p4;
	p4 =	seq.s32 s28, $0x0;
	s2 =	smul.u32 @p2 $0x1B0, s2  }
.Ltmp15:
0x27a: {  	p1 =	por !p1, !p2;
	s3 =	simm.s32 @!p3 $0x0;
	(pc) =	sbr.rel @p4 .LBB2_17-.Ltmp15, $4  }
0x27b: {  	s4 =	sshll.u32 @!p2 s21, $0x6;
	s3 =	simm.s32 @!p1 $0xC;
	s0 =	ssub.s32 @p2 s0, s2  }
0x27c: {  	s29 =	simm.s32 $0x0;
	s3 =	sadd.s32 @!p3 $0x0, s3;
	s5 =	sshll.u32 @p2 s0, $0x4  }
0x27d: {  	s30 =	sshra.s32 @!p2 s4, $0x2;
	s2 =	simm.s32 @p2 $0x1;
	s3 =	smov.u32 @p3 s25;
	[tilespmem:s5+$0x28] =	vst.msk @p2 $0x7, v1  }
0x27e: {  	s21 =	smov.u32 @p2 s0;
	s29 =	smov.u32 @p2 s3;
	s25 =	smov.u32 @p2 s2;
	v1 =	vld.msk @!p2 [tilespmem:s24+$0x0], $0x7  }
.LBB2_16:
0x27f: {  	_ =	sdelay $0x3  }
0x280: {  	s22 =	sadd.s32 $0x1, s22;
	[tilespmem:s30+$0x28] =	vst.add.f32.msk @!p2 $0x7, v1  }
0x281: {  	v1 =	vld.msk [tilespmem:s22+$0x0], $0x1;
	_ =	sdelay $0x4  }
0x282: {  	(v2sf) =	vpush v1, $0x0;
	_ =	sdelay $0xe  }
0x283: {  	s0 =	smov.u32 s26;
	s26 =	spop (v2sf)  }
0x284: {  	p2 =	sne.s32 s0, s26  }
0x285: {  	p5 =	sne.s32 @p2 s0, s23  }
0x286: {  	s4 =	sshll.u32 @!p2 s21, $0x6;
	p4 =	por !p5, !p2  }
0x287: {  	s30 =	sshra.s32 @!p2 s4, $0x2;
	s4 =	sshll.u32 @!p4 s25, $0x6  }
0x288: {  	s4 =	sshra.s32 @!p4 s4, $0x2  }
0x289: {  	p1 =	sgt.u32 @!p4 s0, $0xC34FF;
	v1 =	vld.msk @!p4 [tilespmem:s4+$0x1B38], $0x7  }
0x28a: {  	s31 =	sshll.u32 @!p4 s21, $0x6;
	p6 =	por @p2 p1, !p5;
	p1 =	por @p2 !p1, !p5  }
0x28b: {  	s8 =	simm.s32 @!p4 $0x0;
	s31 =	sshra.s32 @!p4 s31, $0x2;
	p1 =	por !p1, !p2  }
0x28c: {  	p5 =	por p5, !p2;
	s8 =	simm.s32 @!p1 $0xC;
	p1 =	por p6, !p2  }
0x28d: {  	s4 =	sadd.s32 @!p4 $0x28, s31;
	s13 =	sshll.u32 @!p5 s21, $0x6;
	s10 =	sand.u32 @!p1 $0xFFFF8, s0  }
0x28e: {  	s13 =	sshra.s32 @!p5 s13, $0x2;
	s0 =	sand.u32 @!p1 $0x7, s0;
	s10 =	sadd.s32 @!p1 s1, s10;
	[tilespmem:s31+$0x28] =	vst.add.f32.msk @!p4 $0x7, v1  }
0x28f: {  	[hbm4b:s10+s0] =	stream.linear.scatter @!p1 [tilespmem:s4], [sflag:$0xC], $0x3, $0x38;
	[tilespmem:$0x1F0F8] =	vst v63  }
0x290: {  	s2 =	rddreg [dreg:$0x5];
	s0 =	sadd.s32 @!p5 $0x28, s13;
	s4 =	simm.s32 @!p5 $0x1  }
0x291: {  	[spmem:s2] =	stream.linear.scatter @!p5 [tilespmem:s0], [sflag:$0x1], $0x3, $0x38;
	[tilespmem:$0x1F0F8] =	vst v63  }
0x292: {  	s3 =	sadd.s32 @p2 $0x1, s21;
	_ =	swait.ge @!p5 [sflag:s4], $0x3  }
0x293: {  	s5 =	sshrl.u32 @p2 s3, $0x4;
	[sflag:s4] =	ssyncset.done @!p5 $0x0  }
0x294: {  	s24 =	sadd.s32 $0x80, s24;
	s5 =	smulhi.u32 @p2 $0x97B425F, s5;
	[sflag:s4] =	ssyncadd.s32 @!p5 $0xFFFFFFFD  }
0x295: {  	s28 =	sadd.s32 $0x1, s28;
	v1 =	vld.msk @p2 [tilespmem:s24+$0x0], $0x7  }
0x296: {  	p3 =	seq.s32 s28, $0x0;
	s5 =	smul.u32 @p2 $0x1B0, s5  }
.Ltmp16:
0x297: {  	_ = 	snop;
	(pc) =	sbr.rel @!p3 .LBB2_16-.Ltmp16, $4  }
0x298: {  	s3 =	ssub.s32 @p2 s3, s5  }
0x299: {  	s8 =	sadd.s32 @!p4 s8, s29;
	s5 =	sshll.u32 @p2 s3, $0x4  }
0x29a: {  	s9 =	sadd.s32 @p2 $0x1, s25;
	s8 =	smov.u32 @p4 s29;
	[tilespmem:s5+$0x28] =	vst.msk @p2 $0x7, v1  }
0x29b: {  	s25 =	smov.u32 @p2 s9;
	s21 =	smov.u32 @p2 s3;
	s29 =	smov.u32 @p2 s8;
	v1 =	vld.msk @!p2 [tilespmem:s24+$0x0], $0x7  }
.LBB2_17:
.Ltmp17:
0x29c: {  	_ = 	snop;
	(pc) =	sbr.rel .LBB2_19-.Ltmp17, $3  }
0x29d: {  	s2 =	sld [smem:$0x7FD];
	_ =	sdelay $0x1  }
0x29e: {  	s0 =	sshrl.u32 s29, $0x2;
	s28 =	smov.u32 s26  }
0x29f: {  	s4 =	smov.u32 s6;
	s6 =	rddreg [dreg:$0x7];
	p4 =	seq.s32 s2, $0x1;
	[tilespmem:s30+$0x28] =	vst.add.f32.msk @!p2 $0x7, v1  }
.LBB2_21:
0x2a0: {  	_ =	sfence.sel $0x180000  }
0x2a1: {  	s0 =	simm.s32 $0x9;
	[bflag:$0x0] =	sbarrier.arrive $0xFFFF  }
0x2a2: {  	s24 =	simm.s32 $0xA;
	[sflag:s0] =	ssyncpa.u1 $0x1  }
0x2a3: {  	s25 =	simm.s32 $0xB;
	[sflag:s24] =	ssyncpa.u1 $0x1  }
0x2a4: {  	s26 =	simm.s32 $0x2;
	[sflag:s25] =	ssyncpa.u1 $0x1  }
0x2a5: {  	[sflag:s26] =	ssyncpa.u1 $0x1  }
0x2a6: {  	v0 =	vld [tilespmem:$0x3648];
	_ =	sdelay $0x4  }
0x2a7: {  	(v2sf) =	vpush v0, $0x0  }
0x2a8: {  	(v2sf) =	vpush v0, $0x1;
	_ =	sdelay $0x1  }
0x2a9: {  	(v2sf) =	vpush v0, $0x2;
	_ =	sdelay $0xb  }
0x2aa: {  	s0 =	spop (v2sf)  }
0x2ab: {  	s2 =	spop (v2sf)  }
0x2ac: {  	s3 =	smov.u32 s0;
	p0 =	sne.s32 s0, s2  }
0x2ad: {  	s4 =	spop (v2sf);
	s3 =	simm.s32 @!p0 $0xFFFFFFFF  }
0x2ae: {  	v2 =	vimm.s32 $0x1;
	v3 =	vlaneseq.u32;
	p0 =	seq.s32 s4, $0xFFFFFFFF;
	v1 =	vmov s3  }
0x2af: {  	s16 =	stileid.u32;
	v0 =	vperm.xlane v0, v2;
	p1 =	sne.s32 @!p0 s0, s2;
	v1 =	vperm.xlane v1, v3  }
0x2b0: {  	vm0 =	vcmask $0x3F04;
	s6 =	simm.s32 $0x3648;
	s0 =	simm.s32 @!p0 $0x1;
	p1 =	por !p1, p0  }
0x2b1: {  	s3 =	sshll.u32 s16, $0x1;
	s2 =	sshll.u32 @!p0 s4, $0x6;
	s0 =	simm.s32 @p1 $0x0;
	v0 =	vsel vm0, v1, v0  }
0x2b2: {  	s5 =	sor.u32 $0x200, s3;
	s2 =	sshra.s32 @!p0 s2, $0x2;
	s0 =	sor.u32 @!p0 s0, s3;
	[tilespmem:$0x3648] =	vst v0  }
0x2b3: {  	[spmem:s5] =	stream.linear.scatter [tilespmem:s6], [sflag:$0x1], $0x2, $0x38;
	[tilespmem:$0x1F0F8] =	vst v63  }
0x2b4: {  	s2 =	sadd.s32 @!p0 $0x28, s2;
	s0 =	sshll.u32 @!p0 s0, $0x4  }
0x2b5: {  	[spmem:s0] =	stream.linear.scatter @!p0 [tilespmem:s2], [sflag:$0x1], $0x10, $0x38;
	[tilespmem:$0x1F0F8] =	vst v63  }
0x2b6: {  	s0 =	simm.s32 @!p0 $0x12  }
0x2b7: {  	s28 =	simm.s32 $0x1;
	s0 =	simm.s32 @p0 $0x2  }
0x2b8: {  	_ =	swait.ge [sflag:s28], s0  }
0x2b9: {  	s0 =	ssub.s32 $0x0, s0;
	[sflag:s28] =	ssyncset.done $0x0  }
0x2ba: {  	p0 =	sne.s32 s16, $0x0;
	[sflag:s28] =	ssyncadd.s32 s0  }
.Ltmp18:
0x2bb: {  	_ =	sfence.stream.spmem;
	(pc) =	sbr.rel @p0 .LBB2_38-.Ltmp18, $4  }
0x2bc: {  	s29 =	simm.s32 $0x3;
	[bflag:$0x0] =	sbarrier.arrive $0xFFFF  }
0x2bd: {  	s30 =	simm.s32 $0x4;
	[sflag:s29] =	ssyncpa.u1 $0x1  }
0x2be: {  	s31 =	simm.s32 $0x3C;
	[sflag:s30] =	ssyncpa.u1 $0x1  }
0x2bf: {  	s17 =	rddreg [dreg:$0x6];
	[sflag:s31] =	ssyncpa.u1 $0x1  }
0x2c0: {  	_ =	sfence.stream.spmem;
	s0 =	simm.s32 $0x5  }
0x2c1: {  	s2 =	simm.s32 $0x200;
	s3 =	simm.s32 $0x3658;
	[sflag:s0] =	ssyncpa.u1 $0x0  }
0x2c2: {  	[tilespmem:s3], [sflag:$0x5] =	stream.linear.gather [spmem:s2], $0x20, $0x38;
	[tilespmem:$0x1F0F8] =	vst v63  }
0x2c3: {  	s26 =	simm.s32 $0x0;
	s28 =	simm.s32 $0x3678  }
0x2c4: {  	[tilespmem:s28], [sflag:$0x5] =	stream.linear.gather [spmem:s26], $0x200, $0x38;
	[tilespmem:$0x1F0F8] =	vst v63  }
0x2c5: {  	_ =	swait.ge [sflag:s0], $0x220  }
0x2c6: {  	[sflag:s0] =	ssyncset.done $0x0  }
0x2c7: {  	s29 =	simm.s32 $0x0;
	[sflag:s0] =	ssyncadd.s32 $0xFFFFFDE0  }
0x2c8: {  	v0 =	vld.msk [tilespmem:s29+$0x3658], $0x1;
	_ =	sdelay $0x1  }
0x2c9: {  	s30 =	simm.s32 $0x1  }
0x2ca: {  	v1 =	vld.msk [tilespmem:s30+$0x3658], $0x1;
	_ =	sdelay $0x1  }
0x2cb: {  	(v2sf) =	vpush v0, $0x0;
	_ =	sdelay $0x2  }
0x2cc: {  	(v2sf) =	vpush v1, $0x0;
	_ =	sdelay $0x2  }
0x2cd: {  	s31 =	simm.s32 $0x2  }
0x2ce: {  	v0 =	vld.msk [tilespmem:s31+$0x3658], $0x1;
	_ =	sdelay $0x2  }
0x2cf: {  	s6 =	simm.s32 $0xFFFFFFFF;
	s2 =	simm.s32 $0xFFFFFFFF;
	s0 =	simm.s32 $0xC  }
.LBB2_23:
0x2d0: {  	s3 =	smov.u32 s6;
	s4 =	smov.u32 s2  }
0x2d1: {  	s2 =	sshra.s32 s0, $0x2;
	p1 =	sne.s32 s0, $0x7C;
	s0 =	sadd.s32 $0x4, s0;
	(v2sf) =	vpush v0, $0x0  }
0x2d2: {  	v0 =	vld.msk [tilespmem:s2+$0x3658], $0x1  }
.Ltmp19:
0x2d3: {  	(pc) =	sbr.rel @p1 .LBB2_23-.Ltmp19, $4  }
0x2d4: {  	s6 =	spop (v2sf)  }
0x2d5: {  	p2 =	sne.s32 s4, $0xFFFFFFFF;
	s2 =	smov.u32 s6  }
0x2d6: {  	p3 =	seq.s32 s6, $0xFFFFFFFF;
	s2 =	smov.u32 @p2 s4  }
0x2d7: {  	s6 =	smov.u32 @p3 s3;
	s2 =	smov.u32 @p3 s4  }
0x2d8: {  	(v2sf) =	vpush v0, $0x0;
	_ =	sdelay $0x8  }
0x2d9: {  	s0 =	spop (v2sf)  }
0x2da: {  	p1 =	sne.s32 s2, $0xFFFFFFFF;
	s3 =	smov.u32 s0  }
0x2db: {  	s9 =	simm.s32 $0x6;
	p2 =	seq.s32 s0, $0xFFFFFFFF;
	s3 =	smov.u32 @p1 s2  }
0x2dc: {  	s10 =	simm.s32 $0x3638;
	s3 =	smov.u32 @p2 s2;
	s2 =	spop (v2sf)  }
0x2dd: {  	s0 =	smov.u32 @p2 s6;
	p1 =	sne.s32 s3, $0xFFFFFFFF;
	s4 =	smov.u32 s2  }
.Ltmp20:
0x2de: {  	p2 =	seq.s32 s2, $0xFFFFFFFF;
	s4 =	smov.u32 @p1 s3;
	(pc) =	sbr.rel .LBB2_25-.Ltmp20, $4  }
0x2df: {  	s11 =	simm.s32 $0x0;
	s4 =	smov.u32 @p2 s3;
	s7 =	spop (v2sf)  }
0x2e0: {  	[sflag:s9] =	ssyncpa.u1 $0x0;
	p1 =	sne.s32 s4, $0xFFFFFFFF;
	s8 =	smov.u32 s7  }
0x2e1: {  	s2 =	smov.u32 @p2 s0;
	p2 =	seq.s32 s7, $0xFFFFFFFF;
	s8 =	smov.u32 @p1 s4  }
0x2e2: {  	s6 =	simm.s32 $0x0;
	s7 =	smov.u32 @p2 s2;
	s8 =	smov.u32 @p2 s4  }
.LBB2_30:
0x2e3: {  	p1 =	sgt.u32 s12, $0xC34FF  }
0x2e4: {  	p2 =	seq.s32 @!p1 s12, s8  }
0x2e5: {  	p1 =	por p1, p2  }
0x2e6: {  	p2 =	sne.s32 @!p1 s12, s7  }
0x2e7: {  	p1 =	por p1, !p2  }
0x2e8: {  	s0 =	sshll.u32 @p1 s11, $0x6  }
0x2e9: {  	s0 =	sand.u32 @!p1 $0xFFFF8, s12  }
0x2ea: {  	s2 =	sand.u32 @!p1 $0x7, s12;
	s0 =	sadd.s32 @!p1 s1, s0  }
0x2eb: {  	[tilespmem:s10], [sflag:$0x6] =	stream.linear.gather @!p1 [hbm4b:s0+s2], $0x3, $0x38;
	[tilespmem:$0x1F0F8] =	vst v63  }
0x2ec: {  	_ =	swait.ge @!p1 [sflag:s9], $0x3  }
0x2ed: {  	[sflag:s9] =	ssyncset.done @!p1 $0x0  }
0x2ee: {  	[sflag:s9] =	ssyncadd.s32 @!p1 $0xFFFFFFFD  }
0x2ef: {  	v1 =	vld @!p1 [tilespmem:$0x3638];
	_ =	sdelay $0x2  }
0x2f0: {  	s0 =	sshll.u32 @!p1 s11, $0x6  }
0x2f1: {  	s2 =	sshrl.u32 @!p1 s0, $0x2  }
0x2f2: {  	[tilespmem:s2+$0x3678] =	vst.add.f32.msk @!p1 $0xffff, v1  }
0x2f3: {  	s0 =	sshrl.u32 s0, $0x2;
	[tilespmem:s6+$0x3658] =	vst.msk $0x1, v0  }
0x2f4: {  	v0 =	vld [tilespmem:s0+$0x3678];
	_ =	sdelay $0x2  }
0x2f5: {  	s31 =	sshll.u32 s6, $0x6  }
0x2f6: {  	s0 =	sshra.s32 s31, $0x2  }
0x2f7: {  	s6 =	sadd.s32 $0x1, s6;
	[tilespmem:s0+$0x3678] =	vst v0  }
.LBB2_32:
0x2f8: {  	s11 =	sadd.s32 $0x1, s11  }
0x2f9: {  	p1 =	sne.s32 s11, $0x20  }
.Ltmp21:
0x2fa: {  	_ = 	snop;
	(pc) =	sbr.rel @!p1 .LBB2_33-.Ltmp21, $1  }
0x2fb: {  	_ =	sdelay $0x3  }
.LBB2_25:
0x2fc: {  	v0 =	vld.msk [tilespmem:s11+$0x3658], $0x1;
	_ =	sdelay $0x4  }
0x2fd: {  	(v2sf) =	vpush v0, $0x0;
	_ =	sdelay $0xe  }
0x2fe: {  	s12 =	spop (v2sf)  }
0x2ff: {  	p1 =	seq.s32 s12, $0xFFFFFFFF  }
.Ltmp22:
0x300: {  	_ = 	snop;
	(pc) =	sbr.rel @p1 .LBB2_32-.Ltmp22, $1  }
0x301: {  	_ =	sdelay $0x3  }
0x302: {  	p1 =	slt.s32 s6, $0x1  }
.Ltmp23:
0x303: {  	_ = 	snop;
	(pc) =	sbr.rel @p1 .LBB2_30-.Ltmp23, $1  }
0x304: {  	_ =	sdelay $0x3  }
0x305: {  	s13 =	simm.s32 $0x3658;
	p1 =	por $0x0, $0x0  }
0x306: {  	v1 =	vld.msk @!p1 [tilespmem:s13+$0x0], $0x1;
	_ =	sdelay $0x4  }
0x307: {  	(v2sf) =	vpush @!p1 v1, $0x0;
	_ =	sdelay $0xd  }
0x308: {  	p3 =	sne.s32 s6, $0x1  }
.Ltmp24:
0x309: {  	s0 =	spop @!p1 (v2sf);
	(pc) =	sbr.rel @!p3 .LBB2_29-.Ltmp24, $4  }
0x30a: {  	p2 =	seq.s32 @!p1 s12, s0  }
0x30b: {  	s14 =	simm.s32 $0x0;
	p2 =	por !p2, p1  }
0x30c: {  	s0 =	simm.s32 $0xFFFFFFFF;
	s14 =	simm.s32 @p2 $0xFFFFFFFF  }
0x30d: {  	s15 =	simm.s32 $0x1;
	s14 =	smov.u32 @p1 s0  }
.LBB2_28:
0x30e: {  	s0 =	smov.u32 s14;
	p1 =	sne.s32 s14, $0xFFFFFFFF  }
0x30f: {  	s13 =	sadd.s32 $0x1, s13;
	s14 =	smov.u32 s15;
	s15 =	sadd.s32 $0x1, s15  }
0x310: {  	p2 =	sne.s32 s6, s15;
	v1 =	vld.msk @!p1 [tilespmem:s13+$0x0], $0x1;
	_ =	sdelay $0x4  }
0x311: {  	(v2sf) =	vpush @!p1 v1, $0x0;
	_ =	sdelay $0xe  }
.Ltmp25:
0x312: {  	s2 =	spop @!p1 (v2sf);
	(pc) =	sbr.rel @p2 .LBB2_28-.Ltmp25, $4  }
0x313: {  	p3 =	seq.s32 @!p1 s12, s2  }
0x314: {  	p3 =	por !p3, p1  }
0x315: {  	s14 =	simm.s32 @p3 $0xFFFFFFFF  }
0x316: {  	s14 =	smov.u32 @p1 s0  }
.LBB2_29:
0x317: {  	p1 =	sne.s32 s14, $0xFFFFFFFF  }
.Ltmp26:
0x318: {  	_ = 	snop;
	(pc) =	sbr.rel @!p1 .LBB2_30-.Ltmp26, $1  }
0x319: {  	_ =	sdelay $0x3  }
0x31a: {  	s0 =	sshll.u32 s11, $0x4  }
0x31b: {  	s0 =	sand.u32 $0x3FFFFFF0, s0  }
0x31c: {  	v0 =	vld [tilespmem:s0+$0x3678]  }
.Ltmp27:
0x31d: {  	_ = 	snop;
	(pc) =	sbr.rel .LBB2_32-.Ltmp27, $4  }
0x31e: {  	_ = 	snop  }
0x31f: {  	s31 =	sshll.u32 s14, $0x6  }
0x320: {  	s0 =	sshra.s32 s31, $0x2  }
0x321: {  	[tilespmem:s0+$0x3678] =	vst.add.f32.msk $0xffff, v0  }
.LBB2_33:
0x322: {  	s0 =	simm.s32 $0x6;
	p1 =	seq.s32 s6, $0x0  }
0x323: {  	[sflag:s0] =	ssyncpa.u1 $0x1;
	v0 =	vimm.s32 @p1 $0xFFFFFFFF  }
0x324: {  	s9 =	sadd.s32 $0xFFFFFFFF, s6;
	[tilespmem:$0x3878] =	vst @p1 v0  }
0x325: {  	v0 =	vld.msk @!p1 [tilespmem:s9+$0x3658], $0x1;
	_ =	sdelay $0x1  }
0x326: {  	v1 =	vld.msk @!p1 [tilespmem:$0x3658], $0x1;
	_ =	sdelay $0x2  }
0x327: {  	p2 =	seq.s32 @!p1 s9, $0x0;
	v0 =	vbroadcast @!p1 v0, $0x0  }
0x328: {  	vm0 =	vmmov @!p1 $0x1;
	p2 =	por !p2, p1  }
0x329: {  	v1 =	vnsel @!p1 vm0, $0xFFFFFFFF, v1;
	vm0 =	vcmask @!p1 $0x308;
	v0 =	vpsel !p2, $0xFFFFFFFF, v0  }
0x32a: {  	p2 =	sne.s32 @!p1 s8, s7;
	v0 =	vsel @!p1 vm0, v1, v0  }
0x32b: {  	s0 =	simm.s32 @!p1 $0x3678;
	s2 =	simm.s32 @!p1 $0x0;
	p3 =	por !p2, p1;
	[tilespmem:$0x3878] =	vst @!p1 v0  }
0x32c: {  	[spmem:s2] =	stream.linear.scatter @!p1 [tilespmem:s0], [sflag:$0x1], $0x10, $0x38;
	[tilespmem:$0x1F0F8] =	vst v63  }
0x32d: {  	s0 =	sshll.u32 @!p3 s9, $0x6  }
0x32e: {  	s0 =	sshra.s32 @!p3 s0, $0x2  }
0x32f: {  	s2 =	simm.s32 @!p3 $0x10;
	s0 =	sadd.s32 @!p3 $0x3678, s0  }
0x330: {  	[spmem:s2] =	stream.linear.scatter @!p3 [tilespmem:s0], [sflag:$0x1], $0x10, $0x38;
	[tilespmem:$0x1F0F8] =	vst v63  }
0x331: {  	s0 =	simm.s32 @!p3 $0x1  }
0x332: {  	_ =	swait.ge @!p3 [sflag:s0], $0x20  }
0x333: {  	p1 =	por p2, p1;
	[sflag:s0] =	ssyncset.done @!p3 $0x0  }
0x334: {  	[sflag:s0] =	ssyncadd.s32 @!p3 $0xFFFFFFE0;
	s0 =	simm.s32 @!p1 $0x1  }
0x335: {  	_ =	swait.ge @!p1 [sflag:s0], $0x10  }
0x336: {  	s29 =	simm.s32 $0x3878;
	[sflag:s0] =	ssyncset.done @!p1 $0x0  }
0x337: {  	s30 =	simm.s32 $0x200;
	s31 =	simm.s32 $0x1;
	[sflag:s0] =	ssyncadd.s32 @!p1 $0xFFFFFFF0  }
0x338: {  	[spmem:s30] =	stream.linear.scatter [tilespmem:s29], [sflag:$0x1], $0x10, $0x38;
	[tilespmem:$0x1F0F8] =	vst v63  }
0x339: {  	_ =	swait.ge [sflag:s31], $0x10  }
0x33a: {  	[sflag:s31] =	ssyncset.done $0x0  }
0x33b: {  	p1 =	seq.s32 s17, $0x0;
	s8 =	rddreg [dreg:$0x2];
	[sflag:s31] =	ssyncadd.s32 $0xFFFFFFF0  }
0x33c: {  	s2 =	sshll.u32 @p1 s8, $0xE;
	s7 =	rddreg [dreg:$0x3]  }
0x33d: {  	s0 =	sadd.s32 @p1 $0x15C3C, s2;
	s2 =	sshll.u32 @p1 s7, $0x11  }
0x33e: {  	_ =	sfence.stream.spmem;
	s0 =	sor.u32 @p1 s2, s0  }
0x33f: {  	[sflag:s0] =	ssyncadd.remote.s32 @p1 $0x1;
	s0 =	simm.s32 @p1 $0x4  }
0x340: {  	s3 =	simm.s32 @!p1 $0x3C;
	s2 =	sand.u32 $0xFFFFFFFE, s8;
	_ =	swait.ge @p1 [sflag:s0], $0x6  }
0x341: {  	s4 =	simm.s32 @!p1 $0x0;
	s2 =	sadd.s32 @!p1 $0x4, s2;
	[sflag:s0] =	ssyncset.done @p1 $0x0  }
0x342: {  	s5 =	simm.s32 @!p1 $0x20;
	[sflag:s0] =	ssyncadd.s32 @p1 $0xFFFFFFFA;
	s0 =	sshll.u32 @!p1 s2, $0x1A  }
0x343: {  	s2 =	sshll.u32 @!p1 s2, $0xD;
	s0 =	sor.u32 @!p1 s0, s7;
	_ =	swait.eq @!p1 [sflag:s3], $0x1  }
0x344: {  	s2 =	sor.u32 @!p1 $0x1C04, s2;
	s3 =	simm.s32 @!p1 $0x1C03;
	s0 =	sor.u32 @!p1 $0x80004000, s0  }
0x345: {  	[spmem:s5], [sflag:s2] =	dma.general @!p1 [spmem:s4], [sflag:s3], length:$0x4, [dreg:$0x0], stride_count:$0x0, ici_dest:s0, dma_misc:DstOpCode:WRITE  }
0x346: {  	p2 =	slt.s32 s9, $0x2;
	s4 =	simm.s32 @!p1 $0x40;
	s5 =	simm.s32 @!p1 $0x42  }
0x347: {  	[spmem:s5], [sflag:s2] =	dma.general @!p1 [spmem:s4], [sflag:s3], length:$0x2, [dreg:$0x0], stride_count:$0x0, ici_dest:s0, dma_misc:DstOpCode:WRITE  }
.Ltmp28:
0x348: {  	s0 =	simm.s32 @!p1 $0x3;
	(pc) =	sbr.rel @p2 .LBB2_37-.Ltmp28, $4  }
0x349: {  	s2 =	sshll.u32 @!p1 s8, $0xE;
	_ =	swait.ge @!p1 [sflag:s0], $0x6  }
0x34a: {  	s3 =	sshll.u32 @!p1 s7, $0x11;
	s2 =	sadd.s32 @!p1 $0x11C3C, s2;
	[sflag:s0] =	ssyncset.done @!p1 $0x0  }
0x34b: {  	[sflag:s0] =	ssyncadd.s32 @!p1 $0xFFFFFFFA;
	s0 =	sor.u32 @!p1 s3, s2  }
0x34c: {  	[sflag:s0] =	ssyncadd.remote.s32 @!p1 $0xFFFFFFFF;
	s0 =	simm.s32 $0x0  }
0x34d: {  	s0 =	simm.s32 $0x3659  }
0x34e: {  	v0 =	vld.msk [tilespmem:s0+$0x0], $0x1;
	_ =	sdelay $0x4  }
0x34f: {  	(v2sf) =	vpush v0, $0x0;
	_ =	sdelay $0xd  }
0x350: {  	s3 =	sadd.s32 $0xFFFFFFFE, s6  }
0x351: {  	s3 =	sadd.s32 $0xFFFFFFFF, s3;
	s0 =	spop (v2sf)  }
0x352: {  	p2 =	sne.s32 s3, $0x0;
	p1 =	sgt.u32 s0, $0xC34FF  }
.Ltmp29:
0x353: {  	s4 =	sand.u32 @!p1 $0xFFFF8, s0;
	(pc) =	sbr.rel @!p2 .LBB2_36-.Ltmp29, $4  }
0x354: {  	s2 =	simm.s32 $0x3688;
	s0 =	sand.u32 @!p1 $0x7, s0;
	s4 =	sadd.s32 @!p1 s1, s4  }
0x355: {  	[hbm4b:s4+s0] =	stream.linear.scatter @!p1 [tilespmem:s2], [sflag:$0x5], $0x3, $0x38;
	[tilespmem:$0x1F0F8] =	vst v63  }
0x356: {  	s0 =	simm.s32 $0x0  }
0x357: {  	s6 =	simm.s32 $0x0;
	s7 =	simm.s32 $0x365A;
	s0 =	simm.s32 @!p1 $0xC  }
.LBB2_35:
0x358: {  	v0 =	vld.msk [tilespmem:s7+$0x0], $0x1;
	s3 =	sadd.s32 $0xFFFFFFFF, s3;
	s6 =	sadd.s32 s6, s0  }
0x359: {  	p1 =	sne.s32 s3, $0x0;
	_ =	sdelay $0x3  }
0x35a: {  	(v2sf) =	vpush v0, $0x0;
	_ =	sdelay $0xe  }
.Ltmp30:
0x35b: {  	s4 =	spop (v2sf);
	(pc) =	sbr.rel @p1 .LBB2_35-.Ltmp30, $4  }
0x35c: {  	s0 =	simm.s32 $0x0;
	p2 =	sgt.u32 s4, $0xC34FF  }
0x35d: {  	s2 =	sadd.s32 $0x10, s2;
	s0 =	simm.s32 @!p2 $0xC;
	s5 =	sand.u32 @!p2 $0xFFFF8, s4  }
0x35e: {  	s7 =	sadd.s32 $0x1, s7;
	s4 =	sand.u32 @!p2 $0x7, s4;
	s5 =	sadd.s32 @!p2 s1, s5  }
0x35f: {  	[hbm4b:s5+s4] =	stream.linear.scatter @!p2 [tilespmem:s2], [sflag:$0x5], $0x3, $0x38;
	[tilespmem:$0x1F0F8] =	vst v63  }
.LBB2_36:
0x360: {  	s0 =	sadd.s32 s6, s0  }
0x361: {  	s0 =	sshrl.u32 s0, $0x2  }
.LBB2_37:
0x362: {  	s2 =	simm.s32 $0x5  }
0x363: {  	_ =	swait.ge [sflag:s2], s0  }
0x364: {  	s31 =	ssub.s32 $0x0, s0;
	[sflag:s2] =	ssyncset.done $0x0  }
0x365: {  	[sflag:s2] =	ssyncadd.s32 s31  }
0x366: {  	[sflag:s2] =	ssyncpa.u1 $0x1  }
.LBB2_38:
0x367: {  	s0 =	sor.u32 s17, s16  }
0x368: {  	p1 =	sne.s32 s0, $0x0  }
.Ltmp31:
0x369: {  	_ = 	snop;
	(pc) =	sbr.rel @p1 .LBB2_53-.Ltmp31, $3  }
0x36a: {  	_ =	sdelay $0x1  }
0x36b: {  	[bflag:$0x0] =	sbarrier.arrive $0xFFFF  }
0x36c: {  	_ =	sfence  }
0x36d: {  	s0 =	simm.s32 $0x7  }
0x36e: {  	s2 =	simm.s32 $0x200;
	s3 =	simm.s32 $0x3658;
	[sflag:s0] =	ssyncpa.u1 $0x0  }
0x36f: {  	[tilespmem:s3], [sflag:$0x7] =	stream.linear.gather [spmem:s2], $0x20, $0x38;
	[tilespmem:$0x1F0F8] =	vst v63  }
0x370: {  	s30 =	simm.s32 $0x3678;
	s2 =	simm.s32 $0x0  }
0x371: {  	[tilespmem:s30], [sflag:$0x7] =	stream.linear.gather [spmem:s2], $0x200, $0x38;
	[tilespmem:$0x1F0F8] =	vst v63  }
.Ltmp32:
0x372: {  	_ = 	snop;
	(pc) =	sbr.rel .LBB2_40-.Ltmp32, $4  }
0x373: {  	_ =	swait.ge [sflag:s0], $0x220  }
0x374: {  	[sflag:s0] =	ssyncset.done $0x0  }
0x375: {  	s31 =	simm.s32 $0x8;
	[sflag:s0] =	ssyncadd.s32 $0xFFFFFDE0  }
0x376: {  	s3 =	simm.s32 $0x0;
	[sflag:s31] =	ssyncpa.u1 $0x0  }
.LBB2_45:
0x377: {  	p1 =	slt.u32 s4, $0xC3500  }
0x378: {  	s0 =	sand.u32 @p1 $0xFFFF8, s4  }
0x379: {  	s4 =	sand.u32 @p1 $0x7, s4;
	s5 =	simm.s32 @p1 $0x3638;
	s0 =	sadd.s32 @p1 s1, s0  }
0x37a: {  	[tilespmem:s5], [sflag:$0x8] =	stream.linear.gather @p1 [hbm4b:s0+s4], $0x3, $0x38;
	[tilespmem:$0x1F0F8] =	vst v63  }
0x37b: {  	s0 =	simm.s32 @p1 $0x8  }
0x37c: {  	_ =	swait.ge @p1 [sflag:s0], $0x3  }
0x37d: {  	[sflag:s0] =	ssyncset.done @p1 $0x0  }
0x37e: {  	[sflag:s0] =	ssyncadd.s32 @p1 $0xFFFFFFFD  }
0x37f: {  	v1 =	vld @p1 [tilespmem:$0x3638];
	_ =	sdelay $0x2  }
0x380: {  	s0 =	sshll.u32 @p1 s3, $0x6  }
0x381: {  	s5 =	sshll.u32 @!p1 s3, $0x6;
	s4 =	sshrl.u32 @p1 s0, $0x2  }
0x382: {  	s5 =	smov.u32 @p1 s0;
	[tilespmem:s4+$0x3678] =	vst.add.f32.msk @p1 $0xffff, v1  }
0x383: {  	s0 =	sshrl.u32 s5, $0x2;
	[tilespmem:s2+$0x3658] =	vst.msk $0x1, v0  }
0x384: {  	v0 =	vld [tilespmem:s0+$0x3678];
	_ =	sdelay $0x2  }
0x385: {  	s31 =	sshll.u32 s2, $0x6  }
0x386: {  	s0 =	sshra.s32 s31, $0x2  }
0x387: {  	s2 =	sadd.s32 $0x1, s2;
	[tilespmem:s0+$0x3678] =	vst v0  }
.LBB2_47:
0x388: {  	s3 =	sadd.s32 $0x1, s3  }
0x389: {  	p1 =	sne.s32 s3, $0x20  }
.Ltmp33:
0x38a: {  	_ = 	snop;
	(pc) =	sbr.rel @!p1 .LBB2_48-.Ltmp33, $1  }
0x38b: {  	_ =	sdelay $0x3  }
.LBB2_40:
0x38c: {  	v0 =	vld.msk [tilespmem:s3+$0x3658], $0x1;
	_ =	sdelay $0x4  }
0x38d: {  	(v2sf) =	vpush v0, $0x0;
	_ =	sdelay $0xe  }
0x38e: {  	s4 =	spop (v2sf)  }
0x38f: {  	p1 =	seq.s32 s4, $0xFFFFFFFF  }
.Ltmp34:
0x390: {  	_ = 	snop;
	(pc) =	sbr.rel @p1 .LBB2_47-.Ltmp34, $1  }
0x391: {  	_ =	sdelay $0x3  }
0x392: {  	p1 =	slt.s32 s2, $0x1  }
.Ltmp35:
0x393: {  	_ = 	snop;
	(pc) =	sbr.rel @p1 .LBB2_45-.Ltmp35, $1  }
0x394: {  	_ =	sdelay $0x3  }
0x395: {  	s5 =	simm.s32 $0x3658;
	p1 =	por $0x0, $0x0  }
0x396: {  	v1 =	vld.msk @!p1 [tilespmem:s5+$0x0], $0x1;
	_ =	sdelay $0x4  }
0x397: {  	(v2sf) =	vpush @!p1 v1, $0x0;
	_ =	sdelay $0xd  }
0x398: {  	p3 =	sne.s32 s2, $0x1  }
.Ltmp36:
0x399: {  	s0 =	spop @!p1 (v2sf);
	(pc) =	sbr.rel @!p3 .LBB2_44-.Ltmp36, $4  }
0x39a: {  	p2 =	seq.s32 @!p1 s4, s0  }
0x39b: {  	s6 =	simm.s32 $0x0;
	p2 =	por !p2, p1  }
0x39c: {  	s0 =	simm.s32 $0xFFFFFFFF;
	s6 =	simm.s32 @p2 $0xFFFFFFFF  }
0x39d: {  	s7 =	simm.s32 $0x1;
	s6 =	smov.u32 @p1 s0  }
.LBB2_43:
0x39e: {  	s0 =	smov.u32 s6;
	p1 =	sne.s32 s6, $0xFFFFFFFF  }
0x39f: {  	s5 =	sadd.s32 $0x1, s5;
	s6 =	smov.u32 s7;
	s7 =	sadd.s32 $0x1, s7  }
0x3a0: {  	p2 =	sne.s32 s2, s7;
	v1 =	vld.msk @!p1 [tilespmem:s5+$0x0], $0x1;
	_ =	sdelay $0x4  }
0x3a1: {  	(v2sf) =	vpush @!p1 v1, $0x0;
	_ =	sdelay $0xe  }
.Ltmp37:
0x3a2: {  	s8 =	spop @!p1 (v2sf);
	(pc) =	sbr.rel @p2 .LBB2_43-.Ltmp37, $4  }
0x3a3: {  	p3 =	seq.s32 @!p1 s4, s8  }
0x3a4: {  	p3 =	por !p3, p1  }
0x3a5: {  	s6 =	simm.s32 @p3 $0xFFFFFFFF  }
0x3a6: {  	s6 =	smov.u32 @p1 s0  }
.LBB2_44:
0x3a7: {  	p1 =	sne.s32 s6, $0xFFFFFFFF  }
.Ltmp38:
0x3a8: {  	_ = 	snop;
	(pc) =	sbr.rel @!p1 .LBB2_45-.Ltmp38, $1  }
0x3a9: {  	_ =	sdelay $0x3  }
0x3aa: {  	s0 =	sshll.u32 s3, $0x4  }
0x3ab: {  	s0 =	sand.u32 $0x3FFFFFF0, s0  }
0x3ac: {  	v0 =	vld [tilespmem:s0+$0x3678]  }
.Ltmp39:
0x3ad: {  	_ = 	snop;
	(pc) =	sbr.rel .LBB2_47-.Ltmp39, $4  }
0x3ae: {  	_ = 	snop  }
0x3af: {  	s31 =	sshll.u32 s6, $0x6  }
0x3b0: {  	s0 =	sshra.s32 s31, $0x2  }
0x3b1: {  	[tilespmem:s0+$0x3678] =	vst.add.f32.msk $0xffff, v0  }
.LBB2_48:
0x3b2: {  	p1 =	slt.s32 s2, $0x1  }
.Ltmp40:
0x3b3: {  	_ = 	snop;
	(pc) =	sbr.rel @p1 .LBB2_52-.Ltmp40, $3  }
0x3b4: {  	_ =	sdelay $0x1  }
0x3b5: {  	s0 =	simm.s32 $0x8  }
0x3b6: {  	s3 =	simm.s32 $0x0;
	[sflag:s0] =	ssyncpa.u1 $0x1  }
0x3b7: {  	s0 =	simm.s32 $0x3658  }
0x3b8: {  	v0 =	vld.msk [tilespmem:s0+$0x0], $0x1;
	_ =	sdelay $0x4  }
0x3b9: {  	(v2sf) =	vpush v0, $0x0;
	_ =	sdelay $0xe  }
0x3ba: {  	s2 =	sadd.s32 $0xFFFFFFFF, s2;
	s0 =	spop (v2sf)  }
0x3bb: {  	p2 =	sne.s32 s2, $0x0;
	p1 =	sgt.u32 s0, $0xC34FF  }
.Ltmp41:
0x3bc: {  	s5 =	sand.u32 @!p1 $0xFFFF8, s0;
	(pc) =	sbr.rel @!p2 .LBB2_51-.Ltmp41, $4  }
0x3bd: {  	s4 =	simm.s32 $0x3678;
	s0 =	sand.u32 @!p1 $0x7, s0;
	s5 =	sadd.s32 @!p1 s1, s5  }
0x3be: {  	[hbm4b:s5+s0] =	stream.linear.scatter @!p1 [tilespmem:s4], [sflag:$0x7], $0x3, $0x38;
	[tilespmem:$0x1F0F8] =	vst v63  }
0x3bf: {  	s0 =	simm.s32 $0x0  }
0x3c0: {  	s5 =	simm.s32 $0x3659;
	s0 =	simm.s32 @!p1 $0xC  }
.LBB2_50:
0x3c1: {  	v0 =	vld.msk [tilespmem:s5+$0x0], $0x1;
	s2 =	sadd.s32 $0xFFFFFFFF, s2;
	s3 =	sadd.s32 s3, s0  }
0x3c2: {  	p1 =	sne.s32 s2, $0x0;
	_ =	sdelay $0x3  }
0x3c3: {  	(v2sf) =	vpush v0, $0x0;
	_ =	sdelay $0xe  }
.Ltmp42:
0x3c4: {  	s6 =	spop (v2sf);
	(pc) =	sbr.rel @p1 .LBB2_50-.Ltmp42, $4  }
0x3c5: {  	s0 =	simm.s32 $0x0;
	p2 =	sgt.u32 s6, $0xC34FF  }
0x3c6: {  	s4 =	sadd.s32 $0x10, s4;
	s0 =	simm.s32 @!p2 $0xC;
	s7 =	sand.u32 @!p2 $0xFFFF8, s6  }
0x3c7: {  	s5 =	sadd.s32 $0x1, s5;
	s6 =	sand.u32 @!p2 $0x7, s6;
	s7 =	sadd.s32 @!p2 s1, s7  }
0x3c8: {  	[hbm4b:s7+s6] =	stream.linear.scatter @!p2 [tilespmem:s4], [sflag:$0x7], $0x3, $0x38;
	[tilespmem:$0x1F0F8] =	vst v63  }
.LBB2_51:
0x3c9: {  	s0 =	sadd.s32 s3, s0  }
0x3ca: {  	s3 =	sshrl.u32 s0, $0x2  }
.LBB2_52:
0x3cb: {  	s0 =	simm.s32 $0x7  }
0x3cc: {  	_ =	swait.ge [sflag:s0], s3  }
0x3cd: {  	s1 =	ssub.s32 $0x0, s3;
	[sflag:s0] =	ssyncset.done $0x0  }
0x3ce: {  	[sflag:s0] =	ssyncadd.s32 s1  }
0x3cf: {  	[sflag:s0] =	ssyncpa.u1 $0x1  }
.LBB2_53:
0x3d0: {  	_ =	sfence;
	s0 =	simm.s32 $0x1  }
0x3d1: {  	[sflag:s0] =	ssyncpa.u1 $0x1  }
0x3d2: {  	_ =	strace $0x9000004D  }
0x3d3: {  	[bflag:$0x2] =	sbarrier.arrive $0xFFFF  }
0x3d4: {  	s0 =	rddreg [dreg:$0x4]  }
0x3d5: {  	s0 =	sadd.s32 @!p0 $0x100000, s0  }
0x3d6: {  	[sflag:s0] =	ssyncadd.tile.s32 @!p0 $0x1;
	_ =	shalt  }
.Lfunc_end2:
_tile_overlayer_lowered:
.L_overlay_start_2:
0x3d7: {  	(tag) =	ssettag $0x2  }
0x3d8: {  	s0 =	rddreg [dreg:$0x0];
	s2 =	stileid.u32  }
0x3d9: {  	s1 =	rddreg [dreg:$0x1];
	p0 =	sne.s32 s2, $0x0  }
0x3da: {  	s3 =	rddreg [dreg:$0x2];
	[bflag:$0x3] =	sbarrier.arrive $0xFFFF;
	s2 =	simm.s32 @!p0 $0x1C01  }
0x3db: {  	[timem:s3], [sflag:s2] =	dma.local @!p0 [hbm:s0], s1  }
0x3dc: {  	s0 =	simm.s32 @!p0 $0x1  }
0x3dd: {  	_ =	swait.ge @!p0 [sflag:s0], s1  }
0x3de: {  	s1 =	ssub.s32 @!p0 $0x0, s1;
	[sflag:s0] =	ssyncset.done @!p0 $0x0  }
0x3df: {  	[sflag:s0] =	ssyncadd.s32 @!p0 s1  }
0x3e0: {  	[bflag:$0x3] =	sbarrier.arrive $0xFFFF  }
0x3e1: {  	_ =	shalt  }

</sc_bundles>
